<compile_context>
chip_gen: v7x
topology: tpu7x:2x2x1
jax: 0.10.2.dev20260603
libtpu: 0.0.44.dev20260713+nightly
codegen_flags: <defaults>
</compile_context>

<pallas_src>
import jax
import jax.numpy as jnp
from jax.experimental import pallas as pl

N_PB = 1000
N_DB = 2000
_HEADS = 2
_OUTD = 64
_OUTP = 128
_NEG = 0.2
_EPS = 1e-16


def _dual_dense_body(x_ref, w_ref, a_ref, h_ref, s_ref):
    h = jnp.dot(x_ref[...], w_ref[...], preferred_element_type=jnp.float32)
    h_ref[...] = h
    s_ref[...] = jnp.dot(h, a_ref[...], preferred_element_type=jnp.float32)


def _primal_dense_body(x_ref, w_ref, h_ref):
    h_ref[...] = jnp.dot(x_ref[...], w_ref[...],
                         preferred_element_type=jnp.float32)


def _dual_final_body(u_ref, x_ref, b_ref, ap_ref, y_ref, t_ref):
    u = u_ref[...]
    out_d = 0.5 * (u[:, :_OUTD] / (u[:, 2 * _OUTD:2 * _OUTD + 1] + _EPS)
                   + u[:, _OUTD:2 * _OUTD] / (u[:, 2 * _OUTD + 1:] + _EPS))
    out_d = out_d + b_ref[...]
    y_ref[...] = out_d + x_ref[...]
    t_ref[...] = jnp.dot(out_d, ap_ref[...], preferred_element_type=jnp.float32)


def _primal_final_body(u_ref, x_ref, b_ref, y_ref):
    u = u_ref[...]
    out_p = 0.5 * (u[:, :_OUTP] / (u[:, 2 * _OUTP:2 * _OUTP + 1] + _EPS)
                   + u[:, _OUTP:2 * _OUTP] / (u[:, 2 * _OUTP + 1:] + _EPS))
    y_ref[...] = out_p + b_ref[...] + x_ref[...]


def _leaky(x):
    return jnp.where(x >= 0, x, _NEG * x)


def kernel(x_primal, x_dual, edge_index_primal, edge_index_dual,
           primal_edge_to_dual_node_idx, W_dual, a_src_dual, a_dst_dual,
           b_dual, W_primal, att_primal, b_primal):
    n_d, in_d = x_dual.shape
    n_p, in_p = x_primal.shape
    f32 = jnp.float32

    z = jnp.zeros((_OUTD,), f32)
    acat = jnp.stack([
        jnp.concatenate([a_src_dual[0], z]),
        jnp.concatenate([z, a_src_dual[1]]),
        jnp.concatenate([a_dst_dual[0], z]),
        jnp.concatenate([z, a_dst_dual[1]]),
    ], axis=1)

    grid_d = n_d // N_DB
    h_d, s = pl.pallas_call(
        _dual_dense_body,
        grid=(grid_d,),
        in_specs=[
            pl.BlockSpec((N_DB, in_d), lambda i: (i, 0)),
            pl.BlockSpec((in_d, _HEADS * _OUTD), lambda i: (0, 0)),
            pl.BlockSpec((_HEADS * _OUTD, 4), lambda i: (0, 0)),
        ],
        out_specs=[
            pl.BlockSpec((N_DB, _HEADS * _OUTD), lambda i: (i, 0)),
            pl.BlockSpec((N_DB, 4), lambda i: (i, 0)),
        ],
        out_shape=[
            jax.ShapeDtypeStruct((n_d, _HEADS * _OUTD), f32),
            jax.ShapeDtypeStruct((n_d, 4), f32),
        ],
    )(x_dual, W_dual, acat)

    grid_p = n_p // N_PB
    h_p = pl.pallas_call(
        _primal_dense_body,
        grid=(grid_p,),
        in_specs=[
            pl.BlockSpec((N_PB, in_p), lambda i: (i, 0)),
            pl.BlockSpec((in_p, _HEADS * _OUTP), lambda i: (0, 0)),
        ],
        out_specs=pl.BlockSpec((N_PB, _HEADS * _OUTP), lambda i: (i, 0)),
        out_shape=jax.ShapeDtypeStruct((n_p, _HEADS * _OUTP), f32),
    )(x_primal, W_primal)

    src_d = edge_index_dual[0]
    dst_d = edge_index_dual[1]
    e_d = jnp.exp(_leaky(s[src_d, :2] + s[dst_d, 2:]))
    hs = h_d[src_d]
    payload_d = jnp.concatenate(
        [hs[:, :_OUTD] * e_d[:, :1], hs[:, _OUTD:] * e_d[:, 1:], e_d], axis=1)
    u_d = jax.ops.segment_sum(payload_d, dst_d, num_segments=n_d)

    y_d, t = pl.pallas_call(
        _dual_final_body,
        grid=(grid_d,),
        in_specs=[
            pl.BlockSpec((N_DB, 2 * _OUTD + 2), lambda i: (i, 0)),
            pl.BlockSpec((N_DB, _OUTD), lambda i: (i, 0)),
            pl.BlockSpec((1, _OUTD), lambda i: (0, 0)),
            pl.BlockSpec((_OUTD, _HEADS), lambda i: (0, 0)),
        ],
        out_specs=[
            pl.BlockSpec((N_DB, _OUTD), lambda i: (i, 0)),
            pl.BlockSpec((N_DB, _HEADS), lambda i: (i, 0)),
        ],
        out_shape=[
            jax.ShapeDtypeStruct((n_d, _OUTD), f32),
            jax.ShapeDtypeStruct((n_d, _HEADS), f32),
        ],
    )(u_d, x_dual, b_dual.reshape(1, _OUTD), att_primal.T)

    src_p = edge_index_primal[0]
    dst_p = edge_index_primal[1]
    e_p = jnp.exp(_leaky(t[primal_edge_to_dual_node_idx]))
    hp = h_p[src_p]
    payload_p = jnp.concatenate(
        [hp[:, :_OUTP] * e_p[:, :1], hp[:, _OUTP:] * e_p[:, 1:], e_p], axis=1)
    u_p = jax.ops.segment_sum(payload_p, dst_p, num_segments=n_p)

    y_p = pl.pallas_call(
        _primal_final_body,
        grid=(grid_p,),
        in_specs=[
            pl.BlockSpec((N_PB, 2 * _OUTP + 2), lambda i: (i, 0)),
            pl.BlockSpec((N_PB, _OUTP), lambda i: (i, 0)),
            pl.BlockSpec((1, _OUTP), lambda i: (0, 0)),
        ],
        out_specs=pl.BlockSpec((N_PB, _OUTP), lambda i: (i, 0)),
        out_shape=jax.ShapeDtypeStruct((n_p, _OUTP), f32),
    )(u_p, x_primal, b_primal.reshape(1, _OUTP))

    return (y_p, y_d)

# --- scband reference (transcript-rebuilt; emitter-appended) ---
"""Pipeline reference for scband-dual-primal-res-conv-89318139887621 (READ-ONLY COPY).

The authoritative reference and input builder live on the scoring server;
editing this copy changes nothing except your own understanding.
"""

import jax, jax.numpy as jnp
import numpy as np

N_P = 10000
E_P = 160000
N_D = 160000
E_D = 320000
IN_P = 128
OUT_P = 128
IN_D = 64
OUT_D = 64
HEADS = 2
NEG = 0.2


def _seg_softmax(logits, seg, n):
    m = jax.ops.segment_max(logits, seg, num_segments=n)
    m = jnp.where(jnp.isfinite(m), m, 0.0)
    e = jnp.exp(logits - m[seg])
    s = jax.ops.segment_sum(e, seg, num_segments=n)
    return e / (s[seg] + 1e-16)


def _gat_dual(x, ei, W, a_s, a_d, b):
    # GATConvNoSelfLoops on the dual graph (no self-loop addition), heads averaged (concat_dual=False)
    n = x.shape[0]
    h = (x @ W).reshape(n, HEADS, OUT_D)
    src, dst = ei[0], ei[1]
    hs = h[src]
    hd = h[dst]
    logits = jax.nn.leaky_relu((hs * a_s).sum(-1) + (hd * a_d).sum(-1), NEG)
    alpha = _seg_softmax(logits, dst, n)
    out = jax.ops.segment_sum(hs * alpha[:, :, None], dst, num_segments=n)
    return out.mean(axis=1) + b


def _forward(xp, xd, eip, eid, p2d, W_d, as_d, ad_d, b_d, W_p, att_p, b_p):
    # 1) dual GAT convolution
    out_d = _gat_dual(xd, eid, W_d, as_d, ad_d, b_d)
    # 2) primal conv: attention coefficients computed from dual node features
    n_p = xp.shape[0]
    h = (xp @ W_p).reshape(n_p, HEADS, OUT_P)
    src, dst = eip[0], eip[1]
    dual_feat = out_d[p2d]  # [E_P, OUT_D] dual node feature for each primal edge
    logits = jax.nn.leaky_relu(dual_feat @ att_p.T, NEG)  # [E_P, HEADS]
    alpha = _seg_softmax(logits, dst, n_p)  # primal_attention_coefficients
    out_p = jax.ops.segment_sum(h[src] * alpha[:, :, None], dst, num_segments=n_p)
    out_p = out_p.mean(axis=1) + b_p  # concat_primal=False -> head average
    # residual connections (DualPrimalResConv): in_channels == out_channels so identity skip
    return (out_p + xp, out_d + xd)


def setup_inputs(seed: int = 0) -> dict:
    key = jax.random.key(seed)
    ks = jax.random.split(key, 12)
    xp = jax.random.normal(ks[0], (N_P, IN_P), dtype=jnp.float32)
    xd = jax.random.normal(ks[1], (N_D, IN_D), dtype=jnp.float32)
    eip = jax.random.randint(ks[2], (2, E_P), 0, N_P)
    eid = jax.random.randint(ks[3], (2, E_D), 0, N_D)
    p2d = jax.random.randint(ks[4], (E_P,), 0, N_D)
    W_d = jax.random.normal(ks[5], (IN_D, HEADS * OUT_D), dtype=jnp.float32) * 0.1
    as_d = jax.random.normal(ks[6], (HEADS, OUT_D), dtype=jnp.float32) * 0.1
    ad_d = jax.random.normal(ks[7], (HEADS, OUT_D), dtype=jnp.float32) * 0.1
    b_d = jnp.zeros((OUT_D,), dtype=jnp.float32)
    W_p = jax.random.normal(ks[8], (IN_P, HEADS * OUT_P), dtype=jnp.float32) * 0.1
    att_p = jax.random.normal(ks[9], (HEADS, OUT_D), dtype=jnp.float32) * 0.1
    b_p = jnp.zeros((OUT_P,), dtype=jnp.float32)
    return {
        'x_primal': xp,
        'x_dual': xd,
        'edge_index_primal': eip,
        'edge_index_dual': eid,
        'primal_edge_to_dual_node_idx': p2d,
        'W_dual': W_d,
        'a_src_dual': as_d,
        'a_dst_dual': ad_d,
        'b_dual': b_d,
        'W_primal': W_p,
        'att_primal': att_p,
        'b_primal': b_p,
    }


def reference(x_primal, x_dual, edge_index_primal, edge_index_dual, primal_edge_to_dual_node_idx, W_dual, a_src_dual, a_dst_dual, b_dual, W_primal, att_primal, b_primal):
    return _forward(x_primal, x_dual, edge_index_primal, edge_index_dual, primal_edge_to_dual_node_idx, W_dual, a_src_dual, a_dst_dual, b_dual, W_primal, att_primal, b_primal)

if __name__ == "__main__":
    import jax
    _d = setup_inputs()
    print(jax.jit(kernel)(*tuple(_d.values())))

</pallas_src>

<mosaic_0001>
module attributes {stable_mosaic.version = 14 : i64} {
  func.func @_dual_dense_body(%arg0: i32, %arg1: memref<2000x64xf32, #tpu.memory_space<vmem>>, %arg2: memref<64x128xf32, #tpu.memory_space<vmem>>, %arg3: memref<128x4xf32, #tpu.memory_space<vmem>>, %arg4: memref<2000x128xf32, #tpu.memory_space<vmem>>, %arg5: memref<2000x4xf32, #tpu.memory_space<vmem>>) attributes {dimension_semantics = [#tpu.dimension_semantics<arbitrary>], iteration_bounds = array<i64: 80>, scalar_prefetch = 0 : i64, scratch_operands = 0 : i64, tpu.core_type = #tpu.core_type<tc>, window_params = [{transform_indices = @transform_0, window_bounds = array<i64: 2000, 64>}, {pipeline_mode = #tpu.pipeline_mode<synchronous>, transform_indices = @transform_1, window_bounds = array<i64: 64, 128>}, {pipeline_mode = #tpu.pipeline_mode<synchronous>, transform_indices = @transform_2, window_bounds = array<i64: 128, 4>}, {transform_indices = @transform_3, window_bounds = array<i64: 2000, 128>}, {transform_indices = @transform_4, window_bounds = array<i64: 2000, 4>}]} {
    %get3A = arith.constant 0 : index
    %get3A_0 = arith.constant 0 : index
    %get3A_1 = vector.load %arg1[%get3A, %get3A_0] : memref<2000x64xf32, #tpu.memory_space<vmem>>, vector<2000x64xf32>
    %get3A_2 = arith.constant 0 : index
    %get3A_3 = arith.constant 0 : index
    %get3A_4 = vector.load %arg2[%get3A_2, %get3A_3] : memref<64x128xf32, #tpu.memory_space<vmem>>, vector<64x128xf32>
    %dot_general3A = arith.constant dense<0.000000e+00> : vector<2000x128xf32>
    %dot_general3A_5 = tpu.matmul %get3A_1, %get3A_4, %dot_general3A {dimension_numbers = #tpu.dot_dimension_numbers<[1], [0], [0], [1], [0, 0, 1, 1], [], []>, transpose_lhs_hint = false} : vector<2000x64xf32>, vector<64x128xf32>, vector<2000x128xf32> -> vector<2000x128xf32>
    %swap3A = arith.constant 0 : index
    %swap3A_6 = arith.constant 0 : index
    %swap3A_7 = vector.load %arg4[%swap3A, %swap3A_6] : memref<2000x128xf32, #tpu.memory_space<vmem>>, vector<2000x128xf32>
    tpu.vector_store %arg4[%swap3A, %swap3A_6], %dot_general3A_5 {strides = array<i32>} : memref<2000x128xf32, #tpu.memory_space<vmem>>, vector<2000x128xf32>,
    %get3A_8 = arith.constant 0 : index
    %get3A_9 = arith.constant 0 : index
    %get3A_10 = vector.load %arg3[%get3A_8, %get3A_9] : memref<128x4xf32, #tpu.memory_space<vmem>>, vector<128x4xf32>
    %dot_general3A_11 = arith.constant dense<0.000000e+00> : vector<2000x4xf32>
    %dot_general3A_12 = tpu.matmul %dot_general3A_5, %get3A_10, %dot_general3A_11 {dimension_numbers = #tpu.dot_dimension_numbers<[1], [0], [0], [1], [0, 0, 1, 1], [], []>, transpose_lhs_hint = false} : vector<2000x128xf32>, vector<128x4xf32>, vector<2000x4xf32> -> vector<2000x4xf32>
    %swap3A_13 = arith.constant 0 : index
    %swap3A_14 = arith.constant 0 : index
    %swap3A_15 = vector.load %arg5[%swap3A_13, %swap3A_14] : memref<2000x4xf32, #tpu.memory_space<vmem>>, vector<2000x4xf32>
    tpu.vector_store %arg5[%swap3A_13, %swap3A_14], %dot_general3A_12 {strides = array<i32>} : memref<2000x4xf32, #tpu.memory_space<vmem>>, vector<2000x4xf32>,
    return
  }
  func.func @transform_0(%arg0: i32) -> (i32, i32) {
    %c0_i32 = arith.constant 0 : i32
    %c0_i32_0 = arith.constant 0 : i32
    return %arg0, %c0_i32 : i32, i32
  }
  func.func @transform_1(%arg0: i32) -> (i32, i32) {
    %c0_i32 = arith.constant 0 : i32
    %c0_i32_0 = arith.constant 0 : i32
    %c0_i32_1 = arith.constant 0 : i32
    return %c0_i32, %c0_i32_0 : i32, i32
  }
  func.func @transform_2(%arg0: i32) -> (i32, i32) {
    %c0_i32 = arith.constant 0 : i32
    %c0_i32_0 = arith.constant 0 : i32
    %c0_i32_1 = arith.constant 0 : i32
    return %c0_i32, %c0_i32_0 : i32, i32
  }
  func.func @transform_3(%arg0: i32) -> (i32, i32) {
    %c0_i32 = arith.constant 0 : i32
    %c0_i32_0 = arith.constant 0 : i32
    return %arg0, %c0_i32 : i32, i32
  }
  func.func @transform_4(%arg0: i32) -> (i32, i32) {
    %c0_i32 = arith.constant 0 : i32
    %c0_i32_0 = arith.constant 0 : i32
    return %arg0, %c0_i32 : i32, i32
  }
}

module attributes {stable_mosaic.version = 14 : i64} {
  func.func @_primal_dense_body(%arg0: i32, %arg1: memref<1000x128xf32, #tpu.memory_space<vmem>>, %arg2: memref<128x256xf32, #tpu.memory_space<vmem>>, %arg3: memref<1000x256xf32, #tpu.memory_space<vmem>>) attributes {dimension_semantics = [#tpu.dimension_semantics<arbitrary>], iteration_bounds = array<i64: 10>, scalar_prefetch = 0 : i64, scratch_operands = 0 : i64, tpu.core_type = #tpu.core_type<tc>, window_params = [{transform_indices = @transform_0, window_bounds = array<i64: 1000, 128>}, {pipeline_mode = #tpu.pipeline_mode<synchronous>, transform_indices = @transform_1, window_bounds = array<i64: 128, 256>}, {transform_indices = @transform_2, window_bounds = array<i64: 1000, 256>}]} {
    %get3A = arith.constant 0 : index
    %get3A_0 = arith.constant 0 : index
    %get3A_1 = vector.load %arg1[%get3A, %get3A_0] : memref<1000x128xf32, #tpu.memory_space<vmem>>, vector<1000x128xf32>
    %get3A_2 = arith.constant 0 : index
    %get3A_3 = arith.constant 0 : index
    %get3A_4 = vector.load %arg2[%get3A_2, %get3A_3] : memref<128x256xf32, #tpu.memory_space<vmem>>, vector<128x256xf32>
    %dot_general3A = arith.constant dense<0.000000e+00> : vector<1000x256xf32>
    %dot_general3A_5 = tpu.matmul %get3A_1, %get3A_4, %dot_general3A {dimension_numbers = #tpu.dot_dimension_numbers<[1], [0], [0], [1], [0, 0, 1, 1], [], []>, transpose_lhs_hint = false} : vector<1000x128xf32>, vector<128x256xf32>, vector<1000x256xf32> -> vector<1000x256xf32>
    %swap3A = arith.constant 0 : index
    %swap3A_6 = arith.constant 0 : index
    %swap3A_7 = vector.load %arg3[%swap3A, %swap3A_6] : memref<1000x256xf32, #tpu.memory_space<vmem>>, vector<1000x256xf32>
    tpu.vector_store %arg3[%swap3A, %swap3A_6], %dot_general3A_5 {strides = array<i32>} : memref<1000x256xf32, #tpu.memory_space<vmem>>, vector<1000x256xf32>,
    return
  }
  func.func @transform_0(%arg0: i32) -> (i32, i32) {
    %c0_i32 = arith.constant 0 : i32
    %c0_i32_0 = arith.constant 0 : i32
    return %arg0, %c0_i32 : i32, i32
  }
  func.func @transform_1(%arg0: i32) -> (i32, i32) {
    %c0_i32 = arith.constant 0 : i32
    %c0_i32_0 = arith.constant 0 : i32
    %c0_i32_1 = arith.constant 0 : i32
    return %c0_i32, %c0_i32_0 : i32, i32
  }
  func.func @transform_2(%arg0: i32) -> (i32, i32) {
    %c0_i32 = arith.constant 0 : i32
    %c0_i32_0 = arith.constant 0 : i32
    return %arg0, %c0_i32 : i32, i32
  }
}

module attributes {stable_mosaic.version = 14 : i64} {
  func.func @_dual_final_body(%arg0: i32, %arg1: memref<2000x130xf32, #tpu.memory_space<vmem>>, %arg2: memref<2000x64xf32, #tpu.memory_space<vmem>>, %arg3: memref<1x64xf32, #tpu.memory_space<vmem>>, %arg4: memref<64x2xf32, #tpu.memory_space<vmem>>, %arg5: memref<2000x64xf32, #tpu.memory_space<vmem>>, %arg6: memref<2000x2xf32, #tpu.memory_space<vmem>>) attributes {dimension_semantics = [#tpu.dimension_semantics<arbitrary>], iteration_bounds = array<i64: 80>, scalar_prefetch = 0 : i64, scratch_operands = 0 : i64, tpu.core_type = #tpu.core_type<tc>, window_params = [{transform_indices = @transform_0, window_bounds = array<i64: 2000, 130>}, {transform_indices = @transform_1, window_bounds = array<i64: 2000, 64>}, {pipeline_mode = #tpu.pipeline_mode<synchronous>, transform_indices = @transform_2, window_bounds = array<i64: 1, 64>}, {pipeline_mode = #tpu.pipeline_mode<synchronous>, transform_indices = @transform_3, window_bounds = array<i64: 64, 2>}, {transform_indices = @transform_4, window_bounds = array<i64: 2000, 64>}, {transform_indices = @transform_5, window_bounds = array<i64: 2000, 2>}]} {
    %get3A = arith.constant 0 : index
    %get3A_0 = arith.constant 0 : index
    %get3A_1 = vector.load %arg1[%get3A, %get3A_0] : memref<2000x130xf32, #tpu.memory_space<vmem>>, vector<2000x130xf32>
    %slice3A = vector.extract_strided_slice %get3A_1 {offsets = [0, 0], sizes = [2000, 64], strides = [1, 1]} : vector<2000x130xf32> to vector<2000x64xf32>
    %slice3A_2 = vector.extract_strided_slice %get3A_1 {offsets = [0, 128], sizes = [2000, 1], strides = [1, 1]} : vector<2000x130xf32> to vector<2000x1xf32>
    %add3A = arith.constant 1.000000e-16 : f32
    %add3A_3 = vector.broadcast %add3A : f32 to vector<2000x1xf32>
    %add3A_4 = arith.addf %slice3A_2, %add3A_3 : vector<2000x1xf32>
    %div3A = vector.broadcast %add3A_4 : vector<2000x1xf32> to vector<2000x64xf32>
    %div3A_5 = arith.divf %slice3A, %div3A : vector<2000x64xf32>
    %slice3A_6 = vector.extract_strided_slice %get3A_1 {offsets = [0, 64], sizes = [2000, 64], strides = [1, 1]} : vector<2000x130xf32> to vector<2000x64xf32>
    %slice3A_7 = vector.extract_strided_slice %get3A_1 {offsets = [0, 129], sizes = [2000, 1], strides = [1, 1]} : vector<2000x130xf32> to vector<2000x1xf32>
    %add3A_8 = arith.constant 1.000000e-16 : f32
    %add3A_9 = vector.broadcast %add3A_8 : f32 to vector<2000x1xf32>
    %add3A_10 = arith.addf %slice3A_7, %add3A_9 : vector<2000x1xf32>
    %div3A_11 = vector.broadcast %add3A_10 : vector<2000x1xf32> to vector<2000x64xf32>
    %div3A_12 = arith.divf %slice3A_6, %div3A_11 : vector<2000x64xf32>
    %add3A_13 = arith.addf %div3A_5, %div3A_12 : vector<2000x64xf32>
    %mul3A = arith.constant 5.000000e-01 : f32
    %mul3A_14 = vector.broadcast %mul3A : f32 to vector<2000x64xf32>
    %mul3A_15 = arith.mulf %mul3A_14, %add3A_13 : vector<2000x64xf32>
    %get3A_16 = arith.constant 0 : index
    %get3A_17 = arith.constant 0 : index
    %get3A_18 = vector.load %arg3[%get3A_16, %get3A_17] : memref<1x64xf32, #tpu.memory_space<vmem>>, vector<1x64xf32>
    %add3A_19 = vector.broadcast %get3A_18 : vector<1x64xf32> to vector<2000x64xf32>
    %add3A_20 = arith.addf %mul3A_15, %add3A_19 : vector<2000x64xf32>
    %get3A_21 = arith.constant 0 : index
    %get3A_22 = arith.constant 0 : index
    %get3A_23 = vector.load %arg2[%get3A_21, %get3A_22] : memref<2000x64xf32, #tpu.memory_space<vmem>>, vector<2000x64xf32>
    %add3A_24 = arith.addf %add3A_20, %get3A_23 : vector<2000x64xf32>
    %swap3A = arith.constant 0 : index
    %swap3A_25 = arith.constant 0 : index
    %swap3A_26 = vector.load %arg5[%swap3A, %swap3A_25] : memref<2000x64xf32, #tpu.memory_space<vmem>>, vector<2000x64xf32>
    tpu.vector_store %arg5[%swap3A, %swap3A_25], %add3A_24 {strides = array<i32>} : memref<2000x64xf32, #tpu.memory_space<vmem>>, vector<2000x64xf32>,
    %get3A_27 = arith.constant 0 : index
    %get3A_28 = arith.constant 0 : index
    %get3A_29 = vector.load %arg4[%get3A_27, %get3A_28] : memref<64x2xf32, #tpu.memory_space<vmem>>, vector<64x2xf32>
    %dot_general3A = arith.constant dense<0.000000e+00> : vector<2000x2xf32>
    %dot_general3A_30 = tpu.matmul %add3A_20, %get3A_29, %dot_general3A {dimension_numbers = #tpu.dot_dimension_numbers<[1], [0], [0], [1], [0, 0, 1, 1], [], []>, transpose_lhs_hint = false} : vector<2000x64xf32>, vector<64x2xf32>, vector<2000x2xf32> -> vector<2000x2xf32>
    %swap3A_31 = arith.constant 0 : index
    %swap3A_32 = arith.constant 0 : index
    %swap3A_33 = vector.load %arg6[%swap3A_31, %swap3A_32] : memref<2000x2xf32, #tpu.memory_space<vmem>>, vector<2000x2xf32>
    tpu.vector_store %arg6[%swap3A_31, %swap3A_32], %dot_general3A_30 {strides = array<i32>} : memref<2000x2xf32, #tpu.memory_space<vmem>>, vector<2000x2xf32>,
    return
  }
  func.func @transform_0(%arg0: i32) -> (i32, i32) {
    %c0_i32 = arith.constant 0 : i32
    %c0_i32_0 = arith.constant 0 : i32
    return %arg0, %c0_i32 : i32, i32
  }
  func.func @transform_1(%arg0: i32) -> (i32, i32) {
    %c0_i32 = arith.constant 0 : i32
    %c0_i32_0 = arith.constant 0 : i32
    return %arg0, %c0_i32 : i32, i32
  }
  func.func @transform_2(%arg0: i32) -> (i32, i32) {
    %c0_i32 = arith.constant 0 : i32
    %c0_i32_0 = arith.constant 0 : i32
    %c0_i32_1 = arith.constant 0 : i32
    return %c0_i32, %c0_i32_0 : i32, i32
  }
  func.func @transform_3(%arg0: i32) -> (i32, i32) {
    %c0_i32 = arith.constant 0 : i32
    %c0_i32_0 = arith.constant 0 : i32
    %c0_i32_1 = arith.constant 0 : i32
    return %c0_i32, %c0_i32_0 : i32, i32
  }
  func.func @transform_4(%arg0: i32) -> (i32, i32) {
    %c0_i32 = arith.constant 0 : i32
    %c0_i32_0 = arith.constant 0 : i32
    return %arg0, %c0_i32 : i32, i32
  }
  func.func @transform_5(%arg0: i32) -> (i32, i32) {
    %c0_i32 = arith.constant 0 : i32
    %c0_i32_0 = arith.constant 0 : i32
    return %arg0, %c0_i32 : i32, i32
  }
}

module attributes {stable_mosaic.version = 14 : i64} {
  func.func @_primal_final_body(%arg0: i32, %arg1: memref<1000x258xf32, #tpu.memory_space<vmem>>, %arg2: memref<1000x128xf32, #tpu.memory_space<vmem>>, %arg3: memref<1x128xf32, #tpu.memory_space<vmem>>, %arg4: memref<1000x128xf32, #tpu.memory_space<vmem>>) attributes {dimension_semantics = [#tpu.dimension_semantics<arbitrary>], iteration_bounds = array<i64: 10>, scalar_prefetch = 0 : i64, scratch_operands = 0 : i64, tpu.core_type = #tpu.core_type<tc>, window_params = [{transform_indices = @transform_0, window_bounds = array<i64: 1000, 258>}, {transform_indices = @transform_1, window_bounds = array<i64: 1000, 128>}, {pipeline_mode = #tpu.pipeline_mode<synchronous>, transform_indices = @transform_2, window_bounds = array<i64: 1, 128>}, {transform_indices = @transform_3, window_bounds = array<i64: 1000, 128>}]} {
    %get3A = arith.constant 0 : index
    %get3A_0 = arith.constant 0 : index
    %get3A_1 = vector.load %arg1[%get3A, %get3A_0] : memref<1000x258xf32, #tpu.memory_space<vmem>>, vector<1000x258xf32>
    %slice3A = vector.extract_strided_slice %get3A_1 {offsets = [0, 0], sizes = [1000, 128], strides = [1, 1]} : vector<1000x258xf32> to vector<1000x128xf32>
    %slice3A_2 = vector.extract_strided_slice %get3A_1 {offsets = [0, 256], sizes = [1000, 1], strides = [1, 1]} : vector<1000x258xf32> to vector<1000x1xf32>
    %add3A = arith.constant 1.000000e-16 : f32
    %add3A_3 = vector.broadcast %add3A : f32 to vector<1000x1xf32>
    %add3A_4 = arith.addf %slice3A_2, %add3A_3 : vector<1000x1xf32>
    %div3A = vector.broadcast %add3A_4 : vector<1000x1xf32> to vector<1000x128xf32>
    %div3A_5 = arith.divf %slice3A, %div3A : vector<1000x128xf32>
    %slice3A_6 = vector.extract_strided_slice %get3A_1 {offsets = [0, 128], sizes = [1000, 128], strides = [1, 1]} : vector<1000x258xf32> to vector<1000x128xf32>
    %slice3A_7 = vector.extract_strided_slice %get3A_1 {offsets = [0, 257], sizes = [1000, 1], strides = [1, 1]} : vector<1000x258xf32> to vector<1000x1xf32>
    %add3A_8 = arith.constant 1.000000e-16 : f32
    %add3A_9 = vector.broadcast %add3A_8 : f32 to vector<1000x1xf32>
    %add3A_10 = arith.addf %slice3A_7, %add3A_9 : vector<1000x1xf32>
    %div3A_11 = vector.broadcast %add3A_10 : vector<1000x1xf32> to vector<1000x128xf32>
    %div3A_12 = arith.divf %slice3A_6, %div3A_11 : vector<1000x128xf32>
    %add3A_13 = arith.addf %div3A_5, %div3A_12 : vector<1000x128xf32>
    %mul3A = arith.constant 5.000000e-01 : f32
    %mul3A_14 = vector.broadcast %mul3A : f32 to vector<1000x128xf32>
    %mul3A_15 = arith.mulf %mul3A_14, %add3A_13 : vector<1000x128xf32>
    %get3A_16 = arith.constant 0 : index
    %get3A_17 = arith.constant 0 : index
    %get3A_18 = vector.load %arg3[%get3A_16, %get3A_17] : memref<1x128xf32, #tpu.memory_space<vmem>>, vector<1x128xf32>
    %add3A_19 = vector.broadcast %get3A_18 : vector<1x128xf32> to vector<1000x128xf32>
    %add3A_20 = arith.addf %mul3A_15, %add3A_19 : vector<1000x128xf32>
    %get3A_21 = arith.constant 0 : index
    %get3A_22 = arith.constant 0 : index
    %get3A_23 = vector.load %arg2[%get3A_21, %get3A_22] : memref<1000x128xf32, #tpu.memory_space<vmem>>, vector<1000x128xf32>
    %add3A_24 = arith.addf %add3A_20, %get3A_23 : vector<1000x128xf32>
    %swap3A = arith.constant 0 : index
    %swap3A_25 = arith.constant 0 : index
    %swap3A_26 = vector.load %arg4[%swap3A, %swap3A_25] : memref<1000x128xf32, #tpu.memory_space<vmem>>, vector<1000x128xf32>
    tpu.vector_store %arg4[%swap3A, %swap3A_25], %add3A_24 {strides = array<i32>} : memref<1000x128xf32, #tpu.memory_space<vmem>>, vector<1000x128xf32>,
    return
  }
  func.func @transform_0(%arg0: i32) -> (i32, i32) {
    %c0_i32 = arith.constant 0 : i32
    %c0_i32_0 = arith.constant 0 : i32
    return %arg0, %c0_i32 : i32, i32
  }
  func.func @transform_1(%arg0: i32) -> (i32, i32) {
    %c0_i32 = arith.constant 0 : i32
    %c0_i32_0 = arith.constant 0 : i32
    return %arg0, %c0_i32 : i32, i32
  }
  func.func @transform_2(%arg0: i32) -> (i32, i32) {
    %c0_i32 = arith.constant 0 : i32
    %c0_i32_0 = arith.constant 0 : i32
    %c0_i32_1 = arith.constant 0 : i32
    return %c0_i32, %c0_i32_0 : i32, i32
  }
  func.func @transform_3(%arg0: i32) -> (i32, i32) {
    %c0_i32 = arith.constant 0 : i32
    %c0_i32_0 = arith.constant 0 : i32
    return %arg0, %c0_i32 : i32, i32
  }
}

</mosaic_0001>

<sc_bundles>
// kernel: gather_offload_async_start.1
scs
__scs_entry_jumppad:
0x0: {  	(pc) =	sbr.rel $0x88, $3  }
0x1: {  	(tag) =	ssettag $0x0;
	lr =	simm.s32 $0x1  }
0x2: {  	[smem:$0x3F95] =	sst lr;
	_ =	strace $0xD0000000  }
0x3: {  	_ = 	snop  }
0x4: {  	_ = 	snop  }
0x5: {  	_ = 	snop  }
0x6: {  	_ = 	snop  }
0x7: {  	_ = 	snop  }
__scs_overlays_trampoline_lowered:
0x8: {  	[smem:$0x3FA4] =	sst s0  }
0x9: {  	[smem:$0x3FA5] =	sst s1  }
0xa: {  	[smem:$0x3FA6] =	sst s2  }
0xb: {  	[smem:$0x3FA7] =	sst s3  }
0xc: {  	[smem:$0x3FA8] =	sst s4  }
0xd: {  	[smem:$0x3FA9] =	sst s5  }
0xe: {  	[smem:$0x3FAA] =	sst s6  }
0xf: {  	[smem:$0x3FAB] =	sst s7  }
0x10: {  	[smem:$0x3FAC] =	sst s8  }
0x11: {  	[smem:$0x3FAD] =	sst s9;
	s0 =	simm.s32 @!p0 $0x0  }
0x12: {  	s1 =	sld [smem:$0x3F93];
	s0 =	simm.s32 @p0 $0x1  }
0x13: {  	[smem:$0x3FAE] =	sst s0;
	s0 =	simm.s32 @!p1 $0x0  }
0x14: {  	s2 =	sld [smem:$0x3F92];
	s0 =	simm.s32 @p1 $0x1  }
0x15: {  	[smem:$0x3FAF] =	sst s0;
	s0 =	simm.s32 @!p2 $0x0  }
0x16: {  	s3 =	sld [smem:$0x3FDB];
	s0 =	simm.s32 @p2 $0x1  }
0x17: {  	s4 =	simm.s32 $0x1BF5;
	[smem:$0x3FB1] =	sst s0  }
0x18: {  	s0 =	sld [smem:$0x3F94];
	_ =	swait.ge [sflag:s4], $0x0  }
0x19: {  	s7 =	sld [smem:$0x3F95]  }
0x1a: {  	s8 =	sadd.s32 $0xFFFFE003, lr  }
0x1b: {  	s9 =	sadd.s32 $0xFFFFFEF7, lr;
	s5 =	simm.s32 $0xFFFFFFFF;
	p2 =	slt.u32 s8, $0xFFFFF086  }
0x1c: {  	p1 =	slt.u32 s9, $0xF7A;
	s5 =	simm.s32 @!p2 $0x0  }
0x1d: {  	s5 =	simm.s32 @p1 $0x1;
	p0 =	seq.s32 s7, s2  }
0x1e: {  	s7 =	smul.u32 @!p0 $0xF7A, s2;
	p2 =	seq.s32 @!p0 s5, $0x0  }
0x1f: {  	s9 =	smul.u32 $0xF7A, s1;
	s8 =	simm.s32 @!p0 $0x1BF5;
	p2 =	por !p2, p0  }
0x20: {  	[sflag:s8] =	ssyncset.s32 @!p0 $0xFFFFF086;
	s6 =	sadd.s32 @!p0 s3, s7;
	s7 =	simm.s32 @!p0 $0x108  }
0x21: {  	s3 =	sadd.s32 s3, s9;
	s6 =	sadd.s32 @!p0 $0x88, s6;
	s7 =	simm.s32 @p2 $0x1082  }
0x22: {  	[simem:s7], [sflag:s8] =	dma.local @!p0 [hbm:s6], $0xF7A  }
0x23: {  	s9 =	sor.u32 $0xD0000000, s2;
	s6 =	simm.s32 $0x108;
	_ =	swait.ge @!p0 [sflag:s8], $0x0  }
0x24: {  	s3 =	sadd.s32 $0x88, s3;
	s6 =	simm.s32 @!p1 $0x1082;
	[sflag:s4] =	ssyncset.s32 $0xFFFFF086  }
0x25: {  	[simem:s6], [sflag:s4] =	dma.local [hbm:s3], $0xF7A  }
0x26: {  	[smem:$0x3F95] =	sst s1;
	(tag) =	ssettag s2;
	_ =	strace s9  }
0x27: {  	s1 =	sld [smem:$0x3FA5]  }
0x28: {  	s2 =	sld [smem:$0x3FA6]  }
0x29: {  	s4 =	sld [smem:$0x3FA8]  }
0x2a: {  	p0 =	seq.s32 s5, $0x0;
	s5 =	sld [smem:$0x3FA9]  }
0x2b: {  	s6 =	sld [smem:$0x3FAA]  }
0x2c: {  	s7 =	sld [smem:$0x3FAB]  }
0x2d: {  	s3 =	simm.s32 $0x108;
	s8 =	sld [smem:$0x3FAC]  }
0x2e: {  	s3 =	simm.s32 @!p0 $0x1082;
	s9 =	sld [smem:$0x3FAD]  }
0x2f: {  	lr =	sadd.s32 s0, s3;
	s0 =	sld [smem:$0x3FA4]  }
0x30: {  	s3 =	sld [smem:$0x3FA7]  }
0x31: {  	[smem:$0x3FB0] =	sst s10  }
0x32: {  	s10 =	sld [smem:$0x3FAE];
	_ =	sdelay $0x3  }
0x33: {  	p0 =	seq.s32 s10, $0x1;
	s10 =	sld [smem:$0x3FB0];
	_ =	sdelay $0x3  }
0x34: {  	[smem:$0x3FB0] =	sst s10  }
0x35: {  	s10 =	sld [smem:$0x3FAF];
	_ =	sdelay $0x3  }
0x36: {  	p1 =	seq.s32 s10, $0x1;
	s10 =	sld [smem:$0x3FB0];
	_ =	sdelay $0x3  }
0x37: {  	[smem:$0x3FB0] =	sst s10  }
0x38: {  	s10 =	sld [smem:$0x3FB1]  }
0x39: {  	_ = 	snop;
	(pc) =	sbr.ind lr, $3  }
0x3a: {  	_ = 	snop  }
0x3b: {  	_ = 	snop  }
0x3c: {  	p2 =	seq.s32 s10, $0x1;
	s10 =	sld [smem:$0x3FB0]  }
0x3d: {  	_ =	shalt  }
0x3e: {  	_ =	shalt  }
0x3f: {  	_ =	shalt  }
0x40: {  	_ =	shalt  }
0x41: {  	_ =	shalt  }
0x42: {  	_ =	shalt  }
0x43: {  	_ =	shalt  }
0x44: {  	_ =	shalt  }
0x45: {  	_ =	shalt  }
0x46: {  	_ =	shalt  }
0x47: {  	_ =	shalt  }
0x48: {  	_ =	shalt  }
0x49: {  	_ =	shalt  }
0x4a: {  	_ =	shalt  }
0x4b: {  	_ =	shalt  }
0x4c: {  	_ =	shalt  }
0x4d: {  	_ =	shalt  }
0x4e: {  	_ =	shalt  }
0x4f: {  	_ =	shalt  }
0x50: {  	_ =	shalt  }
0x51: {  	_ =	shalt  }
0x52: {  	_ =	shalt  }
0x53: {  	_ =	shalt  }
0x54: {  	_ =	shalt  }
0x55: {  	_ =	shalt  }
0x56: {  	_ =	shalt  }
0x57: {  	_ =	shalt  }
0x58: {  	_ =	shalt  }
0x59: {  	_ =	shalt  }
0x5a: {  	_ =	shalt  }
0x5b: {  	_ =	shalt  }
0x5c: {  	_ =	shalt  }
0x5d: {  	_ =	shalt  }
0x5e: {  	_ =	shalt  }
0x5f: {  	_ =	shalt  }
0x60: {  	_ =	shalt  }
0x61: {  	_ =	shalt  }
0x62: {  	_ =	shalt  }
0x63: {  	_ =	shalt  }
0x64: {  	_ =	shalt  }
0x65: {  	_ =	shalt  }
0x66: {  	_ =	shalt  }
0x67: {  	_ =	shalt  }
0x68: {  	_ =	shalt  }
0x69: {  	_ =	shalt  }
0x6a: {  	_ =	shalt  }
0x6b: {  	_ =	shalt  }
0x6c: {  	_ =	shalt  }
0x6d: {  	_ =	shalt  }
0x6e: {  	_ =	shalt  }
0x6f: {  	_ =	shalt  }
0x70: {  	_ =	shalt  }
0x71: {  	_ =	shalt  }
0x72: {  	_ =	shalt  }
0x73: {  	_ =	shalt  }
0x74: {  	_ =	shalt  }
0x75: {  	_ =	shalt  }
0x76: {  	_ =	shalt  }
0x77: {  	_ =	shalt  }
0x78: {  	_ =	shalt  }
0x79: {  	_ =	shalt  }
0x7a: {  	_ =	shalt  }
0x7b: {  	_ =	shalt  }
0x7c: {  	_ =	shalt  }
0x7d: {  	_ =	shalt  }
0x7e: {  	_ =	shalt  }
0x7f: {  	_ =	shalt  }
0x80: {  	_ =	shalt  }
0x81: {  	_ =	shalt  }
0x82: {  	_ =	shalt  }
0x83: {  	_ =	shalt  }
0x84: {  	_ =	shalt  }
0x85: {  	_ =	shalt  }
0x86: {  	_ =	shalt  }
0x87: {  	_ =	shalt  }
.Lfunc_end0:
.L_simem_size_0:
called_computation.3_lowered:
.L_overlay_start_0:
0x88: {  	s2 =	sld [smem:$0x3FD9]  }
0x89: {  	s3 =	sld [smem:$0x3FFE];
	_ =	sdelay $0x1  }
0x8a: {  	s1 =	srdreg.scid  }
0x8b: {  	s0 =	sand.u32 $0x1, s1  }
0x8c: {  	s16 =	sshll.u32 s0, $0xA;
	s2 =	sadd.s32 s3, s2  }
0x8d: {  	s2 =	sadd.s32 s2, s16  }
0x8e: {  	[smem:$0x3FBC] =	sst s2  }
0x8f: {  	_ = 	snop  }
0x90: {  	(tm) =	ssettm $0x1  }
0x91: {  	s17 =	sld [smem:$0x3FFB];
	_ =	sdelay $0x3  }
0x92: {  	_ =	strace s17  }
0x93: {  	s2 =	sld [smem:$0x3FFC];
	_ =	sdelay $0x3  }
0x94: {  	_ =	strace s2  }
0x95: {  	s2 =	sld [smem:$0x3FFD];
	_ =	sdelay $0x3  }
0x96: {  	_ =	strace s2  }
0x97: {  	_ =	strace $0x8FFFFFFF  }
0x98: {  	s18 =	sld [smem:$0x3FDB];
	_ =	sdelay $0x1  }
0x99: {  	s19 =	simm.s32 $_scs_section_size  }
0x9a: {  	s4 =	simm.s32 $_size__tile_overlayer_lowered;
	s5 =	simm.s32 $_tile_overlayer_lowered  }
0x9b: {  	s22 =	simm.s32 $0x1BFF;
	s21 =	sshll.u32 s5, $0x1;
	s2 =	sadd.s32 s19, s18  }
0x9c: {  	s6 =	simm.s32 $0x0;
	s20 =	sshll.u32 s4, $0x1;
	s4 =	sadd.s32 s21, s2  }
0x9d: {  	[timem:s6], [sflag:s22] =	dma.local [hbm:s4], s20  }
0x9e: {  	_ =	swait.ge [sflag:s22], s20  }
0x9f: {  	s3 =	ssub.s32 $0x0, s20;
	[sflag:s22] =	ssyncset.done $0x0  }
0xa0: {  	[sflag:s22] =	ssyncadd.s32 s3;
	_ =	sdelay $0x1  }
0xa1: {  	s23 =	simm.s32 $0x1B8B  }
0xa2: {  	_ =	swait.ge [sflag:s23], $0x1  }
0xa3: {  	[sflag:s23] =	ssyncset.done $0x0  }
0xa4: {  	s25 =	simm.s32 $0x1B8E;
	s24 =	sld [smem:$0x3FFE];
	[sflag:s23] =	ssyncadd.s32 $0xFFFFFFFF  }
0xa5: {  	s26 =	simm.s32 $execute0_lowered;
	[smem:$0x3FD2] =	sst s25  }
0xa6: {  	s4 =	sshll.u32 s26, $0x1;
	_ =	strace $0x80000058;
	[dreg:$0x1] =	wrdreg $0xFFFFFFFF  }
0xa7: {  	s28 =	simm.s32 $_size_execute0_lowered;
	s2 =	sadd.s32 s2, s4;
	[dreg:$0x0] =	wrdreg $0x0  }
0xa8: {  	s4 =	sshll.u32 s28, $0x1;
	[dreg:$0x2] =	wrdreg s2  }
0xa9: {  	[dreg:$0x3] =	wrdreg s4  }
0xaa: {  	[dreg:$0x4] =	wrdreg $0xC0  }
0xab: {  	_ =	task [dreg:s6], $0x5FFFF  }
0xac: {  	[dreg:$0x1] =	wrdreg $0xFFFFFFFF  }
0xad: {  	[dreg:$0x0] =	wrdreg $0x60  }
0xae: {  	[dreg:$0x2] =	wrdreg s24  }
0xaf: {  	[dreg:$0x3] =	wrdreg $0x9  }
0xb0: {  	_ =	task.clear_ibuf [dreg:s6], $0x4FFFF;
	_ =	strace $0x90000058  }
0xb1: {  	s29 =	simm.s32 $0x9;
	_ =	strace $0x8000005A  }
0xb2: {  	_ =	swait.ge [sflag:s29], $0x1  }
0xb3: {  	[sflag:s29] =	ssyncadd.s32 $0xFFFFFFFF  }
0xb4: {  	_ =	strace $0x9000005A  }
0xb5: {  	_ =	sfence  }
0xb6: {  	s30 =	sld [smem:$0x0];
	_ =	sdelay $0x2  }
0xb7: {  	s31 =	sshll.u32 s1, $0xD;
	s1 =	sshrl.u32 s1, $0x2  }
0xb8: {  	s3 =	sand.u32 $0x4000, s31;
	s1 =	sadd.s32 s1, s30  }
0xb9: {  	s0 =	sor.u32 s3, s0;
	s1 =	sshll.u32 s1, $0x11  }
0xba: {  	s0 =	sor.u32 s1, s0  }
0xbb: {  	s0 =	sadd.s32 $0x8F2B, s0  }
0xbc: {  	[sflag:s0] =	ssyncadd.remote.s32 $0x1  }
0xbd: {  	_ =	sfence.sel $0xFFFF  }
0xbe: {  	[dreg:$0x0] =	wrdreg $0xFFFFFFFF;
	(pc) =	sbr.abs _section_cstart, $3  }
0xbf: {  	[dreg:$0x1] =	wrdreg $0xFFFFFFFF  }
0xc0: {  	_ =	task.clear_ibuf [dreg:s6], $0x2FFFF;
	_ =	strace $0x9FFFFFFF  }
0xc1: {  	(tm) =	ssettm $0x7FFFFFFF  }
tec
execute0_lowered:
.L_overlay_start_1:
0x0: {  	(tag) =	ssettag $0x1  }
0x1: {  	s0 =	srdreg.scid  }
0x2: {  	s1 =	sshll.u32 s0, $0x4  }
0x3: {  	s0 =	stileid.u32;
	s1 =	sand.u32 $0x10, s1  }
0x4: {  	s1 =	sor.u32 s0, s1  }
0x5: {  	s2 =	smul.u32 $0xF, s1  }
0x6: {  	s3 =	smin.u32 s1, $0x14  }
0x7: {  	s2 =	sadd.s32 s3, s2  }
0x8: {  	p0 =	slt.u32 s1, $0x14;
	s1 =	simm.s32 $0x1400;
	s2 =	smul.u32 $0x140, s2  }
0x9: {  	s1 =	simm.s32 @!p0 $0x12C0  }
0xa: {  	s1 =	sadd.s32 s1, s2  }
0xb: {  	s3 =	smin.u32 s1, $0x27100  }
0xc: {  	s7 =	ssub.s32 s3, s2  }
0xd: {  	p0 =	sgt.s32 s7, $0x0  }
0xe: {  	s7 =	simm.s32 @!p0 $0x0  }
0xf: {  	s31 =	smulhi.u32 $0x66666667, s7  }
0x10: {  	s4 =	rddreg [dreg:$0x0];
	s6 =	simm.s32 $0x1  }
0x11: {  	s10 =	simm.s32 $0x3;
	s13 =	simm.s32 $0x0;
	s8 =	sshrl.u32 s31, $0x7  }
0x12: {  	s12 =	simm.s32 $0x0;
	s5 =	sadd.s32 $0xC3A400, s4;
	s9 =	smul.u32 $0x140, s8  }
.Ltmp0:
0x13: {  	s11 =	smov.u32 s2;
	s1 =	rddreg [dreg:$0x1];
	(pc) =	sbr.rel .LBB2_1-.Ltmp0, $4  }
0x14: {  	_ =	strace $0x80000059;
	p0 =	sne.s32 s7, s9;
	s9 =	simm.s32 $0x1  }
0x15: {  	[sflag:s6] =	ssyncpa.u1 $0x0;
	s7 =	simm.s32 $0x2;
	s9 =	simm.s32 @!p0 $0x0  }
0x16: {  	[sflag:s7] =	ssyncpa.u1 $0x0;
	p0 =	por $0x0, $0x0;
	s8 =	sadd.s32 s9, s8  }
0x17: {  	vm0 =	vmmov $0xff;
	vm1 =	vcmask $0x3F20;
	s9 =	sadd.s32 $0xC35400, s4;
	[sflag:s10] =	ssyncpa.u1 $0x0;
	s10 =	sadd.s32 $0x1, s8  }
.LBB2_6:
0x18: {  	[hbm:s17] =	stream.linear.scatter [tilespmem:s14], [sflag:$0x3], $0x400, $0x38;
	[tilespmem:$0x14280] =	vst v63  }
.LBB2_7:
0x19: {  	s13 =	sadd.s32 $0x140, s11  }
0x1a: {  	s15 =	smov.u32 s2;
	p2 =	slt.s32 s13, s3  }
0x1b: {  	s15 =	smov.u32 @p2 s13;
	p2 =	sne.s32 s12, s10  }
.Ltmp1:
0x1c: {  	p1 =	slt.u32 s12, $0x2;
	(pc) =	sbr.rel @!p2 .LBB2_8-.Ltmp1, $4  }
0x1d: {  	s14 =	simm.s32 @!p1 $0x3  }
0x1e: {  	s16 =	sadd.s32 $0x1, s12;
	_ =	swait.ge @!p1 [sflag:s14], $0xA000  }
0x1f: {  	p0 =	por !p0, !p0;
	s13 =	smov.u32 s11;
	[sflag:s14] =	ssyncset.done @!p1 $0x0  }
0x20: {  	s12 =	smov.u32 s16;
	s11 =	smov.u32 s15;
	[sflag:s14] =	ssyncadd.s32 @!p1 $0xFFFF6000  }
.LBB2_1:
0x21: {  	p1 =	sge.u32 s12, s8  }
0x22: {  	s14 =	sxor.u32 @!p1 $0xFFFFFFFF, s12  }
0x23: {  	s14 =	sand.u32 @!p1 $0x1, s14  }
0x24: {  	s14 =	smul.u32 @!p1 $0x500, s14  }
0x25: {  	s31 =	sadd.s32 $0xFFFFFFFF, s12;
	s15 =	sshrl.u32 @!p1 s11, $0x3  }
0x26: {  	s16 =	sand.u32 @!p1 $0x7, s11;
	s15 =	sadd.s32 @!p1 s9, s15;
	s14 =	sshrl.u32 @!p1 s14, $0x2  }
0x27: {  	[tilespmem:s14], [sflag:$0x2] =	stream.linear.gather @!p1 [hbm4b:s15+s16], $0x140, $0x38;
	[tilespmem:$0x14280] =	vst v63  }
0x28: {  	p1 =	sge.u32 s31, s8  }
.Ltmp2:
0x29: {  	_ = 	snop;
	(pc) =	sbr.rel @p1 .LBB2_7-.Ltmp2, $1  }
0x2a: {  	_ =	sdelay $0x3  }
0x2b: {  	s14 =	simm.s32 $0x1  }
0x2c: {  	s14 =	simm.s32 @!p0 $0x0  }
0x2d: {  	s15 =	smul.u32 $0x500, s14  }
0x2e: {  	_ =	swait.ge [sflag:s7], $0x140  }
0x2f: {  	[sflag:s7] =	ssyncset.done $0x0;
	s16 =	sshrl.u32 s15, $0x2  }
0x30: {  	[sflag:s7] =	ssyncadd.s32 $0xFFFFFEC0;
	s15 =	sadd.s32 $0x0, s16  }
0x31: {  	v0 =	vld.msk [tilespmem:s15+$0x0 ss:$0x1], $0xffff;
	_ =	sdelay $0x4  }
0x32: {  	vm2 =	vgt.s32 v0, $0x0  }
0x33: {  	v0 =	vnsel vm2, $0x0, v0  }
0x34: {  	v0 =	vmin.u32 v0, $0x270FF  }
0x35: {  	v0 =	vshll.u32 v0, $0x4  }
0x36: {  	s14 =	smul.u32 $0x28000, s14;
	_ =	sdelay $0x1  }
0x37: {  	s14 =	sshrl.u32 s14, $0x2  }
0x38: {  	s14 =	sor.u32 $0x280, s14  }
0x39: {  	[tilespmem:s14], [sflag:$0x1] =	stream.indirect_vreg.gather [hbm:s5], $0x80, v0, vm0, $0x38;
	[tilespmem:$0x14280] =	vst v63  }
0x3a: {  	s17 =	sadd.s32 $0x10, s16;
	s15 =	sadd.s32 $0x400, s14  }
0x3b: {  	[tilespmem:s15], [sflag:$0x1] =	stream.indirect_vreg.gather [hbm:s5], $0x80, v0, vm1, $0x38;
	[tilespmem:$0x14280] =	vst v63  }
0x3c: {  	s18 =	simm.s32 $0x80;
	v0 =	vld.msk [tilespmem:s17+$0x0 ss:$0x1], $0xffff;
	s17 =	smov.u32 s14  }
.LBB2_3:
0x3d: {  	p1 =	sne.s32 s18, $0x4C0;
	_ =	sdelay $0x4  }
0x3e: {  	vm2 =	vgt.s32 v0, $0x0  }
0x3f: {  	v0 =	vnsel vm2, $0x0, v0  }
0x40: {  	v0 =	vmin.u32 v0, $0x270FF  }
0x41: {  	v0 =	vshll.u32 v0, $0x4;
	_ =	sdelay $0x3  }
.Ltmp3:
0x42: {  	s19 =	sshra.s32 s18, $0x2;
	s17 =	sadd.s32 $0x800, s17;
	(pc) =	sbr.rel @p1 .LBB2_3-.Ltmp3, $4  }
0x43: {  	[tilespmem:s17], [sflag:$0x1] =	stream.indirect_vreg.gather [hbm:s5], $0x80, v0, vm0, $0x38;
	[tilespmem:$0x14280] =	vst v63  }
0x44: {  	s19 =	sadd.s32 s19, s16;
	s20 =	sadd.s32 $0x400, s17  }
0x45: {  	[tilespmem:s20], [sflag:$0x1] =	stream.indirect_vreg.gather [hbm:s5], $0x80, v0, vm1, $0x38;
	[tilespmem:$0x14280] =	vst v63  }
0x46: {  	s18 =	sadd.s32 $0x40, s18;
	v0 =	vld.msk [tilespmem:s19+$0x0 ss:$0x1], $0xffff  }
0x47: {  	_ =	sdelay $0x3  }
0x48: {  	vm2 =	vgt.s32 v0, $0x0  }
0x49: {  	v0 =	vnsel vm2, $0x0, v0  }
0x4a: {  	v0 =	vmin.u32 v0, $0x270FF  }
0x4b: {  	v0 =	vshll.u32 v0, $0x4;
	_ =	sdelay $0x3  }
0x4c: {  	s16 =	sadd.s32 $0x800, s17  }
0x4d: {  	[tilespmem:s16], [sflag:$0x1] =	stream.indirect_vreg.gather [hbm:s5], $0x80, v0, vm0, $0x38;
	[tilespmem:$0x14280] =	vst v63  }
0x4e: {  	s16 =	sadd.s32 $0x400, s16  }
0x4f: {  	[tilespmem:s16], [sflag:$0x1] =	stream.indirect_vreg.gather [hbm:s5], $0x80, v0, vm1, $0x38;
	[tilespmem:$0x14280] =	vst v63  }
0x50: {  	s13 =	sshll.u32 s13, $0x4;
	_ =	swait.ge [sflag:s6], $0xA000  }
0x51: {  	s13 =	sadd.s32 s13, s4;
	[sflag:s6] =	ssyncset.done $0x0  }
0x52: {  	s17 =	sadd.s32 $0x0, s13;
	s16 =	simm.s32 $0x80;
	[sflag:s6] =	ssyncadd.s32 $0xFFFF6000  }
.LBB2_5:
0x53: {  	[hbm:s17] =	stream.linear.scatter [tilespmem:s14], [sflag:$0x3], $0x400, $0x38;
	[tilespmem:$0x14280] =	vst v63  }
0x54: {  	s17 =	smov.u32 s16;
	s14 =	smov.u32 s15;
	p1 =	sne.s32 s16, $0x1380  }
.Ltmp4:
0x55: {  	s16 =	sadd.s32 $0x80, s16;
	(pc) =	sbr.rel @p1 .LBB2_5-.Ltmp4, $2  }
0x56: {  	_ =	sdelay $0x2  }
0x57: {  	s15 =	sadd.s32 $0x400, s15;
	s17 =	sadd.s32 s17, s13  }
.Ltmp5:
0x58: {  	_ = 	snop;
	(pc) =	sbr.rel .LBB2_6-.Ltmp5, $1  }
0x59: {  	_ =	sdelay $0x3  }
.LBB2_8:
0x5a: {  	_ =	sfence.sel $0x180000  }
0x5b: {  	s2 =	simm.s32 $0x2;
	[bflag:$0x0] =	sbarrier.arrive $0xFFFF  }
0x5c: {  	s30 =	simm.s32 $0x3;
	[sflag:s2] =	ssyncpa.u1 $0x1  }
0x5d: {  	s31 =	simm.s32 $0x1;
	[sflag:s30] =	ssyncpa.u1 $0x1  }
0x5e: {  	[sflag:s31] =	ssyncpa.u1 $0x1  }
0x5f: {  	p0 =	sne.s32 s0, $0x0;
	_ =	strace $0x90000059  }
0x60: {  	s0 =	sadd.s32 @!p0 $0x100000, s1;
	[bflag:$0x2] =	sbarrier.arrive $0xFFFF  }
0x61: {  	[sflag:s0] =	ssyncadd.tile.s32 @!p0 $0x1;
	_ =	shalt  }
.Lfunc_end2:
_tile_overlayer_lowered:
.L_overlay_start_2:
0x62: {  	(tag) =	ssettag $0x2  }
0x63: {  	s0 =	rddreg [dreg:$0x0];
	s2 =	stileid.u32  }
0x64: {  	s1 =	rddreg [dreg:$0x1];
	p0 =	sne.s32 s2, $0x0  }
0x65: {  	s3 =	rddreg [dreg:$0x2];
	[bflag:$0x3] =	sbarrier.arrive $0xFFFF;
	s2 =	simm.s32 @!p0 $0x1C01  }
0x66: {  	[timem:s3], [sflag:s2] =	dma.local @!p0 [hbm:s0], s1  }
0x67: {  	s0 =	simm.s32 @!p0 $0x1  }
0x68: {  	_ =	swait.ge @!p0 [sflag:s0], s1  }
0x69: {  	s1 =	ssub.s32 @!p0 $0x0, s1;
	[sflag:s0] =	ssyncset.done @!p0 $0x0  }
0x6a: {  	[sflag:s0] =	ssyncadd.s32 @!p0 s1  }
0x6b: {  	[bflag:$0x3] =	sbarrier.arrive $0xFFFF  }
0x6c: {  	_ =	shalt  }

// kernel: gather_offload_async_start.2
scs
__scs_entry_jumppad:
0x0: {  	(pc) =	sbr.rel $0x88, $3  }
0x1: {  	(tag) =	ssettag $0x0;
	lr =	simm.s32 $0x1  }
0x2: {  	[smem:$0x3F95] =	sst lr;
	_ =	strace $0xD0000000  }
0x3: {  	_ = 	snop  }
0x4: {  	_ = 	snop  }
0x5: {  	_ = 	snop  }
0x6: {  	_ = 	snop  }
0x7: {  	_ = 	snop  }
__scs_overlays_trampoline_lowered:
0x8: {  	[smem:$0x3FA4] =	sst s0  }
0x9: {  	[smem:$0x3FA5] =	sst s1  }
0xa: {  	[smem:$0x3FA6] =	sst s2  }
0xb: {  	[smem:$0x3FA7] =	sst s3  }
0xc: {  	[smem:$0x3FA8] =	sst s4  }
0xd: {  	[smem:$0x3FA9] =	sst s5  }
0xe: {  	[smem:$0x3FAA] =	sst s6  }
0xf: {  	[smem:$0x3FAB] =	sst s7  }
0x10: {  	[smem:$0x3FAC] =	sst s8  }
0x11: {  	[smem:$0x3FAD] =	sst s9;
	s0 =	simm.s32 @!p0 $0x0  }
0x12: {  	s1 =	sld [smem:$0x3F93];
	s0 =	simm.s32 @p0 $0x1  }
0x13: {  	[smem:$0x3FAE] =	sst s0;
	s0 =	simm.s32 @!p1 $0x0  }
0x14: {  	s2 =	sld [smem:$0x3F92];
	s0 =	simm.s32 @p1 $0x1  }
0x15: {  	[smem:$0x3FAF] =	sst s0;
	s0 =	simm.s32 @!p2 $0x0  }
0x16: {  	s3 =	sld [smem:$0x3FDB];
	s0 =	simm.s32 @p2 $0x1  }
0x17: {  	s4 =	simm.s32 $0x1BF5;
	[smem:$0x3FB1] =	sst s0  }
0x18: {  	s0 =	sld [smem:$0x3F94];
	_ =	swait.ge [sflag:s4], $0x0  }
0x19: {  	s7 =	sld [smem:$0x3F95]  }
0x1a: {  	s8 =	sadd.s32 $0xFFFFE003, lr  }
0x1b: {  	s9 =	sadd.s32 $0xFFFFFEF7, lr;
	s5 =	simm.s32 $0xFFFFFFFF;
	p2 =	slt.u32 s8, $0xFFFFF086  }
0x1c: {  	p1 =	slt.u32 s9, $0xF7A;
	s5 =	simm.s32 @!p2 $0x0  }
0x1d: {  	s5 =	simm.s32 @p1 $0x1;
	p0 =	seq.s32 s7, s2  }
0x1e: {  	s7 =	smul.u32 @!p0 $0xF7A, s2;
	p2 =	seq.s32 @!p0 s5, $0x0  }
0x1f: {  	s9 =	smul.u32 $0xF7A, s1;
	s8 =	simm.s32 @!p0 $0x1BF5;
	p2 =	por !p2, p0  }
0x20: {  	[sflag:s8] =	ssyncset.s32 @!p0 $0xFFFFF086;
	s6 =	sadd.s32 @!p0 s3, s7;
	s7 =	simm.s32 @!p0 $0x108  }
0x21: {  	s3 =	sadd.s32 s3, s9;
	s6 =	sadd.s32 @!p0 $0x88, s6;
	s7 =	simm.s32 @p2 $0x1082  }
0x22: {  	[simem:s7], [sflag:s8] =	dma.local @!p0 [hbm:s6], $0xF7A  }
0x23: {  	s9 =	sor.u32 $0xD0000000, s2;
	s6 =	simm.s32 $0x108;
	_ =	swait.ge @!p0 [sflag:s8], $0x0  }
0x24: {  	s3 =	sadd.s32 $0x88, s3;
	s6 =	simm.s32 @!p1 $0x1082;
	[sflag:s4] =	ssyncset.s32 $0xFFFFF086  }
0x25: {  	[simem:s6], [sflag:s4] =	dma.local [hbm:s3], $0xF7A  }
0x26: {  	[smem:$0x3F95] =	sst s1;
	(tag) =	ssettag s2;
	_ =	strace s9  }
0x27: {  	s1 =	sld [smem:$0x3FA5]  }
0x28: {  	s2 =	sld [smem:$0x3FA6]  }
0x29: {  	s4 =	sld [smem:$0x3FA8]  }
0x2a: {  	p0 =	seq.s32 s5, $0x0;
	s5 =	sld [smem:$0x3FA9]  }
0x2b: {  	s6 =	sld [smem:$0x3FAA]  }
0x2c: {  	s7 =	sld [smem:$0x3FAB]  }
0x2d: {  	s3 =	simm.s32 $0x108;
	s8 =	sld [smem:$0x3FAC]  }
0x2e: {  	s3 =	simm.s32 @!p0 $0x1082;
	s9 =	sld [smem:$0x3FAD]  }
0x2f: {  	lr =	sadd.s32 s0, s3;
	s0 =	sld [smem:$0x3FA4]  }
0x30: {  	s3 =	sld [smem:$0x3FA7]  }
0x31: {  	[smem:$0x3FB0] =	sst s10  }
0x32: {  	s10 =	sld [smem:$0x3FAE];
	_ =	sdelay $0x3  }
0x33: {  	p0 =	seq.s32 s10, $0x1;
	s10 =	sld [smem:$0x3FB0];
	_ =	sdelay $0x3  }
0x34: {  	[smem:$0x3FB0] =	sst s10  }
0x35: {  	s10 =	sld [smem:$0x3FAF];
	_ =	sdelay $0x3  }
0x36: {  	p1 =	seq.s32 s10, $0x1;
	s10 =	sld [smem:$0x3FB0];
	_ =	sdelay $0x3  }
0x37: {  	[smem:$0x3FB0] =	sst s10  }
0x38: {  	s10 =	sld [smem:$0x3FB1]  }
0x39: {  	_ = 	snop;
	(pc) =	sbr.ind lr, $3  }
0x3a: {  	_ = 	snop  }
0x3b: {  	_ = 	snop  }
0x3c: {  	p2 =	seq.s32 s10, $0x1;
	s10 =	sld [smem:$0x3FB0]  }
0x3d: {  	_ =	shalt  }
0x3e: {  	_ =	shalt  }
0x3f: {  	_ =	shalt  }
0x40: {  	_ =	shalt  }
0x41: {  	_ =	shalt  }
0x42: {  	_ =	shalt  }
0x43: {  	_ =	shalt  }
0x44: {  	_ =	shalt  }
0x45: {  	_ =	shalt  }
0x46: {  	_ =	shalt  }
0x47: {  	_ =	shalt  }
0x48: {  	_ =	shalt  }
0x49: {  	_ =	shalt  }
0x4a: {  	_ =	shalt  }
0x4b: {  	_ =	shalt  }
0x4c: {  	_ =	shalt  }
0x4d: {  	_ =	shalt  }
0x4e: {  	_ =	shalt  }
0x4f: {  	_ =	shalt  }
0x50: {  	_ =	shalt  }
0x51: {  	_ =	shalt  }
0x52: {  	_ =	shalt  }
0x53: {  	_ =	shalt  }
0x54: {  	_ =	shalt  }
0x55: {  	_ =	shalt  }
0x56: {  	_ =	shalt  }
0x57: {  	_ =	shalt  }
0x58: {  	_ =	shalt  }
0x59: {  	_ =	shalt  }
0x5a: {  	_ =	shalt  }
0x5b: {  	_ =	shalt  }
0x5c: {  	_ =	shalt  }
0x5d: {  	_ =	shalt  }
0x5e: {  	_ =	shalt  }
0x5f: {  	_ =	shalt  }
0x60: {  	_ =	shalt  }
0x61: {  	_ =	shalt  }
0x62: {  	_ =	shalt  }
0x63: {  	_ =	shalt  }
0x64: {  	_ =	shalt  }
0x65: {  	_ =	shalt  }
0x66: {  	_ =	shalt  }
0x67: {  	_ =	shalt  }
0x68: {  	_ =	shalt  }
0x69: {  	_ =	shalt  }
0x6a: {  	_ =	shalt  }
0x6b: {  	_ =	shalt  }
0x6c: {  	_ =	shalt  }
0x6d: {  	_ =	shalt  }
0x6e: {  	_ =	shalt  }
0x6f: {  	_ =	shalt  }
0x70: {  	_ =	shalt  }
0x71: {  	_ =	shalt  }
0x72: {  	_ =	shalt  }
0x73: {  	_ =	shalt  }
0x74: {  	_ =	shalt  }
0x75: {  	_ =	shalt  }
0x76: {  	_ =	shalt  }
0x77: {  	_ =	shalt  }
0x78: {  	_ =	shalt  }
0x79: {  	_ =	shalt  }
0x7a: {  	_ =	shalt  }
0x7b: {  	_ =	shalt  }
0x7c: {  	_ =	shalt  }
0x7d: {  	_ =	shalt  }
0x7e: {  	_ =	shalt  }
0x7f: {  	_ =	shalt  }
0x80: {  	_ =	shalt  }
0x81: {  	_ =	shalt  }
0x82: {  	_ =	shalt  }
0x83: {  	_ =	shalt  }
0x84: {  	_ =	shalt  }
0x85: {  	_ =	shalt  }
0x86: {  	_ =	shalt  }
0x87: {  	_ =	shalt  }
.Lfunc_end0:
.L_simem_size_0:
called_computation.4_lowered:
.L_overlay_start_0:
0x88: {  	s2 =	sld [smem:$0x3FD9]  }
0x89: {  	s3 =	sld [smem:$0x3FFE];
	_ =	sdelay $0x1  }
0x8a: {  	s1 =	srdreg.scid  }
0x8b: {  	s0 =	sand.u32 $0x1, s1  }
0x8c: {  	s16 =	sshll.u32 s0, $0xA;
	s2 =	sadd.s32 s3, s2  }
0x8d: {  	s2 =	sadd.s32 s2, s16  }
0x8e: {  	[smem:$0x3FBC] =	sst s2  }
0x8f: {  	_ = 	snop  }
0x90: {  	(tm) =	ssettm $0x1  }
0x91: {  	s17 =	sld [smem:$0x3FFB];
	_ =	sdelay $0x3  }
0x92: {  	_ =	strace s17  }
0x93: {  	s2 =	sld [smem:$0x3FFC];
	_ =	sdelay $0x3  }
0x94: {  	_ =	strace s2  }
0x95: {  	s2 =	sld [smem:$0x3FFD];
	_ =	sdelay $0x3  }
0x96: {  	_ =	strace s2  }
0x97: {  	_ =	strace $0x8FFFFFFF  }
0x98: {  	s18 =	sld [smem:$0x3FDB];
	_ =	sdelay $0x1  }
0x99: {  	s19 =	simm.s32 $_scs_section_size  }
0x9a: {  	s4 =	simm.s32 $_size__tile_overlayer_lowered;
	s5 =	simm.s32 $_tile_overlayer_lowered  }
0x9b: {  	s22 =	simm.s32 $0x1BFF;
	s21 =	sshll.u32 s5, $0x1;
	s2 =	sadd.s32 s19, s18  }
0x9c: {  	s6 =	simm.s32 $0x0;
	s20 =	sshll.u32 s4, $0x1;
	s4 =	sadd.s32 s21, s2  }
0x9d: {  	[timem:s6], [sflag:s22] =	dma.local [hbm:s4], s20  }
0x9e: {  	_ =	swait.ge [sflag:s22], s20  }
0x9f: {  	s3 =	ssub.s32 $0x0, s20;
	[sflag:s22] =	ssyncset.done $0x0  }
0xa0: {  	[sflag:s22] =	ssyncadd.s32 s3;
	_ =	sdelay $0x1  }
0xa1: {  	s23 =	simm.s32 $0x1B8B  }
0xa2: {  	_ =	swait.ge [sflag:s23], $0x1  }
0xa3: {  	[sflag:s23] =	ssyncset.done $0x0  }
0xa4: {  	s25 =	simm.s32 $0x1B8E;
	s24 =	sld [smem:$0x3FFE];
	[sflag:s23] =	ssyncadd.s32 $0xFFFFFFFF  }
0xa5: {  	s26 =	simm.s32 $execute0_lowered;
	[smem:$0x3FD2] =	sst s25  }
0xa6: {  	s4 =	sshll.u32 s26, $0x1;
	_ =	strace $0x8000004C;
	[dreg:$0x1] =	wrdreg $0xFFFFFFFF  }
0xa7: {  	s28 =	simm.s32 $_size_execute0_lowered;
	s2 =	sadd.s32 s2, s4;
	[dreg:$0x0] =	wrdreg $0x0  }
0xa8: {  	s4 =	sshll.u32 s28, $0x1;
	[dreg:$0x2] =	wrdreg s2  }
0xa9: {  	[dreg:$0x3] =	wrdreg s4  }
0xaa: {  	[dreg:$0x4] =	wrdreg $0xC0  }
0xab: {  	_ =	task [dreg:s6], $0x5FFFF  }
0xac: {  	[dreg:$0x1] =	wrdreg $0xFFFFFFFF  }
0xad: {  	[dreg:$0x0] =	wrdreg $0x60  }
0xae: {  	[dreg:$0x2] =	wrdreg s24  }
0xaf: {  	[dreg:$0x3] =	wrdreg $0x9  }
0xb0: {  	_ =	task.clear_ibuf [dreg:s6], $0x4FFFF;
	_ =	strace $0x9000004C  }
0xb1: {  	s29 =	simm.s32 $0x9;
	_ =	strace $0x8000004E  }
0xb2: {  	_ =	swait.ge [sflag:s29], $0x1  }
0xb3: {  	[sflag:s29] =	ssyncadd.s32 $0xFFFFFFFF  }
0xb4: {  	_ =	strace $0x9000004E  }
0xb5: {  	_ =	sfence  }
0xb6: {  	s30 =	sld [smem:$0x0];
	_ =	sdelay $0x2  }
0xb7: {  	s31 =	sshll.u32 s1, $0xD;
	s1 =	sshrl.u32 s1, $0x2  }
0xb8: {  	s3 =	sand.u32 $0x4000, s31;
	s1 =	sadd.s32 s1, s30  }
0xb9: {  	s0 =	sor.u32 s3, s0;
	s1 =	sshll.u32 s1, $0x11  }
0xba: {  	s0 =	sor.u32 s1, s0  }
0xbb: {  	s0 =	sadd.s32 $0x8F2B, s0  }
0xbc: {  	[sflag:s0] =	ssyncadd.remote.s32 $0x1  }
0xbd: {  	_ =	sfence.sel $0xFFFF  }
0xbe: {  	[dreg:$0x0] =	wrdreg $0xFFFFFFFF;
	(pc) =	sbr.abs _section_cstart, $3  }
0xbf: {  	[dreg:$0x1] =	wrdreg $0xFFFFFFFF  }
0xc0: {  	_ =	task.clear_ibuf [dreg:s6], $0x2FFFF;
	_ =	strace $0x9FFFFFFF  }
0xc1: {  	(tm) =	ssettm $0x7FFFFFFF  }
tec
execute0_lowered:
.L_overlay_start_1:
0x0: {  	(tag) =	ssettag $0x1  }
0x1: {  	s8 =	rddreg [dreg:$0x0]  }
0x2: {  	s0 =	rddreg [dreg:$0x1];
	_ =	strace $0x8000004D;
	s1 =	stileid.u32  }
0x3: {  	s3 =	srdreg.scid;
	s4 =	simm.s32 $0x1;
	s7 =	simm.s32 $0x1  }
0x4: {  	s9 =	simm.s32 $0x1;
	s10 =	simm.s32 $0x3;
	s13 =	simm.s32 $0x0  }
0x5: {  	s12 =	simm.s32 $0x0;
	s5 =	sand.u32 $0x1, s3;
	s6 =	sshll.u32 s1, $0x1  }
0x6: {  	s2 =	sadd.s32 $0x2A2600, s8;
	s3 =	sadd.s32 $0x28EA00, s8;
	s5 =	sor.u32 s6, s5  }
.Ltmp0:
0x7: {  	[sflag:s4] =	ssyncpa.u1 $0x0;
	p0 =	slt.u32 s5, $0x9;
	(pc) =	sbr.rel .LBB2_1-.Ltmp0, $4  }
0x8: {  	s6 =	simm.s32 $0x2;
	s7 =	simm.s32 @!p0 $0x0;
	p0 =	sne.s32 s5, $0x8  }
0x9: {  	[sflag:s6] =	ssyncpa.u1 $0x0;
	s5 =	smul.u32 $0x1F40, s5;
	s9 =	simm.s32 @!p0 $0x0  }
0xa: {  	s8 =	sadd.s32 $0x27AE00, s8;
	[sflag:s10] =	ssyncpa.u1 $0x0;
	s7 =	sadd.s32 s9, s7  }
0xb: {  	vm0 =	vmmov $0xffff;
	s10 =	simm.s32 $0x0;
	s11 =	smov.u32 s5;
	s9 =	sadd.s32 $0x1, s7  }
.LBB2_4:
0xc: {  	v5 =	vshrl.u32 v1, $0x12;
	v6 =	vshll.u32 v1, $0x7  }
0xd: {  	vm1 =	veq.s32 v1, $0x80000000;
	v58 =	vand.u32 $0x3, v5;
	v59 =	vand.u32 $0x1FFFF80, v6  }
0xe: {  	v1 =	vsel vm1, $0xFFFFFFFF, v58;
	v5 =	vsel vm1, $0xFFFFFF80, v59  }
0xf: {  	v3 =	vor.u32 v4, v3;
	v60 =	vand.u32 $0xFFFFFC00, v5;
	v61 =	vand.u32 $0xFFFFFC00, v1  }
0x10: {  	v2 =	vor.u32 v2, v3;
	v63 =	vand.u32 $0x380, v5;
	v62 =	vadd.s32 v61, v60  }
0x11: {  	v1 =	vand.u32 $0x7F, v1;
	v3 =	vor.u32 v63, v62  }
0x12: {  	v1 =	vor.u32 v1, v3  }
0x13: {  	[tilespmem:s17], [sflag:$0x1] =	stream.indirect_vreg.gather [hbm4b:s2+s10], $0x1, v0, vm0, $0x4038;
	[tilespmem:$0x7D00] =	vst v63  }
0x14: {  	(ifvalue) =	ssetifvalue $0x7FFFFFFF  }
0x15: {  	[tilespmem:s15], [sflag:$0x1] =	stream.indirect_vreg.gather [hbm4b:s2+s10], $0x1, v2, vm0, $0x4038;
	[tilespmem:$0x7D00] =	vst v63  }
0x16: {  	s29 =	sadd.s32 $0x10, s15;
	(ifvalue) =	ssetifvalue $0x7FFFFFFF  }
0x17: {  	[tilespmem:s29], [sflag:$0x1] =	stream.indirect_vreg.gather [hbm4b:s2+s10], $0x1, v1, vm0, $0x4038;
	[tilespmem:$0x7D00] =	vst v63  }
0x18: {  	_ =	swait.ge [sflag:s4], $0x1F40  }
0x19: {  	s30 =	sshrl.u32 s13, $0x3;
	[sflag:s4] =	ssyncset.done $0x0  }
0x1a: {  	s31 =	sand.u32 $0x7, s13;
	s15 =	sadd.s32 s8, s30;
	[sflag:s4] =	ssyncadd.s32 $0xFFFFE0C0  }
0x1b: {  	[hbm4b:s15+s31] =	stream.linear.scatter [tilespmem:s14], [sflag:$0x3], $0x1F40, $0x38;
	[tilespmem:$0x7D00] =	vst v63  }
.LBB2_5:
0x1c: {  	s15 =	sadd.s32 $0x3E800, s11  }
0x1d: {  	p1 =	sgt.s32 s15, $0x4E1FF  }
0x1e: {  	s15 =	smov.u32 @p1 s5;
	p1 =	sne.s32 s12, s9  }
.Ltmp1:
0x1f: {  	p0 =	slt.u32 s12, $0x2;
	(pc) =	sbr.rel @!p1 .LBB2_6-.Ltmp1, $4  }
0x20: {  	s14 =	simm.s32 @!p0 $0x3  }
0x21: {  	_ =	swait.ge @!p0 [sflag:s14], $0x1F40  }
0x22: {  	s16 =	sadd.s32 $0x1, s12;
	s13 =	smov.u32 s11;
	[sflag:s14] =	ssyncset.done @!p0 $0x0  }
0x23: {  	s12 =	smov.u32 s16;
	s11 =	smov.u32 s15;
	[sflag:s14] =	ssyncadd.s32 @!p0 $0xFFFFE0C0  }
.LBB2_1:
0x24: {  	p0 =	sge.u32 s12, s7  }
0x25: {  	s14 =	sxor.u32 @!p0 $0x1, s12  }
0x26: {  	s14 =	smul.u32 @!p0 $0x7D00, s14  }
0x27: {  	s31 =	sadd.s32 $0xFFFFFFFF, s12;
	s15 =	sshrl.u32 @!p0 s11, $0x3  }
0x28: {  	s16 =	sand.u32 @!p0 $0x7, s11;
	s15 =	sadd.s32 @!p0 s3, s15;
	s14 =	sshra.s32 @!p0 s14, $0x2  }
0x29: {  	[tilespmem:s14], [sflag:$0x2] =	stream.linear.gather @!p0 [hbm4b:s15+s16], $0x1F40, $0x38;
	[tilespmem:$0x7D00] =	vst v63  }
0x2a: {  	p0 =	sge.u32 s31, s7  }
.Ltmp2:
0x2b: {  	_ = 	snop;
	(pc) =	sbr.rel @p0 .LBB2_5-.Ltmp2, $1  }
0x2c: {  	_ =	sdelay $0x3  }
0x2d: {  	s14 =	sand.u32 $0x1, s12  }
0x2e: {  	_ =	swait.ge [sflag:s6], $0x1F40;
	p0 =	seq.s32 s14, $0x1;
	s14 =	simm.s32 $0x1F40  }
0x2f: {  	[sflag:s6] =	ssyncset.done $0x0;
	s14 =	simm.s32 @!p0 $0x0  }
0x30: {  	[sflag:s6] =	ssyncadd.s32 $0xFFFFE0C0;
	(ifvalue) =	ssetifvalue $0x7FFFFFFF;
	v0 =	vld.msk [tilespmem:s14+$0x0 ss:$0x1], $0xffff;
	_ =	sdelay $0x4  }
0x31: {  	s15 =	sadd.s32 $0x10, s14;
	v2 =	vshrl.u32 v0, $0x12;
	v3 =	vshll.u32 v0, $0x7  }
0x32: {  	v1 =	vld.msk [tilespmem:s15+$0x0 ss:$0x1], $0xffff;
	vm1 =	veq.s32 v0, $0x80000000;
	v0 =	vand.u32 $0x3, v2;
	v2 =	vand.u32 $0x1FFFF80, v3  }
0x33: {  	v0 =	vsel vm1, $0xFFFFFFFF, v0;
	v2 =	vsel vm1, $0xFFFFFF80, v2  }
0x34: {  	v3 =	vand.u32 $0xFFFFFC00, v2;
	v4 =	vand.u32 $0xFFFFFC00, v0  }
0x35: {  	v2 =	vand.u32 $0x380, v2;
	v3 =	vadd.s32 v4, v3  }
0x36: {  	v0 =	vand.u32 $0x7F, v0;
	v2 =	vor.u32 v2, v3  }
0x37: {  	v5 =	vshll.u32 v1, $0x7;
	v4 =	vshrl.u32 v1, $0x12;
	v0 =	vor.u32 v0, v2  }
0x38: {  	vm1 =	veq.s32 v1, $0x80000000;
	v1 =	vand.u32 $0x3, v4;
	v4 =	vand.u32 $0x1FFFF80, v5  }
0x39: {  	s14 =	sadd.s32 $0x3E80, s14;
	s15 =	sadd.s32 $0x10, s15;
	v3 =	vsel vm1, $0xFFFFFFFF, v1;
	v4 =	vsel vm1, $0xFFFFFF80, v4  }
0x3a: {  	s16 =	simm.s32 $0x20;
	s17 =	smov.u32 s14;
	v1 =	vld.msk [tilespmem:s15+$0x0 ss:$0x1], $0xffff;
	v5 =	vand.u32 $0xFFFFFC00, v4;
	v6 =	vand.u32 $0xFFFFFC00, v3  }
0x3b: {  	s18 =	sadd.s32 $0x10, s15;
	(ifvalue) =	ssetifvalue $0x7FFFFFFF;
	s15 =	sadd.s32 $0x10, s14;
	v2 =	vand.u32 $0x7F, v3;
	v4 =	vand.u32 $0x380, v4;
	v3 =	vadd.s32 v6, v5  }
.LBB2_3:
0x3c: {  	[tilespmem:s17], [sflag:$0x1] =	stream.indirect_vreg.gather [hbm4b:s2+s10], $0x1, v0, vm0, $0x4038;
	[tilespmem:$0x7D00] =	vst v63  }
0x3d: {  	s16 =	sadd.s32 $0x10, s16  }
0x3e: {  	v3 =	vor.u32 v4, v3;
	p0 =	slt.u32 s16, $0x1F30  }
.Ltmp3:
0x3f: {  	v4 =	vshrl.u32 v1, $0x12;
	v5 =	vshll.u32 v1, $0x7;
	s17 =	smov.u32 s15;
	v0 =	vor.u32 v2, v3;
	v2 =	vmovc v1;
	v1 =	vld.msk [tilespmem:s18+$0x0 ss:$0x1], $0xffff;
	(pc) =	sbr.rel @p0 .LBB2_3-.Ltmp3, $4  }
0x40: {  	v3 =	vand.u32 $0x1FFFF80, v5;
	vm1 =	veq.s32 v2, $0x80000000;
	v2 =	vand.u32 $0x3, v4  }
0x41: {  	v4 =	vsel vm1, $0xFFFFFFFF, v2;
	v5 =	vsel vm1, $0xFFFFFF80, v3  }
0x42: {  	v2 =	vand.u32 $0x7F, v4;
	v3 =	vand.u32 $0xFFFFFC00, v5;
	v4 =	vand.u32 $0xFFFFFC00, v4  }
0x43: {  	s15 =	sadd.s32 $0x10, s15;
	s18 =	sadd.s32 $0x10, s18;
	v3 =	vadd.s32 v4, v3;
	v4 =	vand.u32 $0x380, v5;
	(ifvalue) =	ssetifvalue $0x7FFFFFFF  }
.Ltmp4:
0x44: {  	_ = 	snop;
	(pc) =	sbr.rel .LBB2_4-.Ltmp4, $1  }
0x45: {  	_ =	sdelay $0x3  }
.LBB2_6:
0x46: {  	_ =	sfence.sel $0x180000  }
0x47: {  	s2 =	simm.s32 $0x2;
	[bflag:$0x0] =	sbarrier.arrive $0xFFFF  }
0x48: {  	s30 =	simm.s32 $0x3;
	[sflag:s2] =	ssyncpa.u1 $0x1  }
0x49: {  	s31 =	simm.s32 $0x1;
	[sflag:s30] =	ssyncpa.u1 $0x1  }
0x4a: {  	[sflag:s31] =	ssyncpa.u1 $0x1  }
0x4b: {  	p0 =	sne.s32 s1, $0x0;
	_ =	strace $0x9000004D  }
0x4c: {  	s0 =	sadd.s32 @!p0 $0x100000, s0;
	[bflag:$0x2] =	sbarrier.arrive $0xFFFF  }
0x4d: {  	[sflag:s0] =	ssyncadd.tile.s32 @!p0 $0x1;
	_ =	shalt  }
.Lfunc_end2:
_tile_overlayer_lowered:
.L_overlay_start_2:
0x4e: {  	(tag) =	ssettag $0x2  }
0x4f: {  	s0 =	rddreg [dreg:$0x0];
	s2 =	stileid.u32  }
0x50: {  	s1 =	rddreg [dreg:$0x1];
	p0 =	sne.s32 s2, $0x0  }
0x51: {  	s3 =	rddreg [dreg:$0x2];
	[bflag:$0x3] =	sbarrier.arrive $0xFFFF;
	s2 =	simm.s32 @!p0 $0x1C01  }
0x52: {  	[timem:s3], [sflag:s2] =	dma.local @!p0 [hbm:s0], s1  }
0x53: {  	s0 =	simm.s32 @!p0 $0x1  }
0x54: {  	_ =	swait.ge @!p0 [sflag:s0], s1  }
0x55: {  	s1 =	ssub.s32 @!p0 $0x0, s1;
	[sflag:s0] =	ssyncset.done @!p0 $0x0  }
0x56: {  	[sflag:s0] =	ssyncadd.s32 @!p0 s1  }
0x57: {  	[bflag:$0x3] =	sbarrier.arrive $0xFFFF  }
0x58: {  	_ =	shalt  }

// kernel: gather_offload_async_start.3
scs
__scs_entry_jumppad:
0x0: {  	(pc) =	sbr.rel $0x88, $3  }
0x1: {  	(tag) =	ssettag $0x0;
	lr =	simm.s32 $0x1  }
0x2: {  	[smem:$0x3F95] =	sst lr;
	_ =	strace $0xD0000000  }
0x3: {  	_ = 	snop  }
0x4: {  	_ = 	snop  }
0x5: {  	_ = 	snop  }
0x6: {  	_ = 	snop  }
0x7: {  	_ = 	snop  }
__scs_overlays_trampoline_lowered:
0x8: {  	[smem:$0x3FA4] =	sst s0  }
0x9: {  	[smem:$0x3FA5] =	sst s1  }
0xa: {  	[smem:$0x3FA6] =	sst s2  }
0xb: {  	[smem:$0x3FA7] =	sst s3  }
0xc: {  	[smem:$0x3FA8] =	sst s4  }
0xd: {  	[smem:$0x3FA9] =	sst s5  }
0xe: {  	[smem:$0x3FAA] =	sst s6  }
0xf: {  	[smem:$0x3FAB] =	sst s7  }
0x10: {  	[smem:$0x3FAC] =	sst s8  }
0x11: {  	[smem:$0x3FAD] =	sst s9;
	s0 =	simm.s32 @!p0 $0x0  }
0x12: {  	s1 =	sld [smem:$0x3F93];
	s0 =	simm.s32 @p0 $0x1  }
0x13: {  	[smem:$0x3FAE] =	sst s0;
	s0 =	simm.s32 @!p1 $0x0  }
0x14: {  	s2 =	sld [smem:$0x3F92];
	s0 =	simm.s32 @p1 $0x1  }
0x15: {  	[smem:$0x3FAF] =	sst s0;
	s0 =	simm.s32 @!p2 $0x0  }
0x16: {  	s3 =	sld [smem:$0x3FDB];
	s0 =	simm.s32 @p2 $0x1  }
0x17: {  	s4 =	simm.s32 $0x1BF5;
	[smem:$0x3FB1] =	sst s0  }
0x18: {  	s0 =	sld [smem:$0x3F94];
	_ =	swait.ge [sflag:s4], $0x0  }
0x19: {  	s7 =	sld [smem:$0x3F95]  }
0x1a: {  	s8 =	sadd.s32 $0xFFFFE003, lr  }
0x1b: {  	s9 =	sadd.s32 $0xFFFFFEF7, lr;
	s5 =	simm.s32 $0xFFFFFFFF;
	p2 =	slt.u32 s8, $0xFFFFF086  }
0x1c: {  	p1 =	slt.u32 s9, $0xF7A;
	s5 =	simm.s32 @!p2 $0x0  }
0x1d: {  	s5 =	simm.s32 @p1 $0x1;
	p0 =	seq.s32 s7, s2  }
0x1e: {  	s7 =	smul.u32 @!p0 $0xF7A, s2;
	p2 =	seq.s32 @!p0 s5, $0x0  }
0x1f: {  	s9 =	smul.u32 $0xF7A, s1;
	s8 =	simm.s32 @!p0 $0x1BF5;
	p2 =	por !p2, p0  }
0x20: {  	[sflag:s8] =	ssyncset.s32 @!p0 $0xFFFFF086;
	s6 =	sadd.s32 @!p0 s3, s7;
	s7 =	simm.s32 @!p0 $0x108  }
0x21: {  	s3 =	sadd.s32 s3, s9;
	s6 =	sadd.s32 @!p0 $0x88, s6;
	s7 =	simm.s32 @p2 $0x1082  }
0x22: {  	[simem:s7], [sflag:s8] =	dma.local @!p0 [hbm:s6], $0xF7A  }
0x23: {  	s9 =	sor.u32 $0xD0000000, s2;
	s6 =	simm.s32 $0x108;
	_ =	swait.ge @!p0 [sflag:s8], $0x0  }
0x24: {  	s3 =	sadd.s32 $0x88, s3;
	s6 =	simm.s32 @!p1 $0x1082;
	[sflag:s4] =	ssyncset.s32 $0xFFFFF086  }
0x25: {  	[simem:s6], [sflag:s4] =	dma.local [hbm:s3], $0xF7A  }
0x26: {  	[smem:$0x3F95] =	sst s1;
	(tag) =	ssettag s2;
	_ =	strace s9  }
0x27: {  	s1 =	sld [smem:$0x3FA5]  }
0x28: {  	s2 =	sld [smem:$0x3FA6]  }
0x29: {  	s4 =	sld [smem:$0x3FA8]  }
0x2a: {  	p0 =	seq.s32 s5, $0x0;
	s5 =	sld [smem:$0x3FA9]  }
0x2b: {  	s6 =	sld [smem:$0x3FAA]  }
0x2c: {  	s7 =	sld [smem:$0x3FAB]  }
0x2d: {  	s3 =	simm.s32 $0x108;
	s8 =	sld [smem:$0x3FAC]  }
0x2e: {  	s3 =	simm.s32 @!p0 $0x1082;
	s9 =	sld [smem:$0x3FAD]  }
0x2f: {  	lr =	sadd.s32 s0, s3;
	s0 =	sld [smem:$0x3FA4]  }
0x30: {  	s3 =	sld [smem:$0x3FA7]  }
0x31: {  	[smem:$0x3FB0] =	sst s10  }
0x32: {  	s10 =	sld [smem:$0x3FAE];
	_ =	sdelay $0x3  }
0x33: {  	p0 =	seq.s32 s10, $0x1;
	s10 =	sld [smem:$0x3FB0];
	_ =	sdelay $0x3  }
0x34: {  	[smem:$0x3FB0] =	sst s10  }
0x35: {  	s10 =	sld [smem:$0x3FAF];
	_ =	sdelay $0x3  }
0x36: {  	p1 =	seq.s32 s10, $0x1;
	s10 =	sld [smem:$0x3FB0];
	_ =	sdelay $0x3  }
0x37: {  	[smem:$0x3FB0] =	sst s10  }
0x38: {  	s10 =	sld [smem:$0x3FB1]  }
0x39: {  	_ = 	snop;
	(pc) =	sbr.ind lr, $3  }
0x3a: {  	_ = 	snop  }
0x3b: {  	_ = 	snop  }
0x3c: {  	p2 =	seq.s32 s10, $0x1;
	s10 =	sld [smem:$0x3FB0]  }
0x3d: {  	_ =	shalt  }
0x3e: {  	_ =	shalt  }
0x3f: {  	_ =	shalt  }
0x40: {  	_ =	shalt  }
0x41: {  	_ =	shalt  }
0x42: {  	_ =	shalt  }
0x43: {  	_ =	shalt  }
0x44: {  	_ =	shalt  }
0x45: {  	_ =	shalt  }
0x46: {  	_ =	shalt  }
0x47: {  	_ =	shalt  }
0x48: {  	_ =	shalt  }
0x49: {  	_ =	shalt  }
0x4a: {  	_ =	shalt  }
0x4b: {  	_ =	shalt  }
0x4c: {  	_ =	shalt  }
0x4d: {  	_ =	shalt  }
0x4e: {  	_ =	shalt  }
0x4f: {  	_ =	shalt  }
0x50: {  	_ =	shalt  }
0x51: {  	_ =	shalt  }
0x52: {  	_ =	shalt  }
0x53: {  	_ =	shalt  }
0x54: {  	_ =	shalt  }
0x55: {  	_ =	shalt  }
0x56: {  	_ =	shalt  }
0x57: {  	_ =	shalt  }
0x58: {  	_ =	shalt  }
0x59: {  	_ =	shalt  }
0x5a: {  	_ =	shalt  }
0x5b: {  	_ =	shalt  }
0x5c: {  	_ =	shalt  }
0x5d: {  	_ =	shalt  }
0x5e: {  	_ =	shalt  }
0x5f: {  	_ =	shalt  }
0x60: {  	_ =	shalt  }
0x61: {  	_ =	shalt  }
0x62: {  	_ =	shalt  }
0x63: {  	_ =	shalt  }
0x64: {  	_ =	shalt  }
0x65: {  	_ =	shalt  }
0x66: {  	_ =	shalt  }
0x67: {  	_ =	shalt  }
0x68: {  	_ =	shalt  }
0x69: {  	_ =	shalt  }
0x6a: {  	_ =	shalt  }
0x6b: {  	_ =	shalt  }
0x6c: {  	_ =	shalt  }
0x6d: {  	_ =	shalt  }
0x6e: {  	_ =	shalt  }
0x6f: {  	_ =	shalt  }
0x70: {  	_ =	shalt  }
0x71: {  	_ =	shalt  }
0x72: {  	_ =	shalt  }
0x73: {  	_ =	shalt  }
0x74: {  	_ =	shalt  }
0x75: {  	_ =	shalt  }
0x76: {  	_ =	shalt  }
0x77: {  	_ =	shalt  }
0x78: {  	_ =	shalt  }
0x79: {  	_ =	shalt  }
0x7a: {  	_ =	shalt  }
0x7b: {  	_ =	shalt  }
0x7c: {  	_ =	shalt  }
0x7d: {  	_ =	shalt  }
0x7e: {  	_ =	shalt  }
0x7f: {  	_ =	shalt  }
0x80: {  	_ =	shalt  }
0x81: {  	_ =	shalt  }
0x82: {  	_ =	shalt  }
0x83: {  	_ =	shalt  }
0x84: {  	_ =	shalt  }
0x85: {  	_ =	shalt  }
0x86: {  	_ =	shalt  }
0x87: {  	_ =	shalt  }
.Lfunc_end0:
.L_simem_size_0:
called_computation.5_lowered:
.L_overlay_start_0:
0x88: {  	s2 =	sld [smem:$0x3FD9]  }
0x89: {  	s3 =	sld [smem:$0x3FFE];
	_ =	sdelay $0x1  }
0x8a: {  	s1 =	srdreg.scid  }
0x8b: {  	s0 =	sand.u32 $0x1, s1  }
0x8c: {  	s17 =	sshll.u32 s0, $0xA;
	s2 =	sadd.s32 s3, s2  }
0x8d: {  	s2 =	sadd.s32 s2, s17  }
0x8e: {  	[smem:$0x3FBC] =	sst s2  }
0x8f: {  	_ = 	snop  }
0x90: {  	(tm) =	ssettm $0x1  }
0x91: {  	s18 =	sld [smem:$0x3FFB];
	_ =	sdelay $0x3  }
0x92: {  	_ =	strace s18  }
0x93: {  	s2 =	sld [smem:$0x3FFC];
	_ =	sdelay $0x3  }
0x94: {  	_ =	strace s2  }
0x95: {  	s2 =	sld [smem:$0x3FFD];
	_ =	sdelay $0x3  }
0x96: {  	_ =	strace s2  }
0x97: {  	_ =	strace $0x8FFFFFFF  }
0x98: {  	s19 =	sld [smem:$0x3FDB];
	_ =	sdelay $0x1  }
0x99: {  	s20 =	simm.s32 $_scs_section_size  }
0x9a: {  	s4 =	simm.s32 $_size__tile_overlayer_lowered;
	s5 =	simm.s32 $_tile_overlayer_lowered  }
0x9b: {  	s6 =	simm.s32 $0x1BFF;
	s21 =	sshll.u32 s5, $0x1;
	s3 =	sadd.s32 s20, s19  }
0x9c: {  	s22 =	simm.s32 $0x0;
	s4 =	sshll.u32 s4, $0x1;
	s5 =	sadd.s32 s21, s3  }
0x9d: {  	[timem:s22], [sflag:s6] =	dma.local [hbm:s5], s4  }
0x9e: {  	_ =	swait.ge [sflag:s6], s4  }
0x9f: {  	s4 =	ssub.s32 $0x0, s4;
	[sflag:s6] =	ssyncset.done $0x0  }
0xa0: {  	[sflag:s6] =	ssyncadd.s32 s4;
	_ =	sdelay $0x1  }
0xa1: {  	s23 =	simm.s32 $0x1B8B  }
0xa2: {  	_ =	swait.ge [sflag:s23], $0x1  }
0xa3: {  	[sflag:s23] =	ssyncset.done $0x0  }
0xa4: {  	[sflag:s23] =	ssyncadd.s32 $0xFFFFFFFF  }
0xa5: {  	s4 =	sld [smem:$0x0]  }
0xa6: {  	s5 =	sand.u32 $0xFFFFFFFE, s1  }
0xa7: {  	p0 =	sne.s32 s1, s5  }
0xa8: {  	s5 =	sshll.u32 @p0 s5, $0xE  }
0xa9: {  	s5 =	sadd.s32 @p0 $0x11B8D, s5;
	s6 =	sshll.u32 @p0 s4, $0x11  }
0xaa: {  	s5 =	sor.u32 @p0 s6, s5  }
0xab: {  	[sflag:s5] =	ssyncadd.remote.s32 @p0 $0x1;
	_ =	sdelay $0x1  }
0xac: {  	s5 =	simm.s32 @p0 $0x1B8D  }
0xad: {  	_ =	swait.eq @p0 [sflag:s5], $0x1  }
0xae: {  	[sflag:s5] =	ssyncadd.s32 @p0 $0xFFFFFFFF  }
0xaf: {  	s6 =	sshll.u32 @!p0 s1, $0xE  }
0xb0: {  	s6 =	sor.u32 @!p0 $0x4000, s6;
	s5 =	simm.s32 @!p0 $0x1B8D  }
0xb1: {  	s4 =	sshll.u32 @!p0 s4, $0x11;
	s6 =	sadd.s32 @!p0 $0x11B8D, s6;
	_ =	swait.eq @!p0 [sflag:s5], $0x1  }
0xb2: {  	s4 =	sor.u32 @!p0 s4, s6;
	[sflag:s5] =	ssyncadd.s32 @!p0 $0xFFFFFFFF  }
0xb3: {  	s25 =	simm.s32 $0x1B8E;
	s24 =	sld [smem:$0x3FFE];
	[sflag:s4] =	ssyncadd.remote.s32 @!p0 $0x1  }
0xb4: {  	s26 =	simm.s32 $execute0_lowered;
	[smem:$0x3FD2] =	sst s25  }
0xb5: {  	s5 =	sshll.u32 s26, $0x1;
	_ =	strace $0x8000004F;
	[dreg:$0x1] =	wrdreg $0xFFFFFFFF  }
0xb6: {  	s28 =	simm.s32 $_size_execute0_lowered;
	s3 =	sadd.s32 s3, s5;
	[dreg:$0x0] =	wrdreg $0x0  }
0xb7: {  	s5 =	sshll.u32 s28, $0x1;
	[dreg:$0x2] =	wrdreg s3  }
0xb8: {  	[dreg:$0x3] =	wrdreg s5  }
0xb9: {  	[dreg:$0x4] =	wrdreg $0xC0  }
0xba: {  	_ =	task [dreg:s22], $0x5FFFF  }
0xbb: {  	[dreg:$0x1] =	wrdreg $0xFFFFFFFF  }
0xbc: {  	[dreg:$0x0] =	wrdreg $0x60  }
0xbd: {  	[dreg:$0x2] =	wrdreg s24  }
0xbe: {  	[dreg:$0x3] =	wrdreg $0xA  }
0xbf: {  	_ =	task.clear_ibuf [dreg:s22], $0x4FFFF;
	_ =	strace $0x9000004F  }
0xc0: {  	s29 =	simm.s32 $0xA;
	_ =	strace $0x80000051  }
0xc1: {  	_ =	swait.ge [sflag:s29], $0x1  }
0xc2: {  	[sflag:s29] =	ssyncadd.s32 $0xFFFFFFFF  }
0xc3: {  	_ =	strace $0x90000051  }
0xc4: {  	_ =	sfence  }
0xc5: {  	s30 =	sld [smem:$0x0];
	_ =	sdelay $0x2  }
0xc6: {  	s31 =	sshll.u32 s1, $0xD;
	s1 =	sshrl.u32 s1, $0x2  }
0xc7: {  	s4 =	sand.u32 $0x4000, s31;
	s1 =	sadd.s32 s1, s30  }
0xc8: {  	s0 =	sor.u32 s4, s0;
	s1 =	sshll.u32 s1, $0x11  }
0xc9: {  	s0 =	sor.u32 s1, s0  }
0xca: {  	s0 =	sadd.s32 $0x8F2B, s0  }
0xcb: {  	[sflag:s0] =	ssyncadd.remote.s32 $0x1  }
0xcc: {  	_ =	sfence.sel $0xFFFF  }
0xcd: {  	[dreg:$0x0] =	wrdreg $0xFFFFFFFF;
	(pc) =	sbr.abs _section_cstart, $3  }
0xce: {  	[dreg:$0x1] =	wrdreg $0xFFFFFFFF  }
0xcf: {  	_ =	task.clear_ibuf [dreg:s22], $0x2FFFF;
	_ =	strace $0x9FFFFFFF  }
0xd0: {  	(tm) =	ssettm $0x7FFFFFFF  }
0xd1: {  	_ =	shalt  }
tec
execute0_lowered:
.L_overlay_start_1:
0x0: {  	(tag) =	ssettag $0x1  }
0x1: {  	s8 =	rddreg [dreg:$0x0]  }
0x2: {  	s0 =	rddreg [dreg:$0x1];
	_ =	strace $0x80000050;
	s1 =	stileid.u32  }
0x3: {  	s3 =	srdreg.scid;
	s4 =	simm.s32 $0x1;
	s7 =	simm.s32 $0x1  }
0x4: {  	s9 =	simm.s32 $0x1;
	s10 =	simm.s32 $0x3;
	s13 =	simm.s32 $0x0  }
0x5: {  	s12 =	simm.s32 $0x0;
	s5 =	sand.u32 $0x1, s3;
	s6 =	sshll.u32 s1, $0x1  }
0x6: {  	s2 =	sadd.s32 $0x2A2600, s8;
	s3 =	sadd.s32 $0x298800, s8;
	s5 =	sor.u32 s6, s5  }
.Ltmp0:
0x7: {  	[sflag:s4] =	ssyncpa.u1 $0x0;
	p0 =	slt.u32 s5, $0x9;
	(pc) =	sbr.rel .LBB2_1-.Ltmp0, $4  }
0x8: {  	s6 =	simm.s32 $0x2;
	s7 =	simm.s32 @!p0 $0x0;
	p0 =	sne.s32 s5, $0x8  }
0x9: {  	[sflag:s6] =	ssyncpa.u1 $0x0;
	s5 =	smul.u32 $0x1F40, s5;
	s9 =	simm.s32 @!p0 $0x0  }
0xa: {  	s8 =	sadd.s32 $0x284C00, s8;
	[sflag:s10] =	ssyncpa.u1 $0x0;
	s7 =	sadd.s32 s9, s7  }
0xb: {  	vm0 =	vmmov $0xffff;
	s10 =	simm.s32 $0x0;
	s11 =	smov.u32 s5;
	s9 =	sadd.s32 $0x1, s7  }
.LBB2_4:
0xc: {  	v5 =	vshrl.u32 v1, $0x12;
	v6 =	vshll.u32 v1, $0x7  }
0xd: {  	vm1 =	veq.s32 v1, $0x80000000;
	v58 =	vand.u32 $0x3, v5;
	v59 =	vand.u32 $0x1FFFF80, v6  }
0xe: {  	v1 =	vsel vm1, $0xFFFFFFFF, v58;
	v5 =	vsel vm1, $0xFFFFFF80, v59  }
0xf: {  	v3 =	vor.u32 v4, v3;
	v60 =	vand.u32 $0xFFFFFC00, v5;
	v61 =	vand.u32 $0xFFFFFC00, v1  }
0x10: {  	v2 =	vor.u32 v2, v3;
	v63 =	vand.u32 $0x380, v5;
	v62 =	vadd.s32 v61, v60  }
0x11: {  	v1 =	vand.u32 $0x7F, v1;
	v3 =	vor.u32 v63, v62  }
0x12: {  	v1 =	vor.u32 v1, v3  }
0x13: {  	[tilespmem:s17], [sflag:$0x1] =	stream.indirect_vreg.gather [hbm4b:s2+s10], $0x1, v0, vm0, $0x4038;
	[tilespmem:$0x7D00] =	vst v63  }
0x14: {  	(ifvalue) =	ssetifvalue $0x7FFFFFFF  }
0x15: {  	[tilespmem:s15], [sflag:$0x1] =	stream.indirect_vreg.gather [hbm4b:s2+s10], $0x1, v2, vm0, $0x4038;
	[tilespmem:$0x7D00] =	vst v63  }
0x16: {  	s29 =	sadd.s32 $0x10, s15;
	(ifvalue) =	ssetifvalue $0x7FFFFFFF  }
0x17: {  	[tilespmem:s29], [sflag:$0x1] =	stream.indirect_vreg.gather [hbm4b:s2+s10], $0x1, v1, vm0, $0x4038;
	[tilespmem:$0x7D00] =	vst v63  }
0x18: {  	_ =	swait.ge [sflag:s4], $0x1F40  }
0x19: {  	s30 =	sshrl.u32 s13, $0x3;
	[sflag:s4] =	ssyncset.done $0x0  }
0x1a: {  	s31 =	sand.u32 $0x7, s13;
	s15 =	sadd.s32 s8, s30;
	[sflag:s4] =	ssyncadd.s32 $0xFFFFE0C0  }
0x1b: {  	[hbm4b:s15+s31] =	stream.linear.scatter [tilespmem:s14], [sflag:$0x3], $0x1F40, $0x38;
	[tilespmem:$0x7D00] =	vst v63  }
.LBB2_5:
0x1c: {  	s15 =	sadd.s32 $0x3E800, s11  }
0x1d: {  	p1 =	sgt.s32 s15, $0x4E1FF  }
0x1e: {  	s15 =	smov.u32 @p1 s5;
	p1 =	sne.s32 s12, s9  }
.Ltmp1:
0x1f: {  	p0 =	slt.u32 s12, $0x2;
	(pc) =	sbr.rel @!p1 .LBB2_6-.Ltmp1, $4  }
0x20: {  	s14 =	simm.s32 @!p0 $0x3  }
0x21: {  	_ =	swait.ge @!p0 [sflag:s14], $0x1F40  }
0x22: {  	s16 =	sadd.s32 $0x1, s12;
	s13 =	smov.u32 s11;
	[sflag:s14] =	ssyncset.done @!p0 $0x0  }
0x23: {  	s12 =	smov.u32 s16;
	s11 =	smov.u32 s15;
	[sflag:s14] =	ssyncadd.s32 @!p0 $0xFFFFE0C0  }
.LBB2_1:
0x24: {  	p0 =	sge.u32 s12, s7  }
0x25: {  	s14 =	sxor.u32 @!p0 $0x1, s12  }
0x26: {  	s14 =	smul.u32 @!p0 $0x7D00, s14  }
0x27: {  	s31 =	sadd.s32 $0xFFFFFFFF, s12;
	s15 =	sshrl.u32 @!p0 s11, $0x3  }
0x28: {  	s16 =	sand.u32 @!p0 $0x7, s11;
	s15 =	sadd.s32 @!p0 s3, s15;
	s14 =	sshra.s32 @!p0 s14, $0x2  }
0x29: {  	[tilespmem:s14], [sflag:$0x2] =	stream.linear.gather @!p0 [hbm4b:s15+s16], $0x1F40, $0x38;
	[tilespmem:$0x7D00] =	vst v63  }
0x2a: {  	p0 =	sge.u32 s31, s7  }
.Ltmp2:
0x2b: {  	_ = 	snop;
	(pc) =	sbr.rel @p0 .LBB2_5-.Ltmp2, $1  }
0x2c: {  	_ =	sdelay $0x3  }
0x2d: {  	s14 =	sand.u32 $0x1, s12  }
0x2e: {  	_ =	swait.ge [sflag:s6], $0x1F40;
	p0 =	seq.s32 s14, $0x1;
	s14 =	simm.s32 $0x1F40  }
0x2f: {  	[sflag:s6] =	ssyncset.done $0x0;
	s14 =	simm.s32 @!p0 $0x0  }
0x30: {  	[sflag:s6] =	ssyncadd.s32 $0xFFFFE0C0;
	(ifvalue) =	ssetifvalue $0x7FFFFFFF;
	v0 =	vld.msk [tilespmem:s14+$0x0 ss:$0x1], $0xffff;
	_ =	sdelay $0x4  }
0x31: {  	s15 =	sadd.s32 $0x10, s14;
	v2 =	vshrl.u32 v0, $0x12;
	v3 =	vshll.u32 v0, $0x7  }
0x32: {  	v1 =	vld.msk [tilespmem:s15+$0x0 ss:$0x1], $0xffff;
	vm1 =	veq.s32 v0, $0x80000000;
	v0 =	vand.u32 $0x3, v2;
	v2 =	vand.u32 $0x1FFFF80, v3  }
0x33: {  	v0 =	vsel vm1, $0xFFFFFFFF, v0;
	v2 =	vsel vm1, $0xFFFFFF80, v2  }
0x34: {  	v3 =	vand.u32 $0xFFFFFC00, v2;
	v4 =	vand.u32 $0xFFFFFC00, v0  }
0x35: {  	v2 =	vand.u32 $0x380, v2;
	v3 =	vadd.s32 v4, v3  }
0x36: {  	v0 =	vand.u32 $0x7F, v0;
	v2 =	vor.u32 v2, v3  }
0x37: {  	v5 =	vshll.u32 v1, $0x7;
	v4 =	vshrl.u32 v1, $0x12;
	v0 =	vor.u32 v0, v2  }
0x38: {  	vm1 =	veq.s32 v1, $0x80000000;
	v1 =	vand.u32 $0x3, v4;
	v4 =	vand.u32 $0x1FFFF80, v5  }
0x39: {  	s14 =	sadd.s32 $0x3E80, s14;
	s15 =	sadd.s32 $0x10, s15;
	v3 =	vsel vm1, $0xFFFFFFFF, v1;
	v4 =	vsel vm1, $0xFFFFFF80, v4  }
0x3a: {  	s16 =	simm.s32 $0x20;
	s17 =	smov.u32 s14;
	v1 =	vld.msk [tilespmem:s15+$0x0 ss:$0x1], $0xffff;
	v5 =	vand.u32 $0xFFFFFC00, v4;
	v6 =	vand.u32 $0xFFFFFC00, v3  }
0x3b: {  	s18 =	sadd.s32 $0x10, s15;
	(ifvalue) =	ssetifvalue $0x7FFFFFFF;
	s15 =	sadd.s32 $0x10, s14;
	v2 =	vand.u32 $0x7F, v3;
	v4 =	vand.u32 $0x380, v4;
	v3 =	vadd.s32 v6, v5  }
.LBB2_3:
0x3c: {  	[tilespmem:s17], [sflag:$0x1] =	stream.indirect_vreg.gather [hbm4b:s2+s10], $0x1, v0, vm0, $0x4038;
	[tilespmem:$0x7D00] =	vst v63  }
0x3d: {  	s16 =	sadd.s32 $0x10, s16  }
0x3e: {  	v3 =	vor.u32 v4, v3;
	p0 =	slt.u32 s16, $0x1F30  }
.Ltmp3:
0x3f: {  	v4 =	vshrl.u32 v1, $0x12;
	v5 =	vshll.u32 v1, $0x7;
	s17 =	smov.u32 s15;
	v0 =	vor.u32 v2, v3;
	v2 =	vmovc v1;
	v1 =	vld.msk [tilespmem:s18+$0x0 ss:$0x1], $0xffff;
	(pc) =	sbr.rel @p0 .LBB2_3-.Ltmp3, $4  }
0x40: {  	v3 =	vand.u32 $0x1FFFF80, v5;
	vm1 =	veq.s32 v2, $0x80000000;
	v2 =	vand.u32 $0x3, v4  }
0x41: {  	v4 =	vsel vm1, $0xFFFFFFFF, v2;
	v5 =	vsel vm1, $0xFFFFFF80, v3  }
0x42: {  	v2 =	vand.u32 $0x7F, v4;
	v3 =	vand.u32 $0xFFFFFC00, v5;
	v4 =	vand.u32 $0xFFFFFC00, v4  }
0x43: {  	s15 =	sadd.s32 $0x10, s15;
	s18 =	sadd.s32 $0x10, s18;
	v3 =	vadd.s32 v4, v3;
	v4 =	vand.u32 $0x380, v5;
	(ifvalue) =	ssetifvalue $0x7FFFFFFF  }
.Ltmp4:
0x44: {  	_ = 	snop;
	(pc) =	sbr.rel .LBB2_4-.Ltmp4, $1  }
0x45: {  	_ =	sdelay $0x3  }
.LBB2_6:
0x46: {  	_ =	sfence.sel $0x180000  }
0x47: {  	s2 =	simm.s32 $0x2;
	[bflag:$0x0] =	sbarrier.arrive $0xFFFF  }
0x48: {  	s30 =	simm.s32 $0x3;
	[sflag:s2] =	ssyncpa.u1 $0x1  }
0x49: {  	s31 =	simm.s32 $0x1;
	[sflag:s30] =	ssyncpa.u1 $0x1  }
0x4a: {  	[sflag:s31] =	ssyncpa.u1 $0x1  }
0x4b: {  	p0 =	sne.s32 s1, $0x0;
	_ =	strace $0x90000050  }
0x4c: {  	s0 =	sadd.s32 @!p0 $0x100000, s0;
	[bflag:$0x2] =	sbarrier.arrive $0xFFFF  }
0x4d: {  	[sflag:s0] =	ssyncadd.tile.s32 @!p0 $0x1;
	_ =	shalt  }
.Lfunc_end2:
_tile_overlayer_lowered:
.L_overlay_start_2:
0x4e: {  	(tag) =	ssettag $0x2  }
0x4f: {  	s0 =	rddreg [dreg:$0x0];
	s2 =	stileid.u32  }
0x50: {  	s1 =	rddreg [dreg:$0x1];
	p0 =	sne.s32 s2, $0x0  }
0x51: {  	s3 =	rddreg [dreg:$0x2];
	[bflag:$0x3] =	sbarrier.arrive $0xFFFF;
	s2 =	simm.s32 @!p0 $0x1C01  }
0x52: {  	[timem:s3], [sflag:s2] =	dma.local @!p0 [hbm:s0], s1  }
0x53: {  	s0 =	simm.s32 @!p0 $0x1  }
0x54: {  	_ =	swait.ge @!p0 [sflag:s0], s1  }
0x55: {  	s1 =	ssub.s32 @!p0 $0x0, s1;
	[sflag:s0] =	ssyncset.done @!p0 $0x0  }
0x56: {  	[sflag:s0] =	ssyncadd.s32 @!p0 s1  }
0x57: {  	[bflag:$0x3] =	sbarrier.arrive $0xFFFF  }
0x58: {  	_ =	shalt  }

// kernel: gather_offload_async_start.4
scs
__scs_entry_jumppad:
0x0: {  	(pc) =	sbr.rel $0x88, $3  }
0x1: {  	(tag) =	ssettag $0x0;
	lr =	simm.s32 $0x1  }
0x2: {  	[smem:$0x3F95] =	sst lr;
	_ =	strace $0xD0000000  }
0x3: {  	_ = 	snop  }
0x4: {  	_ = 	snop  }
0x5: {  	_ = 	snop  }
0x6: {  	_ = 	snop  }
0x7: {  	_ = 	snop  }
__scs_overlays_trampoline_lowered:
0x8: {  	[smem:$0x3FA4] =	sst s0  }
0x9: {  	[smem:$0x3FA5] =	sst s1  }
0xa: {  	[smem:$0x3FA6] =	sst s2  }
0xb: {  	[smem:$0x3FA7] =	sst s3  }
0xc: {  	[smem:$0x3FA8] =	sst s4  }
0xd: {  	[smem:$0x3FA9] =	sst s5  }
0xe: {  	[smem:$0x3FAA] =	sst s6  }
0xf: {  	[smem:$0x3FAB] =	sst s7  }
0x10: {  	[smem:$0x3FAC] =	sst s8  }
0x11: {  	[smem:$0x3FAD] =	sst s9;
	s0 =	simm.s32 @!p0 $0x0  }
0x12: {  	s1 =	sld [smem:$0x3F93];
	s0 =	simm.s32 @p0 $0x1  }
0x13: {  	[smem:$0x3FAE] =	sst s0;
	s0 =	simm.s32 @!p1 $0x0  }
0x14: {  	s2 =	sld [smem:$0x3F92];
	s0 =	simm.s32 @p1 $0x1  }
0x15: {  	[smem:$0x3FAF] =	sst s0;
	s0 =	simm.s32 @!p2 $0x0  }
0x16: {  	s3 =	sld [smem:$0x3FDB];
	s0 =	simm.s32 @p2 $0x1  }
0x17: {  	s4 =	simm.s32 $0x1BF5;
	[smem:$0x3FB1] =	sst s0  }
0x18: {  	s0 =	sld [smem:$0x3F94];
	_ =	swait.ge [sflag:s4], $0x0  }
0x19: {  	s7 =	sld [smem:$0x3F95]  }
0x1a: {  	s8 =	sadd.s32 $0xFFFFE003, lr  }
0x1b: {  	s9 =	sadd.s32 $0xFFFFFEF7, lr;
	s5 =	simm.s32 $0xFFFFFFFF;
	p2 =	slt.u32 s8, $0xFFFFF086  }
0x1c: {  	p1 =	slt.u32 s9, $0xF7A;
	s5 =	simm.s32 @!p2 $0x0  }
0x1d: {  	s5 =	simm.s32 @p1 $0x1;
	p0 =	seq.s32 s7, s2  }
0x1e: {  	s7 =	smul.u32 @!p0 $0xF7A, s2;
	p2 =	seq.s32 @!p0 s5, $0x0  }
0x1f: {  	s9 =	smul.u32 $0xF7A, s1;
	s8 =	simm.s32 @!p0 $0x1BF5;
	p2 =	por !p2, p0  }
0x20: {  	[sflag:s8] =	ssyncset.s32 @!p0 $0xFFFFF086;
	s6 =	sadd.s32 @!p0 s3, s7;
	s7 =	simm.s32 @!p0 $0x108  }
0x21: {  	s3 =	sadd.s32 s3, s9;
	s6 =	sadd.s32 @!p0 $0x88, s6;
	s7 =	simm.s32 @p2 $0x1082  }
0x22: {  	[simem:s7], [sflag:s8] =	dma.local @!p0 [hbm:s6], $0xF7A  }
0x23: {  	s9 =	sor.u32 $0xD0000000, s2;
	s6 =	simm.s32 $0x108;
	_ =	swait.ge @!p0 [sflag:s8], $0x0  }
0x24: {  	s3 =	sadd.s32 $0x88, s3;
	s6 =	simm.s32 @!p1 $0x1082;
	[sflag:s4] =	ssyncset.s32 $0xFFFFF086  }
0x25: {  	[simem:s6], [sflag:s4] =	dma.local [hbm:s3], $0xF7A  }
0x26: {  	[smem:$0x3F95] =	sst s1;
	(tag) =	ssettag s2;
	_ =	strace s9  }
0x27: {  	s1 =	sld [smem:$0x3FA5]  }
0x28: {  	s2 =	sld [smem:$0x3FA6]  }
0x29: {  	s4 =	sld [smem:$0x3FA8]  }
0x2a: {  	p0 =	seq.s32 s5, $0x0;
	s5 =	sld [smem:$0x3FA9]  }
0x2b: {  	s6 =	sld [smem:$0x3FAA]  }
0x2c: {  	s7 =	sld [smem:$0x3FAB]  }
0x2d: {  	s3 =	simm.s32 $0x108;
	s8 =	sld [smem:$0x3FAC]  }
0x2e: {  	s3 =	simm.s32 @!p0 $0x1082;
	s9 =	sld [smem:$0x3FAD]  }
0x2f: {  	lr =	sadd.s32 s0, s3;
	s0 =	sld [smem:$0x3FA4]  }
0x30: {  	s3 =	sld [smem:$0x3FA7]  }
0x31: {  	[smem:$0x3FB0] =	sst s10  }
0x32: {  	s10 =	sld [smem:$0x3FAE];
	_ =	sdelay $0x3  }
0x33: {  	p0 =	seq.s32 s10, $0x1;
	s10 =	sld [smem:$0x3FB0];
	_ =	sdelay $0x3  }
0x34: {  	[smem:$0x3FB0] =	sst s10  }
0x35: {  	s10 =	sld [smem:$0x3FAF];
	_ =	sdelay $0x3  }
0x36: {  	p1 =	seq.s32 s10, $0x1;
	s10 =	sld [smem:$0x3FB0];
	_ =	sdelay $0x3  }
0x37: {  	[smem:$0x3FB0] =	sst s10  }
0x38: {  	s10 =	sld [smem:$0x3FB1]  }
0x39: {  	_ = 	snop;
	(pc) =	sbr.ind lr, $3  }
0x3a: {  	_ = 	snop  }
0x3b: {  	_ = 	snop  }
0x3c: {  	p2 =	seq.s32 s10, $0x1;
	s10 =	sld [smem:$0x3FB0]  }
0x3d: {  	_ =	shalt  }
0x3e: {  	_ =	shalt  }
0x3f: {  	_ =	shalt  }
0x40: {  	_ =	shalt  }
0x41: {  	_ =	shalt  }
0x42: {  	_ =	shalt  }
0x43: {  	_ =	shalt  }
0x44: {  	_ =	shalt  }
0x45: {  	_ =	shalt  }
0x46: {  	_ =	shalt  }
0x47: {  	_ =	shalt  }
0x48: {  	_ =	shalt  }
0x49: {  	_ =	shalt  }
0x4a: {  	_ =	shalt  }
0x4b: {  	_ =	shalt  }
0x4c: {  	_ =	shalt  }
0x4d: {  	_ =	shalt  }
0x4e: {  	_ =	shalt  }
0x4f: {  	_ =	shalt  }
0x50: {  	_ =	shalt  }
0x51: {  	_ =	shalt  }
0x52: {  	_ =	shalt  }
0x53: {  	_ =	shalt  }
0x54: {  	_ =	shalt  }
0x55: {  	_ =	shalt  }
0x56: {  	_ =	shalt  }
0x57: {  	_ =	shalt  }
0x58: {  	_ =	shalt  }
0x59: {  	_ =	shalt  }
0x5a: {  	_ =	shalt  }
0x5b: {  	_ =	shalt  }
0x5c: {  	_ =	shalt  }
0x5d: {  	_ =	shalt  }
0x5e: {  	_ =	shalt  }
0x5f: {  	_ =	shalt  }
0x60: {  	_ =	shalt  }
0x61: {  	_ =	shalt  }
0x62: {  	_ =	shalt  }
0x63: {  	_ =	shalt  }
0x64: {  	_ =	shalt  }
0x65: {  	_ =	shalt  }
0x66: {  	_ =	shalt  }
0x67: {  	_ =	shalt  }
0x68: {  	_ =	shalt  }
0x69: {  	_ =	shalt  }
0x6a: {  	_ =	shalt  }
0x6b: {  	_ =	shalt  }
0x6c: {  	_ =	shalt  }
0x6d: {  	_ =	shalt  }
0x6e: {  	_ =	shalt  }
0x6f: {  	_ =	shalt  }
0x70: {  	_ =	shalt  }
0x71: {  	_ =	shalt  }
0x72: {  	_ =	shalt  }
0x73: {  	_ =	shalt  }
0x74: {  	_ =	shalt  }
0x75: {  	_ =	shalt  }
0x76: {  	_ =	shalt  }
0x77: {  	_ =	shalt  }
0x78: {  	_ =	shalt  }
0x79: {  	_ =	shalt  }
0x7a: {  	_ =	shalt  }
0x7b: {  	_ =	shalt  }
0x7c: {  	_ =	shalt  }
0x7d: {  	_ =	shalt  }
0x7e: {  	_ =	shalt  }
0x7f: {  	_ =	shalt  }
0x80: {  	_ =	shalt  }
0x81: {  	_ =	shalt  }
0x82: {  	_ =	shalt  }
0x83: {  	_ =	shalt  }
0x84: {  	_ =	shalt  }
0x85: {  	_ =	shalt  }
0x86: {  	_ =	shalt  }
0x87: {  	_ =	shalt  }
.Lfunc_end0:
.L_simem_size_0:
called_computation.6_lowered:
.L_overlay_start_0:
0x88: {  	s2 =	sld [smem:$0x3FD9]  }
0x89: {  	s3 =	sld [smem:$0x3FFE];
	_ =	sdelay $0x1  }
0x8a: {  	s1 =	srdreg.scid  }
0x8b: {  	s0 =	sand.u32 $0x1, s1  }
0x8c: {  	s16 =	sshll.u32 s0, $0xA;
	s2 =	sadd.s32 s3, s2  }
0x8d: {  	s2 =	sadd.s32 s2, s16  }
0x8e: {  	[smem:$0x3FBC] =	sst s2  }
0x8f: {  	_ = 	snop  }
0x90: {  	(tm) =	ssettm $0x1  }
0x91: {  	s17 =	sld [smem:$0x3FFB];
	_ =	sdelay $0x3  }
0x92: {  	_ =	strace s17  }
0x93: {  	s2 =	sld [smem:$0x3FFC];
	_ =	sdelay $0x3  }
0x94: {  	_ =	strace s2  }
0x95: {  	s2 =	sld [smem:$0x3FFD];
	_ =	sdelay $0x3  }
0x96: {  	_ =	strace s2  }
0x97: {  	_ =	strace $0x8FFFFFFF  }
0x98: {  	s18 =	sld [smem:$0x3FDB];
	_ =	sdelay $0x1  }
0x99: {  	s19 =	simm.s32 $_scs_section_size  }
0x9a: {  	s4 =	simm.s32 $_size__tile_overlayer_lowered;
	s5 =	simm.s32 $_tile_overlayer_lowered  }
0x9b: {  	s22 =	simm.s32 $0x1BFF;
	s21 =	sshll.u32 s5, $0x1;
	s2 =	sadd.s32 s19, s18  }
0x9c: {  	s6 =	simm.s32 $0x0;
	s20 =	sshll.u32 s4, $0x1;
	s4 =	sadd.s32 s21, s2  }
0x9d: {  	[timem:s6], [sflag:s22] =	dma.local [hbm:s4], s20  }
0x9e: {  	_ =	swait.ge [sflag:s22], s20  }
0x9f: {  	s3 =	ssub.s32 $0x0, s20;
	[sflag:s22] =	ssyncset.done $0x0  }
0xa0: {  	[sflag:s22] =	ssyncadd.s32 s3;
	_ =	sdelay $0x1  }
0xa1: {  	s23 =	simm.s32 $0x1B8B  }
0xa2: {  	_ =	swait.ge [sflag:s23], $0x1  }
0xa3: {  	[sflag:s23] =	ssyncset.done $0x0  }
0xa4: {  	s25 =	simm.s32 $0x1B8E;
	s24 =	sld [smem:$0x3FFE];
	[sflag:s23] =	ssyncadd.s32 $0xFFFFFFFF  }
0xa5: {  	s26 =	simm.s32 $execute0_lowered;
	[smem:$0x3FD2] =	sst s25  }
0xa6: {  	s4 =	sshll.u32 s26, $0x1;
	_ =	strace $0x80000046;
	[dreg:$0x1] =	wrdreg $0xFFFFFFFF  }
0xa7: {  	s28 =	simm.s32 $_size_execute0_lowered;
	s2 =	sadd.s32 s2, s4;
	[dreg:$0x0] =	wrdreg $0x0  }
0xa8: {  	s4 =	sshll.u32 s28, $0x1;
	[dreg:$0x2] =	wrdreg s2  }
0xa9: {  	[dreg:$0x3] =	wrdreg s4  }
0xaa: {  	[dreg:$0x4] =	wrdreg $0xC0  }
0xab: {  	_ =	task [dreg:s6], $0x5FFFF  }
0xac: {  	[dreg:$0x1] =	wrdreg $0xFFFFFFFF  }
0xad: {  	[dreg:$0x0] =	wrdreg $0x60  }
0xae: {  	[dreg:$0x2] =	wrdreg s24  }
0xaf: {  	[dreg:$0x3] =	wrdreg $0x9  }
0xb0: {  	_ =	task.clear_ibuf [dreg:s6], $0x4FFFF;
	_ =	strace $0x90000046  }
0xb1: {  	s29 =	simm.s32 $0x9;
	_ =	strace $0x80000048  }
0xb2: {  	_ =	swait.ge [sflag:s29], $0x1  }
0xb3: {  	[sflag:s29] =	ssyncadd.s32 $0xFFFFFFFF  }
0xb4: {  	_ =	strace $0x90000048  }
0xb5: {  	_ =	sfence  }
0xb6: {  	s30 =	sld [smem:$0x0];
	_ =	sdelay $0x2  }
0xb7: {  	s31 =	sshll.u32 s1, $0xD;
	s1 =	sshrl.u32 s1, $0x2  }
0xb8: {  	s3 =	sand.u32 $0x4000, s31;
	s1 =	sadd.s32 s1, s30  }
0xb9: {  	s0 =	sor.u32 s3, s0;
	s1 =	sshll.u32 s1, $0x11  }
0xba: {  	s0 =	sor.u32 s1, s0  }
0xbb: {  	s0 =	sadd.s32 $0x8F2B, s0  }
0xbc: {  	[sflag:s0] =	ssyncadd.remote.s32 $0x1  }
0xbd: {  	_ =	sfence.sel $0xFFFF  }
0xbe: {  	[dreg:$0x0] =	wrdreg $0xFFFFFFFF;
	(pc) =	sbr.abs _section_cstart, $3  }
0xbf: {  	[dreg:$0x1] =	wrdreg $0xFFFFFFFF  }
0xc0: {  	_ =	task.clear_ibuf [dreg:s6], $0x2FFFF;
	_ =	strace $0x9FFFFFFF  }
0xc1: {  	(tm) =	ssettm $0x7FFFFFFF  }
tec
execute0_lowered:
.L_overlay_start_1:
0x0: {  	(tag) =	ssettag $0x1  }
0x1: {  	s8 =	rddreg [dreg:$0x0]  }
0x2: {  	s0 =	rddreg [dreg:$0x1];
	_ =	strace $0x80000047;
	s1 =	stileid.u32  }
0x3: {  	s3 =	srdreg.scid;
	s4 =	simm.s32 $0x1;
	s7 =	simm.s32 $0x1  }
0x4: {  	s9 =	simm.s32 $0x1;
	s10 =	simm.s32 $0x3;
	s13 =	simm.s32 $0x0  }
0x5: {  	s12 =	simm.s32 $0x0;
	s5 =	sand.u32 $0x1, s3;
	s6 =	sshll.u32 s1, $0x1  }
0x6: {  	s2 =	sadd.s32 $0x2A2600, s8;
	s3 =	sadd.s32 $0x27AE00, s8;
	s5 =	sor.u32 s6, s5  }
.Ltmp0:
0x7: {  	[sflag:s4] =	ssyncpa.u1 $0x0;
	p0 =	slt.u32 s5, $0x9;
	(pc) =	sbr.rel .LBB2_1-.Ltmp0, $4  }
0x8: {  	s6 =	simm.s32 $0x2;
	s7 =	simm.s32 @!p0 $0x0;
	p0 =	sne.s32 s5, $0x8  }
0x9: {  	[sflag:s6] =	ssyncpa.u1 $0x0;
	s5 =	smul.u32 $0x1F40, s5;
	s9 =	simm.s32 @!p0 $0x0  }
0xa: {  	s8 =	sadd.s32 $0x784600, s8;
	[sflag:s10] =	ssyncpa.u1 $0x0;
	s7 =	sadd.s32 s9, s7  }
0xb: {  	vm0 =	vmmov $0xffff;
	s10 =	simm.s32 $0x0;
	s11 =	smov.u32 s5;
	s9 =	sadd.s32 $0x1, s7  }
.LBB2_4:
0xc: {  	v5 =	vshrl.u32 v1, $0x12;
	v6 =	vshll.u32 v1, $0x7  }
0xd: {  	vm1 =	veq.s32 v1, $0x80000000;
	v58 =	vand.u32 $0x3, v5;
	v59 =	vand.u32 $0x1FFFF80, v6  }
0xe: {  	v1 =	vsel vm1, $0xFFFFFFFF, v58;
	v5 =	vsel vm1, $0xFFFFFF80, v59  }
0xf: {  	v3 =	vor.u32 v4, v3;
	v60 =	vand.u32 $0xFFFFFC00, v5;
	v61 =	vand.u32 $0xFFFFFC00, v1  }
0x10: {  	v2 =	vor.u32 v2, v3;
	v63 =	vand.u32 $0x380, v5;
	v62 =	vadd.s32 v61, v60  }
0x11: {  	v1 =	vand.u32 $0x7F, v1;
	v3 =	vor.u32 v63, v62  }
0x12: {  	v1 =	vor.u32 v1, v3  }
0x13: {  	[tilespmem:s17], [sflag:$0x1] =	stream.indirect_vreg.gather [hbm4b:s2+s10], $0x1, v0, vm0, $0x4038;
	[tilespmem:$0x7D00] =	vst v63  }
0x14: {  	(ifvalue) =	ssetifvalue $0x7FFFFFFF  }
0x15: {  	[tilespmem:s15], [sflag:$0x1] =	stream.indirect_vreg.gather [hbm4b:s2+s10], $0x1, v2, vm0, $0x4038;
	[tilespmem:$0x7D00] =	vst v63  }
0x16: {  	s29 =	sadd.s32 $0x10, s15;
	(ifvalue) =	ssetifvalue $0x7FFFFFFF  }
0x17: {  	[tilespmem:s29], [sflag:$0x1] =	stream.indirect_vreg.gather [hbm4b:s2+s10], $0x1, v1, vm0, $0x4038;
	[tilespmem:$0x7D00] =	vst v63  }
0x18: {  	_ =	swait.ge [sflag:s4], $0x1F40  }
0x19: {  	s30 =	sshrl.u32 s13, $0x3;
	[sflag:s4] =	ssyncset.done $0x0  }
0x1a: {  	s31 =	sand.u32 $0x7, s13;
	s15 =	sadd.s32 s8, s30;
	[sflag:s4] =	ssyncadd.s32 $0xFFFFE0C0  }
0x1b: {  	[hbm4b:s15+s31] =	stream.linear.scatter [tilespmem:s14], [sflag:$0x3], $0x1F40, $0x38;
	[tilespmem:$0x7D00] =	vst v63  }
.LBB2_5:
0x1c: {  	s15 =	sadd.s32 $0x3E800, s11  }
0x1d: {  	p1 =	sgt.s32 s15, $0x4E1FF  }
0x1e: {  	s15 =	smov.u32 @p1 s5;
	p1 =	sne.s32 s12, s9  }
.Ltmp1:
0x1f: {  	p0 =	slt.u32 s12, $0x2;
	(pc) =	sbr.rel @!p1 .LBB2_6-.Ltmp1, $4  }
0x20: {  	s14 =	simm.s32 @!p0 $0x3  }
0x21: {  	_ =	swait.ge @!p0 [sflag:s14], $0x1F40  }
0x22: {  	s16 =	sadd.s32 $0x1, s12;
	s13 =	smov.u32 s11;
	[sflag:s14] =	ssyncset.done @!p0 $0x0  }
0x23: {  	s12 =	smov.u32 s16;
	s11 =	smov.u32 s15;
	[sflag:s14] =	ssyncadd.s32 @!p0 $0xFFFFE0C0  }
.LBB2_1:
0x24: {  	p0 =	sge.u32 s12, s7  }
0x25: {  	s14 =	sxor.u32 @!p0 $0x1, s12  }
0x26: {  	s14 =	smul.u32 @!p0 $0x7D00, s14  }
0x27: {  	s31 =	sadd.s32 $0xFFFFFFFF, s12;
	s15 =	sshrl.u32 @!p0 s11, $0x3  }
0x28: {  	s16 =	sand.u32 @!p0 $0x7, s11;
	s15 =	sadd.s32 @!p0 s3, s15;
	s14 =	sshra.s32 @!p0 s14, $0x2  }
0x29: {  	[tilespmem:s14], [sflag:$0x2] =	stream.linear.gather @!p0 [hbm4b:s15+s16], $0x1F40, $0x38;
	[tilespmem:$0x7D00] =	vst v63  }
0x2a: {  	p0 =	sge.u32 s31, s7  }
.Ltmp2:
0x2b: {  	_ = 	snop;
	(pc) =	sbr.rel @p0 .LBB2_5-.Ltmp2, $1  }
0x2c: {  	_ =	sdelay $0x3  }
0x2d: {  	s14 =	sand.u32 $0x1, s12  }
0x2e: {  	_ =	swait.ge [sflag:s6], $0x1F40;
	p0 =	seq.s32 s14, $0x1;
	s14 =	simm.s32 $0x1F40  }
0x2f: {  	[sflag:s6] =	ssyncset.done $0x0;
	s14 =	simm.s32 @!p0 $0x0  }
0x30: {  	[sflag:s6] =	ssyncadd.s32 $0xFFFFE0C0;
	(ifvalue) =	ssetifvalue $0x7FFFFFFF;
	v0 =	vld.msk [tilespmem:s14+$0x0 ss:$0x1], $0xffff;
	_ =	sdelay $0x4  }
0x31: {  	s15 =	sadd.s32 $0x10, s14;
	v2 =	vshrl.u32 v0, $0x12;
	v3 =	vshll.u32 v0, $0x7  }
0x32: {  	v1 =	vld.msk [tilespmem:s15+$0x0 ss:$0x1], $0xffff;
	vm1 =	veq.s32 v0, $0x80000000;
	v0 =	vand.u32 $0x3, v2;
	v2 =	vand.u32 $0x1FFFF80, v3  }
0x33: {  	v0 =	vsel vm1, $0xFFFFFFFF, v0;
	v2 =	vsel vm1, $0xFFFFFF80, v2  }
0x34: {  	v3 =	vand.u32 $0xFFFFFC00, v2;
	v4 =	vand.u32 $0xFFFFFC00, v0  }
0x35: {  	v2 =	vand.u32 $0x380, v2;
	v3 =	vadd.s32 v4, v3  }
0x36: {  	v0 =	vand.u32 $0x7F, v0;
	v2 =	vor.u32 v2, v3  }
0x37: {  	v5 =	vshll.u32 v1, $0x7;
	v4 =	vshrl.u32 v1, $0x12;
	v0 =	vor.u32 v0, v2  }
0x38: {  	vm1 =	veq.s32 v1, $0x80000000;
	v1 =	vand.u32 $0x3, v4;
	v4 =	vand.u32 $0x1FFFF80, v5  }
0x39: {  	s14 =	sadd.s32 $0x3E80, s14;
	s15 =	sadd.s32 $0x10, s15;
	v3 =	vsel vm1, $0xFFFFFFFF, v1;
	v4 =	vsel vm1, $0xFFFFFF80, v4  }
0x3a: {  	s16 =	simm.s32 $0x20;
	s17 =	smov.u32 s14;
	v1 =	vld.msk [tilespmem:s15+$0x0 ss:$0x1], $0xffff;
	v5 =	vand.u32 $0xFFFFFC00, v4;
	v6 =	vand.u32 $0xFFFFFC00, v3  }
0x3b: {  	s18 =	sadd.s32 $0x10, s15;
	(ifvalue) =	ssetifvalue $0x7FFFFFFF;
	s15 =	sadd.s32 $0x10, s14;
	v2 =	vand.u32 $0x7F, v3;
	v4 =	vand.u32 $0x380, v4;
	v3 =	vadd.s32 v6, v5  }
.LBB2_3:
0x3c: {  	[tilespmem:s17], [sflag:$0x1] =	stream.indirect_vreg.gather [hbm4b:s2+s10], $0x1, v0, vm0, $0x4038;
	[tilespmem:$0x7D00] =	vst v63  }
0x3d: {  	s16 =	sadd.s32 $0x10, s16  }
0x3e: {  	v3 =	vor.u32 v4, v3;
	p0 =	slt.u32 s16, $0x1F30  }
.Ltmp3:
0x3f: {  	v4 =	vshrl.u32 v1, $0x12;
	v5 =	vshll.u32 v1, $0x7;
	s17 =	smov.u32 s15;
	v0 =	vor.u32 v2, v3;
	v2 =	vmovc v1;
	v1 =	vld.msk [tilespmem:s18+$0x0 ss:$0x1], $0xffff;
	(pc) =	sbr.rel @p0 .LBB2_3-.Ltmp3, $4  }
0x40: {  	v3 =	vand.u32 $0x1FFFF80, v5;
	vm1 =	veq.s32 v2, $0x80000000;
	v2 =	vand.u32 $0x3, v4  }
0x41: {  	v4 =	vsel vm1, $0xFFFFFFFF, v2;
	v5 =	vsel vm1, $0xFFFFFF80, v3  }
0x42: {  	v2 =	vand.u32 $0x7F, v4;
	v3 =	vand.u32 $0xFFFFFC00, v5;
	v4 =	vand.u32 $0xFFFFFC00, v4  }
0x43: {  	s15 =	sadd.s32 $0x10, s15;
	s18 =	sadd.s32 $0x10, s18;
	v3 =	vadd.s32 v4, v3;
	v4 =	vand.u32 $0x380, v5;
	(ifvalue) =	ssetifvalue $0x7FFFFFFF  }
.Ltmp4:
0x44: {  	_ = 	snop;
	(pc) =	sbr.rel .LBB2_4-.Ltmp4, $1  }
0x45: {  	_ =	sdelay $0x3  }
.LBB2_6:
0x46: {  	_ =	sfence.sel $0x180000  }
0x47: {  	s2 =	simm.s32 $0x2;
	[bflag:$0x0] =	sbarrier.arrive $0xFFFF  }
0x48: {  	s30 =	simm.s32 $0x3;
	[sflag:s2] =	ssyncpa.u1 $0x1  }
0x49: {  	s31 =	simm.s32 $0x1;
	[sflag:s30] =	ssyncpa.u1 $0x1  }
0x4a: {  	[sflag:s31] =	ssyncpa.u1 $0x1  }
0x4b: {  	p0 =	sne.s32 s1, $0x0;
	_ =	strace $0x90000047  }
0x4c: {  	s0 =	sadd.s32 @!p0 $0x100000, s0;
	[bflag:$0x2] =	sbarrier.arrive $0xFFFF  }
0x4d: {  	[sflag:s0] =	ssyncadd.tile.s32 @!p0 $0x1;
	_ =	shalt  }
.Lfunc_end2:
_tile_overlayer_lowered:
.L_overlay_start_2:
0x4e: {  	(tag) =	ssettag $0x2  }
0x4f: {  	s0 =	rddreg [dreg:$0x0];
	s2 =	stileid.u32  }
0x50: {  	s1 =	rddreg [dreg:$0x1];
	p0 =	sne.s32 s2, $0x0  }
0x51: {  	s3 =	rddreg [dreg:$0x2];
	[bflag:$0x3] =	sbarrier.arrive $0xFFFF;
	s2 =	simm.s32 @!p0 $0x1C01  }
0x52: {  	[timem:s3], [sflag:s2] =	dma.local @!p0 [hbm:s0], s1  }
0x53: {  	s0 =	simm.s32 @!p0 $0x1  }
0x54: {  	_ =	swait.ge @!p0 [sflag:s0], s1  }
0x55: {  	s1 =	ssub.s32 @!p0 $0x0, s1;
	[sflag:s0] =	ssyncset.done @!p0 $0x0  }
0x56: {  	[sflag:s0] =	ssyncadd.s32 @!p0 s1  }
0x57: {  	[bflag:$0x3] =	sbarrier.arrive $0xFFFF  }
0x58: {  	_ =	shalt  }

// kernel: gather_offload_async_start.5
scs
__scs_entry_jumppad:
0x0: {  	(pc) =	sbr.rel $0x88, $3  }
0x1: {  	(tag) =	ssettag $0x0;
	lr =	simm.s32 $0x1  }
0x2: {  	[smem:$0x3F95] =	sst lr;
	_ =	strace $0xD0000000  }
0x3: {  	_ = 	snop  }
0x4: {  	_ = 	snop  }
0x5: {  	_ = 	snop  }
0x6: {  	_ = 	snop  }
0x7: {  	_ = 	snop  }
__scs_overlays_trampoline_lowered:
0x8: {  	[smem:$0x3FA4] =	sst s0  }
0x9: {  	[smem:$0x3FA5] =	sst s1  }
0xa: {  	[smem:$0x3FA6] =	sst s2  }
0xb: {  	[smem:$0x3FA7] =	sst s3  }
0xc: {  	[smem:$0x3FA8] =	sst s4  }
0xd: {  	[smem:$0x3FA9] =	sst s5  }
0xe: {  	[smem:$0x3FAA] =	sst s6  }
0xf: {  	[smem:$0x3FAB] =	sst s7  }
0x10: {  	[smem:$0x3FAC] =	sst s8  }
0x11: {  	[smem:$0x3FAD] =	sst s9;
	s0 =	simm.s32 @!p0 $0x0  }
0x12: {  	s1 =	sld [smem:$0x3F93];
	s0 =	simm.s32 @p0 $0x1  }
0x13: {  	[smem:$0x3FAE] =	sst s0;
	s0 =	simm.s32 @!p1 $0x0  }
0x14: {  	s2 =	sld [smem:$0x3F92];
	s0 =	simm.s32 @p1 $0x1  }
0x15: {  	[smem:$0x3FAF] =	sst s0;
	s0 =	simm.s32 @!p2 $0x0  }
0x16: {  	s3 =	sld [smem:$0x3FDB];
	s0 =	simm.s32 @p2 $0x1  }
0x17: {  	s4 =	simm.s32 $0x1BF5;
	[smem:$0x3FB1] =	sst s0  }
0x18: {  	s0 =	sld [smem:$0x3F94];
	_ =	swait.ge [sflag:s4], $0x0  }
0x19: {  	s7 =	sld [smem:$0x3F95]  }
0x1a: {  	s8 =	sadd.s32 $0xFFFFE003, lr  }
0x1b: {  	s9 =	sadd.s32 $0xFFFFFEF7, lr;
	s5 =	simm.s32 $0xFFFFFFFF;
	p2 =	slt.u32 s8, $0xFFFFF086  }
0x1c: {  	p1 =	slt.u32 s9, $0xF7A;
	s5 =	simm.s32 @!p2 $0x0  }
0x1d: {  	s5 =	simm.s32 @p1 $0x1;
	p0 =	seq.s32 s7, s2  }
0x1e: {  	s7 =	smul.u32 @!p0 $0xF7A, s2;
	p2 =	seq.s32 @!p0 s5, $0x0  }
0x1f: {  	s9 =	smul.u32 $0xF7A, s1;
	s8 =	simm.s32 @!p0 $0x1BF5;
	p2 =	por !p2, p0  }
0x20: {  	[sflag:s8] =	ssyncset.s32 @!p0 $0xFFFFF086;
	s6 =	sadd.s32 @!p0 s3, s7;
	s7 =	simm.s32 @!p0 $0x108  }
0x21: {  	s3 =	sadd.s32 s3, s9;
	s6 =	sadd.s32 @!p0 $0x88, s6;
	s7 =	simm.s32 @p2 $0x1082  }
0x22: {  	[simem:s7], [sflag:s8] =	dma.local @!p0 [hbm:s6], $0xF7A  }
0x23: {  	s9 =	sor.u32 $0xD0000000, s2;
	s6 =	simm.s32 $0x108;
	_ =	swait.ge @!p0 [sflag:s8], $0x0  }
0x24: {  	s3 =	sadd.s32 $0x88, s3;
	s6 =	simm.s32 @!p1 $0x1082;
	[sflag:s4] =	ssyncset.s32 $0xFFFFF086  }
0x25: {  	[simem:s6], [sflag:s4] =	dma.local [hbm:s3], $0xF7A  }
0x26: {  	[smem:$0x3F95] =	sst s1;
	(tag) =	ssettag s2;
	_ =	strace s9  }
0x27: {  	s1 =	sld [smem:$0x3FA5]  }
0x28: {  	s2 =	sld [smem:$0x3FA6]  }
0x29: {  	s4 =	sld [smem:$0x3FA8]  }
0x2a: {  	p0 =	seq.s32 s5, $0x0;
	s5 =	sld [smem:$0x3FA9]  }
0x2b: {  	s6 =	sld [smem:$0x3FAA]  }
0x2c: {  	s7 =	sld [smem:$0x3FAB]  }
0x2d: {  	s3 =	simm.s32 $0x108;
	s8 =	sld [smem:$0x3FAC]  }
0x2e: {  	s3 =	simm.s32 @!p0 $0x1082;
	s9 =	sld [smem:$0x3FAD]  }
0x2f: {  	lr =	sadd.s32 s0, s3;
	s0 =	sld [smem:$0x3FA4]  }
0x30: {  	s3 =	sld [smem:$0x3FA7]  }
0x31: {  	[smem:$0x3FB0] =	sst s10  }
0x32: {  	s10 =	sld [smem:$0x3FAE];
	_ =	sdelay $0x3  }
0x33: {  	p0 =	seq.s32 s10, $0x1;
	s10 =	sld [smem:$0x3FB0];
	_ =	sdelay $0x3  }
0x34: {  	[smem:$0x3FB0] =	sst s10  }
0x35: {  	s10 =	sld [smem:$0x3FAF];
	_ =	sdelay $0x3  }
0x36: {  	p1 =	seq.s32 s10, $0x1;
	s10 =	sld [smem:$0x3FB0];
	_ =	sdelay $0x3  }
0x37: {  	[smem:$0x3FB0] =	sst s10  }
0x38: {  	s10 =	sld [smem:$0x3FB1]  }
0x39: {  	_ = 	snop;
	(pc) =	sbr.ind lr, $3  }
0x3a: {  	_ = 	snop  }
0x3b: {  	_ = 	snop  }
0x3c: {  	p2 =	seq.s32 s10, $0x1;
	s10 =	sld [smem:$0x3FB0]  }
0x3d: {  	_ =	shalt  }
0x3e: {  	_ =	shalt  }
0x3f: {  	_ =	shalt  }
0x40: {  	_ =	shalt  }
0x41: {  	_ =	shalt  }
0x42: {  	_ =	shalt  }
0x43: {  	_ =	shalt  }
0x44: {  	_ =	shalt  }
0x45: {  	_ =	shalt  }
0x46: {  	_ =	shalt  }
0x47: {  	_ =	shalt  }
0x48: {  	_ =	shalt  }
0x49: {  	_ =	shalt  }
0x4a: {  	_ =	shalt  }
0x4b: {  	_ =	shalt  }
0x4c: {  	_ =	shalt  }
0x4d: {  	_ =	shalt  }
0x4e: {  	_ =	shalt  }
0x4f: {  	_ =	shalt  }
0x50: {  	_ =	shalt  }
0x51: {  	_ =	shalt  }
0x52: {  	_ =	shalt  }
0x53: {  	_ =	shalt  }
0x54: {  	_ =	shalt  }
0x55: {  	_ =	shalt  }
0x56: {  	_ =	shalt  }
0x57: {  	_ =	shalt  }
0x58: {  	_ =	shalt  }
0x59: {  	_ =	shalt  }
0x5a: {  	_ =	shalt  }
0x5b: {  	_ =	shalt  }
0x5c: {  	_ =	shalt  }
0x5d: {  	_ =	shalt  }
0x5e: {  	_ =	shalt  }
0x5f: {  	_ =	shalt  }
0x60: {  	_ =	shalt  }
0x61: {  	_ =	shalt  }
0x62: {  	_ =	shalt  }
0x63: {  	_ =	shalt  }
0x64: {  	_ =	shalt  }
0x65: {  	_ =	shalt  }
0x66: {  	_ =	shalt  }
0x67: {  	_ =	shalt  }
0x68: {  	_ =	shalt  }
0x69: {  	_ =	shalt  }
0x6a: {  	_ =	shalt  }
0x6b: {  	_ =	shalt  }
0x6c: {  	_ =	shalt  }
0x6d: {  	_ =	shalt  }
0x6e: {  	_ =	shalt  }
0x6f: {  	_ =	shalt  }
0x70: {  	_ =	shalt  }
0x71: {  	_ =	shalt  }
0x72: {  	_ =	shalt  }
0x73: {  	_ =	shalt  }
0x74: {  	_ =	shalt  }
0x75: {  	_ =	shalt  }
0x76: {  	_ =	shalt  }
0x77: {  	_ =	shalt  }
0x78: {  	_ =	shalt  }
0x79: {  	_ =	shalt  }
0x7a: {  	_ =	shalt  }
0x7b: {  	_ =	shalt  }
0x7c: {  	_ =	shalt  }
0x7d: {  	_ =	shalt  }
0x7e: {  	_ =	shalt  }
0x7f: {  	_ =	shalt  }
0x80: {  	_ =	shalt  }
0x81: {  	_ =	shalt  }
0x82: {  	_ =	shalt  }
0x83: {  	_ =	shalt  }
0x84: {  	_ =	shalt  }
0x85: {  	_ =	shalt  }
0x86: {  	_ =	shalt  }
0x87: {  	_ =	shalt  }
.Lfunc_end0:
.L_simem_size_0:
called_computation.7_lowered:
.L_overlay_start_0:
0x88: {  	s2 =	sld [smem:$0x3FD9]  }
0x89: {  	s3 =	sld [smem:$0x3FFE];
	_ =	sdelay $0x1  }
0x8a: {  	s1 =	srdreg.scid  }
0x8b: {  	s0 =	sand.u32 $0x1, s1  }
0x8c: {  	s17 =	sshll.u32 s0, $0xA;
	s2 =	sadd.s32 s3, s2  }
0x8d: {  	s2 =	sadd.s32 s2, s17  }
0x8e: {  	[smem:$0x3FBC] =	sst s2  }
0x8f: {  	_ = 	snop  }
0x90: {  	(tm) =	ssettm $0x1  }
0x91: {  	s18 =	sld [smem:$0x3FFB];
	_ =	sdelay $0x3  }
0x92: {  	_ =	strace s18  }
0x93: {  	s2 =	sld [smem:$0x3FFC];
	_ =	sdelay $0x3  }
0x94: {  	_ =	strace s2  }
0x95: {  	s2 =	sld [smem:$0x3FFD];
	_ =	sdelay $0x3  }
0x96: {  	_ =	strace s2  }
0x97: {  	_ =	strace $0x8FFFFFFF  }
0x98: {  	s19 =	sld [smem:$0x3FDB];
	_ =	sdelay $0x1  }
0x99: {  	s20 =	simm.s32 $_scs_section_size  }
0x9a: {  	s4 =	simm.s32 $_size__tile_overlayer_lowered;
	s5 =	simm.s32 $_tile_overlayer_lowered  }
0x9b: {  	s6 =	simm.s32 $0x1BFF;
	s21 =	sshll.u32 s5, $0x1;
	s3 =	sadd.s32 s20, s19  }
0x9c: {  	s22 =	simm.s32 $0x0;
	s4 =	sshll.u32 s4, $0x1;
	s5 =	sadd.s32 s21, s3  }
0x9d: {  	[timem:s22], [sflag:s6] =	dma.local [hbm:s5], s4  }
0x9e: {  	_ =	swait.ge [sflag:s6], s4  }
0x9f: {  	s4 =	ssub.s32 $0x0, s4;
	[sflag:s6] =	ssyncset.done $0x0  }
0xa0: {  	[sflag:s6] =	ssyncadd.s32 s4;
	_ =	sdelay $0x1  }
0xa1: {  	s23 =	simm.s32 $0x1B8B  }
0xa2: {  	_ =	swait.ge [sflag:s23], $0x1  }
0xa3: {  	[sflag:s23] =	ssyncset.done $0x0  }
0xa4: {  	[sflag:s23] =	ssyncadd.s32 $0xFFFFFFFF  }
0xa5: {  	s4 =	sld [smem:$0x0]  }
0xa6: {  	s5 =	sand.u32 $0xFFFFFFFE, s1  }
0xa7: {  	p0 =	sne.s32 s1, s5  }
0xa8: {  	s5 =	sshll.u32 @p0 s5, $0xE  }
0xa9: {  	s5 =	sadd.s32 @p0 $0x11B8D, s5;
	s6 =	sshll.u32 @p0 s4, $0x11  }
0xaa: {  	s5 =	sor.u32 @p0 s6, s5  }
0xab: {  	[sflag:s5] =	ssyncadd.remote.s32 @p0 $0x1;
	_ =	sdelay $0x1  }
0xac: {  	s5 =	simm.s32 @p0 $0x1B8D  }
0xad: {  	_ =	swait.eq @p0 [sflag:s5], $0x1  }
0xae: {  	[sflag:s5] =	ssyncadd.s32 @p0 $0xFFFFFFFF  }
0xaf: {  	s6 =	sshll.u32 @!p0 s1, $0xE  }
0xb0: {  	s6 =	sor.u32 @!p0 $0x4000, s6;
	s5 =	simm.s32 @!p0 $0x1B8D  }
0xb1: {  	s4 =	sshll.u32 @!p0 s4, $0x11;
	s6 =	sadd.s32 @!p0 $0x11B8D, s6;
	_ =	swait.eq @!p0 [sflag:s5], $0x1  }
0xb2: {  	s4 =	sor.u32 @!p0 s4, s6;
	[sflag:s5] =	ssyncadd.s32 @!p0 $0xFFFFFFFF  }
0xb3: {  	s25 =	simm.s32 $0x1B8E;
	s24 =	sld [smem:$0x3FFE];
	[sflag:s4] =	ssyncadd.remote.s32 @!p0 $0x1  }
0xb4: {  	s26 =	simm.s32 $execute0_lowered;
	[smem:$0x3FD2] =	sst s25  }
0xb5: {  	s5 =	sshll.u32 s26, $0x1;
	_ =	strace $0x80000049;
	[dreg:$0x1] =	wrdreg $0xFFFFFFFF  }
0xb6: {  	s28 =	simm.s32 $_size_execute0_lowered;
	s3 =	sadd.s32 s3, s5;
	[dreg:$0x0] =	wrdreg $0x0  }
0xb7: {  	s5 =	sshll.u32 s28, $0x1;
	[dreg:$0x2] =	wrdreg s3  }
0xb8: {  	[dreg:$0x3] =	wrdreg s5  }
0xb9: {  	[dreg:$0x4] =	wrdreg $0xC0  }
0xba: {  	_ =	task [dreg:s22], $0x5FFFF  }
0xbb: {  	[dreg:$0x1] =	wrdreg $0xFFFFFFFF  }
0xbc: {  	[dreg:$0x0] =	wrdreg $0x60  }
0xbd: {  	[dreg:$0x2] =	wrdreg s24  }
0xbe: {  	[dreg:$0x3] =	wrdreg $0xA  }
0xbf: {  	_ =	task.clear_ibuf [dreg:s22], $0x4FFFF;
	_ =	strace $0x90000049  }
0xc0: {  	s29 =	simm.s32 $0xA;
	_ =	strace $0x8000004B  }
0xc1: {  	_ =	swait.ge [sflag:s29], $0x1  }
0xc2: {  	[sflag:s29] =	ssyncadd.s32 $0xFFFFFFFF  }
0xc3: {  	_ =	strace $0x9000004B  }
0xc4: {  	_ =	sfence  }
0xc5: {  	s30 =	sld [smem:$0x0];
	_ =	sdelay $0x2  }
0xc6: {  	s31 =	sshll.u32 s1, $0xD;
	s1 =	sshrl.u32 s1, $0x2  }
0xc7: {  	s4 =	sand.u32 $0x4000, s31;
	s1 =	sadd.s32 s1, s30  }
0xc8: {  	s0 =	sor.u32 s4, s0;
	s1 =	sshll.u32 s1, $0x11  }
0xc9: {  	s0 =	sor.u32 s1, s0  }
0xca: {  	s0 =	sadd.s32 $0x8F2B, s0  }
0xcb: {  	[sflag:s0] =	ssyncadd.remote.s32 $0x1  }
0xcc: {  	_ =	sfence.sel $0xFFFF  }
0xcd: {  	[dreg:$0x0] =	wrdreg $0xFFFFFFFF;
	(pc) =	sbr.abs _section_cstart, $3  }
0xce: {  	[dreg:$0x1] =	wrdreg $0xFFFFFFFF  }
0xcf: {  	_ =	task.clear_ibuf [dreg:s22], $0x2FFFF;
	_ =	strace $0x9FFFFFFF  }
0xd0: {  	(tm) =	ssettm $0x7FFFFFFF  }
0xd1: {  	_ =	shalt  }
tec
execute0_lowered:
.L_overlay_start_1:
0x0: {  	(tag) =	ssettag $0x1  }
0x1: {  	s8 =	rddreg [dreg:$0x0]  }
0x2: {  	s0 =	rddreg [dreg:$0x1];
	_ =	strace $0x8000004A;
	s1 =	stileid.u32  }
0x3: {  	s3 =	srdreg.scid;
	s4 =	simm.s32 $0x1;
	s7 =	simm.s32 $0x1  }
0x4: {  	s9 =	simm.s32 $0x1;
	s10 =	simm.s32 $0x3;
	s13 =	simm.s32 $0x0  }
0x5: {  	s12 =	simm.s32 $0x0;
	s5 =	sand.u32 $0x1, s3;
	s6 =	sshll.u32 s1, $0x1  }
0x6: {  	s2 =	sadd.s32 $0x2A2600, s8;
	s3 =	sadd.s32 $0x284C00, s8;
	s5 =	sor.u32 s6, s5  }
.Ltmp0:
0x7: {  	[sflag:s4] =	ssyncpa.u1 $0x0;
	p0 =	slt.u32 s5, $0x9;
	(pc) =	sbr.rel .LBB2_1-.Ltmp0, $4  }
0x8: {  	s6 =	simm.s32 $0x2;
	s7 =	simm.s32 @!p0 $0x0;
	p0 =	sne.s32 s5, $0x8  }
0x9: {  	[sflag:s6] =	ssyncpa.u1 $0x0;
	s5 =	smul.u32 $0x1F40, s5;
	s9 =	simm.s32 @!p0 $0x0  }
0xa: {  	s8 =	sadd.s32 $0x78E400, s8;
	[sflag:s10] =	ssyncpa.u1 $0x0;
	s7 =	sadd.s32 s9, s7  }
0xb: {  	vm0 =	vmmov $0xffff;
	s10 =	simm.s32 $0x0;
	s11 =	smov.u32 s5;
	s9 =	sadd.s32 $0x1, s7  }
.LBB2_4:
0xc: {  	v5 =	vshrl.u32 v1, $0x12;
	v6 =	vshll.u32 v1, $0x7  }
0xd: {  	vm1 =	veq.s32 v1, $0x80000000;
	v58 =	vand.u32 $0x3, v5;
	v59 =	vand.u32 $0x1FFFF80, v6  }
0xe: {  	v1 =	vsel vm1, $0xFFFFFFFF, v58;
	v5 =	vsel vm1, $0xFFFFFF80, v59  }
0xf: {  	v3 =	vor.u32 v4, v3;
	v60 =	vand.u32 $0xFFFFFC00, v5;
	v61 =	vand.u32 $0xFFFFFC00, v1  }
0x10: {  	v2 =	vor.u32 v2, v3;
	v63 =	vand.u32 $0x380, v5;
	v62 =	vadd.s32 v61, v60  }
0x11: {  	v1 =	vand.u32 $0x7F, v1;
	v3 =	vor.u32 v63, v62  }
0x12: {  	v1 =	vor.u32 v1, v3  }
0x13: {  	[tilespmem:s17], [sflag:$0x1] =	stream.indirect_vreg.gather [hbm4b:s2+s10], $0x1, v0, vm0, $0x4038;
	[tilespmem:$0x7D00] =	vst v63  }
0x14: {  	(ifvalue) =	ssetifvalue $0x7FFFFFFF  }
0x15: {  	[tilespmem:s15], [sflag:$0x1] =	stream.indirect_vreg.gather [hbm4b:s2+s10], $0x1, v2, vm0, $0x4038;
	[tilespmem:$0x7D00] =	vst v63  }
0x16: {  	s29 =	sadd.s32 $0x10, s15;
	(ifvalue) =	ssetifvalue $0x7FFFFFFF  }
0x17: {  	[tilespmem:s29], [sflag:$0x1] =	stream.indirect_vreg.gather [hbm4b:s2+s10], $0x1, v1, vm0, $0x4038;
	[tilespmem:$0x7D00] =	vst v63  }
0x18: {  	_ =	swait.ge [sflag:s4], $0x1F40  }
0x19: {  	s30 =	sshrl.u32 s13, $0x3;
	[sflag:s4] =	ssyncset.done $0x0  }
0x1a: {  	s31 =	sand.u32 $0x7, s13;
	s15 =	sadd.s32 s8, s30;
	[sflag:s4] =	ssyncadd.s32 $0xFFFFE0C0  }
0x1b: {  	[hbm4b:s15+s31] =	stream.linear.scatter [tilespmem:s14], [sflag:$0x3], $0x1F40, $0x38;
	[tilespmem:$0x7D00] =	vst v63  }
.LBB2_5:
0x1c: {  	s15 =	sadd.s32 $0x3E800, s11  }
0x1d: {  	p1 =	sgt.s32 s15, $0x4E1FF  }
0x1e: {  	s15 =	smov.u32 @p1 s5;
	p1 =	sne.s32 s12, s9  }
.Ltmp1:
0x1f: {  	p0 =	slt.u32 s12, $0x2;
	(pc) =	sbr.rel @!p1 .LBB2_6-.Ltmp1, $4  }
0x20: {  	s14 =	simm.s32 @!p0 $0x3  }
0x21: {  	_ =	swait.ge @!p0 [sflag:s14], $0x1F40  }
0x22: {  	s16 =	sadd.s32 $0x1, s12;
	s13 =	smov.u32 s11;
	[sflag:s14] =	ssyncset.done @!p0 $0x0  }
0x23: {  	s12 =	smov.u32 s16;
	s11 =	smov.u32 s15;
	[sflag:s14] =	ssyncadd.s32 @!p0 $0xFFFFE0C0  }
.LBB2_1:
0x24: {  	p0 =	sge.u32 s12, s7  }
0x25: {  	s14 =	sxor.u32 @!p0 $0x1, s12  }
0x26: {  	s14 =	smul.u32 @!p0 $0x7D00, s14  }
0x27: {  	s31 =	sadd.s32 $0xFFFFFFFF, s12;
	s15 =	sshrl.u32 @!p0 s11, $0x3  }
0x28: {  	s16 =	sand.u32 @!p0 $0x7, s11;
	s15 =	sadd.s32 @!p0 s3, s15;
	s14 =	sshra.s32 @!p0 s14, $0x2  }
0x29: {  	[tilespmem:s14], [sflag:$0x2] =	stream.linear.gather @!p0 [hbm4b:s15+s16], $0x1F40, $0x38;
	[tilespmem:$0x7D00] =	vst v63  }
0x2a: {  	p0 =	sge.u32 s31, s7  }
.Ltmp2:
0x2b: {  	_ = 	snop;
	(pc) =	sbr.rel @p0 .LBB2_5-.Ltmp2, $1  }
0x2c: {  	_ =	sdelay $0x3  }
0x2d: {  	s14 =	sand.u32 $0x1, s12  }
0x2e: {  	_ =	swait.ge [sflag:s6], $0x1F40;
	p0 =	seq.s32 s14, $0x1;
	s14 =	simm.s32 $0x1F40  }
0x2f: {  	[sflag:s6] =	ssyncset.done $0x0;
	s14 =	simm.s32 @!p0 $0x0  }
0x30: {  	[sflag:s6] =	ssyncadd.s32 $0xFFFFE0C0;
	(ifvalue) =	ssetifvalue $0x7FFFFFFF;
	v0 =	vld.msk [tilespmem:s14+$0x0 ss:$0x1], $0xffff;
	_ =	sdelay $0x4  }
0x31: {  	s15 =	sadd.s32 $0x10, s14;
	v2 =	vshrl.u32 v0, $0x12;
	v3 =	vshll.u32 v0, $0x7  }
0x32: {  	v1 =	vld.msk [tilespmem:s15+$0x0 ss:$0x1], $0xffff;
	vm1 =	veq.s32 v0, $0x80000000;
	v0 =	vand.u32 $0x3, v2;
	v2 =	vand.u32 $0x1FFFF80, v3  }
0x33: {  	v0 =	vsel vm1, $0xFFFFFFFF, v0;
	v2 =	vsel vm1, $0xFFFFFF80, v2  }
0x34: {  	v3 =	vand.u32 $0xFFFFFC00, v2;
	v4 =	vand.u32 $0xFFFFFC00, v0  }
0x35: {  	v2 =	vand.u32 $0x380, v2;
	v3 =	vadd.s32 v4, v3  }
0x36: {  	v0 =	vand.u32 $0x7F, v0;
	v2 =	vor.u32 v2, v3  }
0x37: {  	v5 =	vshll.u32 v1, $0x7;
	v4 =	vshrl.u32 v1, $0x12;
	v0 =	vor.u32 v0, v2  }
0x38: {  	vm1 =	veq.s32 v1, $0x80000000;
	v1 =	vand.u32 $0x3, v4;
	v4 =	vand.u32 $0x1FFFF80, v5  }
0x39: {  	s14 =	sadd.s32 $0x3E80, s14;
	s15 =	sadd.s32 $0x10, s15;
	v3 =	vsel vm1, $0xFFFFFFFF, v1;
	v4 =	vsel vm1, $0xFFFFFF80, v4  }
0x3a: {  	s16 =	simm.s32 $0x20;
	s17 =	smov.u32 s14;
	v1 =	vld.msk [tilespmem:s15+$0x0 ss:$0x1], $0xffff;
	v5 =	vand.u32 $0xFFFFFC00, v4;
	v6 =	vand.u32 $0xFFFFFC00, v3  }
0x3b: {  	s18 =	sadd.s32 $0x10, s15;
	(ifvalue) =	ssetifvalue $0x7FFFFFFF;
	s15 =	sadd.s32 $0x10, s14;
	v2 =	vand.u32 $0x7F, v3;
	v4 =	vand.u32 $0x380, v4;
	v3 =	vadd.s32 v6, v5  }
.LBB2_3:
0x3c: {  	[tilespmem:s17], [sflag:$0x1] =	stream.indirect_vreg.gather [hbm4b:s2+s10], $0x1, v0, vm0, $0x4038;
	[tilespmem:$0x7D00] =	vst v63  }
0x3d: {  	s16 =	sadd.s32 $0x10, s16  }
0x3e: {  	v3 =	vor.u32 v4, v3;
	p0 =	slt.u32 s16, $0x1F30  }
.Ltmp3:
0x3f: {  	v4 =	vshrl.u32 v1, $0x12;
	v5 =	vshll.u32 v1, $0x7;
	s17 =	smov.u32 s15;
	v0 =	vor.u32 v2, v3;
	v2 =	vmovc v1;
	v1 =	vld.msk [tilespmem:s18+$0x0 ss:$0x1], $0xffff;
	(pc) =	sbr.rel @p0 .LBB2_3-.Ltmp3, $4  }
0x40: {  	v3 =	vand.u32 $0x1FFFF80, v5;
	vm1 =	veq.s32 v2, $0x80000000;
	v2 =	vand.u32 $0x3, v4  }
0x41: {  	v4 =	vsel vm1, $0xFFFFFFFF, v2;
	v5 =	vsel vm1, $0xFFFFFF80, v3  }
0x42: {  	v2 =	vand.u32 $0x7F, v4;
	v3 =	vand.u32 $0xFFFFFC00, v5;
	v4 =	vand.u32 $0xFFFFFC00, v4  }
0x43: {  	s15 =	sadd.s32 $0x10, s15;
	s18 =	sadd.s32 $0x10, s18;
	v3 =	vadd.s32 v4, v3;
	v4 =	vand.u32 $0x380, v5;
	(ifvalue) =	ssetifvalue $0x7FFFFFFF  }
.Ltmp4:
0x44: {  	_ = 	snop;
	(pc) =	sbr.rel .LBB2_4-.Ltmp4, $1  }
0x45: {  	_ =	sdelay $0x3  }
.LBB2_6:
0x46: {  	_ =	sfence.sel $0x180000  }
0x47: {  	s2 =	simm.s32 $0x2;
	[bflag:$0x0] =	sbarrier.arrive $0xFFFF  }
0x48: {  	s30 =	simm.s32 $0x3;
	[sflag:s2] =	ssyncpa.u1 $0x1  }
0x49: {  	s31 =	simm.s32 $0x1;
	[sflag:s30] =	ssyncpa.u1 $0x1  }
0x4a: {  	[sflag:s31] =	ssyncpa.u1 $0x1  }
0x4b: {  	p0 =	sne.s32 s1, $0x0;
	_ =	strace $0x9000004A  }
0x4c: {  	s0 =	sadd.s32 @!p0 $0x100000, s0;
	[bflag:$0x2] =	sbarrier.arrive $0xFFFF  }
0x4d: {  	[sflag:s0] =	ssyncadd.tile.s32 @!p0 $0x1;
	_ =	shalt  }
.Lfunc_end2:
_tile_overlayer_lowered:
.L_overlay_start_2:
0x4e: {  	(tag) =	ssettag $0x2  }
0x4f: {  	s0 =	rddreg [dreg:$0x0];
	s2 =	stileid.u32  }
0x50: {  	s1 =	rddreg [dreg:$0x1];
	p0 =	sne.s32 s2, $0x0  }
0x51: {  	s3 =	rddreg [dreg:$0x2];
	[bflag:$0x3] =	sbarrier.arrive $0xFFFF;
	s2 =	simm.s32 @!p0 $0x1C01  }
0x52: {  	[timem:s3], [sflag:s2] =	dma.local @!p0 [hbm:s0], s1  }
0x53: {  	s0 =	simm.s32 @!p0 $0x1  }
0x54: {  	_ =	swait.ge @!p0 [sflag:s0], s1  }
0x55: {  	s1 =	ssub.s32 @!p0 $0x0, s1;
	[sflag:s0] =	ssyncset.done @!p0 $0x0  }
0x56: {  	[sflag:s0] =	ssyncadd.s32 @!p0 s1  }
0x57: {  	[bflag:$0x3] =	sbarrier.arrive $0xFFFF  }
0x58: {  	_ =	shalt  }

// kernel: gather_offload_async_start
scs
__scs_entry_jumppad:
0x0: {  	(pc) =	sbr.rel $0x88, $3  }
0x1: {  	(tag) =	ssettag $0x0;
	lr =	simm.s32 $0x1  }
0x2: {  	[smem:$0x3F95] =	sst lr;
	_ =	strace $0xD0000000  }
0x3: {  	_ = 	snop  }
0x4: {  	_ = 	snop  }
0x5: {  	_ = 	snop  }
0x6: {  	_ = 	snop  }
0x7: {  	_ = 	snop  }
__scs_overlays_trampoline_lowered:
0x8: {  	[smem:$0x3FA4] =	sst s0  }
0x9: {  	[smem:$0x3FA5] =	sst s1  }
0xa: {  	[smem:$0x3FA6] =	sst s2  }
0xb: {  	[smem:$0x3FA7] =	sst s3  }
0xc: {  	[smem:$0x3FA8] =	sst s4  }
0xd: {  	[smem:$0x3FA9] =	sst s5  }
0xe: {  	[smem:$0x3FAA] =	sst s6  }
0xf: {  	[smem:$0x3FAB] =	sst s7  }
0x10: {  	[smem:$0x3FAC] =	sst s8  }
0x11: {  	[smem:$0x3FAD] =	sst s9;
	s0 =	simm.s32 @!p0 $0x0  }
0x12: {  	s1 =	sld [smem:$0x3F93];
	s0 =	simm.s32 @p0 $0x1  }
0x13: {  	[smem:$0x3FAE] =	sst s0;
	s0 =	simm.s32 @!p1 $0x0  }
0x14: {  	s2 =	sld [smem:$0x3F92];
	s0 =	simm.s32 @p1 $0x1  }
0x15: {  	[smem:$0x3FAF] =	sst s0;
	s0 =	simm.s32 @!p2 $0x0  }
0x16: {  	s3 =	sld [smem:$0x3FDB];
	s0 =	simm.s32 @p2 $0x1  }
0x17: {  	s4 =	simm.s32 $0x1BF5;
	[smem:$0x3FB1] =	sst s0  }
0x18: {  	s0 =	sld [smem:$0x3F94];
	_ =	swait.ge [sflag:s4], $0x0  }
0x19: {  	s7 =	sld [smem:$0x3F95]  }
0x1a: {  	s8 =	sadd.s32 $0xFFFFE003, lr  }
0x1b: {  	s9 =	sadd.s32 $0xFFFFFEF7, lr;
	s5 =	simm.s32 $0xFFFFFFFF;
	p2 =	slt.u32 s8, $0xFFFFF086  }
0x1c: {  	p1 =	slt.u32 s9, $0xF7A;
	s5 =	simm.s32 @!p2 $0x0  }
0x1d: {  	s5 =	simm.s32 @p1 $0x1;
	p0 =	seq.s32 s7, s2  }
0x1e: {  	s7 =	smul.u32 @!p0 $0xF7A, s2;
	p2 =	seq.s32 @!p0 s5, $0x0  }
0x1f: {  	s9 =	smul.u32 $0xF7A, s1;
	s8 =	simm.s32 @!p0 $0x1BF5;
	p2 =	por !p2, p0  }
0x20: {  	[sflag:s8] =	ssyncset.s32 @!p0 $0xFFFFF086;
	s6 =	sadd.s32 @!p0 s3, s7;
	s7 =	simm.s32 @!p0 $0x108  }
0x21: {  	s3 =	sadd.s32 s3, s9;
	s6 =	sadd.s32 @!p0 $0x88, s6;
	s7 =	simm.s32 @p2 $0x1082  }
0x22: {  	[simem:s7], [sflag:s8] =	dma.local @!p0 [hbm:s6], $0xF7A  }
0x23: {  	s9 =	sor.u32 $0xD0000000, s2;
	s6 =	simm.s32 $0x108;
	_ =	swait.ge @!p0 [sflag:s8], $0x0  }
0x24: {  	s3 =	sadd.s32 $0x88, s3;
	s6 =	simm.s32 @!p1 $0x1082;
	[sflag:s4] =	ssyncset.s32 $0xFFFFF086  }
0x25: {  	[simem:s6], [sflag:s4] =	dma.local [hbm:s3], $0xF7A  }
0x26: {  	[smem:$0x3F95] =	sst s1;
	(tag) =	ssettag s2;
	_ =	strace s9  }
0x27: {  	s1 =	sld [smem:$0x3FA5]  }
0x28: {  	s2 =	sld [smem:$0x3FA6]  }
0x29: {  	s4 =	sld [smem:$0x3FA8]  }
0x2a: {  	p0 =	seq.s32 s5, $0x0;
	s5 =	sld [smem:$0x3FA9]  }
0x2b: {  	s6 =	sld [smem:$0x3FAA]  }
0x2c: {  	s7 =	sld [smem:$0x3FAB]  }
0x2d: {  	s3 =	simm.s32 $0x108;
	s8 =	sld [smem:$0x3FAC]  }
0x2e: {  	s3 =	simm.s32 @!p0 $0x1082;
	s9 =	sld [smem:$0x3FAD]  }
0x2f: {  	lr =	sadd.s32 s0, s3;
	s0 =	sld [smem:$0x3FA4]  }
0x30: {  	s3 =	sld [smem:$0x3FA7]  }
0x31: {  	[smem:$0x3FB0] =	sst s10  }
0x32: {  	s10 =	sld [smem:$0x3FAE];
	_ =	sdelay $0x3  }
0x33: {  	p0 =	seq.s32 s10, $0x1;
	s10 =	sld [smem:$0x3FB0];
	_ =	sdelay $0x3  }
0x34: {  	[smem:$0x3FB0] =	sst s10  }
0x35: {  	s10 =	sld [smem:$0x3FAF];
	_ =	sdelay $0x3  }
0x36: {  	p1 =	seq.s32 s10, $0x1;
	s10 =	sld [smem:$0x3FB0];
	_ =	sdelay $0x3  }
0x37: {  	[smem:$0x3FB0] =	sst s10  }
0x38: {  	s10 =	sld [smem:$0x3FB1]  }
0x39: {  	_ = 	snop;
	(pc) =	sbr.ind lr, $3  }
0x3a: {  	_ = 	snop  }
0x3b: {  	_ = 	snop  }
0x3c: {  	p2 =	seq.s32 s10, $0x1;
	s10 =	sld [smem:$0x3FB0]  }
0x3d: {  	_ =	shalt  }
0x3e: {  	_ =	shalt  }
0x3f: {  	_ =	shalt  }
0x40: {  	_ =	shalt  }
0x41: {  	_ =	shalt  }
0x42: {  	_ =	shalt  }
0x43: {  	_ =	shalt  }
0x44: {  	_ =	shalt  }
0x45: {  	_ =	shalt  }
0x46: {  	_ =	shalt  }
0x47: {  	_ =	shalt  }
0x48: {  	_ =	shalt  }
0x49: {  	_ =	shalt  }
0x4a: {  	_ =	shalt  }
0x4b: {  	_ =	shalt  }
0x4c: {  	_ =	shalt  }
0x4d: {  	_ =	shalt  }
0x4e: {  	_ =	shalt  }
0x4f: {  	_ =	shalt  }
0x50: {  	_ =	shalt  }
0x51: {  	_ =	shalt  }
0x52: {  	_ =	shalt  }
0x53: {  	_ =	shalt  }
0x54: {  	_ =	shalt  }
0x55: {  	_ =	shalt  }
0x56: {  	_ =	shalt  }
0x57: {  	_ =	shalt  }
0x58: {  	_ =	shalt  }
0x59: {  	_ =	shalt  }
0x5a: {  	_ =	shalt  }
0x5b: {  	_ =	shalt  }
0x5c: {  	_ =	shalt  }
0x5d: {  	_ =	shalt  }
0x5e: {  	_ =	shalt  }
0x5f: {  	_ =	shalt  }
0x60: {  	_ =	shalt  }
0x61: {  	_ =	shalt  }
0x62: {  	_ =	shalt  }
0x63: {  	_ =	shalt  }
0x64: {  	_ =	shalt  }
0x65: {  	_ =	shalt  }
0x66: {  	_ =	shalt  }
0x67: {  	_ =	shalt  }
0x68: {  	_ =	shalt  }
0x69: {  	_ =	shalt  }
0x6a: {  	_ =	shalt  }
0x6b: {  	_ =	shalt  }
0x6c: {  	_ =	shalt  }
0x6d: {  	_ =	shalt  }
0x6e: {  	_ =	shalt  }
0x6f: {  	_ =	shalt  }
0x70: {  	_ =	shalt  }
0x71: {  	_ =	shalt  }
0x72: {  	_ =	shalt  }
0x73: {  	_ =	shalt  }
0x74: {  	_ =	shalt  }
0x75: {  	_ =	shalt  }
0x76: {  	_ =	shalt  }
0x77: {  	_ =	shalt  }
0x78: {  	_ =	shalt  }
0x79: {  	_ =	shalt  }
0x7a: {  	_ =	shalt  }
0x7b: {  	_ =	shalt  }
0x7c: {  	_ =	shalt  }
0x7d: {  	_ =	shalt  }
0x7e: {  	_ =	shalt  }
0x7f: {  	_ =	shalt  }
0x80: {  	_ =	shalt  }
0x81: {  	_ =	shalt  }
0x82: {  	_ =	shalt  }
0x83: {  	_ =	shalt  }
0x84: {  	_ =	shalt  }
0x85: {  	_ =	shalt  }
0x86: {  	_ =	shalt  }
0x87: {  	_ =	shalt  }
.Lfunc_end0:
.L_simem_size_0:
called_computation.2_lowered:
.L_overlay_start_0:
0x88: {  	s2 =	sld [smem:$0x3FD9]  }
0x89: {  	s3 =	sld [smem:$0x3FFE];
	_ =	sdelay $0x1  }
0x8a: {  	s1 =	srdreg.scid  }
0x8b: {  	s0 =	sand.u32 $0x1, s1  }
0x8c: {  	s16 =	sshll.u32 s0, $0xA;
	s2 =	sadd.s32 s3, s2  }
0x8d: {  	s2 =	sadd.s32 s2, s16  }
0x8e: {  	[smem:$0x3FBC] =	sst s2  }
0x8f: {  	_ = 	snop  }
0x90: {  	(tm) =	ssettm $0x1  }
0x91: {  	s17 =	sld [smem:$0x3FFB];
	_ =	sdelay $0x3  }
0x92: {  	_ =	strace s17  }
0x93: {  	s2 =	sld [smem:$0x3FFC];
	_ =	sdelay $0x3  }
0x94: {  	_ =	strace s2  }
0x95: {  	s2 =	sld [smem:$0x3FFD];
	_ =	sdelay $0x3  }
0x96: {  	_ =	strace s2  }
0x97: {  	_ =	strace $0x8FFFFFFF  }
0x98: {  	s18 =	sld [smem:$0x3FDB];
	_ =	sdelay $0x1  }
0x99: {  	s19 =	simm.s32 $_scs_section_size  }
0x9a: {  	s4 =	simm.s32 $_size__tile_overlayer_lowered;
	s5 =	simm.s32 $_tile_overlayer_lowered  }
0x9b: {  	s22 =	simm.s32 $0x1BFF;
	s21 =	sshll.u32 s5, $0x1;
	s2 =	sadd.s32 s19, s18  }
0x9c: {  	s6 =	simm.s32 $0x0;
	s20 =	sshll.u32 s4, $0x1;
	s4 =	sadd.s32 s21, s2  }
0x9d: {  	[timem:s6], [sflag:s22] =	dma.local [hbm:s4], s20  }
0x9e: {  	_ =	swait.ge [sflag:s22], s20  }
0x9f: {  	s3 =	ssub.s32 $0x0, s20;
	[sflag:s22] =	ssyncset.done $0x0  }
0xa0: {  	[sflag:s22] =	ssyncadd.s32 s3;
	_ =	sdelay $0x1  }
0xa1: {  	s23 =	simm.s32 $0x1B8B  }
0xa2: {  	_ =	swait.ge [sflag:s23], $0x1  }
0xa3: {  	[sflag:s23] =	ssyncset.done $0x0  }
0xa4: {  	s25 =	simm.s32 $0x1B8E;
	s24 =	sld [smem:$0x3FFE];
	[sflag:s23] =	ssyncadd.s32 $0xFFFFFFFF  }
0xa5: {  	s26 =	simm.s32 $execute0_lowered;
	[smem:$0x3FD2] =	sst s25  }
0xa6: {  	s4 =	sshll.u32 s26, $0x1;
	_ =	strace $0x80000052;
	[dreg:$0x1] =	wrdreg $0xFFFFFFFF  }
0xa7: {  	s28 =	simm.s32 $_size_execute0_lowered;
	s2 =	sadd.s32 s2, s4;
	[dreg:$0x0] =	wrdreg $0x0  }
0xa8: {  	s4 =	sshll.u32 s28, $0x1;
	[dreg:$0x2] =	wrdreg s2  }
0xa9: {  	[dreg:$0x3] =	wrdreg s4  }
0xaa: {  	[dreg:$0x4] =	wrdreg $0xC0  }
0xab: {  	_ =	task [dreg:s6], $0x5FFFF  }
0xac: {  	[dreg:$0x1] =	wrdreg $0xFFFFFFFF  }
0xad: {  	[dreg:$0x0] =	wrdreg $0x60  }
0xae: {  	[dreg:$0x2] =	wrdreg s24  }
0xaf: {  	[dreg:$0x3] =	wrdreg $0x9  }
0xb0: {  	_ =	task.clear_ibuf [dreg:s6], $0x4FFFF;
	_ =	strace $0x90000052  }
0xb1: {  	s29 =	simm.s32 $0x9;
	_ =	strace $0x80000054  }
0xb2: {  	_ =	swait.ge [sflag:s29], $0x1  }
0xb3: {  	[sflag:s29] =	ssyncadd.s32 $0xFFFFFFFF  }
0xb4: {  	_ =	strace $0x90000054  }
0xb5: {  	_ =	sfence  }
0xb6: {  	s30 =	sld [smem:$0x0];
	_ =	sdelay $0x2  }
0xb7: {  	s31 =	sshll.u32 s1, $0xD;
	s1 =	sshrl.u32 s1, $0x2  }
0xb8: {  	s3 =	sand.u32 $0x4000, s31;
	s1 =	sadd.s32 s1, s30  }
0xb9: {  	s0 =	sor.u32 s3, s0;
	s1 =	sshll.u32 s1, $0x11  }
0xba: {  	s0 =	sor.u32 s1, s0  }
0xbb: {  	s0 =	sadd.s32 $0x8F2B, s0  }
0xbc: {  	[sflag:s0] =	ssyncadd.remote.s32 $0x1  }
0xbd: {  	_ =	sfence.sel $0xFFFF  }
0xbe: {  	[dreg:$0x0] =	wrdreg $0xFFFFFFFF;
	(pc) =	sbr.abs _section_cstart, $3  }
0xbf: {  	[dreg:$0x1] =	wrdreg $0xFFFFFFFF  }
0xc0: {  	_ =	task.clear_ibuf [dreg:s6], $0x2FFFF;
	_ =	strace $0x9FFFFFFF  }
0xc1: {  	(tm) =	ssettm $0x7FFFFFFF  }
tec
execute0_lowered:
.L_overlay_start_1:
0x0: {  	(tag) =	ssettag $0x1  }
0x1: {  	s0 =	srdreg.scid  }
0x2: {  	s1 =	sshll.u32 s0, $0x4  }
0x3: {  	s0 =	stileid.u32;
	s1 =	sand.u32 $0x10, s1  }
0x4: {  	s1 =	sor.u32 s0, s1  }
0x5: {  	s2 =	smul.u32 $0x1F, s1  }
0x6: {  	s3 =	smin.u32 s1, $0x8  }
0x7: {  	s2 =	sadd.s32 s3, s2  }
0x8: {  	p0 =	slt.u32 s1, $0x8;
	s1 =	simm.s32 $0x2800;
	s2 =	smul.u32 $0x140, s2  }
0x9: {  	s1 =	simm.s32 @!p0 $0x26C0  }
0xa: {  	s1 =	sadd.s32 s1, s2  }
0xb: {  	s3 =	smin.u32 s1, $0x4E200  }
0xc: {  	s7 =	ssub.s32 s3, s2  }
0xd: {  	p0 =	sgt.s32 s7, $0x0  }
0xe: {  	s7 =	simm.s32 @!p0 $0x0  }
0xf: {  	s4 =	smulhi.u32 $0x66666667, s7  }
0x10: {  	s9 =	rddreg [dreg:$0x0];
	s6 =	simm.s32 $0x1;
	s11 =	simm.s32 $0x3  }
0x11: {  	s13 =	simm.s32 $0x0;
	s12 =	simm.s32 $0x0;
	s8 =	sshrl.u32 s4, $0x7  }
0x12: {  	s1 =	rddreg [dreg:$0x1];
	_ =	strace $0x80000053;
	s10 =	smul.u32 $0x140, s8  }
.Ltmp0:
0x13: {  	s5 =	sadd.s32 $0x271000, s9;
	[sflag:s6] =	ssyncpa.u1 $0x0;
	(pc) =	sbr.rel .LBB2_1-.Ltmp0, $4  }
0x14: {  	s4 =	sadd.s32 $0x513600, s9;
	p0 =	sne.s32 s7, s10;
	s10 =	simm.s32 $0x1  }
0x15: {  	s9 =	sadd.s32 $0x1148600, s9;
	s7 =	simm.s32 $0x2;
	s10 =	simm.s32 @!p0 $0x0  }
0x16: {  	[sflag:s7] =	ssyncpa.u1 $0x0;
	p0 =	por $0x0, $0x0;
	s8 =	sadd.s32 s10, s8  }
0x17: {  	vm0 =	vmmov $0xff;
	vm1 =	vcmask $0x3F20;
	[sflag:s11] =	ssyncpa.u1 $0x0;
	s11 =	smov.u32 s2;
	s10 =	sadd.s32 $0x1, s8  }
.LBB2_6:
0x18: {  	[hbm:s17] =	stream.linear.scatter [tilespmem:s14], [sflag:$0x3], $0x400, $0x38;
	[tilespmem:$0x14280] =	vst v63  }
.LBB2_7:
0x19: {  	s13 =	sadd.s32 $0x140, s11  }
0x1a: {  	s15 =	smov.u32 s2;
	p2 =	slt.s32 s13, s3  }
0x1b: {  	s15 =	smov.u32 @p2 s13;
	p2 =	sne.s32 s12, s10  }
.Ltmp1:
0x1c: {  	p1 =	slt.u32 s12, $0x2;
	(pc) =	sbr.rel @!p2 .LBB2_8-.Ltmp1, $4  }
0x1d: {  	s14 =	simm.s32 @!p1 $0x3  }
0x1e: {  	s16 =	sadd.s32 $0x1, s12;
	_ =	swait.ge @!p1 [sflag:s14], $0xA000  }
0x1f: {  	p0 =	por !p0, !p0;
	s13 =	smov.u32 s11;
	[sflag:s14] =	ssyncset.done @!p1 $0x0  }
0x20: {  	s12 =	smov.u32 s16;
	s11 =	smov.u32 s15;
	[sflag:s14] =	ssyncadd.s32 @!p1 $0xFFFF6000  }
.LBB2_1:
0x21: {  	p1 =	sge.u32 s12, s8  }
0x22: {  	s14 =	sxor.u32 @!p1 $0xFFFFFFFF, s12  }
0x23: {  	s14 =	sand.u32 @!p1 $0x1, s14  }
0x24: {  	s14 =	smul.u32 @!p1 $0x500, s14  }
0x25: {  	s31 =	sadd.s32 $0xFFFFFFFF, s12;
	s15 =	sshrl.u32 @!p1 s11, $0x3  }
0x26: {  	s16 =	sand.u32 @!p1 $0x7, s11;
	s15 =	sadd.s32 @!p1 s5, s15;
	s14 =	sshrl.u32 @!p1 s14, $0x2  }
0x27: {  	[tilespmem:s14], [sflag:$0x2] =	stream.linear.gather @!p1 [hbm4b:s15+s16], $0x140, $0x38;
	[tilespmem:$0x14280] =	vst v63  }
0x28: {  	p1 =	sge.u32 s31, s8  }
.Ltmp2:
0x29: {  	_ = 	snop;
	(pc) =	sbr.rel @p1 .LBB2_7-.Ltmp2, $1  }
0x2a: {  	_ =	sdelay $0x3  }
0x2b: {  	s14 =	simm.s32 $0x1  }
0x2c: {  	s14 =	simm.s32 @!p0 $0x0  }
0x2d: {  	s15 =	smul.u32 $0x500, s14  }
0x2e: {  	_ =	swait.ge [sflag:s7], $0x140  }
0x2f: {  	[sflag:s7] =	ssyncset.done $0x0;
	s16 =	sshrl.u32 s15, $0x2  }
0x30: {  	[sflag:s7] =	ssyncadd.s32 $0xFFFFFEC0;
	s15 =	sadd.s32 $0x0, s16  }
0x31: {  	v0 =	vld.msk [tilespmem:s15+$0x0 ss:$0x1], $0xffff;
	_ =	sdelay $0x4  }
0x32: {  	vm2 =	vgt.s32 v0, $0x0  }
0x33: {  	v0 =	vnsel vm2, $0x0, v0  }
0x34: {  	v0 =	vmin.u32 v0, $0x270FF  }
0x35: {  	v0 =	vshll.u32 v0, $0x4  }
0x36: {  	s14 =	smul.u32 $0x28000, s14;
	_ =	sdelay $0x1  }
0x37: {  	s14 =	sshrl.u32 s14, $0x2  }
0x38: {  	s14 =	sor.u32 $0x280, s14  }
0x39: {  	[tilespmem:s14], [sflag:$0x1] =	stream.indirect_vreg.gather [hbm:s4], $0x80, v0, vm0, $0x38;
	[tilespmem:$0x14280] =	vst v63  }
0x3a: {  	s17 =	sadd.s32 $0x10, s16;
	s15 =	sadd.s32 $0x400, s14  }
0x3b: {  	[tilespmem:s15], [sflag:$0x1] =	stream.indirect_vreg.gather [hbm:s4], $0x80, v0, vm1, $0x38;
	[tilespmem:$0x14280] =	vst v63  }
0x3c: {  	s18 =	simm.s32 $0x80;
	v0 =	vld.msk [tilespmem:s17+$0x0 ss:$0x1], $0xffff;
	s17 =	smov.u32 s14  }
.LBB2_3:
0x3d: {  	p1 =	sne.s32 s18, $0x4C0;
	_ =	sdelay $0x4  }
0x3e: {  	vm2 =	vgt.s32 v0, $0x0  }
0x3f: {  	v0 =	vnsel vm2, $0x0, v0  }
0x40: {  	v0 =	vmin.u32 v0, $0x270FF  }
0x41: {  	v0 =	vshll.u32 v0, $0x4;
	_ =	sdelay $0x3  }
.Ltmp3:
0x42: {  	s19 =	sshra.s32 s18, $0x2;
	s17 =	sadd.s32 $0x800, s17;
	(pc) =	sbr.rel @p1 .LBB2_3-.Ltmp3, $4  }
0x43: {  	[tilespmem:s17], [sflag:$0x1] =	stream.indirect_vreg.gather [hbm:s4], $0x80, v0, vm0, $0x38;
	[tilespmem:$0x14280] =	vst v63  }
0x44: {  	s19 =	sadd.s32 s19, s16;
	s20 =	sadd.s32 $0x400, s17  }
0x45: {  	[tilespmem:s20], [sflag:$0x1] =	stream.indirect_vreg.gather [hbm:s4], $0x80, v0, vm1, $0x38;
	[tilespmem:$0x14280] =	vst v63  }
0x46: {  	s18 =	sadd.s32 $0x40, s18;
	v0 =	vld.msk [tilespmem:s19+$0x0 ss:$0x1], $0xffff  }
0x47: {  	_ =	sdelay $0x3  }
0x48: {  	vm2 =	vgt.s32 v0, $0x0  }
0x49: {  	v0 =	vnsel vm2, $0x0, v0  }
0x4a: {  	v0 =	vmin.u32 v0, $0x270FF  }
0x4b: {  	v0 =	vshll.u32 v0, $0x4;
	_ =	sdelay $0x3  }
0x4c: {  	s16 =	sadd.s32 $0x800, s17  }
0x4d: {  	[tilespmem:s16], [sflag:$0x1] =	stream.indirect_vreg.gather [hbm:s4], $0x80, v0, vm0, $0x38;
	[tilespmem:$0x14280] =	vst v63  }
0x4e: {  	s16 =	sadd.s32 $0x400, s16  }
0x4f: {  	[tilespmem:s16], [sflag:$0x1] =	stream.indirect_vreg.gather [hbm:s4], $0x80, v0, vm1, $0x38;
	[tilespmem:$0x14280] =	vst v63  }
0x50: {  	s13 =	sshll.u32 s13, $0x4;
	_ =	swait.ge [sflag:s6], $0xA000  }
0x51: {  	s13 =	sadd.s32 s13, s9;
	[sflag:s6] =	ssyncset.done $0x0  }
0x52: {  	s17 =	sadd.s32 $0x0, s13;
	s16 =	simm.s32 $0x80;
	[sflag:s6] =	ssyncadd.s32 $0xFFFF6000  }
.LBB2_5:
0x53: {  	[hbm:s17] =	stream.linear.scatter [tilespmem:s14], [sflag:$0x3], $0x400, $0x38;
	[tilespmem:$0x14280] =	vst v63  }
0x54: {  	s17 =	smov.u32 s16;
	s14 =	smov.u32 s15;
	p1 =	sne.s32 s16, $0x1380  }
.Ltmp4:
0x55: {  	s16 =	sadd.s32 $0x80, s16;
	(pc) =	sbr.rel @p1 .LBB2_5-.Ltmp4, $2  }
0x56: {  	_ =	sdelay $0x2  }
0x57: {  	s15 =	sadd.s32 $0x400, s15;
	s17 =	sadd.s32 s17, s13  }
.Ltmp5:
0x58: {  	_ = 	snop;
	(pc) =	sbr.rel .LBB2_6-.Ltmp5, $1  }
0x59: {  	_ =	sdelay $0x3  }
.LBB2_8:
0x5a: {  	_ =	sfence.sel $0x180000  }
0x5b: {  	s2 =	simm.s32 $0x2;
	[bflag:$0x0] =	sbarrier.arrive $0xFFFF  }
0x5c: {  	s30 =	simm.s32 $0x3;
	[sflag:s2] =	ssyncpa.u1 $0x1  }
0x5d: {  	s31 =	simm.s32 $0x1;
	[sflag:s30] =	ssyncpa.u1 $0x1  }
0x5e: {  	[sflag:s31] =	ssyncpa.u1 $0x1  }
0x5f: {  	p0 =	sne.s32 s0, $0x0;
	_ =	strace $0x90000053  }
0x60: {  	s0 =	sadd.s32 @!p0 $0x100000, s1;
	[bflag:$0x2] =	sbarrier.arrive $0xFFFF  }
0x61: {  	[sflag:s0] =	ssyncadd.tile.s32 @!p0 $0x1;
	_ =	shalt  }
.Lfunc_end2:
_tile_overlayer_lowered:
.L_overlay_start_2:
0x62: {  	(tag) =	ssettag $0x2  }
0x63: {  	s0 =	rddreg [dreg:$0x0];
	s2 =	stileid.u32  }
0x64: {  	s1 =	rddreg [dreg:$0x1];
	p0 =	sne.s32 s2, $0x0  }
0x65: {  	s3 =	rddreg [dreg:$0x2];
	[bflag:$0x3] =	sbarrier.arrive $0xFFFF;
	s2 =	simm.s32 @!p0 $0x1C01  }
0x66: {  	[timem:s3], [sflag:s2] =	dma.local @!p0 [hbm:s0], s1  }
0x67: {  	s0 =	simm.s32 @!p0 $0x1  }
0x68: {  	_ =	swait.ge @!p0 [sflag:s0], s1  }
0x69: {  	s1 =	ssub.s32 @!p0 $0x0, s1;
	[sflag:s0] =	ssyncset.done @!p0 $0x0  }
0x6a: {  	[sflag:s0] =	ssyncadd.s32 @!p0 s1  }
0x6b: {  	[bflag:$0x3] =	sbarrier.arrive $0xFFFF  }
0x6c: {  	_ =	shalt  }

// kernel: scatter_offload_async_start.1
scs
__scs_entry_jumppad:
0x0: {  	(pc) =	sbr.rel $0x88, $3  }
0x1: {  	(tag) =	ssettag $0x0;
	lr =	simm.s32 $0x1  }
0x2: {  	[smem:$0x3F95] =	sst lr;
	_ =	strace $0xD0000000  }
0x3: {  	_ = 	snop  }
0x4: {  	_ = 	snop  }
0x5: {  	_ = 	snop  }
0x6: {  	_ = 	snop  }
0x7: {  	_ = 	snop  }
__scs_overlays_trampoline_lowered:
0x8: {  	[smem:$0x3FA4] =	sst s0  }
0x9: {  	[smem:$0x3FA5] =	sst s1  }
0xa: {  	[smem:$0x3FA6] =	sst s2  }
0xb: {  	[smem:$0x3FA7] =	sst s3  }
0xc: {  	[smem:$0x3FA8] =	sst s4  }
0xd: {  	[smem:$0x3FA9] =	sst s5  }
0xe: {  	[smem:$0x3FAA] =	sst s6  }
0xf: {  	[smem:$0x3FAB] =	sst s7  }
0x10: {  	[smem:$0x3FAC] =	sst s8  }
0x11: {  	[smem:$0x3FAD] =	sst s9;
	s0 =	simm.s32 @!p0 $0x0  }
0x12: {  	s1 =	sld [smem:$0x3F93];
	s0 =	simm.s32 @p0 $0x1  }
0x13: {  	[smem:$0x3FAE] =	sst s0;
	s0 =	simm.s32 @!p1 $0x0  }
0x14: {  	s2 =	sld [smem:$0x3F92];
	s0 =	simm.s32 @p1 $0x1  }
0x15: {  	[smem:$0x3FAF] =	sst s0;
	s0 =	simm.s32 @!p2 $0x0  }
0x16: {  	s3 =	sld [smem:$0x3FDB];
	s0 =	simm.s32 @p2 $0x1  }
0x17: {  	s4 =	simm.s32 $0x1BF5;
	[smem:$0x3FB1] =	sst s0  }
0x18: {  	s0 =	sld [smem:$0x3F94];
	_ =	swait.ge [sflag:s4], $0x0  }
0x19: {  	s7 =	sld [smem:$0x3F95]  }
0x1a: {  	s8 =	sadd.s32 $0xFFFFE003, lr  }
0x1b: {  	s9 =	sadd.s32 $0xFFFFFEF7, lr;
	s5 =	simm.s32 $0xFFFFFFFF;
	p2 =	slt.u32 s8, $0xFFFFF086  }
0x1c: {  	p1 =	slt.u32 s9, $0xF7A;
	s5 =	simm.s32 @!p2 $0x0  }
0x1d: {  	s5 =	simm.s32 @p1 $0x1;
	p0 =	seq.s32 s7, s2  }
0x1e: {  	s7 =	smul.u32 @!p0 $0xF7A, s2;
	p2 =	seq.s32 @!p0 s5, $0x0  }
0x1f: {  	s9 =	smul.u32 $0xF7A, s1;
	s8 =	simm.s32 @!p0 $0x1BF5;
	p2 =	por !p2, p0  }
0x20: {  	[sflag:s8] =	ssyncset.s32 @!p0 $0xFFFFF086;
	s6 =	sadd.s32 @!p0 s3, s7;
	s7 =	simm.s32 @!p0 $0x108  }
0x21: {  	s3 =	sadd.s32 s3, s9;
	s6 =	sadd.s32 @!p0 $0x88, s6;
	s7 =	simm.s32 @p2 $0x1082  }
0x22: {  	[simem:s7], [sflag:s8] =	dma.local @!p0 [hbm:s6], $0xF7A  }
0x23: {  	s9 =	sor.u32 $0xD0000000, s2;
	s6 =	simm.s32 $0x108;
	_ =	swait.ge @!p0 [sflag:s8], $0x0  }
0x24: {  	s3 =	sadd.s32 $0x88, s3;
	s6 =	simm.s32 @!p1 $0x1082;
	[sflag:s4] =	ssyncset.s32 $0xFFFFF086  }
0x25: {  	[simem:s6], [sflag:s4] =	dma.local [hbm:s3], $0xF7A  }
0x26: {  	[smem:$0x3F95] =	sst s1;
	(tag) =	ssettag s2;
	_ =	strace s9  }
0x27: {  	s1 =	sld [smem:$0x3FA5]  }
0x28: {  	s2 =	sld [smem:$0x3FA6]  }
0x29: {  	s4 =	sld [smem:$0x3FA8]  }
0x2a: {  	p0 =	seq.s32 s5, $0x0;
	s5 =	sld [smem:$0x3FA9]  }
0x2b: {  	s6 =	sld [smem:$0x3FAA]  }
0x2c: {  	s7 =	sld [smem:$0x3FAB]  }
0x2d: {  	s3 =	simm.s32 $0x108;
	s8 =	sld [smem:$0x3FAC]  }
0x2e: {  	s3 =	simm.s32 @!p0 $0x1082;
	s9 =	sld [smem:$0x3FAD]  }
0x2f: {  	lr =	sadd.s32 s0, s3;
	s0 =	sld [smem:$0x3FA4]  }
0x30: {  	s3 =	sld [smem:$0x3FA7]  }
0x31: {  	[smem:$0x3FB0] =	sst s10  }
0x32: {  	s10 =	sld [smem:$0x3FAE];
	_ =	sdelay $0x3  }
0x33: {  	p0 =	seq.s32 s10, $0x1;
	s10 =	sld [smem:$0x3FB0];
	_ =	sdelay $0x3  }
0x34: {  	[smem:$0x3FB0] =	sst s10  }
0x35: {  	s10 =	sld [smem:$0x3FAF];
	_ =	sdelay $0x3  }
0x36: {  	p1 =	seq.s32 s10, $0x1;
	s10 =	sld [smem:$0x3FB0];
	_ =	sdelay $0x3  }
0x37: {  	[smem:$0x3FB0] =	sst s10  }
0x38: {  	s10 =	sld [smem:$0x3FB1]  }
0x39: {  	_ = 	snop;
	(pc) =	sbr.ind lr, $3  }
0x3a: {  	_ = 	snop  }
0x3b: {  	_ = 	snop  }
0x3c: {  	p2 =	seq.s32 s10, $0x1;
	s10 =	sld [smem:$0x3FB0]  }
0x3d: {  	_ =	shalt  }
0x3e: {  	_ =	shalt  }
0x3f: {  	_ =	shalt  }
0x40: {  	_ =	shalt  }
0x41: {  	_ =	shalt  }
0x42: {  	_ =	shalt  }
0x43: {  	_ =	shalt  }
0x44: {  	_ =	shalt  }
0x45: {  	_ =	shalt  }
0x46: {  	_ =	shalt  }
0x47: {  	_ =	shalt  }
0x48: {  	_ =	shalt  }
0x49: {  	_ =	shalt  }
0x4a: {  	_ =	shalt  }
0x4b: {  	_ =	shalt  }
0x4c: {  	_ =	shalt  }
0x4d: {  	_ =	shalt  }
0x4e: {  	_ =	shalt  }
0x4f: {  	_ =	shalt  }
0x50: {  	_ =	shalt  }
0x51: {  	_ =	shalt  }
0x52: {  	_ =	shalt  }
0x53: {  	_ =	shalt  }
0x54: {  	_ =	shalt  }
0x55: {  	_ =	shalt  }
0x56: {  	_ =	shalt  }
0x57: {  	_ =	shalt  }
0x58: {  	_ =	shalt  }
0x59: {  	_ =	shalt  }
0x5a: {  	_ =	shalt  }
0x5b: {  	_ =	shalt  }
0x5c: {  	_ =	shalt  }
0x5d: {  	_ =	shalt  }
0x5e: {  	_ =	shalt  }
0x5f: {  	_ =	shalt  }
0x60: {  	_ =	shalt  }
0x61: {  	_ =	shalt  }
0x62: {  	_ =	shalt  }
0x63: {  	_ =	shalt  }
0x64: {  	_ =	shalt  }
0x65: {  	_ =	shalt  }
0x66: {  	_ =	shalt  }
0x67: {  	_ =	shalt  }
0x68: {  	_ =	shalt  }
0x69: {  	_ =	shalt  }
0x6a: {  	_ =	shalt  }
0x6b: {  	_ =	shalt  }
0x6c: {  	_ =	shalt  }
0x6d: {  	_ =	shalt  }
0x6e: {  	_ =	shalt  }
0x6f: {  	_ =	shalt  }
0x70: {  	_ =	shalt  }
0x71: {  	_ =	shalt  }
0x72: {  	_ =	shalt  }
0x73: {  	_ =	shalt  }
0x74: {  	_ =	shalt  }
0x75: {  	_ =	shalt  }
0x76: {  	_ =	shalt  }
0x77: {  	_ =	shalt  }
0x78: {  	_ =	shalt  }
0x79: {  	_ =	shalt  }
0x7a: {  	_ =	shalt  }
0x7b: {  	_ =	shalt  }
0x7c: {  	_ =	shalt  }
0x7d: {  	_ =	shalt  }
0x7e: {  	_ =	shalt  }
0x7f: {  	_ =	shalt  }
0x80: {  	_ =	shalt  }
0x81: {  	_ =	shalt  }
0x82: {  	_ =	shalt  }
0x83: {  	_ =	shalt  }
0x84: {  	_ =	shalt  }
0x85: {  	_ =	shalt  }
0x86: {  	_ =	shalt  }
0x87: {  	_ =	shalt  }
.Lfunc_end0:
.L_simem_size_0:
called_computation.1_lowered:
.L_overlay_start_0:
0x88: {  	s2 =	sld [smem:$0x3FD9]  }
0x89: {  	s3 =	sld [smem:$0x3FFE];
	_ =	sdelay $0x1  }
0x8a: {  	s1 =	srdreg.scid  }
0x8b: {  	s0 =	sand.u32 $0x1, s1  }
0x8c: {  	s13 =	sshll.u32 s0, $0xA;
	s2 =	sadd.s32 s3, s2  }
0x8d: {  	s2 =	sadd.s32 s2, s13  }
0x8e: {  	[smem:$0x3FBC] =	sst s2  }
0x8f: {  	_ = 	snop  }
0x90: {  	s2 =	sld [smem:$0x3FD0];
	_ =	sdelay $0x2  }
0x91: {  	s14 =	simm.s32 $0xB;
	s4 =	simm.s32 $0x10  }
0x92: {  	[smem:s4], [sflag:s14] =	dma.local [hbm:s2], $0x1  }
0x93: {  	_ =	swait.eq [sflag:s14], $0x1  }
0x94: {  	[sflag:s14] =	ssyncset.done $0x0  }
0x95: {  	[sflag:s14] =	ssyncadd.s32 $0xFFFFFFFF  }
0x96: {  	s15 =	sld [smem:$0x10];
	(tm) =	ssettm $0x1  }
0x97: {  	s16 =	sld [smem:$0x3FFB];
	_ =	sdelay $0x3  }
0x98: {  	_ =	strace s16  }
0x99: {  	s3 =	sld [smem:$0x3FFC];
	_ =	sdelay $0x3  }
0x9a: {  	_ =	strace s3  }
0x9b: {  	s3 =	sld [smem:$0x3FFD];
	_ =	sdelay $0x3  }
0x9c: {  	_ =	strace s3  }
0x9d: {  	_ =	strace $0x8FFFFFFF  }
0x9e: {  	s17 =	sld [smem:$0x3FDB];
	_ =	sdelay $0x1  }
0x9f: {  	s18 =	simm.s32 $_scs_section_size  }
0xa0: {  	s5 =	simm.s32 $_size__tile_overlayer_lowered;
	s6 =	simm.s32 $_tile_overlayer_lowered  }
0xa1: {  	s21 =	simm.s32 $0x1BFF;
	s20 =	sshll.u32 s6, $0x1;
	s3 =	sadd.s32 s18, s17  }
0xa2: {  	s7 =	simm.s32 $0x0;
	s19 =	sshll.u32 s5, $0x1;
	s5 =	sadd.s32 s20, s3  }
0xa3: {  	[timem:s7], [sflag:s21] =	dma.local [hbm:s5], s19  }
0xa4: {  	_ =	swait.ge [sflag:s21], s19  }
0xa5: {  	s4 =	ssub.s32 $0x0, s19;
	[sflag:s21] =	ssyncset.done $0x0  }
0xa6: {  	[sflag:s21] =	ssyncadd.s32 s4;
	_ =	sdelay $0x1  }
0xa7: {  	s22 =	simm.s32 $0x1B8B  }
0xa8: {  	_ =	swait.ge [sflag:s22], $0x1  }
0xa9: {  	[sflag:s22] =	ssyncset.done $0x0  }
0xaa: {  	s23 =	sld [smem:$0x3FFE];
	[sflag:s22] =	ssyncadd.s32 $0xFFFFFFFF  }
0xab: {  	s25 =	simm.s32 $0x1B8E;
	s24 =	sld [smem:$0x0]  }
0xac: {  	s26 =	simm.s32 $execute0_lowered;
	[smem:$0x3FD2] =	sst s25  }
0xad: {  	s6 =	sshll.u32 s26, $0x1;
	_ =	strace $0x8000005B;
	[dreg:$0x1] =	wrdreg $0xFFFFFFFF  }
0xae: {  	s28 =	simm.s32 $_size_execute0_lowered;
	s3 =	sadd.s32 s3, s6;
	[dreg:$0x0] =	wrdreg $0x0  }
0xaf: {  	s6 =	sshll.u32 s28, $0x1;
	[dreg:$0x2] =	wrdreg s3  }
0xb0: {  	[dreg:$0x3] =	wrdreg s6  }
0xb1: {  	[dreg:$0x4] =	wrdreg $0xC0  }
0xb2: {  	_ =	task [dreg:s7], $0x5FFFF  }
0xb3: {  	[dreg:$0x1] =	wrdreg $0xFFFFFFFF  }
0xb4: {  	[dreg:$0x0] =	wrdreg $0x60  }
0xb5: {  	[dreg:$0x2] =	wrdreg s23  }
0xb6: {  	[dreg:$0x3] =	wrdreg s15  }
0xb7: {  	[dreg:$0x4] =	wrdreg s1  }
0xb8: {  	[dreg:$0x5] =	wrdreg s24  }
0xb9: {  	[dreg:$0x6] =	wrdreg $0x9  }
0xba: {  	_ =	task.clear_ibuf [dreg:s7], $0x7FFFF;
	_ =	strace $0x9000005B  }
0xbb: {  	s29 =	simm.s32 $0x9;
	_ =	strace $0x8000005D  }
0xbc: {  	_ =	swait.ge [sflag:s29], $0x1  }
0xbd: {  	[sflag:s29] =	ssyncadd.s32 $0xFFFFFFFF  }
0xbe: {  	_ =	strace $0x9000005D  }
0xbf: {  	_ =	sfence  }
0xc0: {  	s30 =	sld [smem:$0x0];
	_ =	sdelay $0x2  }
0xc1: {  	s31 =	sshll.u32 s1, $0xD;
	s1 =	sshrl.u32 s1, $0x2  }
0xc2: {  	s3 =	sand.u32 $0x4000, s31;
	s1 =	sadd.s32 s1, s30  }
0xc3: {  	s0 =	sor.u32 s3, s0;
	s1 =	sshll.u32 s1, $0x11  }
0xc4: {  	s0 =	sor.u32 s1, s0  }
0xc5: {  	s0 =	sadd.s32 $0x8F2B, s0  }
0xc6: {  	[sflag:s0] =	ssyncadd.remote.s32 $0x1  }
0xc7: {  	_ =	sfence.sel $0xFFFF  }
0xc8: {  	[dreg:$0x0] =	wrdreg $0xFFFFFFFF;
	(pc) =	sbr.abs _section_cstart, $3  }
0xc9: {  	[dreg:$0x1] =	wrdreg $0xFFFFFFFF  }
0xca: {  	_ =	task.clear_ibuf [dreg:s7], $0x2FFFF;
	_ =	strace $0x9FFFFFFF  }
0xcb: {  	(tm) =	ssettm $0x7FFFFFFF  }
tec
execute0_lowered:
.L_overlay_start_1:
0x0: {  	(tag) =	ssettag $0x1  }
0x1: {  	s1 =	rddreg [dreg:$0x0]  }
0x2: {  	s7 =	rddreg [dreg:$0x1]  }
0x3: {  	s3 =	rddreg [dreg:$0x2];
	_ =	strace $0x8000005C;
	s0 =	simm.s32 $0x1  }
0x4: {  	v0 =	vimm.s32 $0x0;
	[sflag:s0] =	ssyncpa.u1 $0x0  }
0x5: {  	[tilespmem:$0x228] =	vst v0  }
0x6: {  	[tilespmem:$0x238] =	vst v0  }
0x7: {  	[tilespmem:$0x248] =	vst v0  }
0x8: {  	[tilespmem:$0x258] =	vst v0  }
0x9: {  	[tilespmem:$0x268] =	vst v0  }
0xa: {  	[tilespmem:$0x278] =	vst v0  }
0xb: {  	[tilespmem:$0x288] =	vst v0  }
0xc: {  	[tilespmem:$0x298] =	vst v0  }
0xd: {  	[tilespmem:$0x2A8] =	vst v0  }
0xe: {  	[tilespmem:$0x2B8] =	vst v0  }
0xf: {  	[tilespmem:$0x2C8] =	vst v0  }
0x10: {  	[tilespmem:$0x2D8] =	vst v0  }
0x11: {  	[tilespmem:$0x2E8] =	vst v0  }
0x12: {  	[tilespmem:$0x2F8] =	vst v0  }
0x13: {  	[tilespmem:$0x308] =	vst v0  }
0x14: {  	[tilespmem:$0x318] =	vst v0  }
0x15: {  	[tilespmem:$0x328] =	vst v0  }
0x16: {  	[tilespmem:$0x338] =	vst v0  }
0x17: {  	[tilespmem:$0x348] =	vst v0  }
0x18: {  	[tilespmem:$0x358] =	vst v0  }
0x19: {  	[tilespmem:$0x368] =	vst v0  }
0x1a: {  	[tilespmem:$0x378] =	vst v0  }
0x1b: {  	[tilespmem:$0x388] =	vst v0  }
0x1c: {  	[tilespmem:$0x398] =	vst v0  }
0x1d: {  	[tilespmem:$0x3A8] =	vst v0  }
0x1e: {  	[tilespmem:$0x3B8] =	vst v0  }
0x1f: {  	[tilespmem:$0x3C8] =	vst v0  }
0x20: {  	[tilespmem:$0x3D8] =	vst v0  }
0x21: {  	[tilespmem:$0x3E8] =	vst v0  }
0x22: {  	[tilespmem:$0x3F8] =	vst v0  }
0x23: {  	[tilespmem:$0x408] =	vst v0  }
0x24: {  	[tilespmem:$0x418] =	vst v0  }
0x25: {  	[tilespmem:$0x428] =	vst v0  }
0x26: {  	[tilespmem:$0x438] =	vst v0  }
0x27: {  	[tilespmem:$0x448] =	vst v0  }
0x28: {  	[tilespmem:$0x458] =	vst v0  }
0x29: {  	[tilespmem:$0x468] =	vst v0  }
0x2a: {  	[tilespmem:$0x478] =	vst v0  }
0x2b: {  	[tilespmem:$0x488] =	vst v0  }
0x2c: {  	[tilespmem:$0x498] =	vst v0  }
0x2d: {  	[tilespmem:$0x4A8] =	vst v0  }
0x2e: {  	[tilespmem:$0x4B8] =	vst v0  }
0x2f: {  	[tilespmem:$0x4C8] =	vst v0  }
0x30: {  	[tilespmem:$0x4D8] =	vst v0  }
0x31: {  	[tilespmem:$0x4E8] =	vst v0  }
0x32: {  	[tilespmem:$0x4F8] =	vst v0  }
0x33: {  	[tilespmem:$0x508] =	vst v0  }
0x34: {  	[tilespmem:$0x518] =	vst v0  }
0x35: {  	[tilespmem:$0x528] =	vst v0  }
0x36: {  	[tilespmem:$0x538] =	vst v0  }
0x37: {  	[tilespmem:$0x548] =	vst v0  }
0x38: {  	[tilespmem:$0x558] =	vst v0  }
0x39: {  	[tilespmem:$0x568] =	vst v0  }
0x3a: {  	[tilespmem:$0x578] =	vst v0  }
0x3b: {  	[tilespmem:$0x588] =	vst v0  }
0x3c: {  	[tilespmem:$0x598] =	vst v0  }
0x3d: {  	[tilespmem:$0x5A8] =	vst v0  }
0x3e: {  	[tilespmem:$0x5B8] =	vst v0  }
0x3f: {  	[tilespmem:$0x5C8] =	vst v0  }
0x40: {  	[tilespmem:$0x5D8] =	vst v0  }
0x41: {  	[tilespmem:$0x5E8] =	vst v0  }
0x42: {  	[tilespmem:$0x5F8] =	vst v0  }
0x43: {  	[tilespmem:$0x608] =	vst v0  }
0x44: {  	[tilespmem:$0x618] =	vst v0  }
0x45: {  	[tilespmem:$0x628] =	vst v0  }
0x46: {  	[tilespmem:$0x638] =	vst v0  }
0x47: {  	[tilespmem:$0x648] =	vst v0  }
0x48: {  	[tilespmem:$0x658] =	vst v0  }
0x49: {  	[tilespmem:$0x668] =	vst v0  }
0x4a: {  	[tilespmem:$0x678] =	vst v0  }
0x4b: {  	[tilespmem:$0x688] =	vst v0  }
0x4c: {  	[tilespmem:$0x698] =	vst v0  }
0x4d: {  	[tilespmem:$0x6A8] =	vst v0  }
0x4e: {  	[tilespmem:$0x6B8] =	vst v0  }
0x4f: {  	[tilespmem:$0x6C8] =	vst v0  }
0x50: {  	[tilespmem:$0x6D8] =	vst v0  }
0x51: {  	[tilespmem:$0x6E8] =	vst v0  }
0x52: {  	[tilespmem:$0x6F8] =	vst v0  }
0x53: {  	[tilespmem:$0x708] =	vst v0  }
0x54: {  	[tilespmem:$0x718] =	vst v0  }
0x55: {  	[tilespmem:$0x728] =	vst v0  }
0x56: {  	[tilespmem:$0x738] =	vst v0  }
0x57: {  	[tilespmem:$0x748] =	vst v0  }
0x58: {  	[tilespmem:$0x758] =	vst v0  }
0x59: {  	[tilespmem:$0x768] =	vst v0  }
0x5a: {  	[tilespmem:$0x778] =	vst v0  }
0x5b: {  	[tilespmem:$0x788] =	vst v0  }
0x5c: {  	[tilespmem:$0x798] =	vst v0  }
0x5d: {  	[tilespmem:$0x7A8] =	vst v0  }
0x5e: {  	[tilespmem:$0x7B8] =	vst v0  }
0x5f: {  	[tilespmem:$0x7C8] =	vst v0  }
0x60: {  	[tilespmem:$0x7D8] =	vst v0  }
0x61: {  	[tilespmem:$0x7E8] =	vst v0  }
0x62: {  	[tilespmem:$0x7F8] =	vst v0  }
0x63: {  	[tilespmem:$0x808] =	vst v0  }
0x64: {  	[tilespmem:$0x818] =	vst v0  }
0x65: {  	[tilespmem:$0x828] =	vst v0  }
0x66: {  	[tilespmem:$0x838] =	vst v0  }
0x67: {  	[tilespmem:$0x848] =	vst v0  }
0x68: {  	[tilespmem:$0x858] =	vst v0  }
0x69: {  	[tilespmem:$0x868] =	vst v0  }
0x6a: {  	[tilespmem:$0x878] =	vst v0  }
0x6b: {  	[tilespmem:$0x888] =	vst v0  }
0x6c: {  	[tilespmem:$0x898] =	vst v0  }
0x6d: {  	[tilespmem:$0x8A8] =	vst v0  }
0x6e: {  	[tilespmem:$0x8B8] =	vst v0  }
0x6f: {  	[tilespmem:$0x8C8] =	vst v0  }
0x70: {  	[tilespmem:$0x8D8] =	vst v0  }
0x71: {  	[tilespmem:$0x8E8] =	vst v0  }
0x72: {  	[tilespmem:$0x8F8] =	vst v0  }
0x73: {  	[tilespmem:$0x908] =	vst v0  }
0x74: {  	[tilespmem:$0x918] =	vst v0  }
0x75: {  	[tilespmem:$0x928] =	vst v0  }
0x76: {  	[tilespmem:$0x938] =	vst v0  }
0x77: {  	[tilespmem:$0x948] =	vst v0  }
0x78: {  	[tilespmem:$0x958] =	vst v0  }
0x79: {  	[tilespmem:$0x968] =	vst v0  }
0x7a: {  	[tilespmem:$0x978] =	vst v0  }
0x7b: {  	[tilespmem:$0x988] =	vst v0  }
0x7c: {  	[tilespmem:$0x998] =	vst v0  }
0x7d: {  	[tilespmem:$0x9A8] =	vst v0  }
0x7e: {  	[tilespmem:$0x9B8] =	vst v0  }
0x7f: {  	[tilespmem:$0x9C8] =	vst v0  }
0x80: {  	[tilespmem:$0x9D8] =	vst v0  }
0x81: {  	[tilespmem:$0x9E8] =	vst v0  }
0x82: {  	[tilespmem:$0x9F8] =	vst v0  }
0x83: {  	[tilespmem:$0xA08] =	vst v0  }
0x84: {  	[tilespmem:$0xA18] =	vst v0  }
0x85: {  	[tilespmem:$0xA28] =	vst v0  }
0x86: {  	[tilespmem:$0xA38] =	vst v0  }
0x87: {  	[tilespmem:$0xA48] =	vst v0  }
0x88: {  	[tilespmem:$0xA58] =	vst v0  }
0x89: {  	[tilespmem:$0xA68] =	vst v0  }
0x8a: {  	[tilespmem:$0xA78] =	vst v0  }
0x8b: {  	[tilespmem:$0xA88] =	vst v0  }
0x8c: {  	[tilespmem:$0xA98] =	vst v0  }
0x8d: {  	[tilespmem:$0xAA8] =	vst v0  }
0x8e: {  	[tilespmem:$0xAB8] =	vst v0  }
0x8f: {  	[tilespmem:$0xAC8] =	vst v0  }
0x90: {  	[tilespmem:$0xAD8] =	vst v0  }
0x91: {  	[tilespmem:$0xAE8] =	vst v0  }
0x92: {  	[tilespmem:$0xAF8] =	vst v0  }
0x93: {  	[tilespmem:$0xB08] =	vst v0  }
0x94: {  	[tilespmem:$0xB18] =	vst v0  }
0x95: {  	[tilespmem:$0xB28] =	vst v0  }
0x96: {  	[tilespmem:$0xB38] =	vst v0  }
0x97: {  	[tilespmem:$0xB48] =	vst v0  }
0x98: {  	[tilespmem:$0xB58] =	vst v0  }
0x99: {  	[tilespmem:$0xB68] =	vst v0  }
0x9a: {  	[tilespmem:$0xB78] =	vst v0  }
0x9b: {  	[tilespmem:$0xB88] =	vst v0  }
0x9c: {  	[tilespmem:$0xB98] =	vst v0  }
0x9d: {  	[tilespmem:$0xBA8] =	vst v0  }
0x9e: {  	[tilespmem:$0xBB8] =	vst v0  }
0x9f: {  	[tilespmem:$0xBC8] =	vst v0  }
0xa0: {  	[tilespmem:$0xBD8] =	vst v0  }
0xa1: {  	[tilespmem:$0xBE8] =	vst v0  }
0xa2: {  	[tilespmem:$0xBF8] =	vst v0  }
0xa3: {  	[tilespmem:$0xC08] =	vst v0  }
0xa4: {  	[tilespmem:$0xC18] =	vst v0  }
0xa5: {  	[tilespmem:$0xC28] =	vst v0  }
0xa6: {  	[tilespmem:$0xC38] =	vst v0  }
0xa7: {  	[tilespmem:$0xC48] =	vst v0  }
0xa8: {  	[tilespmem:$0xC58] =	vst v0  }
0xa9: {  	[tilespmem:$0xC68] =	vst v0  }
0xaa: {  	[tilespmem:$0xC78] =	vst v0  }
0xab: {  	[tilespmem:$0xC88] =	vst v0  }
0xac: {  	[tilespmem:$0xC98] =	vst v0  }
0xad: {  	[tilespmem:$0xCA8] =	vst v0  }
0xae: {  	[tilespmem:$0xCB8] =	vst v0  }
0xaf: {  	[tilespmem:$0xCC8] =	vst v0  }
0xb0: {  	[tilespmem:$0xCD8] =	vst v0  }
0xb1: {  	[tilespmem:$0xCE8] =	vst v0  }
0xb2: {  	[tilespmem:$0xCF8] =	vst v0  }
0xb3: {  	[tilespmem:$0xD08] =	vst v0  }
0xb4: {  	[tilespmem:$0xD18] =	vst v0  }
0xb5: {  	[tilespmem:$0xD28] =	vst v0  }
0xb6: {  	[tilespmem:$0xD38] =	vst v0  }
0xb7: {  	[tilespmem:$0xD48] =	vst v0  }
0xb8: {  	[tilespmem:$0xD58] =	vst v0  }
0xb9: {  	[tilespmem:$0xD68] =	vst v0  }
0xba: {  	[tilespmem:$0xD78] =	vst v0  }
0xbb: {  	[tilespmem:$0xD88] =	vst v0  }
0xbc: {  	[tilespmem:$0xD98] =	vst v0  }
0xbd: {  	[tilespmem:$0xDA8] =	vst v0  }
0xbe: {  	[tilespmem:$0xDB8] =	vst v0  }
0xbf: {  	[tilespmem:$0xDC8] =	vst v0  }
0xc0: {  	[tilespmem:$0xDD8] =	vst v0  }
0xc1: {  	[tilespmem:$0xDE8] =	vst v0  }
0xc2: {  	[tilespmem:$0xDF8] =	vst v0  }
0xc3: {  	[tilespmem:$0xE08] =	vst v0  }
0xc4: {  	[tilespmem:$0xE18] =	vst v0  }
0xc5: {  	[tilespmem:$0xE28] =	vst v0  }
0xc6: {  	[tilespmem:$0xE38] =	vst v0  }
0xc7: {  	[tilespmem:$0xE48] =	vst v0  }
0xc8: {  	[tilespmem:$0xE58] =	vst v0  }
0xc9: {  	[tilespmem:$0xE68] =	vst v0  }
0xca: {  	[tilespmem:$0xE78] =	vst v0  }
0xcb: {  	[tilespmem:$0xE88] =	vst v0  }
0xcc: {  	[tilespmem:$0xE98] =	vst v0  }
0xcd: {  	[tilespmem:$0xEA8] =	vst v0  }
0xce: {  	[tilespmem:$0xEB8] =	vst v0  }
0xcf: {  	[tilespmem:$0xEC8] =	vst v0  }
0xd0: {  	[tilespmem:$0xED8] =	vst v0  }
0xd1: {  	[tilespmem:$0xEE8] =	vst v0  }
0xd2: {  	[tilespmem:$0xEF8] =	vst v0  }
0xd3: {  	[tilespmem:$0xF08] =	vst v0  }
0xd4: {  	[tilespmem:$0xF18] =	vst v0  }
0xd5: {  	[tilespmem:$0xF28] =	vst v0  }
0xd6: {  	[tilespmem:$0xF38] =	vst v0  }
0xd7: {  	[tilespmem:$0xF48] =	vst v0  }
0xd8: {  	[tilespmem:$0xF58] =	vst v0  }
0xd9: {  	[tilespmem:$0xF68] =	vst v0  }
0xda: {  	[tilespmem:$0xF78] =	vst v0  }
0xdb: {  	[tilespmem:$0xF88] =	vst v0  }
0xdc: {  	[tilespmem:$0xF98] =	vst v0  }
0xdd: {  	[tilespmem:$0xFA8] =	vst v0  }
0xde: {  	[tilespmem:$0xFB8] =	vst v0  }
0xdf: {  	[tilespmem:$0xFC8] =	vst v0  }
0xe0: {  	[tilespmem:$0xFD8] =	vst v0  }
0xe1: {  	[tilespmem:$0xFE8] =	vst v0  }
0xe2: {  	[tilespmem:$0xFF8] =	vst v0  }
0xe3: {  	[tilespmem:$0x1008] =	vst v0  }
0xe4: {  	[tilespmem:$0x1018] =	vst v0  }
0xe5: {  	[tilespmem:$0x1028] =	vst v0  }
0xe6: {  	[tilespmem:$0x1038] =	vst v0  }
0xe7: {  	[tilespmem:$0x1048] =	vst v0  }
0xe8: {  	[tilespmem:$0x1058] =	vst v0  }
0xe9: {  	[tilespmem:$0x1068] =	vst v0  }
0xea: {  	[tilespmem:$0x1078] =	vst v0  }
0xeb: {  	[tilespmem:$0x1088] =	vst v0  }
0xec: {  	[tilespmem:$0x1098] =	vst v0  }
0xed: {  	[tilespmem:$0x10A8] =	vst v0  }
0xee: {  	[tilespmem:$0x10B8] =	vst v0  }
0xef: {  	[tilespmem:$0x10C8] =	vst v0  }
0xf0: {  	[tilespmem:$0x10D8] =	vst v0  }
0xf1: {  	[tilespmem:$0x10E8] =	vst v0  }
0xf2: {  	[tilespmem:$0x10F8] =	vst v0  }
0xf3: {  	[tilespmem:$0x1108] =	vst v0  }
0xf4: {  	[tilespmem:$0x1118] =	vst v0  }
0xf5: {  	[tilespmem:$0x1128] =	vst v0  }
0xf6: {  	[tilespmem:$0x1138] =	vst v0  }
0xf7: {  	[tilespmem:$0x1148] =	vst v0  }
0xf8: {  	[tilespmem:$0x1158] =	vst v0  }
0xf9: {  	[tilespmem:$0x1168] =	vst v0  }
0xfa: {  	[tilespmem:$0x1178] =	vst v0  }
0xfb: {  	[tilespmem:$0x1188] =	vst v0  }
0xfc: {  	[tilespmem:$0x1198] =	vst v0  }
0xfd: {  	[tilespmem:$0x11A8] =	vst v0  }
0xfe: {  	[tilespmem:$0x11B8] =	vst v0  }
0xff: {  	[tilespmem:$0x11C8] =	vst v0  }
0x100: {  	[tilespmem:$0x11D8] =	vst v0  }
0x101: {  	[tilespmem:$0x11E8] =	vst v0  }
0x102: {  	[tilespmem:$0x11F8] =	vst v0  }
0x103: {  	[tilespmem:$0x1208] =	vst v0  }
0x104: {  	[tilespmem:$0x1A08] =	vst v0  }
0x105: {  	[tilespmem:$0x19F8] =	vst v0  }
0x106: {  	[tilespmem:$0x1218] =	vst v0  }
0x107: {  	[tilespmem:$0x1228] =	vst v0  }
0x108: {  	[tilespmem:$0x1238] =	vst v0  }
0x109: {  	[tilespmem:$0x1248] =	vst v0  }
0x10a: {  	[tilespmem:$0x1258] =	vst v0  }
0x10b: {  	[tilespmem:$0x1268] =	vst v0  }
0x10c: {  	[tilespmem:$0x1278] =	vst v0  }
0x10d: {  	[tilespmem:$0x1288] =	vst v0  }
0x10e: {  	[tilespmem:$0x1298] =	vst v0  }
0x10f: {  	[tilespmem:$0x12A8] =	vst v0  }
0x110: {  	[tilespmem:$0x12B8] =	vst v0  }
0x111: {  	[tilespmem:$0x12C8] =	vst v0  }
0x112: {  	[tilespmem:$0x12D8] =	vst v0  }
0x113: {  	[tilespmem:$0x12E8] =	vst v0  }
0x114: {  	[tilespmem:$0x12F8] =	vst v0  }
0x115: {  	[tilespmem:$0x1308] =	vst v0  }
0x116: {  	[tilespmem:$0x1318] =	vst v0  }
0x117: {  	[tilespmem:$0x1328] =	vst v0  }
0x118: {  	[tilespmem:$0x1338] =	vst v0  }
0x119: {  	[tilespmem:$0x1348] =	vst v0  }
0x11a: {  	[tilespmem:$0x1358] =	vst v0  }
0x11b: {  	[tilespmem:$0x1368] =	vst v0  }
0x11c: {  	[tilespmem:$0x1378] =	vst v0  }
0x11d: {  	[tilespmem:$0x1388] =	vst v0  }
0x11e: {  	[tilespmem:$0x1398] =	vst v0  }
0x11f: {  	[tilespmem:$0x13A8] =	vst v0  }
0x120: {  	[tilespmem:$0x13B8] =	vst v0  }
0x121: {  	[tilespmem:$0x13C8] =	vst v0  }
0x122: {  	[tilespmem:$0x13D8] =	vst v0  }
0x123: {  	[tilespmem:$0x13E8] =	vst v0  }
0x124: {  	[tilespmem:$0x13F8] =	vst v0  }
0x125: {  	[tilespmem:$0x1408] =	vst v0  }
0x126: {  	[tilespmem:$0x1418] =	vst v0  }
0x127: {  	[tilespmem:$0x1428] =	vst v0  }
0x128: {  	[tilespmem:$0x1438] =	vst v0  }
0x129: {  	[tilespmem:$0x1448] =	vst v0  }
0x12a: {  	[tilespmem:$0x1458] =	vst v0  }
0x12b: {  	[tilespmem:$0x1468] =	vst v0  }
0x12c: {  	[tilespmem:$0x1478] =	vst v0  }
0x12d: {  	[tilespmem:$0x1488] =	vst v0  }
0x12e: {  	[tilespmem:$0x1498] =	vst v0  }
0x12f: {  	[tilespmem:$0x14A8] =	vst v0  }
0x130: {  	[tilespmem:$0x14B8] =	vst v0  }
0x131: {  	[tilespmem:$0x14C8] =	vst v0  }
0x132: {  	[tilespmem:$0x14D8] =	vst v0  }
0x133: {  	[tilespmem:$0x14E8] =	vst v0  }
0x134: {  	[tilespmem:$0x14F8] =	vst v0  }
0x135: {  	[tilespmem:$0x1508] =	vst v0  }
0x136: {  	[tilespmem:$0x1518] =	vst v0  }
0x137: {  	[tilespmem:$0x1528] =	vst v0  }
0x138: {  	[tilespmem:$0x1538] =	vst v0  }
0x139: {  	[tilespmem:$0x1548] =	vst v0  }
0x13a: {  	[tilespmem:$0x1558] =	vst v0  }
0x13b: {  	[tilespmem:$0x1568] =	vst v0  }
0x13c: {  	[tilespmem:$0x1578] =	vst v0  }
0x13d: {  	[tilespmem:$0x1588] =	vst v0  }
0x13e: {  	[tilespmem:$0x1598] =	vst v0  }
0x13f: {  	[tilespmem:$0x15A8] =	vst v0  }
0x140: {  	[tilespmem:$0x15B8] =	vst v0  }
0x141: {  	[tilespmem:$0x15C8] =	vst v0  }
0x142: {  	[tilespmem:$0x15D8] =	vst v0  }
0x143: {  	[tilespmem:$0x15E8] =	vst v0  }
0x144: {  	[tilespmem:$0x15F8] =	vst v0  }
0x145: {  	[tilespmem:$0x1608] =	vst v0  }
0x146: {  	[tilespmem:$0x1618] =	vst v0  }
0x147: {  	[tilespmem:$0x1628] =	vst v0  }
0x148: {  	[tilespmem:$0x1638] =	vst v0  }
0x149: {  	[tilespmem:$0x1648] =	vst v0  }
0x14a: {  	[tilespmem:$0x1658] =	vst v0  }
0x14b: {  	[tilespmem:$0x1668] =	vst v0  }
0x14c: {  	[tilespmem:$0x1678] =	vst v0  }
0x14d: {  	[tilespmem:$0x1688] =	vst v0  }
0x14e: {  	[tilespmem:$0x1698] =	vst v0  }
0x14f: {  	[tilespmem:$0x16A8] =	vst v0  }
0x150: {  	[tilespmem:$0x16B8] =	vst v0  }
0x151: {  	[tilespmem:$0x16C8] =	vst v0  }
0x152: {  	[tilespmem:$0x16D8] =	vst v0  }
0x153: {  	[tilespmem:$0x16E8] =	vst v0  }
0x154: {  	[tilespmem:$0x16F8] =	vst v0  }
0x155: {  	[tilespmem:$0x1708] =	vst v0  }
0x156: {  	[tilespmem:$0x1718] =	vst v0  }
0x157: {  	[tilespmem:$0x1728] =	vst v0  }
0x158: {  	[tilespmem:$0x1738] =	vst v0  }
0x159: {  	[tilespmem:$0x1748] =	vst v0  }
0x15a: {  	[tilespmem:$0x1758] =	vst v0  }
0x15b: {  	[tilespmem:$0x1768] =	vst v0  }
0x15c: {  	[tilespmem:$0x1778] =	vst v0  }
0x15d: {  	[tilespmem:$0x1788] =	vst v0  }
0x15e: {  	[tilespmem:$0x1798] =	vst v0  }
0x15f: {  	[tilespmem:$0x17A8] =	vst v0  }
0x160: {  	[tilespmem:$0x17B8] =	vst v0  }
0x161: {  	[tilespmem:$0x17C8] =	vst v0  }
0x162: {  	[tilespmem:$0x17D8] =	vst v0  }
0x163: {  	[tilespmem:$0x17E8] =	vst v0  }
0x164: {  	[tilespmem:$0x17F8] =	vst v0  }
0x165: {  	[tilespmem:$0x1808] =	vst v0  }
0x166: {  	[tilespmem:$0x1818] =	vst v0  }
0x167: {  	[tilespmem:$0x1828] =	vst v0  }
0x168: {  	[tilespmem:$0x1838] =	vst v0  }
0x169: {  	[tilespmem:$0x1848] =	vst v0  }
0x16a: {  	[tilespmem:$0x1858] =	vst v0  }
0x16b: {  	[tilespmem:$0x1868] =	vst v0  }
0x16c: {  	[tilespmem:$0x1878] =	vst v0  }
0x16d: {  	[tilespmem:$0x1888] =	vst v0  }
0x16e: {  	[tilespmem:$0x1898] =	vst v0  }
0x16f: {  	[tilespmem:$0x18A8] =	vst v0  }
0x170: {  	[tilespmem:$0x18B8] =	vst v0  }
0x171: {  	[tilespmem:$0x18C8] =	vst v0  }
0x172: {  	[tilespmem:$0x18D8] =	vst v0  }
0x173: {  	[tilespmem:$0x18E8] =	vst v0  }
0x174: {  	[tilespmem:$0x18F8] =	vst v0  }
0x175: {  	[tilespmem:$0x1908] =	vst v0  }
0x176: {  	[tilespmem:$0x1918] =	vst v0  }
0x177: {  	[tilespmem:$0x1928] =	vst v0  }
0x178: {  	[tilespmem:$0x1938] =	vst v0  }
0x179: {  	[tilespmem:$0x1948] =	vst v0  }
0x17a: {  	[tilespmem:$0x1958] =	vst v0  }
0x17b: {  	[tilespmem:$0x1968] =	vst v0  }
0x17c: {  	[tilespmem:$0x1978] =	vst v0  }
0x17d: {  	[tilespmem:$0x1988] =	vst v0  }
0x17e: {  	[tilespmem:$0x1998] =	vst v0  }
0x17f: {  	[tilespmem:$0x19A8] =	vst v0  }
0x180: {  	[tilespmem:$0x19B8] =	vst v0  }
0x181: {  	[tilespmem:$0x19C8] =	vst v0  }
0x182: {  	[tilespmem:$0x19D8] =	vst v0  }
0x183: {  	[tilespmem:$0x19E8] =	vst v0  }
0x184: {  	[tilespmem:$0x1A18] =	vst v0  }
0x185: {  	[tilespmem:$0x1A28] =	vst v0  }
0x186: {  	[tilespmem:$0x1A38] =	vst v0  }
0x187: {  	[tilespmem:$0x1A48] =	vst v0  }
0x188: {  	[tilespmem:$0x1A58] =	vst v0  }
0x189: {  	[tilespmem:$0x1A68] =	vst v0  }
0x18a: {  	[tilespmem:$0x1A78] =	vst v0  }
0x18b: {  	[tilespmem:$0x1A88] =	vst v0  }
0x18c: {  	[tilespmem:$0x1A98] =	vst v0  }
0x18d: {  	[tilespmem:$0x1AA8] =	vst v0  }
0x18e: {  	[tilespmem:$0x1AB8] =	vst v0  }
0x18f: {  	[tilespmem:$0x1AC8] =	vst v0  }
0x190: {  	[tilespmem:$0x1AD8] =	vst v0  }
0x191: {  	[tilespmem:$0x1AE8] =	vst v0  }
0x192: {  	[tilespmem:$0x1AF8] =	vst v0  }
0x193: {  	[tilespmem:$0x1B08] =	vst v0  }
0x194: {  	[tilespmem:$0x1B18] =	vst v0  }
0x195: {  	[tilespmem:$0x1B28] =	vst v0  }
0x196: {  	[tilespmem:$0x1B38] =	vst v0  }
0x197: {  	[tilespmem:$0x1B48] =	vst v0  }
0x198: {  	[tilespmem:$0x1B58] =	vst v0  }
0x199: {  	[tilespmem:$0x1B68] =	vst v0  }
0x19a: {  	[tilespmem:$0x1B78] =	vst v0  }
0x19b: {  	[tilespmem:$0x1B88] =	vst v0  }
0x19c: {  	[tilespmem:$0x1B98] =	vst v0  }
0x19d: {  	[tilespmem:$0x1BA8] =	vst v0  }
0x19e: {  	[tilespmem:$0x1BB8] =	vst v0  }
0x19f: {  	[tilespmem:$0x1BC8] =	vst v0  }
0x1a0: {  	[tilespmem:$0x1BD8] =	vst v0  }
0x1a1: {  	[tilespmem:$0x1BE8] =	vst v0  }
0x1a2: {  	[tilespmem:$0x1BF8] =	vst v0  }
0x1a3: {  	[tilespmem:$0x1C08] =	vst v0  }
0x1a4: {  	[tilespmem:$0x1C18] =	vst v0  }
0x1a5: {  	[tilespmem:$0x1C28] =	vst v0  }
0x1a6: {  	[tilespmem:$0x1C38] =	vst v0  }
0x1a7: {  	[tilespmem:$0x1C48] =	vst v0  }
0x1a8: {  	[tilespmem:$0x1C58] =	vst v0  }
0x1a9: {  	[tilespmem:$0x1C68] =	vst v0  }
0x1aa: {  	[tilespmem:$0x1C78] =	vst v0  }
0x1ab: {  	[tilespmem:$0x1C88] =	vst v0  }
0x1ac: {  	[tilespmem:$0x1C98] =	vst v0  }
0x1ad: {  	[tilespmem:$0x1CA8] =	vst v0  }
0x1ae: {  	[tilespmem:$0x1CB8] =	vst v0  }
0x1af: {  	[tilespmem:$0x1CC8] =	vst v0  }
0x1b0: {  	[tilespmem:$0x1CD8] =	vst v0  }
0x1b1: {  	[tilespmem:$0x1CE8] =	vst v0  }
0x1b2: {  	[tilespmem:$0x1CF8] =	vst v0  }
0x1b3: {  	[tilespmem:$0x1D08] =	vst v0  }
0x1b4: {  	[tilespmem:$0x1D18] =	vst v0  }
0x1b5: {  	[tilespmem:$0x1D28] =	vst v0  }
0x1b6: {  	[tilespmem:$0x1D38] =	vst v0  }
0x1b7: {  	[tilespmem:$0x1D48] =	vst v0  }
0x1b8: {  	[tilespmem:$0x1D58] =	vst v0  }
0x1b9: {  	[tilespmem:$0x1D68] =	vst v0  }
0x1ba: {  	[tilespmem:$0x1D78] =	vst v0  }
0x1bb: {  	[tilespmem:$0x1D88] =	vst v0  }
0x1bc: {  	[tilespmem:$0x1D98] =	vst v0  }
0x1bd: {  	[tilespmem:$0x1DA8] =	vst v0  }
0x1be: {  	[tilespmem:$0x1DB8] =	vst v0  }
0x1bf: {  	[tilespmem:$0x1DC8] =	vst v0  }
0x1c0: {  	[tilespmem:$0x1DD8] =	vst v0  }
0x1c1: {  	[tilespmem:$0x1DE8] =	vst v0  }
0x1c2: {  	[tilespmem:$0x1DF8] =	vst v0  }
0x1c3: {  	[tilespmem:$0x1E08] =	vst v0  }
0x1c4: {  	[tilespmem:$0x1E18] =	vst v0  }
0x1c5: {  	[tilespmem:$0x1E28] =	vst v0  }
0x1c6: {  	[tilespmem:$0x1E38] =	vst v0  }
0x1c7: {  	[tilespmem:$0x1E48] =	vst v0  }
0x1c8: {  	[tilespmem:$0x1E58] =	vst v0  }
0x1c9: {  	[tilespmem:$0x1E68] =	vst v0  }
0x1ca: {  	[tilespmem:$0x1E78] =	vst v0  }
0x1cb: {  	[tilespmem:$0x1E88] =	vst v0  }
0x1cc: {  	[tilespmem:$0x1E98] =	vst v0  }
0x1cd: {  	[tilespmem:$0x1EA8] =	vst v0  }
0x1ce: {  	[tilespmem:$0x1EB8] =	vst v0  }
0x1cf: {  	[tilespmem:$0x1EC8] =	vst v0  }
0x1d0: {  	[tilespmem:$0x1ED8] =	vst v0  }
0x1d1: {  	[tilespmem:$0x1EE8] =	vst v0  }
0x1d2: {  	[tilespmem:$0x1EF8] =	vst v0  }
0x1d3: {  	[tilespmem:$0x1F08] =	vst v0  }
0x1d4: {  	[tilespmem:$0x1F18] =	vst v0  }
0x1d5: {  	[tilespmem:$0x1F28] =	vst v0  }
0x1d6: {  	[tilespmem:$0x1F38] =	vst v0  }
0x1d7: {  	[tilespmem:$0x1F48] =	vst v0  }
0x1d8: {  	[tilespmem:$0x1F58] =	vst v0  }
0x1d9: {  	[tilespmem:$0x1F68] =	vst v0  }
0x1da: {  	[tilespmem:$0x1F78] =	vst v0  }
0x1db: {  	[tilespmem:$0x1F88] =	vst v0  }
0x1dc: {  	[tilespmem:$0x1F98] =	vst v0  }
0x1dd: {  	[tilespmem:$0x1FA8] =	vst v0  }
0x1de: {  	[tilespmem:$0x1FB8] =	vst v0  }
0x1df: {  	[tilespmem:$0x1FC8] =	vst v0  }
0x1e0: {  	[tilespmem:$0x1FD8] =	vst v0  }
0x1e1: {  	[tilespmem:$0x1FE8] =	vst v0  }
0x1e2: {  	[tilespmem:$0x1FF8] =	vst v0  }
0x1e3: {  	[tilespmem:$0x2008] =	vst v0  }
0x1e4: {  	[tilespmem:$0x2018] =	vst v0  }
0x1e5: {  	[tilespmem:$0x2028] =	vst v0  }
0x1e6: {  	[tilespmem:$0x2038] =	vst v0  }
0x1e7: {  	[tilespmem:$0x2048] =	vst v0  }
0x1e8: {  	[tilespmem:$0x2058] =	vst v0  }
0x1e9: {  	[tilespmem:$0x2068] =	vst v0  }
0x1ea: {  	[tilespmem:$0x2078] =	vst v0  }
0x1eb: {  	[tilespmem:$0x2088] =	vst v0  }
0x1ec: {  	[tilespmem:$0x2098] =	vst v0  }
0x1ed: {  	[tilespmem:$0x20A8] =	vst v0  }
0x1ee: {  	[tilespmem:$0x20B8] =	vst v0  }
0x1ef: {  	[tilespmem:$0x20C8] =	vst v0  }
0x1f0: {  	[tilespmem:$0x20D8] =	vst v0  }
0x1f1: {  	[tilespmem:$0x20E8] =	vst v0  }
0x1f2: {  	[tilespmem:$0x20F8] =	vst v0  }
0x1f3: {  	[tilespmem:$0x2108] =	vst v0  }
0x1f4: {  	[tilespmem:$0x2118] =	vst v0  }
0x1f5: {  	[tilespmem:$0x2128] =	vst v0  }
0x1f6: {  	[tilespmem:$0x2138] =	vst v0  }
0x1f7: {  	[tilespmem:$0x2148] =	vst v0  }
0x1f8: {  	[tilespmem:$0x2158] =	vst v0  }
0x1f9: {  	[tilespmem:$0x2168] =	vst v0  }
0x1fa: {  	[tilespmem:$0x2178] =	vst v0  }
0x1fb: {  	[tilespmem:$0x2188] =	vst v0  }
0x1fc: {  	[tilespmem:$0x2198] =	vst v0  }
0x1fd: {  	[tilespmem:$0x21A8] =	vst v0  }
0x1fe: {  	[tilespmem:$0x21B8] =	vst v0  }
0x1ff: {  	[tilespmem:$0x21C8] =	vst v0  }
0x200: {  	[tilespmem:$0x21D8] =	vst v0  }
0x201: {  	[tilespmem:$0x21E8] =	vst v0  }
0x202: {  	[tilespmem:$0x21F8] =	vst v0  }
0x203: {  	[tilespmem:$0x2208] =	vst v0  }
0x204: {  	[tilespmem:$0x2218] =	vst v0  }
0x205: {  	[tilespmem:$0x2228] =	vst v0  }
0x206: {  	[tilespmem:$0x2238] =	vst v0  }
0x207: {  	[tilespmem:$0x2248] =	vst v0  }
0x208: {  	[tilespmem:$0x2258] =	vst v0  }
0x209: {  	[tilespmem:$0x2268] =	vst v0  }
0x20a: {  	[tilespmem:$0x2278] =	vst v0  }
0x20b: {  	[tilespmem:$0x2288] =	vst v0  }
0x20c: {  	[tilespmem:$0x2298] =	vst v0  }
0x20d: {  	[tilespmem:$0x22A8] =	vst v0  }
0x20e: {  	[tilespmem:$0x22B8] =	vst v0  }
0x20f: {  	[tilespmem:$0x22C8] =	vst v0  }
0x210: {  	[tilespmem:$0x22D8] =	vst v0  }
0x211: {  	[tilespmem:$0x22E8] =	vst v0  }
0x212: {  	[tilespmem:$0x22F8] =	vst v0  }
0x213: {  	[tilespmem:$0x2308] =	vst v0  }
0x214: {  	[tilespmem:$0x2318] =	vst v0  }
0x215: {  	[tilespmem:$0x2328] =	vst v0  }
0x216: {  	[tilespmem:$0x2338] =	vst v0  }
0x217: {  	[tilespmem:$0x2348] =	vst v0  }
0x218: {  	[tilespmem:$0x2358] =	vst v0  }
0x219: {  	[tilespmem:$0x2368] =	vst v0  }
0x21a: {  	[tilespmem:$0x2378] =	vst v0  }
0x21b: {  	[tilespmem:$0x2388] =	vst v0  }
0x21c: {  	[tilespmem:$0x2398] =	vst v0  }
0x21d: {  	[tilespmem:$0x23A8] =	vst v0  }
0x21e: {  	[tilespmem:$0x23B8] =	vst v0  }
0x21f: {  	[tilespmem:$0x23C8] =	vst v0  }
0x220: {  	[tilespmem:$0x23D8] =	vst v0  }
0x221: {  	[tilespmem:$0x23E8] =	vst v0  }
0x222: {  	[tilespmem:$0x23F8] =	vst v0  }
0x223: {  	[tilespmem:$0x2408] =	vst v0  }
0x224: {  	[tilespmem:$0x2418] =	vst v0  }
0x225: {  	[tilespmem:$0x2428] =	vst v0  }
0x226: {  	[tilespmem:$0x2438] =	vst v0  }
0x227: {  	[tilespmem:$0x2448] =	vst v0  }
0x228: {  	[tilespmem:$0x2458] =	vst v0  }
0x229: {  	[tilespmem:$0x2468] =	vst v0  }
0x22a: {  	[tilespmem:$0x2478] =	vst v0  }
0x22b: {  	[tilespmem:$0x2488] =	vst v0  }
0x22c: {  	[tilespmem:$0x2498] =	vst v0  }
0x22d: {  	[tilespmem:$0x24A8] =	vst v0  }
0x22e: {  	[tilespmem:$0x24B8] =	vst v0  }
0x22f: {  	[tilespmem:$0x24C8] =	vst v0  }
0x230: {  	[tilespmem:$0x24D8] =	vst v0  }
0x231: {  	[tilespmem:$0x24E8] =	vst v0  }
0x232: {  	[tilespmem:$0x24F8] =	vst v0  }
0x233: {  	[tilespmem:$0x2508] =	vst v0  }
0x234: {  	[tilespmem:$0x2518] =	vst v0  }
0x235: {  	[tilespmem:$0x2528] =	vst v0  }
0x236: {  	[tilespmem:$0x2538] =	vst v0  }
0x237: {  	[tilespmem:$0x2548] =	vst v0  }
0x238: {  	[tilespmem:$0x2558] =	vst v0  }
0x239: {  	[tilespmem:$0x2568] =	vst v0  }
0x23a: {  	[tilespmem:$0x2578] =	vst v0  }
0x23b: {  	[tilespmem:$0x2588] =	vst v0  }
0x23c: {  	[tilespmem:$0x2598] =	vst v0  }
0x23d: {  	[tilespmem:$0x25A8] =	vst v0  }
0x23e: {  	[tilespmem:$0x25B8] =	vst v0  }
0x23f: {  	[tilespmem:$0x25C8] =	vst v0  }
0x240: {  	[tilespmem:$0x25D8] =	vst v0  }
0x241: {  	[tilespmem:$0x25E8] =	vst v0  }
0x242: {  	[tilespmem:$0x25F8] =	vst v0  }
0x243: {  	[tilespmem:$0x2608] =	vst v0  }
0x244: {  	[tilespmem:$0x2618] =	vst v0  }
0x245: {  	[tilespmem:$0x2628] =	vst v0  }
0x246: {  	[tilespmem:$0x2638] =	vst v0  }
0x247: {  	[tilespmem:$0x2648] =	vst v0  }
0x248: {  	[tilespmem:$0x2658] =	vst v0  }
0x249: {  	[tilespmem:$0x2668] =	vst v0  }
0x24a: {  	[tilespmem:$0x2678] =	vst v0  }
0x24b: {  	[tilespmem:$0x2688] =	vst v0  }
0x24c: {  	[tilespmem:$0x2698] =	vst v0  }
0x24d: {  	[tilespmem:$0x26A8] =	vst v0  }
0x24e: {  	[tilespmem:$0x26B8] =	vst v0  }
0x24f: {  	[tilespmem:$0x26C8] =	vst v0  }
0x250: {  	[tilespmem:$0x26D8] =	vst v0  }
0x251: {  	[tilespmem:$0x26E8] =	vst v0  }
0x252: {  	[tilespmem:$0x26F8] =	vst v0  }
0x253: {  	[tilespmem:$0x2708] =	vst v0  }
0x254: {  	[tilespmem:$0x2718] =	vst v0  }
0x255: {  	[tilespmem:$0x2728] =	vst v0  }
0x256: {  	[tilespmem:$0x2738] =	vst v0  }
0x257: {  	[tilespmem:$0x2748] =	vst v0  }
0x258: {  	[tilespmem:$0x2758] =	vst v0  }
0x259: {  	[tilespmem:$0x2768] =	vst v0  }
0x25a: {  	[tilespmem:$0x2778] =	vst v0  }
0x25b: {  	[tilespmem:$0x2788] =	vst v0  }
0x25c: {  	[tilespmem:$0x2798] =	vst v0  }
0x25d: {  	[tilespmem:$0x27A8] =	vst v0  }
0x25e: {  	[tilespmem:$0x27B8] =	vst v0  }
0x25f: {  	[tilespmem:$0x27C8] =	vst v0  }
0x260: {  	[tilespmem:$0x27D8] =	vst v0  }
0x261: {  	[tilespmem:$0x27E8] =	vst v0  }
0x262: {  	[tilespmem:$0x27F8] =	vst v0  }
0x263: {  	[tilespmem:$0x2808] =	vst v0  }
0x264: {  	[tilespmem:$0x2818] =	vst v0  }
0x265: {  	[tilespmem:$0x2828] =	vst v0  }
0x266: {  	[tilespmem:$0x2838] =	vst v0  }
0x267: {  	[tilespmem:$0x2848] =	vst v0  }
0x268: {  	[tilespmem:$0x2858] =	vst v0  }
0x269: {  	[tilespmem:$0x2868] =	vst v0  }
0x26a: {  	[tilespmem:$0x2878] =	vst v0  }
0x26b: {  	[tilespmem:$0x2888] =	vst v0  }
0x26c: {  	[tilespmem:$0x2898] =	vst v0  }
0x26d: {  	[tilespmem:$0x28A8] =	vst v0  }
0x26e: {  	[tilespmem:$0x28B8] =	vst v0  }
0x26f: {  	[tilespmem:$0x28C8] =	vst v0  }
0x270: {  	[tilespmem:$0x28D8] =	vst v0  }
0x271: {  	[tilespmem:$0x28E8] =	vst v0  }
0x272: {  	[tilespmem:$0x28F8] =	vst v0  }
0x273: {  	[tilespmem:$0x2908] =	vst v0  }
0x274: {  	[tilespmem:$0x2918] =	vst v0  }
0x275: {  	[tilespmem:$0x2928] =	vst v0  }
0x276: {  	[tilespmem:$0x2938] =	vst v0  }
0x277: {  	[tilespmem:$0x2948] =	vst v0  }
0x278: {  	[tilespmem:$0x2958] =	vst v0  }
0x279: {  	[tilespmem:$0x2968] =	vst v0  }
0x27a: {  	[tilespmem:$0x2978] =	vst v0  }
0x27b: {  	[tilespmem:$0x2988] =	vst v0  }
0x27c: {  	[tilespmem:$0x2998] =	vst v0  }
0x27d: {  	[tilespmem:$0x29A8] =	vst v0  }
0x27e: {  	[tilespmem:$0x29B8] =	vst v0  }
0x27f: {  	[tilespmem:$0x29C8] =	vst v0  }
0x280: {  	[tilespmem:$0x29D8] =	vst v0  }
0x281: {  	[tilespmem:$0x29E8] =	vst v0  }
0x282: {  	[tilespmem:$0x29F8] =	vst v0  }
0x283: {  	[tilespmem:$0x3928] =	vst v0  }
0x284: {  	[tilespmem:$0x3918] =	vst v0  }
0x285: {  	[tilespmem:$0x3948] =	vst v0  }
0x286: {  	[tilespmem:$0x3938] =	vst v0  }
0x287: {  	[tilespmem:$0x2A08] =	vst v0  }
0x288: {  	[tilespmem:$0x2A18] =	vst v0  }
0x289: {  	[tilespmem:$0x2A28] =	vst v0  }
0x28a: {  	[tilespmem:$0x2A38] =	vst v0  }
0x28b: {  	[tilespmem:$0x2A48] =	vst v0  }
0x28c: {  	[tilespmem:$0x2A58] =	vst v0  }
0x28d: {  	[tilespmem:$0x2A68] =	vst v0  }
0x28e: {  	[tilespmem:$0x2A78] =	vst v0  }
0x28f: {  	[tilespmem:$0x2A88] =	vst v0  }
0x290: {  	[tilespmem:$0x2A98] =	vst v0  }
0x291: {  	[tilespmem:$0x2AA8] =	vst v0  }
0x292: {  	[tilespmem:$0x2AB8] =	vst v0  }
0x293: {  	[tilespmem:$0x2AC8] =	vst v0  }
0x294: {  	[tilespmem:$0x2AD8] =	vst v0  }
0x295: {  	[tilespmem:$0x2AE8] =	vst v0  }
0x296: {  	[tilespmem:$0x2AF8] =	vst v0  }
0x297: {  	[tilespmem:$0x2B08] =	vst v0  }
0x298: {  	[tilespmem:$0x2B18] =	vst v0  }
0x299: {  	[tilespmem:$0x2B28] =	vst v0  }
0x29a: {  	[tilespmem:$0x2B38] =	vst v0  }
0x29b: {  	[tilespmem:$0x2B48] =	vst v0  }
0x29c: {  	[tilespmem:$0x2B58] =	vst v0  }
0x29d: {  	[tilespmem:$0x2B68] =	vst v0  }
0x29e: {  	[tilespmem:$0x2B78] =	vst v0  }
0x29f: {  	[tilespmem:$0x2B88] =	vst v0  }
0x2a0: {  	[tilespmem:$0x2B98] =	vst v0  }
0x2a1: {  	[tilespmem:$0x2BA8] =	vst v0  }
0x2a2: {  	[tilespmem:$0x2BB8] =	vst v0  }
0x2a3: {  	[tilespmem:$0x2BC8] =	vst v0  }
0x2a4: {  	[tilespmem:$0x2BD8] =	vst v0  }
0x2a5: {  	[tilespmem:$0x2BE8] =	vst v0  }
0x2a6: {  	[tilespmem:$0x2BF8] =	vst v0  }
0x2a7: {  	[tilespmem:$0x2C08] =	vst v0  }
0x2a8: {  	[tilespmem:$0x2C18] =	vst v0  }
0x2a9: {  	[tilespmem:$0x2C28] =	vst v0  }
0x2aa: {  	[tilespmem:$0x2C38] =	vst v0  }
0x2ab: {  	[tilespmem:$0x2C48] =	vst v0  }
0x2ac: {  	[tilespmem:$0x2C58] =	vst v0  }
0x2ad: {  	[tilespmem:$0x2C68] =	vst v0  }
0x2ae: {  	[tilespmem:$0x2C78] =	vst v0  }
0x2af: {  	[tilespmem:$0x2C88] =	vst v0  }
0x2b0: {  	[tilespmem:$0x2C98] =	vst v0  }
0x2b1: {  	[tilespmem:$0x2CA8] =	vst v0  }
0x2b2: {  	[tilespmem:$0x2CB8] =	vst v0  }
0x2b3: {  	[tilespmem:$0x2CC8] =	vst v0  }
0x2b4: {  	[tilespmem:$0x2CD8] =	vst v0  }
0x2b5: {  	[tilespmem:$0x2CE8] =	vst v0  }
0x2b6: {  	[tilespmem:$0x2CF8] =	vst v0  }
0x2b7: {  	[tilespmem:$0x2D08] =	vst v0  }
0x2b8: {  	[tilespmem:$0x2D18] =	vst v0  }
0x2b9: {  	[tilespmem:$0x2D28] =	vst v0  }
0x2ba: {  	[tilespmem:$0x2D38] =	vst v0  }
0x2bb: {  	[tilespmem:$0x2D48] =	vst v0  }
0x2bc: {  	[tilespmem:$0x2D58] =	vst v0  }
0x2bd: {  	[tilespmem:$0x2D68] =	vst v0  }
0x2be: {  	[tilespmem:$0x2D78] =	vst v0  }
0x2bf: {  	[tilespmem:$0x2D88] =	vst v0  }
0x2c0: {  	[tilespmem:$0x2D98] =	vst v0  }
0x2c1: {  	[tilespmem:$0x2DA8] =	vst v0  }
0x2c2: {  	[tilespmem:$0x2DB8] =	vst v0  }
0x2c3: {  	[tilespmem:$0x2DC8] =	vst v0  }
0x2c4: {  	[tilespmem:$0x2DD8] =	vst v0  }
0x2c5: {  	[tilespmem:$0x2DE8] =	vst v0  }
0x2c6: {  	[tilespmem:$0x2DF8] =	vst v0  }
0x2c7: {  	[tilespmem:$0x2E08] =	vst v0  }
0x2c8: {  	[tilespmem:$0x2E18] =	vst v0  }
0x2c9: {  	[tilespmem:$0x2E28] =	vst v0  }
0x2ca: {  	[tilespmem:$0x2E38] =	vst v0  }
0x2cb: {  	[tilespmem:$0x2E48] =	vst v0  }
0x2cc: {  	[tilespmem:$0x2E58] =	vst v0  }
0x2cd: {  	[tilespmem:$0x2E68] =	vst v0  }
0x2ce: {  	[tilespmem:$0x2E78] =	vst v0  }
0x2cf: {  	[tilespmem:$0x2E88] =	vst v0  }
0x2d0: {  	[tilespmem:$0x2E98] =	vst v0  }
0x2d1: {  	[tilespmem:$0x2EA8] =	vst v0  }
0x2d2: {  	[tilespmem:$0x2EB8] =	vst v0  }
0x2d3: {  	[tilespmem:$0x2EC8] =	vst v0  }
0x2d4: {  	[tilespmem:$0x2ED8] =	vst v0  }
0x2d5: {  	[tilespmem:$0x2EE8] =	vst v0  }
0x2d6: {  	[tilespmem:$0x2EF8] =	vst v0  }
0x2d7: {  	[tilespmem:$0x2F08] =	vst v0  }
0x2d8: {  	[tilespmem:$0x2F18] =	vst v0  }
0x2d9: {  	[tilespmem:$0x2F28] =	vst v0  }
0x2da: {  	[tilespmem:$0x2F38] =	vst v0  }
0x2db: {  	[tilespmem:$0x2F48] =	vst v0  }
0x2dc: {  	[tilespmem:$0x2F58] =	vst v0  }
0x2dd: {  	[tilespmem:$0x2F68] =	vst v0  }
0x2de: {  	[tilespmem:$0x2F78] =	vst v0  }
0x2df: {  	[tilespmem:$0x2F88] =	vst v0  }
0x2e0: {  	[tilespmem:$0x2F98] =	vst v0  }
0x2e1: {  	[tilespmem:$0x2FA8] =	vst v0  }
0x2e2: {  	[tilespmem:$0x2FB8] =	vst v0  }
0x2e3: {  	[tilespmem:$0x2FC8] =	vst v0  }
0x2e4: {  	[tilespmem:$0x2FD8] =	vst v0  }
0x2e5: {  	[tilespmem:$0x2FE8] =	vst v0  }
0x2e6: {  	[tilespmem:$0x2FF8] =	vst v0  }
0x2e7: {  	[tilespmem:$0x3008] =	vst v0  }
0x2e8: {  	[tilespmem:$0x3018] =	vst v0  }
0x2e9: {  	[tilespmem:$0x3028] =	vst v0  }
0x2ea: {  	[tilespmem:$0x3038] =	vst v0  }
0x2eb: {  	[tilespmem:$0x3048] =	vst v0  }
0x2ec: {  	[tilespmem:$0x3058] =	vst v0  }
0x2ed: {  	[tilespmem:$0x3068] =	vst v0  }
0x2ee: {  	[tilespmem:$0x3078] =	vst v0  }
0x2ef: {  	[tilespmem:$0x3088] =	vst v0  }
0x2f0: {  	[tilespmem:$0x3098] =	vst v0  }
0x2f1: {  	[tilespmem:$0x30A8] =	vst v0  }
0x2f2: {  	[tilespmem:$0x30B8] =	vst v0  }
0x2f3: {  	[tilespmem:$0x30C8] =	vst v0  }
0x2f4: {  	[tilespmem:$0x30D8] =	vst v0  }
0x2f5: {  	[tilespmem:$0x30E8] =	vst v0  }
0x2f6: {  	[tilespmem:$0x30F8] =	vst v0  }
0x2f7: {  	[tilespmem:$0x3108] =	vst v0  }
0x2f8: {  	[tilespmem:$0x3118] =	vst v0  }
0x2f9: {  	[tilespmem:$0x3128] =	vst v0  }
0x2fa: {  	[tilespmem:$0x3138] =	vst v0  }
0x2fb: {  	[tilespmem:$0x3148] =	vst v0  }
0x2fc: {  	[tilespmem:$0x3158] =	vst v0  }
0x2fd: {  	[tilespmem:$0x3168] =	vst v0  }
0x2fe: {  	[tilespmem:$0x3178] =	vst v0  }
0x2ff: {  	[tilespmem:$0x3188] =	vst v0  }
0x300: {  	[tilespmem:$0x3198] =	vst v0  }
0x301: {  	[tilespmem:$0x31A8] =	vst v0  }
0x302: {  	[tilespmem:$0x31B8] =	vst v0  }
0x303: {  	[tilespmem:$0x31C8] =	vst v0  }
0x304: {  	[tilespmem:$0x31D8] =	vst v0  }
0x305: {  	[tilespmem:$0x31E8] =	vst v0  }
0x306: {  	[tilespmem:$0x31F8] =	vst v0  }
0x307: {  	[tilespmem:$0x3208] =	vst v0  }
0x308: {  	[tilespmem:$0x3218] =	vst v0  }
0x309: {  	[tilespmem:$0x3228] =	vst v0  }
0x30a: {  	[tilespmem:$0x3238] =	vst v0  }
0x30b: {  	[tilespmem:$0x3248] =	vst v0  }
0x30c: {  	[tilespmem:$0x3258] =	vst v0  }
0x30d: {  	[tilespmem:$0x3268] =	vst v0  }
0x30e: {  	[tilespmem:$0x3278] =	vst v0  }
0x30f: {  	[tilespmem:$0x3288] =	vst v0  }
0x310: {  	[tilespmem:$0x3298] =	vst v0  }
0x311: {  	[tilespmem:$0x32A8] =	vst v0  }
0x312: {  	[tilespmem:$0x32B8] =	vst v0  }
0x313: {  	[tilespmem:$0x32C8] =	vst v0  }
0x314: {  	[tilespmem:$0x32D8] =	vst v0  }
0x315: {  	[tilespmem:$0x32E8] =	vst v0  }
0x316: {  	[tilespmem:$0x32F8] =	vst v0  }
0x317: {  	[tilespmem:$0x3308] =	vst v0  }
0x318: {  	[tilespmem:$0x3318] =	vst v0  }
0x319: {  	[tilespmem:$0x3328] =	vst v0  }
0x31a: {  	[tilespmem:$0x3338] =	vst v0  }
0x31b: {  	[tilespmem:$0x3348] =	vst v0  }
0x31c: {  	[tilespmem:$0x3358] =	vst v0  }
0x31d: {  	[tilespmem:$0x3368] =	vst v0  }
0x31e: {  	[tilespmem:$0x3378] =	vst v0  }
0x31f: {  	[tilespmem:$0x3388] =	vst v0  }
0x320: {  	[tilespmem:$0x3398] =	vst v0  }
0x321: {  	[tilespmem:$0x33A8] =	vst v0  }
0x322: {  	[tilespmem:$0x33B8] =	vst v0  }
0x323: {  	[tilespmem:$0x33C8] =	vst v0  }
0x324: {  	[tilespmem:$0x33D8] =	vst v0  }
0x325: {  	[tilespmem:$0x33E8] =	vst v0  }
0x326: {  	[tilespmem:$0x33F8] =	vst v0  }
0x327: {  	[tilespmem:$0x3408] =	vst v0  }
0x328: {  	[tilespmem:$0x3418] =	vst v0  }
0x329: {  	[tilespmem:$0x3428] =	vst v0  }
0x32a: {  	[tilespmem:$0x3438] =	vst v0  }
0x32b: {  	[tilespmem:$0x3448] =	vst v0  }
0x32c: {  	[tilespmem:$0x3458] =	vst v0  }
0x32d: {  	[tilespmem:$0x3468] =	vst v0  }
0x32e: {  	[tilespmem:$0x3478] =	vst v0  }
0x32f: {  	[tilespmem:$0x3488] =	vst v0  }
0x330: {  	[tilespmem:$0x3498] =	vst v0  }
0x331: {  	[tilespmem:$0x34A8] =	vst v0  }
0x332: {  	[tilespmem:$0x34B8] =	vst v0  }
0x333: {  	[tilespmem:$0x34C8] =	vst v0  }
0x334: {  	[tilespmem:$0x34D8] =	vst v0  }
0x335: {  	[tilespmem:$0x34E8] =	vst v0  }
0x336: {  	[tilespmem:$0x34F8] =	vst v0  }
0x337: {  	[tilespmem:$0x3508] =	vst v0  }
0x338: {  	[tilespmem:$0x3518] =	vst v0  }
0x339: {  	[tilespmem:$0x3528] =	vst v0  }
0x33a: {  	[tilespmem:$0x3538] =	vst v0  }
0x33b: {  	[tilespmem:$0x3548] =	vst v0  }
0x33c: {  	[tilespmem:$0x3558] =	vst v0  }
0x33d: {  	[tilespmem:$0x3568] =	vst v0  }
0x33e: {  	[tilespmem:$0x3578] =	vst v0  }
0x33f: {  	[tilespmem:$0x3588] =	vst v0  }
0x340: {  	[tilespmem:$0x3598] =	vst v0  }
0x341: {  	[tilespmem:$0x35A8] =	vst v0  }
0x342: {  	[tilespmem:$0x35B8] =	vst v0  }
0x343: {  	[tilespmem:$0x35C8] =	vst v0  }
0x344: {  	[tilespmem:$0x35D8] =	vst v0  }
0x345: {  	[tilespmem:$0x35E8] =	vst v0  }
0x346: {  	[tilespmem:$0x35F8] =	vst v0  }
0x347: {  	[tilespmem:$0x3608] =	vst v0  }
0x348: {  	[tilespmem:$0x3618] =	vst v0  }
0x349: {  	[tilespmem:$0x3628] =	vst v0  }
0x34a: {  	[tilespmem:$0x3638] =	vst v0  }
0x34b: {  	[tilespmem:$0x3648] =	vst v0  }
0x34c: {  	[tilespmem:$0x3658] =	vst v0  }
0x34d: {  	[tilespmem:$0x3668] =	vst v0  }
0x34e: {  	[tilespmem:$0x3678] =	vst v0  }
0x34f: {  	[tilespmem:$0x3688] =	vst v0  }
0x350: {  	[tilespmem:$0x3698] =	vst v0  }
0x351: {  	[tilespmem:$0x36A8] =	vst v0  }
0x352: {  	[tilespmem:$0x36B8] =	vst v0  }
0x353: {  	[tilespmem:$0x36C8] =	vst v0  }
0x354: {  	[tilespmem:$0x36D8] =	vst v0  }
0x355: {  	[tilespmem:$0x36E8] =	vst v0  }
0x356: {  	[tilespmem:$0x36F8] =	vst v0  }
0x357: {  	[tilespmem:$0x3708] =	vst v0  }
0x358: {  	[tilespmem:$0x3718] =	vst v0  }
0x359: {  	[tilespmem:$0x3728] =	vst v0  }
0x35a: {  	[tilespmem:$0x3738] =	vst v0  }
0x35b: {  	[tilespmem:$0x3748] =	vst v0  }
0x35c: {  	[tilespmem:$0x3758] =	vst v0  }
0x35d: {  	[tilespmem:$0x3768] =	vst v0  }
0x35e: {  	[tilespmem:$0x3778] =	vst v0  }
0x35f: {  	[tilespmem:$0x3788] =	vst v0  }
0x360: {  	[tilespmem:$0x3798] =	vst v0  }
0x361: {  	[tilespmem:$0x37A8] =	vst v0  }
0x362: {  	[tilespmem:$0x37B8] =	vst v0  }
0x363: {  	[tilespmem:$0x37C8] =	vst v0  }
0x364: {  	[tilespmem:$0x37D8] =	vst v0  }
0x365: {  	[tilespmem:$0x37E8] =	vst v0  }
0x366: {  	[tilespmem:$0x37F8] =	vst v0  }
0x367: {  	[tilespmem:$0x3808] =	vst v0  }
0x368: {  	[tilespmem:$0x3818] =	vst v0  }
0x369: {  	[tilespmem:$0x3828] =	vst v0  }
0x36a: {  	[tilespmem:$0x3838] =	vst v0  }
0x36b: {  	[tilespmem:$0x3848] =	vst v0  }
0x36c: {  	[tilespmem:$0x3858] =	vst v0  }
0x36d: {  	[tilespmem:$0x3868] =	vst v0  }
0x36e: {  	[tilespmem:$0x3878] =	vst v0  }
0x36f: {  	[tilespmem:$0x3888] =	vst v0  }
0x370: {  	[tilespmem:$0x3898] =	vst v0  }
0x371: {  	[tilespmem:$0x38A8] =	vst v0  }
0x372: {  	[tilespmem:$0x38B8] =	vst v0  }
0x373: {  	[tilespmem:$0x38C8] =	vst v0  }
0x374: {  	[tilespmem:$0x38D8] =	vst v0  }
0x375: {  	[tilespmem:$0x38E8] =	vst v0  }
0x376: {  	[tilespmem:$0x38F8] =	vst v0  }
0x377: {  	[tilespmem:$0x3908] =	vst v0  }
0x378: {  	[tilespmem:$0x3958] =	vst v0  }
0x379: {  	[tilespmem:$0x3968] =	vst v0  }
0x37a: {  	[tilespmem:$0x3978] =	vst v0  }
0x37b: {  	[tilespmem:$0x3988] =	vst v0  }
0x37c: {  	[tilespmem:$0x3998] =	vst v0  }
0x37d: {  	[tilespmem:$0x39A8] =	vst v0  }
0x37e: {  	[tilespmem:$0x39B8] =	vst v0  }
0x37f: {  	[tilespmem:$0x39C8] =	vst v0  }
0x380: {  	[tilespmem:$0x39D8] =	vst v0  }
0x381: {  	[tilespmem:$0x39E8] =	vst v0  }
0x382: {  	[tilespmem:$0x39F8] =	vst v0  }
0x383: {  	[tilespmem:$0x3A08] =	vst v0  }
0x384: {  	[tilespmem:$0x3A18] =	vst v0  }
0x385: {  	[tilespmem:$0x3A28] =	vst v0  }
0x386: {  	[tilespmem:$0x3A38] =	vst v0  }
0x387: {  	[tilespmem:$0x3A48] =	vst v0  }
0x388: {  	[tilespmem:$0x3A58] =	vst v0  }
0x389: {  	[tilespmem:$0x3A68] =	vst v0  }
0x38a: {  	[tilespmem:$0x3A78] =	vst v0  }
0x38b: {  	[tilespmem:$0x3A88] =	vst v0  }
0x38c: {  	[tilespmem:$0x3A98] =	vst v0  }
0x38d: {  	[tilespmem:$0x3AA8] =	vst v0  }
0x38e: {  	[tilespmem:$0x3AB8] =	vst v0  }
0x38f: {  	[tilespmem:$0x3AC8] =	vst v0  }
0x390: {  	[tilespmem:$0x3AD8] =	vst v0  }
0x391: {  	[tilespmem:$0x3AE8] =	vst v0  }
0x392: {  	[tilespmem:$0x3AF8] =	vst v0  }
0x393: {  	[tilespmem:$0x3B08] =	vst v0  }
0x394: {  	[tilespmem:$0x3B18] =	vst v0  }
0x395: {  	[tilespmem:$0x3B28] =	vst v0  }
0x396: {  	[tilespmem:$0x3B38] =	vst v0  }
0x397: {  	[tilespmem:$0x3B48] =	vst v0  }
0x398: {  	[tilespmem:$0x3B58] =	vst v0  }
0x399: {  	[tilespmem:$0x3B68] =	vst v0  }
0x39a: {  	[tilespmem:$0x3B78] =	vst v0  }
0x39b: {  	[tilespmem:$0x3B88] =	vst v0  }
0x39c: {  	[tilespmem:$0x3B98] =	vst v0  }
0x39d: {  	[tilespmem:$0x3BA8] =	vst v0  }
0x39e: {  	[tilespmem:$0x3BB8] =	vst v0  }
0x39f: {  	[tilespmem:$0x3BC8] =	vst v0  }
0x3a0: {  	[tilespmem:$0x3BD8] =	vst v0  }
0x3a1: {  	[tilespmem:$0x3BE8] =	vst v0  }
0x3a2: {  	[tilespmem:$0x3BF8] =	vst v0  }
0x3a3: {  	[tilespmem:$0x3C08] =	vst v0  }
0x3a4: {  	[tilespmem:$0x3C18] =	vst v0  }
0x3a5: {  	[tilespmem:$0x3C28] =	vst v0  }
0x3a6: {  	[tilespmem:$0x3C38] =	vst v0  }
0x3a7: {  	[tilespmem:$0x3C48] =	vst v0  }
0x3a8: {  	[tilespmem:$0x3C58] =	vst v0  }
0x3a9: {  	[tilespmem:$0x3C68] =	vst v0  }
0x3aa: {  	[tilespmem:$0x3C78] =	vst v0  }
0x3ab: {  	[tilespmem:$0x3C88] =	vst v0  }
0x3ac: {  	[tilespmem:$0x3C98] =	vst v0  }
0x3ad: {  	[tilespmem:$0x3CA8] =	vst v0  }
0x3ae: {  	[tilespmem:$0x3CB8] =	vst v0  }
0x3af: {  	[tilespmem:$0x3CC8] =	vst v0  }
0x3b0: {  	[tilespmem:$0x3CD8] =	vst v0  }
0x3b1: {  	[tilespmem:$0x3CE8] =	vst v0  }
0x3b2: {  	[tilespmem:$0x3CF8] =	vst v0  }
0x3b3: {  	[tilespmem:$0x3D08] =	vst v0  }
0x3b4: {  	[tilespmem:$0x3D18] =	vst v0  }
0x3b5: {  	[tilespmem:$0x3D28] =	vst v0  }
0x3b6: {  	[tilespmem:$0x3D38] =	vst v0  }
0x3b7: {  	[tilespmem:$0x3D48] =	vst v0  }
0x3b8: {  	[tilespmem:$0x3D58] =	vst v0  }
0x3b9: {  	[tilespmem:$0x3D68] =	vst v0  }
0x3ba: {  	[tilespmem:$0x3D78] =	vst v0  }
0x3bb: {  	[tilespmem:$0x3D88] =	vst v0  }
0x3bc: {  	[tilespmem:$0x3D98] =	vst v0  }
0x3bd: {  	[tilespmem:$0x3DA8] =	vst v0  }
0x3be: {  	[tilespmem:$0x3DB8] =	vst v0  }
0x3bf: {  	[tilespmem:$0x3DC8] =	vst v0  }
0x3c0: {  	[tilespmem:$0x3DD8] =	vst v0  }
0x3c1: {  	[tilespmem:$0x3DE8] =	vst v0  }
0x3c2: {  	[tilespmem:$0x3DF8] =	vst v0  }
0x3c3: {  	[tilespmem:$0x3E08] =	vst v0  }
0x3c4: {  	[tilespmem:$0x3E18] =	vst v0  }
0x3c5: {  	[tilespmem:$0x3E28] =	vst v0  }
0x3c6: {  	[tilespmem:$0x3E38] =	vst v0  }
0x3c7: {  	[tilespmem:$0x3E48] =	vst v0  }
0x3c8: {  	[tilespmem:$0x3E58] =	vst v0  }
0x3c9: {  	[tilespmem:$0x3E68] =	vst v0  }
0x3ca: {  	[tilespmem:$0x3E78] =	vst v0  }
0x3cb: {  	[tilespmem:$0x3E88] =	vst v0  }
0x3cc: {  	[tilespmem:$0x3E98] =	vst v0  }
0x3cd: {  	[tilespmem:$0x3EA8] =	vst v0  }
0x3ce: {  	[tilespmem:$0x3EB8] =	vst v0  }
0x3cf: {  	[tilespmem:$0x3EC8] =	vst v0  }
0x3d0: {  	[tilespmem:$0x3ED8] =	vst v0  }
0x3d1: {  	[tilespmem:$0x3EE8] =	vst v0  }
0x3d2: {  	[tilespmem:$0x3EF8] =	vst v0  }
0x3d3: {  	[tilespmem:$0x3F08] =	vst v0  }
0x3d4: {  	[tilespmem:$0x3F18] =	vst v0  }
0x3d5: {  	[tilespmem:$0x3F28] =	vst v0  }
0x3d6: {  	[tilespmem:$0x3F38] =	vst v0  }
0x3d7: {  	[tilespmem:$0x3F48] =	vst v0  }
0x3d8: {  	[tilespmem:$0x3F58] =	vst v0  }
0x3d9: {  	[tilespmem:$0x3F68] =	vst v0  }
0x3da: {  	[tilespmem:$0x3F78] =	vst v0  }
0x3db: {  	[tilespmem:$0x3F88] =	vst v0  }
0x3dc: {  	[tilespmem:$0x3F98] =	vst v0  }
0x3dd: {  	[tilespmem:$0x3FA8] =	vst v0  }
0x3de: {  	[tilespmem:$0x3FB8] =	vst v0  }
0x3df: {  	[tilespmem:$0x3FC8] =	vst v0  }
0x3e0: {  	[tilespmem:$0x3FD8] =	vst v0  }
0x3e1: {  	[tilespmem:$0x3FE8] =	vst v0  }
0x3e2: {  	[tilespmem:$0x3FF8] =	vst v0  }
0x3e3: {  	[tilespmem:$0x4008] =	vst v0  }
0x3e4: {  	[tilespmem:$0x4018] =	vst v0  }
0x3e5: {  	[tilespmem:$0x4028] =	vst v0  }
0x3e6: {  	[tilespmem:$0x4038] =	vst v0  }
0x3e7: {  	[tilespmem:$0x4048] =	vst v0  }
0x3e8: {  	[tilespmem:$0x4058] =	vst v0  }
0x3e9: {  	[tilespmem:$0x4068] =	vst v0  }
0x3ea: {  	[tilespmem:$0x4078] =	vst v0  }
0x3eb: {  	[tilespmem:$0x4088] =	vst v0  }
0x3ec: {  	[tilespmem:$0x4098] =	vst v0  }
0x3ed: {  	[tilespmem:$0x40A8] =	vst v0  }
0x3ee: {  	[tilespmem:$0x40B8] =	vst v0  }
0x3ef: {  	[tilespmem:$0x40C8] =	vst v0  }
0x3f0: {  	[tilespmem:$0x40D8] =	vst v0  }
0x3f1: {  	[tilespmem:$0x40E8] =	vst v0  }
0x3f2: {  	[tilespmem:$0x40F8] =	vst v0  }
0x3f3: {  	[tilespmem:$0x4108] =	vst v0  }
0x3f4: {  	[tilespmem:$0x4118] =	vst v0  }
0x3f5: {  	[tilespmem:$0x4128] =	vst v0  }
0x3f6: {  	[tilespmem:$0x4138] =	vst v0  }
0x3f7: {  	[tilespmem:$0x4148] =	vst v0  }
0x3f8: {  	[tilespmem:$0x4158] =	vst v0  }
0x3f9: {  	[tilespmem:$0x4168] =	vst v0  }
0x3fa: {  	[tilespmem:$0x4178] =	vst v0  }
0x3fb: {  	[tilespmem:$0x4188] =	vst v0  }
0x3fc: {  	[tilespmem:$0x4198] =	vst v0  }
0x3fd: {  	[tilespmem:$0x41A8] =	vst v0  }
0x3fe: {  	[tilespmem:$0x41B8] =	vst v0  }
0x3ff: {  	[tilespmem:$0x41C8] =	vst v0  }
0x400: {  	[tilespmem:$0x41D8] =	vst v0  }
0x401: {  	[tilespmem:$0x41E8] =	vst v0  }
0x402: {  	[tilespmem:$0x41F8] =	vst v0  }
0x403: {  	[tilespmem:$0x4208] =	vst v0  }
0x404: {  	[tilespmem:$0x4218] =	vst v0  }
0x405: {  	[tilespmem:$0x4228] =	vst v0  }
0x406: {  	[tilespmem:$0x4238] =	vst v0  }
0x407: {  	[tilespmem:$0x4248] =	vst v0  }
0x408: {  	[tilespmem:$0x4258] =	vst v0  }
0x409: {  	[tilespmem:$0x4268] =	vst v0  }
0x40a: {  	[tilespmem:$0x4278] =	vst v0  }
0x40b: {  	[tilespmem:$0x4288] =	vst v0  }
0x40c: {  	[tilespmem:$0x4298] =	vst v0  }
0x40d: {  	[tilespmem:$0x42A8] =	vst v0  }
0x40e: {  	[tilespmem:$0x42B8] =	vst v0  }
0x40f: {  	[tilespmem:$0x42C8] =	vst v0  }
0x410: {  	[tilespmem:$0x42D8] =	vst v0  }
0x411: {  	[tilespmem:$0x42E8] =	vst v0  }
0x412: {  	[tilespmem:$0x42F8] =	vst v0  }
0x413: {  	[tilespmem:$0x4308] =	vst v0  }
0x414: {  	[tilespmem:$0x4318] =	vst v0  }
0x415: {  	[tilespmem:$0x4328] =	vst v0  }
0x416: {  	[tilespmem:$0x4338] =	vst v0  }
0x417: {  	[tilespmem:$0x4348] =	vst v0  }
0x418: {  	[tilespmem:$0x4358] =	vst v0  }
0x419: {  	[tilespmem:$0x4368] =	vst v0  }
0x41a: {  	[tilespmem:$0x4378] =	vst v0  }
0x41b: {  	[tilespmem:$0x4388] =	vst v0  }
0x41c: {  	[tilespmem:$0x4398] =	vst v0  }
0x41d: {  	[tilespmem:$0x43A8] =	vst v0  }
0x41e: {  	[tilespmem:$0x43B8] =	vst v0  }
0x41f: {  	[tilespmem:$0x43C8] =	vst v0  }
0x420: {  	[tilespmem:$0x43D8] =	vst v0  }
0x421: {  	[tilespmem:$0x43E8] =	vst v0  }
0x422: {  	[tilespmem:$0x43F8] =	vst v0  }
0x423: {  	[tilespmem:$0x4408] =	vst v0  }
0x424: {  	[tilespmem:$0x4418] =	vst v0  }
0x425: {  	[tilespmem:$0x4428] =	vst v0  }
0x426: {  	[tilespmem:$0x4438] =	vst v0  }
0x427: {  	[tilespmem:$0x4448] =	vst v0  }
0x428: {  	[tilespmem:$0x4458] =	vst v0  }
0x429: {  	[tilespmem:$0x4468] =	vst v0  }
0x42a: {  	[tilespmem:$0x4478] =	vst v0  }
0x42b: {  	[tilespmem:$0x4488] =	vst v0  }
0x42c: {  	[tilespmem:$0x4498] =	vst v0  }
0x42d: {  	[tilespmem:$0x44A8] =	vst v0  }
0x42e: {  	[tilespmem:$0x44B8] =	vst v0  }
0x42f: {  	[tilespmem:$0x44C8] =	vst v0  }
0x430: {  	[tilespmem:$0x44D8] =	vst v0  }
0x431: {  	[tilespmem:$0x44E8] =	vst v0  }
0x432: {  	[tilespmem:$0x44F8] =	vst v0  }
0x433: {  	[tilespmem:$0x4508] =	vst v0  }
0x434: {  	[tilespmem:$0x4518] =	vst v0  }
0x435: {  	[tilespmem:$0x4528] =	vst v0  }
0x436: {  	[tilespmem:$0x4538] =	vst v0  }
0x437: {  	[tilespmem:$0x4548] =	vst v0  }
0x438: {  	[tilespmem:$0x4558] =	vst v0  }
0x439: {  	[tilespmem:$0x4568] =	vst v0  }
0x43a: {  	[tilespmem:$0x4578] =	vst v0  }
0x43b: {  	[tilespmem:$0x4588] =	vst v0  }
0x43c: {  	[tilespmem:$0x4598] =	vst v0  }
0x43d: {  	[tilespmem:$0x45A8] =	vst v0  }
0x43e: {  	[tilespmem:$0x45B8] =	vst v0  }
0x43f: {  	[tilespmem:$0x45C8] =	vst v0  }
0x440: {  	[tilespmem:$0x45D8] =	vst v0  }
0x441: {  	[tilespmem:$0x45E8] =	vst v0  }
0x442: {  	[tilespmem:$0x45F8] =	vst v0  }
0x443: {  	[tilespmem:$0x4608] =	vst v0  }
0x444: {  	[tilespmem:$0x4618] =	vst v0  }
0x445: {  	[tilespmem:$0x4628] =	vst v0  }
0x446: {  	[tilespmem:$0x4638] =	vst v0  }
0x447: {  	[tilespmem:$0x4648] =	vst v0  }
0x448: {  	[tilespmem:$0x4658] =	vst v0  }
0x449: {  	[tilespmem:$0x4668] =	vst v0  }
0x44a: {  	[tilespmem:$0x4678] =	vst v0  }
0x44b: {  	[tilespmem:$0x4688] =	vst v0  }
0x44c: {  	[tilespmem:$0x4698] =	vst v0  }
0x44d: {  	[tilespmem:$0x46A8] =	vst v0  }
0x44e: {  	[tilespmem:$0x46B8] =	vst v0  }
0x44f: {  	[tilespmem:$0x46C8] =	vst v0  }
0x450: {  	[tilespmem:$0x46D8] =	vst v0  }
0x451: {  	[tilespmem:$0x46E8] =	vst v0  }
0x452: {  	[tilespmem:$0x46F8] =	vst v0  }
0x453: {  	[tilespmem:$0x4708] =	vst v0  }
0x454: {  	[tilespmem:$0x4718] =	vst v0  }
0x455: {  	[tilespmem:$0x4728] =	vst v0  }
0x456: {  	[tilespmem:$0x4738] =	vst v0  }
0x457: {  	[tilespmem:$0x4748] =	vst v0  }
0x458: {  	[tilespmem:$0x4758] =	vst v0  }
0x459: {  	[tilespmem:$0x4768] =	vst v0  }
0x45a: {  	[tilespmem:$0x4778] =	vst v0  }
0x45b: {  	[tilespmem:$0x4788] =	vst v0  }
0x45c: {  	[tilespmem:$0x4798] =	vst v0  }
0x45d: {  	[tilespmem:$0x47A8] =	vst v0  }
0x45e: {  	[tilespmem:$0x47B8] =	vst v0  }
0x45f: {  	[tilespmem:$0x47C8] =	vst v0  }
0x460: {  	[tilespmem:$0x47D8] =	vst v0  }
0x461: {  	[tilespmem:$0x47E8] =	vst v0  }
0x462: {  	[tilespmem:$0x47F8] =	vst v0  }
0x463: {  	[tilespmem:$0x4808] =	vst v0  }
0x464: {  	[tilespmem:$0x4818] =	vst v0  }
0x465: {  	[tilespmem:$0x4828] =	vst v0  }
0x466: {  	[tilespmem:$0x4838] =	vst v0  }
0x467: {  	[tilespmem:$0x4848] =	vst v0  }
0x468: {  	[tilespmem:$0x4858] =	vst v0  }
0x469: {  	[tilespmem:$0x4868] =	vst v0  }
0x46a: {  	[tilespmem:$0x4878] =	vst v0  }
0x46b: {  	[tilespmem:$0x4888] =	vst v0  }
0x46c: {  	[tilespmem:$0x4898] =	vst v0  }
0x46d: {  	[tilespmem:$0x48A8] =	vst v0  }
0x46e: {  	[tilespmem:$0x48B8] =	vst v0  }
0x46f: {  	[tilespmem:$0x48C8] =	vst v0  }
0x470: {  	[tilespmem:$0x48D8] =	vst v0  }
0x471: {  	[tilespmem:$0x48E8] =	vst v0  }
0x472: {  	[tilespmem:$0x48F8] =	vst v0  }
0x473: {  	[tilespmem:$0x4908] =	vst v0  }
0x474: {  	[tilespmem:$0x4918] =	vst v0  }
0x475: {  	[tilespmem:$0x4928] =	vst v0  }
0x476: {  	[tilespmem:$0x4938] =	vst v0  }
0x477: {  	[tilespmem:$0x49F8] =	vst v0  }
0x478: {  	[tilespmem:$0x5828] =	vst v0  }
0x479: {  	[tilespmem:$0x5818] =	vst v0  }
0x47a: {  	[tilespmem:$0x5808] =	vst v0  }
0x47b: {  	[tilespmem:$0x4978] =	vst v0  }
0x47c: {  	[tilespmem:$0x57F8] =	vst v0  }
0x47d: {  	[tilespmem:$0x57E8] =	vst v0  }
0x47e: {  	[tilespmem:$0x57D8] =	vst v0  }
0x47f: {  	[tilespmem:$0x57C8] =	vst v0  }
0x480: {  	[tilespmem:$0x57B8] =	vst v0  }
0x481: {  	[tilespmem:$0x57A8] =	vst v0  }
0x482: {  	[tilespmem:$0x5798] =	vst v0  }
0x483: {  	[tilespmem:$0x5788] =	vst v0  }
0x484: {  	[tilespmem:$0x5778] =	vst v0  }
0x485: {  	[tilespmem:$0x5768] =	vst v0  }
0x486: {  	[tilespmem:$0x5758] =	vst v0  }
0x487: {  	[tilespmem:$0x5748] =	vst v0  }
0x488: {  	[tilespmem:$0x5738] =	vst v0  }
0x489: {  	[tilespmem:$0x5728] =	vst v0  }
0x48a: {  	[tilespmem:$0x5718] =	vst v0  }
0x48b: {  	[tilespmem:$0x5708] =	vst v0  }
0x48c: {  	[tilespmem:$0x56F8] =	vst v0  }
0x48d: {  	[tilespmem:$0x56E8] =	vst v0  }
0x48e: {  	[tilespmem:$0x56D8] =	vst v0  }
0x48f: {  	[tilespmem:$0x56C8] =	vst v0  }
0x490: {  	[tilespmem:$0x56B8] =	vst v0  }
0x491: {  	[tilespmem:$0x56A8] =	vst v0  }
0x492: {  	[tilespmem:$0x5698] =	vst v0  }
0x493: {  	[tilespmem:$0x5688] =	vst v0  }
0x494: {  	[tilespmem:$0x5678] =	vst v0  }
0x495: {  	[tilespmem:$0x5668] =	vst v0  }
0x496: {  	[tilespmem:$0x5658] =	vst v0  }
0x497: {  	[tilespmem:$0x5648] =	vst v0  }
0x498: {  	[tilespmem:$0x5638] =	vst v0  }
0x499: {  	[tilespmem:$0x5628] =	vst v0  }
0x49a: {  	[tilespmem:$0x5618] =	vst v0  }
0x49b: {  	[tilespmem:$0x5608] =	vst v0  }
0x49c: {  	[tilespmem:$0x55F8] =	vst v0  }
0x49d: {  	[tilespmem:$0x55E8] =	vst v0  }
0x49e: {  	[tilespmem:$0x55D8] =	vst v0  }
0x49f: {  	[tilespmem:$0x55C8] =	vst v0  }
0x4a0: {  	[tilespmem:$0x55B8] =	vst v0  }
0x4a1: {  	[tilespmem:$0x55A8] =	vst v0  }
0x4a2: {  	[tilespmem:$0x5598] =	vst v0  }
0x4a3: {  	[tilespmem:$0x5588] =	vst v0  }
0x4a4: {  	[tilespmem:$0x5578] =	vst v0  }
0x4a5: {  	[tilespmem:$0x5568] =	vst v0  }
0x4a6: {  	[tilespmem:$0x5558] =	vst v0  }
0x4a7: {  	[tilespmem:$0x5548] =	vst v0  }
0x4a8: {  	[tilespmem:$0x5538] =	vst v0  }
0x4a9: {  	[tilespmem:$0x5528] =	vst v0  }
0x4aa: {  	[tilespmem:$0x5518] =	vst v0  }
0x4ab: {  	[tilespmem:$0x5508] =	vst v0  }
0x4ac: {  	[tilespmem:$0x54F8] =	vst v0  }
0x4ad: {  	[tilespmem:$0x54E8] =	vst v0  }
0x4ae: {  	[tilespmem:$0x54D8] =	vst v0  }
0x4af: {  	[tilespmem:$0x54C8] =	vst v0  }
0x4b0: {  	[tilespmem:$0x54B8] =	vst v0  }
0x4b1: {  	[tilespmem:$0x54A8] =	vst v0  }
0x4b2: {  	[tilespmem:$0x5498] =	vst v0  }
0x4b3: {  	[tilespmem:$0x5488] =	vst v0  }
0x4b4: {  	[tilespmem:$0x5478] =	vst v0  }
0x4b5: {  	[tilespmem:$0x5468] =	vst v0  }
0x4b6: {  	[tilespmem:$0x5458] =	vst v0  }
0x4b7: {  	[tilespmem:$0x5448] =	vst v0  }
0x4b8: {  	[tilespmem:$0x5438] =	vst v0  }
0x4b9: {  	[tilespmem:$0x5428] =	vst v0  }
0x4ba: {  	[tilespmem:$0x5418] =	vst v0  }
0x4bb: {  	[tilespmem:$0x5408] =	vst v0  }
0x4bc: {  	[tilespmem:$0x53F8] =	vst v0  }
0x4bd: {  	[tilespmem:$0x53E8] =	vst v0  }
0x4be: {  	[tilespmem:$0x53D8] =	vst v0  }
0x4bf: {  	[tilespmem:$0x53C8] =	vst v0  }
0x4c0: {  	[tilespmem:$0x53B8] =	vst v0  }
0x4c1: {  	[tilespmem:$0x53A8] =	vst v0  }
0x4c2: {  	[tilespmem:$0x5398] =	vst v0  }
0x4c3: {  	[tilespmem:$0x5388] =	vst v0  }
0x4c4: {  	[tilespmem:$0x5378] =	vst v0  }
0x4c5: {  	[tilespmem:$0x5368] =	vst v0  }
0x4c6: {  	[tilespmem:$0x5358] =	vst v0  }
0x4c7: {  	[tilespmem:$0x5348] =	vst v0  }
0x4c8: {  	[tilespmem:$0x5338] =	vst v0  }
0x4c9: {  	[tilespmem:$0x5328] =	vst v0  }
0x4ca: {  	[tilespmem:$0x5318] =	vst v0  }
0x4cb: {  	[tilespmem:$0x5308] =	vst v0  }
0x4cc: {  	[tilespmem:$0x52F8] =	vst v0  }
0x4cd: {  	[tilespmem:$0x52E8] =	vst v0  }
0x4ce: {  	[tilespmem:$0x52D8] =	vst v0  }
0x4cf: {  	[tilespmem:$0x52C8] =	vst v0  }
0x4d0: {  	[tilespmem:$0x52B8] =	vst v0  }
0x4d1: {  	[tilespmem:$0x52A8] =	vst v0  }
0x4d2: {  	[tilespmem:$0x5298] =	vst v0  }
0x4d3: {  	[tilespmem:$0x5288] =	vst v0  }
0x4d4: {  	[tilespmem:$0x5278] =	vst v0  }
0x4d5: {  	[tilespmem:$0x5268] =	vst v0  }
0x4d6: {  	[tilespmem:$0x5258] =	vst v0  }
0x4d7: {  	[tilespmem:$0x5248] =	vst v0  }
0x4d8: {  	[tilespmem:$0x5238] =	vst v0  }
0x4d9: {  	[tilespmem:$0x5228] =	vst v0  }
0x4da: {  	[tilespmem:$0x5218] =	vst v0  }
0x4db: {  	[tilespmem:$0x5208] =	vst v0  }
0x4dc: {  	[tilespmem:$0x51F8] =	vst v0  }
0x4dd: {  	[tilespmem:$0x51E8] =	vst v0  }
0x4de: {  	[tilespmem:$0x51D8] =	vst v0  }
0x4df: {  	[tilespmem:$0x51C8] =	vst v0  }
0x4e0: {  	[tilespmem:$0x51B8] =	vst v0  }
0x4e1: {  	[tilespmem:$0x51A8] =	vst v0  }
0x4e2: {  	[tilespmem:$0x5198] =	vst v0  }
0x4e3: {  	[tilespmem:$0x5188] =	vst v0  }
0x4e4: {  	[tilespmem:$0x5178] =	vst v0  }
0x4e5: {  	[tilespmem:$0x5168] =	vst v0  }
0x4e6: {  	[tilespmem:$0x5158] =	vst v0  }
0x4e7: {  	[tilespmem:$0x5148] =	vst v0  }
0x4e8: {  	[tilespmem:$0x5138] =	vst v0  }
0x4e9: {  	[tilespmem:$0x5128] =	vst v0  }
0x4ea: {  	[tilespmem:$0x5118] =	vst v0  }
0x4eb: {  	[tilespmem:$0x5108] =	vst v0  }
0x4ec: {  	[tilespmem:$0x50F8] =	vst v0  }
0x4ed: {  	[tilespmem:$0x50E8] =	vst v0  }
0x4ee: {  	[tilespmem:$0x50D8] =	vst v0  }
0x4ef: {  	[tilespmem:$0x50C8] =	vst v0  }
0x4f0: {  	[tilespmem:$0x50B8] =	vst v0  }
0x4f1: {  	[tilespmem:$0x50A8] =	vst v0  }
0x4f2: {  	[tilespmem:$0x5098] =	vst v0  }
0x4f3: {  	[tilespmem:$0x5088] =	vst v0  }
0x4f4: {  	[tilespmem:$0x5078] =	vst v0  }
0x4f5: {  	[tilespmem:$0x5068] =	vst v0  }
0x4f6: {  	[tilespmem:$0x5058] =	vst v0  }
0x4f7: {  	[tilespmem:$0x5048] =	vst v0  }
0x4f8: {  	[tilespmem:$0x5038] =	vst v0  }
0x4f9: {  	[tilespmem:$0x5028] =	vst v0  }
0x4fa: {  	[tilespmem:$0x5018] =	vst v0  }
0x4fb: {  	[tilespmem:$0x5008] =	vst v0  }
0x4fc: {  	[tilespmem:$0x4FF8] =	vst v0  }
0x4fd: {  	[tilespmem:$0x4FE8] =	vst v0  }
0x4fe: {  	[tilespmem:$0x4FD8] =	vst v0  }
0x4ff: {  	[tilespmem:$0x4FC8] =	vst v0  }
0x500: {  	[tilespmem:$0x4FB8] =	vst v0  }
0x501: {  	[tilespmem:$0x4FA8] =	vst v0  }
0x502: {  	[tilespmem:$0x4F98] =	vst v0  }
0x503: {  	[tilespmem:$0x4F88] =	vst v0  }
0x504: {  	[tilespmem:$0x4F78] =	vst v0  }
0x505: {  	[tilespmem:$0x4F68] =	vst v0  }
0x506: {  	[tilespmem:$0x4F58] =	vst v0  }
0x507: {  	[tilespmem:$0x4F48] =	vst v0  }
0x508: {  	[tilespmem:$0x4F38] =	vst v0  }
0x509: {  	[tilespmem:$0x4F28] =	vst v0  }
0x50a: {  	[tilespmem:$0x4F18] =	vst v0  }
0x50b: {  	[tilespmem:$0x4F08] =	vst v0  }
0x50c: {  	[tilespmem:$0x4EF8] =	vst v0  }
0x50d: {  	[tilespmem:$0x4EE8] =	vst v0  }
0x50e: {  	[tilespmem:$0x4ED8] =	vst v0  }
0x50f: {  	[tilespmem:$0x4EC8] =	vst v0  }
0x510: {  	[tilespmem:$0x4EB8] =	vst v0  }
0x511: {  	[tilespmem:$0x4EA8] =	vst v0  }
0x512: {  	[tilespmem:$0x4E98] =	vst v0  }
0x513: {  	[tilespmem:$0x4E88] =	vst v0  }
0x514: {  	[tilespmem:$0x4E78] =	vst v0  }
0x515: {  	[tilespmem:$0x4E68] =	vst v0  }
0x516: {  	[tilespmem:$0x4E58] =	vst v0  }
0x517: {  	[tilespmem:$0x4E48] =	vst v0  }
0x518: {  	[tilespmem:$0x4E38] =	vst v0  }
0x519: {  	[tilespmem:$0x4E28] =	vst v0  }
0x51a: {  	[tilespmem:$0x4E18] =	vst v0  }
0x51b: {  	[tilespmem:$0x4E08] =	vst v0  }
0x51c: {  	[tilespmem:$0x4DF8] =	vst v0  }
0x51d: {  	[tilespmem:$0x4DE8] =	vst v0  }
0x51e: {  	[tilespmem:$0x4DD8] =	vst v0  }
0x51f: {  	[tilespmem:$0x4DC8] =	vst v0  }
0x520: {  	[tilespmem:$0x4DB8] =	vst v0  }
0x521: {  	[tilespmem:$0x4DA8] =	vst v0  }
0x522: {  	[tilespmem:$0x4D98] =	vst v0  }
0x523: {  	[tilespmem:$0x4D88] =	vst v0  }
0x524: {  	[tilespmem:$0x4D78] =	vst v0  }
0x525: {  	[tilespmem:$0x4D68] =	vst v0  }
0x526: {  	[tilespmem:$0x4D58] =	vst v0  }
0x527: {  	[tilespmem:$0x4D48] =	vst v0  }
0x528: {  	[tilespmem:$0x4D38] =	vst v0  }
0x529: {  	[tilespmem:$0x4D28] =	vst v0  }
0x52a: {  	[tilespmem:$0x4D18] =	vst v0  }
0x52b: {  	[tilespmem:$0x4D08] =	vst v0  }
0x52c: {  	[tilespmem:$0x4CF8] =	vst v0  }
0x52d: {  	[tilespmem:$0x4CE8] =	vst v0  }
0x52e: {  	[tilespmem:$0x4CD8] =	vst v0  }
0x52f: {  	[tilespmem:$0x4CC8] =	vst v0  }
0x530: {  	[tilespmem:$0x4CB8] =	vst v0  }
0x531: {  	[tilespmem:$0x4CA8] =	vst v0  }
0x532: {  	[tilespmem:$0x4C98] =	vst v0  }
0x533: {  	[tilespmem:$0x4C88] =	vst v0  }
0x534: {  	[tilespmem:$0x4C78] =	vst v0  }
0x535: {  	[tilespmem:$0x4C68] =	vst v0  }
0x536: {  	[tilespmem:$0x4C58] =	vst v0  }
0x537: {  	[tilespmem:$0x4C48] =	vst v0  }
0x538: {  	[tilespmem:$0x4C38] =	vst v0  }
0x539: {  	[tilespmem:$0x4C28] =	vst v0  }
0x53a: {  	[tilespmem:$0x4C18] =	vst v0  }
0x53b: {  	[tilespmem:$0x4C08] =	vst v0  }
0x53c: {  	[tilespmem:$0x4BF8] =	vst v0  }
0x53d: {  	[tilespmem:$0x4BE8] =	vst v0  }
0x53e: {  	[tilespmem:$0x4BD8] =	vst v0  }
0x53f: {  	[tilespmem:$0x4BC8] =	vst v0  }
0x540: {  	[tilespmem:$0x4BB8] =	vst v0  }
0x541: {  	[tilespmem:$0x4BA8] =	vst v0  }
0x542: {  	[tilespmem:$0x4B98] =	vst v0  }
0x543: {  	[tilespmem:$0x4B88] =	vst v0  }
0x544: {  	[tilespmem:$0x4B78] =	vst v0  }
0x545: {  	[tilespmem:$0x4B68] =	vst v0  }
0x546: {  	[tilespmem:$0x4B58] =	vst v0  }
0x547: {  	[tilespmem:$0x4B48] =	vst v0  }
0x548: {  	[tilespmem:$0x4B38] =	vst v0  }
0x549: {  	[tilespmem:$0x4B28] =	vst v0  }
0x54a: {  	[tilespmem:$0x4B18] =	vst v0  }
0x54b: {  	[tilespmem:$0x4B08] =	vst v0  }
0x54c: {  	[tilespmem:$0x4AF8] =	vst v0  }
0x54d: {  	[tilespmem:$0x4AE8] =	vst v0  }
0x54e: {  	[tilespmem:$0x4AD8] =	vst v0  }
0x54f: {  	[tilespmem:$0x4AC8] =	vst v0  }
0x550: {  	[tilespmem:$0x4AB8] =	vst v0  }
0x551: {  	[tilespmem:$0x4AA8] =	vst v0  }
0x552: {  	[tilespmem:$0x4A98] =	vst v0  }
0x553: {  	[tilespmem:$0x4A88] =	vst v0  }
0x554: {  	[tilespmem:$0x4A78] =	vst v0  }
0x555: {  	[tilespmem:$0x4A68] =	vst v0  }
0x556: {  	[tilespmem:$0x4A58] =	vst v0  }
0x557: {  	[tilespmem:$0x4A48] =	vst v0  }
0x558: {  	[tilespmem:$0x4A38] =	vst v0  }
0x559: {  	s6 =	stileid.u32;
	[tilespmem:$0x4A28] =	vst v0  }
0x55a: {  	s22 =	smul.u32 $0x3E, s6;
	[tilespmem:$0x4A18] =	vst v0  }
0x55b: {  	s2 =	smin.u32 s6, $0x8;
	[tilespmem:$0x4A08] =	vst v0  }
0x55c: {  	[tilespmem:$0x49D8] =	vst v0;
	s0 =	sadd.s32 s2, s22  }
0x55d: {  	p0 =	slt.u32 s6, $0x8;
	[tilespmem:$0x49E8] =	vst v0;
	s2 =	simm.s32 $0x13B0;
	s21 =	smul.u32 $0x50, s0  }
0x55e: {  	[tilespmem:$0x49C8] =	vst v0;
	s2 =	simm.s32 @!p0 $0x1360  }
0x55f: {  	s5 =	simm.s32 $0x2;
	[tilespmem:$0x4958] =	vst v0;
	s0 =	sadd.s32 s2, s21  }
0x560: {  	s10 =	simm.s32 $0x9;
	s26 =	simm.s32 $0xA;
	[tilespmem:$0x49B8] =	vst v0;
	s9 =	smin.u32 s0, $0x13880  }
0x561: {  	s28 =	simm.s32 $0xB;
	p1 =	por $0x0, $0x0;
	[tilespmem:$0x49A8] =	vst v0;
	s0 =	ssub.s32 s9, s21  }
0x562: {  	s19 =	simm.s32 $0x80;
	s20 =	simm.s32 $0x400;
	[tilespmem:$0x4998] =	vst v0;
	p0 =	sgt.s32 s0, $0x0  }
0x563: {  	s4 =	simm.s32 $0xC;
	s29 =	smul.u32 $0x880, s6;
	[tilespmem:$0x4988] =	vst v0;
	s0 =	simm.s32 @!p0 $0x0  }
0x564: {  	s11 =	sadd.s32 $0x111C400, s1;
	s24 =	sand.u32 $0x1, s3;
	[tilespmem:$0x4968] =	vst v0;
	s23 =	smulhi.u32 $0x66666667, s0  }
0x565: {  	[tilespmem:$0x4948] =	vst v0;
	[sflag:s5] =	ssyncpa.u1 $0x0;
	v0 =	vimm.s32 $0xFFFFFFFF;
	[dreg:$0x5] =	wrdreg s24;
	s5 =	smul.u32 $0x2710, s24  }
0x566: {  	s24 =	simm.s32 $0x0;
	[tilespmem:$0xAE48] =	vst v0;
	[sflag:s10] =	ssyncpa.u1 $0x0;
	s2 =	sshrl.u32 s23, $0x5  }
0x567: {  	s17 =	sshrl.u32 s29, $0x2;
	s22 =	simm.s32 $0x0;
	s25 =	smul.u32 $0x50, s2  }
.Ltmp0:
0x568: {  	[sflag:s26] =	ssyncpa.u1 $0x0;
	s30 =	sadd.s32 s5, s1;
	(pc) =	sbr.rel .LBB2_1-.Ltmp0, $4  }
0x569: {  	s31 =	sadd.s32 s5, s7;
	p0 =	sne.s32 s0, s25;
	s0 =	simm.s32 $0x1  }
0x56a: {  	[sflag:s28] =	ssyncpa.u1 $0x0;
	s12 =	sadd.s32 $0x271000, s30;
	s0 =	simm.s32 @!p0 $0x0  }
0x56b: {  	[dreg:$0x6] =	wrdreg s31;
	s23 =	smov.u32 s21;
	s15 =	sadd.s32 s0, s2  }
0x56c: {  	v0 =	vlaneseq.u32;
	s25 =	simm.s32 $0x0;
	p0 =	por $0x1, $0x1;
	s13 =	sadd.s32 $0x1, s15  }
.LBB2_28:
0x56d: {  	s3 =	sshrl.u32 s3, $0x2;
	s4 =	simm.s32 $0xC  }
.LBB2_30:
0x56e: {  	_ =	swait.ge [sflag:s4], s3  }
0x56f: {  	s31 =	ssub.s32 $0x0, s3;
	v1 =	vmov s0;
	vm0 =	veq.s32 v0, $0x0;
	[sflag:s4] =	ssyncset.done $0x0  }
0x570: {  	vm15 =	veq.s32 v0, $0x2;
	v1 =	vsel vm0, s2, v1;
	[sflag:s4] =	ssyncadd.s32 s31  }
0x571: {  	v1 =	vsel vm15, s25, v1;
	[sflag:s4] =	ssyncpa.u1 $0x1  }
0x572: {  	[tilespmem:$0xAE48] =	vst v1  }
.LBB2_31:
0x573: {  	s0 =	sadd.s32 $0x50, s23  }
0x574: {  	s2 =	smov.u32 s21;
	p2 =	slt.s32 s0, s9  }
0x575: {  	s2 =	smov.u32 @p2 s0;
	p2 =	sne.s32 s24, s13  }
.Ltmp1:
0x576: {  	_ = 	snop;
	(pc) =	sbr.rel @!p2 .LBB2_32-.Ltmp1, $4  }
0x577: {  	_ = 	snop  }
0x578: {  	s25 =	smov.u32 s22  }
0x579: {  	s31 =	sadd.s32 $0x1, s24;
	s22 =	smov.u32 s23;
	p0 =	por !p0, !p0  }
0x57a: {  	p1 =	por !p1, !p1;
	s24 =	smov.u32 s31;
	s23 =	smov.u32 s2  }
.LBB2_1:
0x57b: {  	p2 =	sge.u32 s24, s15  }
0x57c: {  	s0 =	smulhi.u32 @!p2 $0xAAAAAAAB, s24  }
0x57d: {  	s2 =	smov.u32 s23;
	p3 =	sgt.s32 @!p2 s23, $0x13830  }
0x57e: {  	s3 =	sshra.s32 @!p2 s23, $0x1F;
	p3 =	por !p3, p2;
	s0 =	sshrl.u32 @!p2 s0, $0x1  }
0x57f: {  	s3 =	sand.u32 @!p2 s3, s23;
	s2 =	simm.s32 @p3 $0x13830;
	s0 =	smul.u32 @!p2 $0x3, s0  }
0x580: {  	s2 =	ssub.s32 @!p2 s2, s3  }
0x581: {  	s2 =	sadd.s32 @!p2 $0xFFFEC7D0, s2;
	s0 =	ssub.s32 @!p2 s24, s0  }
0x582: {  	s3 =	sshll.u32 @!p2 s2, $0x2;
	p3 =	sgt.s32 @!p2 s2, $0x4F;
	s0 =	smul.u32 @!p2 $0x140, s0  }
0x583: {  	s5 =	sand.u32 @!p2 $0x7, s23;
	s2 =	ssub.s32 @!p2 $0x140, s3;
	p3 =	por !p3, p2  }
0x584: {  	s3 =	sshrl.u32 @!p2 s23, $0x3;
	s2 =	sshrl.u32 @!p2 s2, $0x2;
	s0 =	sshrl.u32 @!p2 s0, $0x2  }
0x585: {  	s3 =	sadd.s32 @!p2 s3, s12;
	s2 =	simm.s32 @!p3 $0x0;
	s0 =	sadd.s32 @!p2 $0xD088, s0  }
0x586: {  	[tilespmem:s0], [sflag:$0xA] =	stream.linear.gather @!p2 [hbm4b:s3+s5], s2, $0x38;
	[tilespmem:$0x1C218] =	vst v63  }
0x587: {  	s0 =	sadd.s32 $0xFFFFFFFF, s24  }
0x588: {  	p2 =	sge.u32 s0, s15  }
.Ltmp2:
0x589: {  	_ = 	snop;
	(pc) =	sbr.rel @p2 .LBB2_13-.Ltmp2, $1  }
0x58a: {  	_ =	sdelay $0x3  }
0x58b: {  	p2 =	sgt.s32 s22, $0x13830;
	s3 =	smov.u32 s22;
	s5 =	sshra.s32 s22, $0x1F  }
0x58c: {  	s3 =	simm.s32 @!p2 $0x13830;
	s5 =	sand.u32 s5, s22  }
0x58d: {  	s31 =	smulhi.u32 $0xAAAAAAAB, s0;
	s3 =	ssub.s32 s3, s5  }
0x58e: {  	s7 =	sand.u32 $0x1, s0;
	s10 =	simm.s32 $0xA;
	s3 =	sadd.s32 $0xFFFEC7D0, s3  }
0x58f: {  	s14 =	smul.u32 $0x140, s7;
	s5 =	sshrl.u32 s31, $0x1;
	s6 =	sshll.u32 s3, $0x2  }
0x590: {  	s7 =	sshrl.u32 s22, $0x3;
	s5 =	smul.u32 $0x3, s5;
	s6 =	ssub.s32 $0x140, s6  }
0x591: {  	s31 =	sand.u32 $0x7, s22;
	p2 =	sgt.s32 s3, $0x4F;
	s3 =	sshrl.u32 s6, $0x2  }
0x592: {  	s8 =	ssub.s32 s0, s5;
	s5 =	sshrl.u32 s14, $0x2;
	s3 =	simm.s32 @p2 $0x0  }
0x593: {  	s5 =	sadd.s32 $0xD178, s5;
	s0 =	smul.u32 $0x140, s8;
	_ =	swait.ge [sflag:s10], s3  }
0x594: {  	s16 =	ssub.s32 $0x0, s3;
	[sflag:s10] =	ssyncset.done $0x0;
	s18 =	rddreg [dreg:$0x6]  }
0x595: {  	s28 =	sshrl.u32 s0, $0x2;
	[sflag:s10] =	ssyncadd.s32 s16;
	s6 =	sadd.s32 s7, s18  }
0x596: {  	[tilespmem:s5], [sflag:$0xB] =	stream.linear.gather [hbm4b:s6+s31], s3, $0x38;
	[tilespmem:$0x1C218] =	vst v63  }
0x597: {  	v1 =	vld.msk [tilespmem:s28+$0xD088], $0xffff;
	_ =	sdelay $0x3  }
0x598: {  	s8 =	simm.s32 $0x0  }
0x599: {  	(v2sf) =	vpush v1, s8;
	_ =	sdelay $0x5  }
0x59a: {  	s10 =	simm.s32 $0x1  }
0x59b: {  	(v2sf) =	vpush v1, s10;
	_ =	sdelay $0x4  }
0x59c: {  	s18 =	simm.s32 $0x2  }
0x59d: {  	(v2sf) =	vpush v1, s18  }
0x59e: {  	s31 =	simm.s32 $0x3  }
0x59f: {  	s2 =	simm.s32 $0x1;
	s14 =	spop (v2sf);
	(v2sf) =	vpush v1, s31  }
0x5a0: {  	s2 =	simm.s32 @!p0 $0x0  }
0x5a1: {  	s2 =	smul.u32 $0x1E000, s2;
	s16 =	sshrl.u32 s14, $0x3  }
0x5a2: {  	s3 =	sshll.u32 s14, $0x7;
	s5 =	smul.u32 $0xC00, s16  }
0x5a3: {  	s2 =	sshrl.u32 s2, $0x2;
	s3 =	sand.u32 $0x380, s3  }
0x5a4: {  	s26 =	sadd.s32 $0x13218, s2;
	s29 =	sadd.s32 $0x11A18, s2;
	s3 =	sor.u32 s3, s5  }
0x5a5: {  	s30 =	sor.u32 $0x10218, s2;
	s0 =	sadd.s32 $0xEA18, s2;
	s3 =	sshrl.u32 s3, $0x3  }
0x5a6: {  	s2 =	sadd.s32 $0xD218, s2;
	s5 =	spop (v2sf);
	s3 =	sadd.s32 s11, s3  }
0x5a7: {  	[tilespmem:s2], [sflag:$0x9] =	stream.strided.gather [hbm4b:s3+s19], $0x180, s20, s19, $0x38;
	[tilespmem:$0x1C218] =	vst v63  }
0x5a8: {  	s6 =	sshrl.u32 s5, $0x3;
	s3 =	simm.s32 $0x4  }
.LBB2_3:
0x5a9: {  	(v2sf) =	vpush v1, s3;
	s6 =	smul.u32 $0xC00, s6;
	s5 =	sshll.u32 s5, $0x7;
	p2 =	seq.s32 s3, $0xF  }
.Ltmp3:
0x5aa: {  	s3 =	sadd.s32 $0x1, s3;
	s5 =	sand.u32 $0x380, s5;
	(pc) =	sbr.rel @!p2 .LBB2_3-.Ltmp3, $4  }
0x5ab: {  	s6 =	sor.u32 s5, s6  }
0x5ac: {  	s5 =	spop (v2sf);
	s7 =	sshrl.u32 s6, $0x3  }
0x5ad: {  	s2 =	sadd.s32 $0x180, s2;
	s6 =	sshrl.u32 s5, $0x3;
	s7 =	sadd.s32 s11, s7  }
0x5ae: {  	[tilespmem:s2], [sflag:$0x9] =	stream.strided.gather [hbm4b:s7+s19], $0x180, s20, s19, $0x38;
	[tilespmem:$0x1C218] =	vst v63  }
0x5af: {  	s3 =	smul.u32 $0xC00, s6;
	s5 =	sshll.u32 s5, $0x7  }
0x5b0: {  	s5 =	sand.u32 $0x380, s5  }
0x5b1: {  	s10 =	spop (v2sf);
	s2 =	sadd.s32 $0x180, s2;
	s3 =	sor.u32 s5, s3  }
0x5b2: {  	s14 =	sshrl.u32 s10, $0x3;
	s5 =	sshll.u32 s10, $0x7;
	s3 =	sshrl.u32 s3, $0x3  }
0x5b3: {  	s16 =	smul.u32 $0xC00, s14;
	s5 =	sand.u32 $0x380, s5;
	s3 =	sadd.s32 s11, s3  }
0x5b4: {  	[tilespmem:s2], [sflag:$0x9] =	stream.strided.gather [hbm4b:s3+s19], $0x180, s20, s19, $0x38;
	[tilespmem:$0x1C218] =	vst v63  }
0x5b5: {  	s3 =	sor.u32 s5, s16  }
0x5b6: {  	s3 =	sshrl.u32 s3, $0x3  }
0x5b7: {  	s2 =	sadd.s32 $0x180, s2;
	s3 =	sadd.s32 s11, s3  }
0x5b8: {  	[tilespmem:s2], [sflag:$0x9] =	stream.strided.gather [hbm4b:s3+s19], $0x180, s20, s19, $0x38;
	[tilespmem:$0x1C218] =	vst v63  }
0x5b9: {  	s18 =	spop (v2sf)  }
0x5ba: {  	s31 =	sshrl.u32 s18, $0x3  }
0x5bb: {  	s5 =	sshll.u32 s18, $0x7;
	s7 =	smul.u32 $0xC00, s31  }
0x5bc: {  	s5 =	sand.u32 $0x380, s5  }
0x5bd: {  	s3 =	sor.u32 s5, s7  }
0x5be: {  	s3 =	sshrl.u32 s3, $0x3  }
0x5bf: {  	s2 =	sadd.s32 $0x180, s2;
	s3 =	sadd.s32 s11, s3  }
0x5c0: {  	[tilespmem:s2], [sflag:$0x9] =	stream.strided.gather [hbm4b:s3+s19], $0x180, s20, s19, $0x38;
	[tilespmem:$0x1C218] =	vst v63  }
0x5c1: {  	v1 =	vld.msk [tilespmem:s28+$0xD098], $0xffff;
	_ =	sdelay $0x3  }
0x5c2: {  	s8 =	simm.s32 $0x0  }
0x5c3: {  	(v2sf) =	vpush v1, s8;
	_ =	sdelay $0x7  }
0x5c4: {  	s10 =	simm.s32 $0x1  }
0x5c5: {  	(v2sf) =	vpush v1, s10;
	_ =	sdelay $0x4  }
0x5c6: {  	s18 =	simm.s32 $0x2  }
0x5c7: {  	s14 =	spop (v2sf);
	(v2sf) =	vpush v1, s18  }
0x5c8: {  	s31 =	simm.s32 $0x3  }
0x5c9: {  	(v2sf) =	vpush v1, s31;
	_ =	sdelay $0x1  }
0x5ca: {  	s16 =	sshrl.u32 s14, $0x3  }
0x5cb: {  	s2 =	sshll.u32 s14, $0x7;
	s3 =	smul.u32 $0xC00, s16  }
0x5cc: {  	s2 =	sand.u32 $0x380, s2  }
0x5cd: {  	s2 =	sor.u32 s2, s3  }
0x5ce: {  	s2 =	sshrl.u32 s2, $0x3  }
0x5cf: {  	s3 =	spop (v2sf);
	s2 =	sadd.s32 s11, s2  }
0x5d0: {  	[tilespmem:s0], [sflag:$0x9] =	stream.strided.gather [hbm4b:s2+s19], $0x180, s20, s19, $0x38;
	[tilespmem:$0x1C218] =	vst v63  }
0x5d1: {  	s5 =	sshrl.u32 s3, $0x3;
	s2 =	simm.s32 $0x4  }
.LBB2_5:
0x5d2: {  	(v2sf) =	vpush v1, s2;
	s5 =	smul.u32 $0xC00, s5;
	s3 =	sshll.u32 s3, $0x7;
	p2 =	sne.s32 s2, $0xF  }
.Ltmp4:
0x5d3: {  	s2 =	sadd.s32 $0x1, s2;
	s3 =	sand.u32 $0x380, s3;
	(pc) =	sbr.rel @p2 .LBB2_5-.Ltmp4, $4  }
0x5d4: {  	s5 =	sor.u32 s3, s5  }
0x5d5: {  	s3 =	spop (v2sf);
	s6 =	sshrl.u32 s5, $0x3  }
0x5d6: {  	s0 =	sadd.s32 $0x180, s0;
	s5 =	sshrl.u32 s3, $0x3;
	s6 =	sadd.s32 s11, s6  }
0x5d7: {  	[tilespmem:s0], [sflag:$0x9] =	stream.strided.gather [hbm4b:s6+s19], $0x180, s20, s19, $0x38;
	[tilespmem:$0x1C218] =	vst v63  }
0x5d8: {  	s2 =	smul.u32 $0xC00, s5;
	s3 =	sshll.u32 s3, $0x7  }
0x5d9: {  	s3 =	sand.u32 $0x380, s3  }
0x5da: {  	s14 =	spop (v2sf);
	s0 =	sadd.s32 $0x180, s0;
	s2 =	sor.u32 s3, s2  }
0x5db: {  	s16 =	sshrl.u32 s14, $0x3;
	s3 =	sshll.u32 s14, $0x7;
	s2 =	sshrl.u32 s2, $0x3  }
0x5dc: {  	s18 =	smul.u32 $0xC00, s16;
	s3 =	sand.u32 $0x380, s3;
	s2 =	sadd.s32 s11, s2  }
0x5dd: {  	[tilespmem:s0], [sflag:$0x9] =	stream.strided.gather [hbm4b:s2+s19], $0x180, s20, s19, $0x38;
	[tilespmem:$0x1C218] =	vst v63  }
0x5de: {  	s2 =	sor.u32 s3, s18  }
0x5df: {  	s2 =	sshrl.u32 s2, $0x3  }
0x5e0: {  	s0 =	sadd.s32 $0x180, s0;
	s2 =	sadd.s32 s11, s2  }
0x5e1: {  	[tilespmem:s0], [sflag:$0x9] =	stream.strided.gather [hbm4b:s2+s19], $0x180, s20, s19, $0x38;
	[tilespmem:$0x1C218] =	vst v63  }
0x5e2: {  	s31 =	spop (v2sf)  }
0x5e3: {  	s6 =	sshrl.u32 s31, $0x3  }
0x5e4: {  	s3 =	sshll.u32 s31, $0x7;
	s7 =	smul.u32 $0xC00, s6  }
0x5e5: {  	s3 =	sand.u32 $0x380, s3  }
0x5e6: {  	s2 =	sor.u32 s3, s7  }
0x5e7: {  	s2 =	sshrl.u32 s2, $0x3  }
0x5e8: {  	s0 =	sadd.s32 $0x180, s0;
	s2 =	sadd.s32 s11, s2  }
0x5e9: {  	[tilespmem:s0], [sflag:$0x9] =	stream.strided.gather [hbm4b:s2+s19], $0x180, s20, s19, $0x38;
	[tilespmem:$0x1C218] =	vst v63  }
0x5ea: {  	v1 =	vld.msk [tilespmem:s28+$0xD0A8], $0xffff;
	_ =	sdelay $0x3  }
0x5eb: {  	s8 =	simm.s32 $0x0  }
0x5ec: {  	(v2sf) =	vpush v1, s8;
	_ =	sdelay $0x7  }
0x5ed: {  	s10 =	simm.s32 $0x1  }
0x5ee: {  	(v2sf) =	vpush v1, s10;
	_ =	sdelay $0x4  }
0x5ef: {  	s18 =	simm.s32 $0x2  }
0x5f0: {  	s14 =	spop (v2sf);
	(v2sf) =	vpush v1, s18  }
0x5f1: {  	s31 =	simm.s32 $0x3  }
0x5f2: {  	(v2sf) =	vpush v1, s31;
	_ =	sdelay $0x1  }
0x5f3: {  	s16 =	sshrl.u32 s14, $0x3  }
0x5f4: {  	s0 =	sshll.u32 s14, $0x7;
	s2 =	smul.u32 $0xC00, s16  }
0x5f5: {  	s0 =	sand.u32 $0x380, s0  }
0x5f6: {  	s0 =	sor.u32 s0, s2  }
0x5f7: {  	s0 =	sshrl.u32 s0, $0x3  }
0x5f8: {  	s2 =	spop (v2sf);
	s0 =	sadd.s32 s11, s0  }
0x5f9: {  	[tilespmem:s30], [sflag:$0x9] =	stream.strided.gather [hbm4b:s0+s19], $0x180, s20, s19, $0x38;
	[tilespmem:$0x1C218] =	vst v63  }
0x5fa: {  	s3 =	sshrl.u32 s2, $0x3;
	s0 =	simm.s32 $0x4  }
.LBB2_7:
0x5fb: {  	(v2sf) =	vpush v1, s0;
	s3 =	smul.u32 $0xC00, s3;
	s2 =	sshll.u32 s2, $0x7;
	p2 =	sne.s32 s0, $0xF  }
.Ltmp5:
0x5fc: {  	s0 =	sadd.s32 $0x1, s0;
	s2 =	sand.u32 $0x380, s2;
	(pc) =	sbr.rel @p2 .LBB2_7-.Ltmp5, $4  }
0x5fd: {  	s3 =	sor.u32 s2, s3  }
0x5fe: {  	s2 =	spop (v2sf);
	s5 =	sshrl.u32 s3, $0x3  }
0x5ff: {  	s30 =	sadd.s32 $0x180, s30;
	s3 =	sshrl.u32 s2, $0x3;
	s5 =	sadd.s32 s11, s5  }
0x600: {  	[tilespmem:s30], [sflag:$0x9] =	stream.strided.gather [hbm4b:s5+s19], $0x180, s20, s19, $0x38;
	[tilespmem:$0x1C218] =	vst v63  }
0x601: {  	s0 =	smul.u32 $0xC00, s3;
	s2 =	sshll.u32 s2, $0x7  }
0x602: {  	s2 =	sand.u32 $0x380, s2  }
0x603: {  	s16 =	spop (v2sf);
	s5 =	sadd.s32 $0x180, s30;
	s0 =	sor.u32 s2, s0  }
0x604: {  	s18 =	sshrl.u32 s16, $0x3;
	s2 =	sshll.u32 s16, $0x7;
	s0 =	sshrl.u32 s0, $0x3  }
0x605: {  	s30 =	smul.u32 $0xC00, s18;
	s2 =	sand.u32 $0x380, s2;
	s0 =	sadd.s32 s11, s0  }
0x606: {  	[tilespmem:s5], [sflag:$0x9] =	stream.strided.gather [hbm4b:s0+s19], $0x180, s20, s19, $0x38;
	[tilespmem:$0x1C218] =	vst v63  }
0x607: {  	s0 =	sor.u32 s2, s30  }
0x608: {  	s0 =	sshrl.u32 s0, $0x3  }
0x609: {  	s5 =	sadd.s32 $0x180, s5;
	s0 =	sadd.s32 s11, s0  }
0x60a: {  	[tilespmem:s5], [sflag:$0x9] =	stream.strided.gather [hbm4b:s0+s19], $0x180, s20, s19, $0x38;
	[tilespmem:$0x1C218] =	vst v63  }
0x60b: {  	s31 =	spop (v2sf)  }
0x60c: {  	s6 =	sshrl.u32 s31, $0x3  }
0x60d: {  	s2 =	sshll.u32 s31, $0x7;
	s7 =	smul.u32 $0xC00, s6  }
0x60e: {  	s2 =	sand.u32 $0x380, s2  }
0x60f: {  	s0 =	sor.u32 s2, s7  }
0x610: {  	s0 =	sshrl.u32 s0, $0x3  }
0x611: {  	s8 =	sadd.s32 $0x180, s5;
	s0 =	sadd.s32 s11, s0  }
0x612: {  	[tilespmem:s8], [sflag:$0x9] =	stream.strided.gather [hbm4b:s0+s19], $0x180, s20, s19, $0x38;
	[tilespmem:$0x1C218] =	vst v63  }
0x613: {  	v1 =	vld.msk [tilespmem:s28+$0xD0B8], $0xffff;
	_ =	sdelay $0x3  }
0x614: {  	s10 =	simm.s32 $0x0  }
0x615: {  	(v2sf) =	vpush v1, s10;
	_ =	sdelay $0x7  }
0x616: {  	s14 =	simm.s32 $0x1  }
0x617: {  	(v2sf) =	vpush v1, s14;
	_ =	sdelay $0x4  }
0x618: {  	s30 =	simm.s32 $0x2  }
0x619: {  	s16 =	spop (v2sf);
	(v2sf) =	vpush v1, s30  }
0x61a: {  	s31 =	simm.s32 $0x3  }
0x61b: {  	(v2sf) =	vpush v1, s31;
	_ =	sdelay $0x1  }
0x61c: {  	s18 =	sshrl.u32 s16, $0x3  }
0x61d: {  	s0 =	sshll.u32 s16, $0x7;
	s2 =	smul.u32 $0xC00, s18  }
0x61e: {  	s0 =	sand.u32 $0x380, s0  }
0x61f: {  	s0 =	sor.u32 s0, s2  }
0x620: {  	s0 =	sshrl.u32 s0, $0x3  }
0x621: {  	s2 =	spop (v2sf);
	s0 =	sadd.s32 s11, s0  }
0x622: {  	[tilespmem:s29], [sflag:$0x9] =	stream.strided.gather [hbm4b:s0+s19], $0x180, s20, s19, $0x38;
	[tilespmem:$0x1C218] =	vst v63  }
0x623: {  	s3 =	sshrl.u32 s2, $0x3;
	s0 =	simm.s32 $0x4  }
.LBB2_9:
0x624: {  	(v2sf) =	vpush v1, s0;
	s3 =	smul.u32 $0xC00, s3;
	s2 =	sshll.u32 s2, $0x7;
	p2 =	sne.s32 s0, $0xF  }
.Ltmp6:
0x625: {  	s0 =	sadd.s32 $0x1, s0;
	s2 =	sand.u32 $0x380, s2;
	(pc) =	sbr.rel @p2 .LBB2_9-.Ltmp6, $4  }
0x626: {  	s3 =	sor.u32 s2, s3  }
0x627: {  	s2 =	spop (v2sf);
	s5 =	sshrl.u32 s3, $0x3  }
0x628: {  	s29 =	sadd.s32 $0x180, s29;
	s3 =	sshrl.u32 s2, $0x3;
	s5 =	sadd.s32 s11, s5  }
0x629: {  	[tilespmem:s29], [sflag:$0x9] =	stream.strided.gather [hbm4b:s5+s19], $0x180, s20, s19, $0x38;
	[tilespmem:$0x1C218] =	vst v63  }
0x62a: {  	s0 =	smul.u32 $0xC00, s3;
	s2 =	sshll.u32 s2, $0x7  }
0x62b: {  	s2 =	sand.u32 $0x380, s2  }
0x62c: {  	s30 =	spop (v2sf);
	s5 =	sadd.s32 $0x180, s29;
	s0 =	sor.u32 s2, s0  }
0x62d: {  	s31 =	sshrl.u32 s30, $0x3;
	s2 =	sshll.u32 s30, $0x7;
	s0 =	sshrl.u32 s0, $0x3  }
0x62e: {  	s6 =	smul.u32 $0xC00, s31;
	s2 =	sand.u32 $0x380, s2;
	s0 =	sadd.s32 s11, s0  }
0x62f: {  	[tilespmem:s5], [sflag:$0x9] =	stream.strided.gather [hbm4b:s0+s19], $0x180, s20, s19, $0x38;
	[tilespmem:$0x1C218] =	vst v63  }
0x630: {  	s0 =	sor.u32 s2, s6  }
0x631: {  	s0 =	sshrl.u32 s0, $0x3  }
0x632: {  	s5 =	sadd.s32 $0x180, s5;
	s0 =	sadd.s32 s11, s0  }
0x633: {  	[tilespmem:s5], [sflag:$0x9] =	stream.strided.gather [hbm4b:s0+s19], $0x180, s20, s19, $0x38;
	[tilespmem:$0x1C218] =	vst v63  }
0x634: {  	s7 =	spop (v2sf)  }
0x635: {  	s8 =	sshrl.u32 s7, $0x3  }
0x636: {  	s2 =	sshll.u32 s7, $0x7;
	s10 =	smul.u32 $0xC00, s8  }
0x637: {  	s2 =	sand.u32 $0x380, s2  }
0x638: {  	s0 =	sor.u32 s2, s10  }
0x639: {  	s0 =	sshrl.u32 s0, $0x3  }
0x63a: {  	s14 =	sadd.s32 $0x180, s5;
	s0 =	sadd.s32 s11, s0  }
0x63b: {  	[tilespmem:s14], [sflag:$0x9] =	stream.strided.gather [hbm4b:s0+s19], $0x180, s20, s19, $0x38;
	[tilespmem:$0x1C218] =	vst v63  }
0x63c: {  	v1 =	vld.msk [tilespmem:s28+$0xD0C8], $0xffff;
	_ =	sdelay $0x3  }
0x63d: {  	s16 =	simm.s32 $0x0  }
0x63e: {  	(v2sf) =	vpush v1, s16;
	_ =	sdelay $0x7  }
0x63f: {  	s18 =	simm.s32 $0x1  }
0x640: {  	(v2sf) =	vpush v1, s18;
	_ =	sdelay $0x4  }
0x641: {  	s30 =	simm.s32 $0x2  }
0x642: {  	s28 =	spop (v2sf);
	(v2sf) =	vpush v1, s30  }
0x643: {  	s31 =	simm.s32 $0x3  }
0x644: {  	(v2sf) =	vpush v1, s31;
	_ =	sdelay $0x1  }
0x645: {  	s29 =	sshrl.u32 s28, $0x3  }
0x646: {  	s0 =	sshll.u32 s28, $0x7;
	s2 =	smul.u32 $0xC00, s29  }
0x647: {  	s0 =	sand.u32 $0x380, s0  }
0x648: {  	s0 =	sor.u32 s0, s2  }
0x649: {  	s0 =	sshrl.u32 s0, $0x3  }
0x64a: {  	s2 =	spop (v2sf);
	s0 =	sadd.s32 s11, s0  }
0x64b: {  	[tilespmem:s26], [sflag:$0x9] =	stream.strided.gather [hbm4b:s0+s19], $0x180, s20, s19, $0x38;
	[tilespmem:$0x1C218] =	vst v63  }
0x64c: {  	s3 =	sshrl.u32 s2, $0x3;
	s0 =	simm.s32 $0x4  }
.LBB2_11:
0x64d: {  	(v2sf) =	vpush v1, s0;
	s3 =	smul.u32 $0xC00, s3;
	s2 =	sshll.u32 s2, $0x7;
	p2 =	seq.s32 s0, $0xF  }
.Ltmp7:
0x64e: {  	s0 =	sadd.s32 $0x1, s0;
	s2 =	sand.u32 $0x380, s2;
	(pc) =	sbr.rel @!p2 .LBB2_11-.Ltmp7, $4  }
0x64f: {  	s3 =	sor.u32 s2, s3  }
0x650: {  	s2 =	spop (v2sf);
	s5 =	sshrl.u32 s3, $0x3  }
0x651: {  	s26 =	sadd.s32 $0x180, s26;
	s3 =	sshrl.u32 s2, $0x3;
	s5 =	sadd.s32 s11, s5  }
0x652: {  	[tilespmem:s26], [sflag:$0x9] =	stream.strided.gather [hbm4b:s5+s19], $0x180, s20, s19, $0x38;
	[tilespmem:$0x1C218] =	vst v63  }
0x653: {  	s0 =	smul.u32 $0xC00, s3;
	s2 =	sshll.u32 s2, $0x7  }
0x654: {  	s2 =	sand.u32 $0x380, s2  }
0x655: {  	s16 =	spop (v2sf);
	s5 =	sadd.s32 $0x180, s26;
	s0 =	sor.u32 s2, s0  }
0x656: {  	s18 =	sshrl.u32 s16, $0x3;
	s2 =	sshll.u32 s16, $0x7;
	s0 =	sshrl.u32 s0, $0x3  }
0x657: {  	s26 =	smul.u32 $0xC00, s18;
	s2 =	sand.u32 $0x380, s2;
	s0 =	sadd.s32 s11, s0  }
0x658: {  	[tilespmem:s5], [sflag:$0x9] =	stream.strided.gather [hbm4b:s0+s19], $0x180, s20, s19, $0x38;
	[tilespmem:$0x1C218] =	vst v63  }
0x659: {  	s0 =	sor.u32 s2, s26  }
0x65a: {  	s0 =	sshrl.u32 s0, $0x3  }
0x65b: {  	s5 =	sadd.s32 $0x180, s5;
	s0 =	sadd.s32 s11, s0  }
0x65c: {  	[tilespmem:s5], [sflag:$0x9] =	stream.strided.gather [hbm4b:s0+s19], $0x180, s20, s19, $0x38;
	[tilespmem:$0x1C218] =	vst v63  }
0x65d: {  	s28 =	spop (v2sf)  }
0x65e: {  	s29 =	sshrl.u32 s28, $0x3  }
0x65f: {  	s2 =	sshll.u32 s28, $0x7;
	s30 =	smul.u32 $0xC00, s29  }
0x660: {  	s2 =	sand.u32 $0x380, s2  }
0x661: {  	s0 =	sor.u32 s2, s30  }
0x662: {  	s0 =	sshrl.u32 s0, $0x3  }
0x663: {  	s31 =	sadd.s32 $0x180, s5;
	s0 =	sadd.s32 s11, s0  }
0x664: {  	[tilespmem:s31], [sflag:$0x9] =	stream.strided.gather [hbm4b:s0+s19], $0x180, s20, s19, $0x38;
	[tilespmem:$0x1C218] =	vst v63  }
.LBB2_13:
0x665: {  	p2 =	slt.u32 s24, $0x2  }
.Ltmp8:
0x666: {  	_ = 	snop;
	(pc) =	sbr.rel @p2 .LBB2_31-.Ltmp8, $1  }
0x667: {  	_ =	sdelay $0x3  }
0x668: {  	p2 =	sgt.s32 s25, $0x13830;
	s0 =	smov.u32 s25;
	s2 =	sshra.s32 s25, $0x1F  }
0x669: {  	s0 =	simm.s32 @!p2 $0x13830;
	s2 =	sand.u32 s2, s25  }
0x66a: {  	s0 =	ssub.s32 s0, s2  }
0x66b: {  	s0 =	sadd.s32 $0xFFFEC7D0, s0  }
0x66c: {  	s3 =	simm.s32 $0x9;
	s28 =	sshll.u32 s0, $0x2  }
0x66d: {  	_ =	swait.ge [sflag:s3], $0x7800;
	s2 =	ssub.s32 $0x140, s28  }
0x66e: {  	[sflag:s3] =	ssyncset.done $0x0;
	p2 =	sgt.s32 s0, $0x4F;
	s0 =	sshrl.u32 s2, $0x2  }
0x66f: {  	s30 =	simm.s32 $0xB;
	[sflag:s3] =	ssyncadd.s32 $0xFFFF8800;
	s0 =	simm.s32 @p2 $0x0  }
0x670: {  	_ =	swait.ge [sflag:s30], s0  }
0x671: {  	s0 =	ssub.s32 $0x0, s0;
	[sflag:s30] =	ssyncset.done $0x0  }
0x672: {  	[sflag:s30] =	ssyncadd.s32 s0  }
0x673: {  	v1 =	vld [tilespmem:$0xAE48];
	_ =	sdelay $0x4  }
0x674: {  	(v2sf) =	vpush v1, $0x0  }
0x675: {  	(v2sf) =	vpush v1, $0x1  }
0x676: {  	(v2sf) =	vpush v1, $0x2;
	_ =	sdelay $0x3  }
0x677: {  	s0 =	sadd.s32 $0x50, s25  }
0x678: {  	s5 =	ssub.s32 $0x27100, s25;
	p2 =	slt.s32 s9, s0  }
0x679: {  	s0 =	smov.u32 @p2 s9;
	p2 =	sgt.s32 s5, $0x0  }
0x67a: {  	s2 =	ssub.s32 s0, s25;
	s5 =	simm.s32 @!p2 $0x0  }
0x67b: {  	p2 =	slt.s32 s5, s2  }
0x67c: {  	s2 =	smov.u32 @p2 s5  }
0x67d: {  	s3 =	simm.s32 $0x1;
	p2 =	slt.s32 s2, $0x1  }
.Ltmp9:
0x67e: {  	s3 =	simm.s32 @!p1 $0x0;
	(pc) =	sbr.rel @p2 .LBB2_18-.Ltmp9, $4  }
0x67f: {  	s31 =	smul.u32 $0x140, s3  }
0x680: {  	s6 =	spop (v2sf)  }
0x681: {  	s0 =	sshrl.u32 s31, $0x2;
	s29 =	spop (v2sf)  }
0x682: {  	s26 =	sadd.s32 $0xD178, s0;
	s25 =	spop (v2sf)  }
0x683: {  	s0 =	smin.u32 s2, $0x10  }
0x684: {  	v1 =	vmov s0  }
0x685: {  	vm1 =	vgt.u32 v1, v0;
	_ =	sdelay $0x1  }
0x686: {  	p3 =	sgt.s32 s2, $0x10  }
.Ltmp10:
0x687: {  	_ = 	snop;
	(pc) =	sbr.rel @!p3 .LBB2_17-.Ltmp10, $3  }
0x688: {  	_ =	sdelay $0x1  }
0x689: {  	v1 =	vld.msk [tilespmem:s26+$0x0 ss:$0x1], vm1  }
0x68a: {  	s5 =	simm.s32 $0x10;
	s7 =	sadd.s32 $0xFFFFFFF0, s2;
	s0 =	smov.u32 s26;
	vm0 =	vmmov vm1  }
.LBB2_16:
0x68b: {  	s10 =	smin.u32 s7, $0x10;
	s5 =	sadd.s32 $0x10, s5  }
0x68c: {  	v2 =	vmov s10;
	p3 =	slt.s32 s5, s2  }
0x68d: {  	vm1 =	vgt.u32 v2, v0  }
0x68e: {  	v2 =	vshrl.u32 v1, $0x3  }
0x68f: {  	v1 =	vshll.u32 v1, $0x4;
	v2 =	vmul.u32 $0x180, v2  }
0x690: {  	v1 =	vand.u32 $0x70, v1  }
.Ltmp11:
0x691: {  	v1 =	vor.u32 v1, v2;
	(pc) =	sbr.rel @p3 .LBB2_16-.Ltmp11, $3  }
0x692: {  	[tilespmem:s0+$0x0] =	vst.msk vm0, v1;
	s0 =	sadd.s32 $0x10, s0;
	vm0 =	vmmov vm1  }
0x693: {  	v1 =	vld.msk [tilespmem:s0+$0x0 ss:$0x1], vm1;
	_ =	sdelay $0x1  }
0x694: {  	s7 =	sadd.s32 $0xFFFFFFF0, s7  }
.LBB2_17:
0x695: {  	_ =	sdelay $0x2  }
0x696: {  	v2 =	vshrl.u32 v1, $0x3  }
0x697: {  	v1 =	vshll.u32 v1, $0x4;
	v2 =	vmul.u32 $0x180, v2  }
0x698: {  	v1 =	vand.u32 $0x70, v1  }
0x699: {  	v1 =	vor.u32 v1, v2  }
0x69a: {  	[tilespmem:s0+$0x0] =	vst.msk vm0, v1  }
.LBB2_18:
0x69b: {  	s0 =	sand.u32 $0x1, s24  }
0x69c: {  	s0 =	smul.u32 $0x50, s0  }
0x69d: {  	p3 =	sne.s32 s29, $0xFFFFFFFF  }
0x69e: {  	v1 =	vld.msk @!p3 [tilespmem:s0+$0xD178], $0x1;
	_ =	sdelay $0x4  }
0x69f: {  	(v2sf) =	vpush @!p3 v1, $0x0;
	_ =	sdelay $0xc  }
.Ltmp12:
0x6a0: {  	_ = 	snop;
	(pc) =	sbr.rel @p2 .LBB2_29-.Ltmp12, $4  }
0x6a1: {  	_ = 	snop  }
0x6a2: {  	s28 =	spop @!p3 (v2sf)  }
0x6a3: {  	s25 =	simm.s32 @!p3 $0x0;
	s0 =	smov.u32 s28  }
0x6a4: {  	[sflag:s4] =	ssyncpa.u1 $0x0;
	s28 =	smov.u32 @p3 s6;
	s0 =	smov.u32 @p3 s29  }
0x6a5: {  	v1 =	vld.msk [tilespmem:s26+$0x0], $0x1;
	_ =	sdelay $0x4  }
0x6a6: {  	(v2sf) =	vpush v1, $0x0;
	_ =	sdelay $0xe  }
0x6a7: {  	s5 =	smul.u32 $0x1E000, s3;
	s3 =	spop (v2sf)  }
0x6a8: {  	s4 =	smov.u32 s13;
	s8 =	smov.u32 s12;
	p2 =	seq.s32 s28, s3  }
0x6a9: {  	s29 =	simm.s32 $0x0;
	s30 =	ssub.s32 $0x0, s2;
	p3 =	sgt.s32 @!p2 s28, $0x0  }
0x6aa: {  	s7 =	smov.u32 s28;
	s6 =	smul.u32 @!p2 $0x440, s29;
	p3 =	por !p3, p2  }
0x6ab: {  	s2 =	sadd.s32 $0x1, s30;
	s5 =	sshrl.u32 s5, $0x2;
	s7 =	simm.s32 @p3 $0x0  }
0x6ac: {  	s31 =	sadd.s32 $0xD298, s5;
	s6 =	sshra.s32 @!p2 s6, $0x2;
	s10 =	smin.u32 @!p2 s7, $0x751FF  }
0x6ad: {  	p3 =	seq.s32 s2, $0x0;
	s12 =	sadd.s32 @!p2 $0x5838, s6;
	s7 =	sand.u32 @!p2 $0x7FFF8, s10  }
0x6ae: {  	s13 =	sadd.s32 @!p2 $0x80, s10;
	s14 =	sadd.s32 @!p2 s1, s7;
	s7 =	sand.u32 @!p2 $0x7, s10  }
0x6af: {  	[tilespmem:s12], [sflag:$0x2] =	stream.linear.gather @!p2 [hbm4b:s14+s7], $0x80, $0x38;
	[tilespmem:$0x1C218] =	vst v63  }
.Ltmp13:
0x6b0: {  	s5 =	simm.s32 @!p2 $0x1;
	s13 =	sand.u32 @!p2 $0xFFFF8, s13;
	(pc) =	sbr.rel @p3 .LBB2_21-.Ltmp13, $4  }
0x6b1: {  	s10 =	sadd.s32 @!p2 $0x100, s10;
	s12 =	sadd.s32 @!p2 $0x58B8, s6;
	s13 =	sadd.s32 @!p2 s1, s13  }
0x6b2: {  	[tilespmem:s12], [sflag:$0x2] =	stream.linear.gather @!p2 [hbm4b:s13+s7], $0x80, $0x38;
	[tilespmem:$0x1C218] =	vst v63  }
0x6b3: {  	s5 =	smov.u32 @p2 s29;
	s12 =	sand.u32 @!p2 $0xFFFF8, s10  }
0x6b4: {  	s10 =	sadd.s32 @!p2 $0x5938, s6;
	s6 =	sadd.s32 $0x1, s26;
	s12 =	sadd.s32 @!p2 s1, s12  }
.LBB2_20:
0x6b5: {  	s13 =	smov.u32 s5  }
0x6b6: {  	[tilespmem:s10], [sflag:$0x2] =	stream.linear.gather @!p2 [hbm4b:s12+s7], $0x2, $0x38;
	[tilespmem:$0x1C218] =	vst v63  }
0x6b7: {  	s2 =	sadd.s32 $0x1, s2;
	s7 =	smov.u32 s3  }
0x6b8: {  	p3 =	seq.s32 s2, $0x0;
	v1 =	vld.msk [tilespmem:s6+$0x0], $0x1;
	_ =	sdelay $0x4  }
0x6b9: {  	(v2sf) =	vpush v1, $0x0;
	_ =	sdelay $0xe  }
0x6ba: {  	s3 =	spop (v2sf)  }
0x6bb: {  	p2 =	seq.s32 s7, s3  }
0x6bc: {  	p4 =	sgt.s32 @!p2 s7, $0x0  }
0x6bd: {  	s10 =	smul.u32 @!p2 $0x440, s5;
	s5 =	sadd.s32 @!p2 $0x1, s5;
	p4 =	por !p4, p2  }
0x6be: {  	s5 =	smov.u32 @p2 s13;
	s7 =	simm.s32 @p4 $0x0  }
0x6bf: {  	s10 =	sshra.s32 @!p2 s10, $0x2;
	s7 =	smin.u32 @!p2 s7, $0x751FF  }
0x6c0: {  	s12 =	sadd.s32 @!p2 $0x5838, s10;
	s13 =	sadd.s32 @!p2 $0x58B8, s10;
	s14 =	sand.u32 @!p2 $0x7FFF8, s7  }
0x6c1: {  	s16 =	sadd.s32 @!p2 $0x80, s7;
	s18 =	sadd.s32 @!p2 $0x100, s7;
	s7 =	sand.u32 @!p2 $0x7, s7  }
.Ltmp14:
0x6c2: {  	s14 =	sadd.s32 @!p2 s1, s14;
	s16 =	sand.u32 @!p2 $0xFFFF8, s16;
	(pc) =	sbr.rel @!p3 .LBB2_20-.Ltmp14, $4  }
0x6c3: {  	[tilespmem:s12], [sflag:$0x2] =	stream.linear.gather @!p2 [hbm4b:s14+s7], $0x80, $0x38;
	[tilespmem:$0x1C218] =	vst v63  }
0x6c4: {  	s10 =	sadd.s32 @!p2 $0x5938, s10;
	s12 =	sadd.s32 @!p2 s1, s16;
	s14 =	sand.u32 @!p2 $0xFFFF8, s18  }
0x6c5: {  	[tilespmem:s13], [sflag:$0x2] =	stream.linear.gather @!p2 [hbm4b:s12+s7], $0x80, $0x38;
	[tilespmem:$0x1C218] =	vst v63  }
0x6c6: {  	s6 =	sadd.s32 $0x1, s6;
	s12 =	sadd.s32 @!p2 s1, s14  }
.LBB2_21:
0x6c7: {  	s2 =	smul.u32 $0x408, s5  }
0x6c8: {  	[tilespmem:s10], [sflag:$0x2] =	stream.linear.gather @!p2 [hbm4b:s12+s7], $0x2, $0x38;
	[tilespmem:$0x1C218] =	vst v63  }
.Ltmp15:
0x6c9: {  	_ = 	snop;
	(pc) =	sbr.rel .LBB2_22-.Ltmp15, $4  }
0x6ca: {  	s3 =	simm.s32 $0x2;
	s2 =	sshrl.u32 s2, $0x2  }
0x6cb: {  	s12 =	smov.u32 s8;
	_ =	swait.ge [sflag:s3], s2  }
0x6cc: {  	s13 =	smov.u32 s4;
	s2 =	ssub.s32 $0x0, s2;
	[sflag:s3] =	ssyncset.done $0x0  }
0x6cd: {  	s4 =	simm.s32 $0x1;
	[sflag:s3] =	ssyncadd.s32 s2;
	s3 =	simm.s32 $0x0  }
.LBB2_23:
0x6ce: {  	v1 =	vld [tilespmem:s31+$0xFFFFFF80];
	_ =	sdelay $0x4  }
0x6cf: {  	[tilespmem:s6+$0x228] =	vst.add.f32.msk $0xffff, v1  }
0x6d0: {  	v1 =	vld [tilespmem:s31+$0xFFFFFF90];
	_ =	sdelay $0x4  }
0x6d1: {  	[tilespmem:s6+$0x238] =	vst.add.f32.msk $0xffff, v1  }
0x6d2: {  	v1 =	vld [tilespmem:s31+$0xFFFFFFA0];
	_ =	sdelay $0x4  }
0x6d3: {  	[tilespmem:s6+$0x248] =	vst.add.f32.msk $0xffff, v1  }
0x6d4: {  	v1 =	vld [tilespmem:s31+$0xFFFFFFB0];
	_ =	sdelay $0x4  }
0x6d5: {  	[tilespmem:s6+$0x258] =	vst.add.f32.msk $0xffff, v1  }
0x6d6: {  	v1 =	vld [tilespmem:s31+$0xFFFFFFC0];
	_ =	sdelay $0x4  }
0x6d7: {  	[tilespmem:s6+$0x268] =	vst.add.f32.msk $0xffff, v1  }
0x6d8: {  	v1 =	vld [tilespmem:s31+$0xFFFFFFD0];
	_ =	sdelay $0x4  }
0x6d9: {  	[tilespmem:s6+$0x278] =	vst.add.f32.msk $0xffff, v1  }
0x6da: {  	v1 =	vld [tilespmem:s31+$0xFFFFFFE0];
	_ =	sdelay $0x4  }
0x6db: {  	[tilespmem:s6+$0x288] =	vst.add.f32.msk $0xffff, v1  }
0x6dc: {  	v1 =	vld [tilespmem:s31+$0xFFFFFFF0];
	_ =	sdelay $0x4  }
0x6dd: {  	[tilespmem:s6+$0x298] =	vst.add.f32.msk $0xffff, v1  }
0x6de: {  	v1 =	vld [tilespmem:s31+$0x0];
	_ =	sdelay $0x4  }
0x6df: {  	[tilespmem:s6+$0x2A8] =	vst.add.f32.msk $0xffff, v1  }
0x6e0: {  	v1 =	vld [tilespmem:s31+$0x10];
	_ =	sdelay $0x4  }
0x6e1: {  	[tilespmem:s6+$0x2B8] =	vst.add.f32.msk $0xffff, v1  }
0x6e2: {  	v1 =	vld [tilespmem:s31+$0x20];
	_ =	sdelay $0x4  }
0x6e3: {  	[tilespmem:s6+$0x2C8] =	vst.add.f32.msk $0xffff, v1  }
0x6e4: {  	v1 =	vld [tilespmem:s31+$0x30];
	_ =	sdelay $0x4  }
0x6e5: {  	[tilespmem:s6+$0x2D8] =	vst.add.f32.msk $0xffff, v1  }
0x6e6: {  	v1 =	vld [tilespmem:s31+$0x40];
	_ =	sdelay $0x4  }
0x6e7: {  	[tilespmem:s6+$0x2E8] =	vst.add.f32.msk $0xffff, v1  }
0x6e8: {  	v1 =	vld [tilespmem:s31+$0x50];
	_ =	sdelay $0x4  }
0x6e9: {  	[tilespmem:s6+$0x2F8] =	vst.add.f32.msk $0xffff, v1  }
0x6ea: {  	v1 =	vld [tilespmem:s31+$0x60];
	_ =	sdelay $0x4  }
0x6eb: {  	[tilespmem:s6+$0x308] =	vst.add.f32.msk $0xffff, v1  }
0x6ec: {  	v1 =	vld [tilespmem:s31+$0x70];
	_ =	sdelay $0x4  }
0x6ed: {  	[tilespmem:s6+$0x318] =	vst.add.f32.msk $0xffff, v1  }
0x6ee: {  	v1 =	vld.msk [tilespmem:s31+$0x80], $0x3;
	_ =	sdelay $0x4  }
0x6ef: {  	[tilespmem:s6+$0x328] =	vst.add.f32.msk $0x3, v1  }
.LBB2_27:
0x6f0: {  	s30 =	sadd.s32 $0x1, s30  }
0x6f1: {  	p2 =	seq.s32 s30, $0x0  }
.Ltmp16:
0x6f2: {  	_ = 	snop;
	(pc) =	sbr.rel @p2 .LBB2_28-.Ltmp16, $2  }
0x6f3: {  	_ =	sdelay $0x2  }
0x6f4: {  	s26 =	sadd.s32 $0x1, s26;
	s31 =	sadd.s32 $0x180, s31;
	s28 =	smov.u32 s2  }
.LBB2_22:
0x6f5: {  	v1 =	vld.msk [tilespmem:s26+$0x0], $0x1;
	_ =	sdelay $0x4  }
0x6f6: {  	(v2sf) =	vpush v1, $0x0;
	_ =	sdelay $0xe  }
0x6f7: {  	s2 =	spop (v2sf)  }
0x6f8: {  	p2 =	sne.s32 s28, s2  }
.Ltmp17:
0x6f9: {  	_ = 	snop;
	(pc) =	sbr.rel @!p2 .LBB2_23-.Ltmp17, $3  }
0x6fa: {  	_ = 	snop  }
0x6fb: {  	s5 =	smul.u32 $0x440, s25;
	_ =	sdelay $0x1  }
0x6fc: {  	s6 =	sshra.s32 s5, $0x2  }
0x6fd: {  	p2 =	seq.s32 s28, s0  }
.Ltmp18:
0x6fe: {  	_ = 	snop;
	(pc) =	sbr.rel @!p2 .LBB2_25-.Ltmp18, $1  }
0x6ff: {  	_ =	sdelay $0x3  }
.Ltmp19:
0x700: {  	s5 =	sadd.s32 $0x228, s6;
	(pc) =	sbr.rel .LBB2_26-.Ltmp19, $4  }
0x701: {  	[spmem:s17] =	stream.linear.scatter [tilespmem:s5], [sflag:$0x1], $0x102, $0x38;
	[tilespmem:$0x1C218] =	vst v63  }
0x702: {  	_ =	swait.ge [sflag:s4], $0x102  }
0x703: {  	[sflag:s4] =	ssyncset.done $0x0  }
0x704: {  	[sflag:s4] =	ssyncadd.s32 $0xFFFFFEFE  }
.LBB2_25:
0x705: {  	s5 =	smul.u32 $0x440, s29;
	_ =	sdelay $0x1  }
0x706: {  	s5 =	sshra.s32 s5, $0x2  }
0x707: {  	v1 =	vld [tilespmem:s5+$0x5838];
	_ =	sdelay $0x4  }
0x708: {  	[tilespmem:s6+$0x228] =	vst.add.f32.msk $0xffff, v1  }
0x709: {  	v1 =	vld [tilespmem:s5+$0x5848];
	_ =	sdelay $0x4  }
0x70a: {  	[tilespmem:s6+$0x238] =	vst.add.f32.msk $0xffff, v1  }
0x70b: {  	v1 =	vld [tilespmem:s5+$0x5858];
	_ =	sdelay $0x4  }
0x70c: {  	[tilespmem:s6+$0x248] =	vst.add.f32.msk $0xffff, v1  }
0x70d: {  	v1 =	vld [tilespmem:s5+$0x5868];
	_ =	sdelay $0x4  }
0x70e: {  	[tilespmem:s6+$0x258] =	vst.add.f32.msk $0xffff, v1  }
0x70f: {  	v1 =	vld [tilespmem:s5+$0x5878];
	_ =	sdelay $0x4  }
0x710: {  	[tilespmem:s6+$0x268] =	vst.add.f32.msk $0xffff, v1  }
0x711: {  	v1 =	vld [tilespmem:s5+$0x5888];
	_ =	sdelay $0x4  }
0x712: {  	[tilespmem:s6+$0x278] =	vst.add.f32.msk $0xffff, v1  }
0x713: {  	v1 =	vld [tilespmem:s5+$0x5898];
	_ =	sdelay $0x4  }
0x714: {  	[tilespmem:s6+$0x288] =	vst.add.f32.msk $0xffff, v1  }
0x715: {  	v1 =	vld [tilespmem:s5+$0x58A8];
	_ =	sdelay $0x4  }
0x716: {  	[tilespmem:s6+$0x298] =	vst.add.f32.msk $0xffff, v1  }
0x717: {  	v1 =	vld [tilespmem:s5+$0x58B8];
	_ =	sdelay $0x4  }
0x718: {  	[tilespmem:s6+$0x2A8] =	vst.add.f32.msk $0xffff, v1  }
0x719: {  	v1 =	vld [tilespmem:s5+$0x58C8];
	_ =	sdelay $0x4  }
0x71a: {  	[tilespmem:s6+$0x2B8] =	vst.add.f32.msk $0xffff, v1  }
0x71b: {  	v1 =	vld [tilespmem:s5+$0x58D8];
	_ =	sdelay $0x4  }
0x71c: {  	[tilespmem:s6+$0x2C8] =	vst.add.f32.msk $0xffff, v1  }
0x71d: {  	v1 =	vld [tilespmem:s5+$0x58E8];
	_ =	sdelay $0x4  }
0x71e: {  	[tilespmem:s6+$0x2D8] =	vst.add.f32.msk $0xffff, v1  }
0x71f: {  	v1 =	vld [tilespmem:s5+$0x58F8];
	_ =	sdelay $0x4  }
0x720: {  	[tilespmem:s6+$0x2E8] =	vst.add.f32.msk $0xffff, v1  }
0x721: {  	v1 =	vld [tilespmem:s5+$0x5908];
	_ =	sdelay $0x4  }
0x722: {  	[tilespmem:s6+$0x2F8] =	vst.add.f32.msk $0xffff, v1  }
0x723: {  	v1 =	vld [tilespmem:s5+$0x5918];
	_ =	sdelay $0x4  }
0x724: {  	[tilespmem:s6+$0x308] =	vst.add.f32.msk $0xffff, v1  }
0x725: {  	v1 =	vld [tilespmem:s5+$0x5928];
	_ =	sdelay $0x4  }
0x726: {  	[tilespmem:s6+$0x318] =	vst.add.f32.msk $0xffff, v1  }
0x727: {  	v1 =	vld.msk [tilespmem:s5+$0x5938], $0x3;
	_ =	sdelay $0x2  }
0x728: {  	p2 =	sgt.u32 s28, $0x751FF  }
0x729: {  	s5 =	sand.u32 @!p2 $0x7FFF8, s28  }
0x72a: {  	s7 =	sadd.s32 $0x228, s6;
	s10 =	sand.u32 @!p2 $0x7, s28;
	s5 =	sadd.s32 @!p2 s1, s5;
	[tilespmem:s6+$0x328] =	vst.add.f32.msk $0x3, v1  }
0x72b: {  	[hbm4b:s5+s10] =	stream.linear.scatter @!p2 [tilespmem:s7], [sflag:$0xC], $0x80, $0x38;
	[tilespmem:$0x1C218] =	vst v63  }
0x72c: {  	s5 =	sadd.s32 @!p2 $0x80, s28  }
0x72d: {  	s5 =	sand.u32 @!p2 $0xFFFF8, s5  }
0x72e: {  	s7 =	sadd.s32 $0x2A8, s6;
	s5 =	sadd.s32 @!p2 s1, s5  }
0x72f: {  	[hbm4b:s5+s10] =	stream.linear.scatter @!p2 [tilespmem:s7], [sflag:$0xC], $0x80, $0x38;
	[tilespmem:$0x1C218] =	vst v63  }
0x730: {  	s5 =	sadd.s32 @!p2 $0x100, s28  }
0x731: {  	s5 =	sand.u32 @!p2 $0xFFFF8, s5  }
0x732: {  	s6 =	sadd.s32 $0x328, s6;
	s5 =	sadd.s32 @!p2 s1, s5  }
0x733: {  	[hbm4b:s5+s10] =	stream.linear.scatter @!p2 [tilespmem:s6], [sflag:$0xC], $0x2, $0x38;
	[tilespmem:$0x1C218] =	vst v63  }
0x734: {  	s5 =	simm.s32 $0x0  }
0x735: {  	s5 =	simm.s32 @!p2 $0x408  }
0x736: {  	s3 =	sadd.s32 s5, s3  }
.LBB2_26:
0x737: {  	s5 =	sadd.s32 $0x1, s25  }
0x738: {  	s6 =	smulhi.u32 $0xCCCCCCCD, s5;
	_ =	sdelay $0x1  }
0x739: {  	s6 =	sshrl.u32 s6, $0x6  }
0x73a: {  	s6 =	smul.u32 $0x50, s6  }
0x73b: {  	v1 =	vld [tilespmem:s31+$0xFFFFFF80]  }
0x73c: {  	s25 =	ssub.s32 s5, s6  }
0x73d: {  	s5 =	smul.u32 $0x440, s25;
	_ =	sdelay $0x1  }
0x73e: {  	s5 =	sshrl.u32 s5, $0x2  }
0x73f: {  	[tilespmem:s5+$0x228] =	vst v1  }
0x740: {  	v1 =	vld [tilespmem:s31+$0xFFFFFF90];
	_ =	sdelay $0x4  }
0x741: {  	[tilespmem:s5+$0x238] =	vst v1  }
0x742: {  	v1 =	vld [tilespmem:s31+$0xFFFFFFA0];
	_ =	sdelay $0x4  }
0x743: {  	[tilespmem:s5+$0x248] =	vst v1  }
0x744: {  	v1 =	vld [tilespmem:s31+$0xFFFFFFB0];
	_ =	sdelay $0x4  }
0x745: {  	[tilespmem:s5+$0x258] =	vst v1  }
0x746: {  	v1 =	vld [tilespmem:s31+$0xFFFFFFC0];
	_ =	sdelay $0x4  }
0x747: {  	[tilespmem:s5+$0x268] =	vst v1  }
0x748: {  	v1 =	vld [tilespmem:s31+$0xFFFFFFD0];
	_ =	sdelay $0x4  }
0x749: {  	[tilespmem:s5+$0x278] =	vst v1  }
0x74a: {  	v1 =	vld [tilespmem:s31+$0xFFFFFFE0];
	_ =	sdelay $0x4  }
0x74b: {  	[tilespmem:s5+$0x288] =	vst v1  }
0x74c: {  	v1 =	vld [tilespmem:s31+$0xFFFFFFF0];
	_ =	sdelay $0x4  }
0x74d: {  	[tilespmem:s5+$0x298] =	vst v1  }
0x74e: {  	v1 =	vld [tilespmem:s31+$0x0];
	_ =	sdelay $0x4  }
0x74f: {  	[tilespmem:s5+$0x2A8] =	vst v1  }
0x750: {  	v1 =	vld [tilespmem:s31+$0x10];
	_ =	sdelay $0x4  }
0x751: {  	[tilespmem:s5+$0x2B8] =	vst v1  }
0x752: {  	v1 =	vld [tilespmem:s31+$0x20];
	_ =	sdelay $0x4  }
0x753: {  	[tilespmem:s5+$0x2C8] =	vst v1  }
0x754: {  	v1 =	vld [tilespmem:s31+$0x30];
	_ =	sdelay $0x4  }
0x755: {  	[tilespmem:s5+$0x2D8] =	vst v1  }
0x756: {  	v1 =	vld [tilespmem:s31+$0x40];
	_ =	sdelay $0x4  }
0x757: {  	[tilespmem:s5+$0x2E8] =	vst v1  }
0x758: {  	v1 =	vld [tilespmem:s31+$0x50];
	_ =	sdelay $0x4  }
0x759: {  	[tilespmem:s5+$0x2F8] =	vst v1  }
0x75a: {  	v1 =	vld [tilespmem:s31+$0x60];
	_ =	sdelay $0x4  }
0x75b: {  	[tilespmem:s5+$0x308] =	vst v1  }
0x75c: {  	v1 =	vld [tilespmem:s31+$0x70];
	_ =	sdelay $0x4  }
0x75d: {  	[tilespmem:s5+$0x318] =	vst v1  }
0x75e: {  	v1 =	vld.msk [tilespmem:s31+$0x80], $0x3  }
.Ltmp20:
0x75f: {  	_ = 	snop;
	(pc) =	sbr.rel .LBB2_27-.Ltmp20, $2  }
0x760: {  	_ =	sdelay $0x2  }
0x761: {  	s29 =	sadd.s32 $0x1, s29;
	[tilespmem:s5+$0x328] =	vst.msk $0x3, v1  }
.LBB2_29:
.Ltmp21:
0x762: {  	(pc) =	sbr.rel .LBB2_30-.Ltmp21, $4  }
0x763: {  	_ = 	snop  }
0x764: {  	s2 =	simm.s32 $0x2  }
0x765: {  	_ =	swait.ge [sflag:s2], $0x0  }
0x766: {  	s3 =	simm.s32 $0x0;
	[sflag:s2] =	ssyncset.done $0x0;
	s2 =	smov.u32 s28  }
.LBB2_32:
0x767: {  	_ =	sfence.sel $0x180000  }
0x768: {  	s0 =	simm.s32 $0x9;
	[bflag:$0x0] =	sbarrier.arrive $0xFFFF  }
0x769: {  	s24 =	simm.s32 $0xA;
	[sflag:s0] =	ssyncpa.u1 $0x1  }
0x76a: {  	s25 =	simm.s32 $0xB;
	[sflag:s24] =	ssyncpa.u1 $0x1  }
0x76b: {  	s26 =	simm.s32 $0x2;
	[sflag:s25] =	ssyncpa.u1 $0x1  }
0x76c: {  	[sflag:s26] =	ssyncpa.u1 $0x1  }
0x76d: {  	v0 =	vld [tilespmem:$0xAE48];
	_ =	sdelay $0x4  }
0x76e: {  	(v2sf) =	vpush v0, $0x0  }
0x76f: {  	(v2sf) =	vpush v0, $0x1  }
0x770: {  	(v2sf) =	vpush v0, $0x2;
	_ =	sdelay $0xc  }
0x771: {  	s0 =	spop (v2sf)  }
0x772: {  	s2 =	spop (v2sf)  }
0x773: {  	s3 =	smov.u32 s0;
	p0 =	sne.s32 s0, s2;
	s4 =	spop (v2sf)  }
0x774: {  	s3 =	simm.s32 @!p0 $0xFFFFFFFF;
	p0 =	seq.s32 s4, $0xFFFFFFFF  }
0x775: {  	v2 =	vimm.s32 $0x1;
	v3 =	vlaneseq.u32;
	v1 =	vmov s3;
	p1 =	sne.s32 @!p0 s0, s2  }
0x776: {  	s15 =	stileid.u32;
	v0 =	vperm.xlane v0, v2;
	s0 =	simm.s32 @!p0 $0x1;
	v1 =	vperm.xlane v1, v3;
	p1 =	por !p1, p0  }
0x777: {  	vm0 =	vcmask $0x3F04;
	s3 =	sshll.u32 s15, $0x1;
	s2 =	smul.u32 @!p0 $0x440, s4;
	s0 =	simm.s32 @p1 $0x0  }
0x778: {  	s6 =	simm.s32 $0xAE48;
	v0 =	vsel vm0, v1, v0;
	s0 =	sor.u32 @!p0 s0, s3  }
0x779: {  	s5 =	sor.u32 $0x2200, s3;
	s2 =	sshra.s32 @!p0 s2, $0x2;
	[tilespmem:$0xAE48] =	vst v0;
	s0 =	smul.u32 @!p0 $0x440, s0  }
0x77a: {  	[spmem:s5] =	stream.linear.scatter [tilespmem:s6], [sflag:$0x1], $0x2, $0x38;
	[tilespmem:$0x1C218] =	vst v63  }
0x77b: {  	s2 =	sadd.s32 @!p0 $0x228, s2;
	s0 =	sshrl.u32 @!p0 s0, $0x2  }
0x77c: {  	[spmem:s0] =	stream.linear.scatter @!p0 [tilespmem:s2], [sflag:$0x1], $0x110, $0x38;
	[tilespmem:$0x1C218] =	vst v63  }
0x77d: {  	s0 =	simm.s32 @!p0 $0x112  }
0x77e: {  	s28 =	simm.s32 $0x1;
	s0 =	simm.s32 @p0 $0x2  }
0x77f: {  	_ =	swait.ge [sflag:s28], s0  }
0x780: {  	s0 =	ssub.s32 $0x0, s0;
	[sflag:s28] =	ssyncset.done $0x0  }
0x781: {  	p0 =	sne.s32 s15, $0x0;
	[sflag:s28] =	ssyncadd.s32 s0  }
.Ltmp22:
0x782: {  	_ =	sfence.stream.spmem;
	(pc) =	sbr.rel @p0 .LBB2_49-.Ltmp22, $4  }
0x783: {  	s29 =	simm.s32 $0x3;
	[bflag:$0x0] =	sbarrier.arrive $0xFFFF  }
0x784: {  	s30 =	simm.s32 $0x4;
	[sflag:s29] =	ssyncpa.u1 $0x1  }
0x785: {  	s31 =	simm.s32 $0x3C;
	[sflag:s30] =	ssyncpa.u1 $0x1  }
0x786: {  	s16 =	rddreg [dreg:$0x5];
	[sflag:s31] =	ssyncpa.u1 $0x1  }
0x787: {  	_ =	sfence.stream.spmem;
	s0 =	simm.s32 $0x5  }
0x788: {  	s2 =	simm.s32 $0x2200;
	s3 =	simm.s32 $0xAE58;
	[sflag:s0] =	ssyncpa.u1 $0x0  }
0x789: {  	[tilespmem:s3], [sflag:$0x5] =	stream.linear.gather [spmem:s2], $0x20, $0x38;
	[tilespmem:$0x1C218] =	vst v63  }
0x78a: {  	s26 =	simm.s32 $0x0;
	s28 =	simm.s32 $0xAE78  }
0x78b: {  	[tilespmem:s28], [sflag:$0x5] =	stream.linear.gather [spmem:s26], $0x2200, $0x38;
	[tilespmem:$0x1C218] =	vst v63  }
0x78c: {  	_ =	swait.ge [sflag:s0], $0x2220  }
0x78d: {  	[sflag:s0] =	ssyncset.done $0x0  }
0x78e: {  	s29 =	simm.s32 $0x0;
	[sflag:s0] =	ssyncadd.s32 $0xFFFFDDE0  }
0x78f: {  	v0 =	vld.msk [tilespmem:s29+$0xAE58], $0x1;
	_ =	sdelay $0x1  }
0x790: {  	s30 =	simm.s32 $0x1  }
0x791: {  	v1 =	vld.msk [tilespmem:s30+$0xAE58], $0x1;
	_ =	sdelay $0x1  }
0x792: {  	(v2sf) =	vpush v0, $0x0;
	_ =	sdelay $0x2  }
0x793: {  	(v2sf) =	vpush v1, $0x0;
	_ =	sdelay $0x2  }
0x794: {  	s31 =	simm.s32 $0x2  }
0x795: {  	v0 =	vld.msk [tilespmem:s31+$0xAE58], $0x1;
	_ =	sdelay $0x2  }
0x796: {  	s3 =	simm.s32 $0xFFFFFFFF;
	s2 =	simm.s32 $0xFFFFFFFF;
	s0 =	simm.s32 $0xC  }
.LBB2_34:
0x797: {  	s4 =	smov.u32 s2;
	s5 =	smov.u32 s3  }
0x798: {  	s2 =	sshra.s32 s0, $0x2;
	p1 =	sne.s32 s0, $0x7C;
	s0 =	sadd.s32 $0x4, s0;
	(v2sf) =	vpush v0, $0x0  }
0x799: {  	v0 =	vld.msk [tilespmem:s2+$0xAE58], $0x1  }
.Ltmp23:
0x79a: {  	(pc) =	sbr.rel @p1 .LBB2_34-.Ltmp23, $4  }
0x79b: {  	s2 =	spop (v2sf)  }
0x79c: {  	p2 =	sne.s32 s3, $0xFFFFFFFF;
	s3 =	smov.u32 s2  }
0x79d: {  	p3 =	seq.s32 s2, $0xFFFFFFFF;
	s3 =	smov.u32 @p2 s5  }
0x79e: {  	s2 =	smov.u32 @p3 s4;
	s3 =	smov.u32 @p3 s5  }
0x79f: {  	(v2sf) =	vpush v0, $0x0;
	_ =	sdelay $0x8  }
0x7a0: {  	s0 =	spop (v2sf);
	p1 =	sne.s32 s3, $0xFFFFFFFF  }
0x7a1: {  	s9 =	simm.s32 $0x6;
	s10 =	simm.s32 $0xAD38;
	s4 =	smov.u32 s0  }
0x7a2: {  	s11 =	simm.s32 $0xADB8;
	p2 =	seq.s32 s0, $0xFFFFFFFF;
	s4 =	smov.u32 @p1 s3  }
0x7a3: {  	s12 =	simm.s32 $0xAE38;
	s4 =	smov.u32 @p2 s3;
	s3 =	spop (v2sf)  }
0x7a4: {  	s13 =	simm.s32 $0x0;
	p1 =	sne.s32 s4, $0xFFFFFFFF;
	s5 =	smov.u32 s3  }
.Ltmp24:
0x7a5: {  	s5 =	smov.u32 @p1 s4;
	p1 =	seq.s32 s3, $0xFFFFFFFF;
	(pc) =	sbr.rel .LBB2_36-.Ltmp24, $4  }
0x7a6: {  	[sflag:s9] =	ssyncpa.u1 $0x0;
	s5 =	smov.u32 @p1 s4;
	s7 =	spop (v2sf)  }
0x7a7: {  	s0 =	smov.u32 @p2 s2;
	p2 =	sne.s32 s5, $0xFFFFFFFF;
	s8 =	smov.u32 s7  }
0x7a8: {  	s3 =	smov.u32 @p1 s0;
	p1 =	seq.s32 s7, $0xFFFFFFFF;
	s8 =	smov.u32 @p2 s5  }
0x7a9: {  	s4 =	simm.s32 $0x0;
	s7 =	smov.u32 @p1 s3;
	s8 =	smov.u32 @p1 s5  }
.LBB2_42:
0x7aa: {  	p1 =	sgt.u32 s0, $0x751FF  }
0x7ab: {  	p2 =	seq.s32 @!p1 s0, s8  }
0x7ac: {  	p1 =	por p1, p2  }
0x7ad: {  	p2 =	sne.s32 @!p1 s0, s7  }
0x7ae: {  	p1 =	por p1, !p2  }
0x7af: {  	s0 =	smul.u32 @p1 $0x440, s13;
	_ =	sdelay $0x1  }
0x7b0: {  	s2 =	sand.u32 @!p1 $0x7FFF8, s0  }
0x7b1: {  	s3 =	sand.u32 @!p1 $0x7, s0;
	s2 =	sadd.s32 @!p1 s1, s2  }
0x7b2: {  	[tilespmem:s10], [sflag:$0x6] =	stream.linear.gather @!p1 [hbm4b:s2+s3], $0x80, $0x38;
	[tilespmem:$0x1C218] =	vst v63  }
0x7b3: {  	s2 =	sadd.s32 @!p1 $0x80, s0  }
0x7b4: {  	s0 =	sadd.s32 @!p1 $0x100, s0;
	s2 =	sand.u32 @!p1 $0xFFFF8, s2  }
0x7b5: {  	s0 =	sand.u32 @!p1 $0xFFFF8, s0;
	s2 =	sadd.s32 @!p1 s1, s2  }
0x7b6: {  	[tilespmem:s11], [sflag:$0x6] =	stream.linear.gather @!p1 [hbm4b:s2+s3], $0x80, $0x38;
	[tilespmem:$0x1C218] =	vst v63  }
0x7b7: {  	s0 =	sadd.s32 @!p1 s1, s0  }
0x7b8: {  	[tilespmem:s12], [sflag:$0x6] =	stream.linear.gather @!p1 [hbm4b:s0+s3], $0x2, $0x38;
	[tilespmem:$0x1C218] =	vst v63  }
0x7b9: {  	_ =	swait.ge @!p1 [sflag:s9], $0x102  }
0x7ba: {  	[sflag:s9] =	ssyncset.done @!p1 $0x0  }
0x7bb: {  	[sflag:s9] =	ssyncadd.s32 @!p1 $0xFFFFFEFE  }
0x7bc: {  	v1 =	vld @!p1 [tilespmem:$0xAD38];
	_ =	sdelay $0x1  }
0x7bd: {  	s0 =	smul.u32 @!p1 $0x440, s13;
	_ =	sdelay $0x1  }
0x7be: {  	s2 =	sshra.s32 @!p1 s0, $0x2  }
0x7bf: {  	[tilespmem:s2+$0xAE78] =	vst.add.f32.msk @!p1 $0xffff, v1  }
0x7c0: {  	v1 =	vld @!p1 [tilespmem:$0xAD48];
	_ =	sdelay $0x4  }
0x7c1: {  	[tilespmem:s2+$0xAE88] =	vst.add.f32.msk @!p1 $0xffff, v1  }
0x7c2: {  	v1 =	vld @!p1 [tilespmem:$0xAD58];
	_ =	sdelay $0x4  }
0x7c3: {  	[tilespmem:s2+$0xAE98] =	vst.add.f32.msk @!p1 $0xffff, v1  }
0x7c4: {  	v1 =	vld @!p1 [tilespmem:$0xAD68];
	_ =	sdelay $0x4  }
0x7c5: {  	[tilespmem:s2+$0xAEA8] =	vst.add.f32.msk @!p1 $0xffff, v1  }
0x7c6: {  	v1 =	vld @!p1 [tilespmem:$0xAD78];
	_ =	sdelay $0x4  }
0x7c7: {  	[tilespmem:s2+$0xAEB8] =	vst.add.f32.msk @!p1 $0xffff, v1  }
0x7c8: {  	v1 =	vld @!p1 [tilespmem:$0xAD88];
	_ =	sdelay $0x4  }
0x7c9: {  	[tilespmem:s2+$0xAEC8] =	vst.add.f32.msk @!p1 $0xffff, v1  }
0x7ca: {  	v1 =	vld @!p1 [tilespmem:$0xAD98];
	_ =	sdelay $0x4  }
0x7cb: {  	[tilespmem:s2+$0xAED8] =	vst.add.f32.msk @!p1 $0xffff, v1  }
0x7cc: {  	v1 =	vld @!p1 [tilespmem:$0xADA8];
	_ =	sdelay $0x4  }
0x7cd: {  	[tilespmem:s2+$0xAEE8] =	vst.add.f32.msk @!p1 $0xffff, v1  }
0x7ce: {  	v1 =	vld @!p1 [tilespmem:$0xADB8];
	_ =	sdelay $0x4  }
0x7cf: {  	[tilespmem:s2+$0xAEF8] =	vst.add.f32.msk @!p1 $0xffff, v1  }
0x7d0: {  	v1 =	vld @!p1 [tilespmem:$0xADC8];
	_ =	sdelay $0x4  }
0x7d1: {  	[tilespmem:s2+$0xAF08] =	vst.add.f32.msk @!p1 $0xffff, v1  }
0x7d2: {  	v1 =	vld @!p1 [tilespmem:$0xADD8];
	_ =	sdelay $0x4  }
0x7d3: {  	[tilespmem:s2+$0xAF18] =	vst.add.f32.msk @!p1 $0xffff, v1  }
0x7d4: {  	v1 =	vld @!p1 [tilespmem:$0xADE8];
	_ =	sdelay $0x4  }
0x7d5: {  	[tilespmem:s2+$0xAF28] =	vst.add.f32.msk @!p1 $0xffff, v1  }
0x7d6: {  	v1 =	vld @!p1 [tilespmem:$0xADF8];
	_ =	sdelay $0x4  }
0x7d7: {  	[tilespmem:s2+$0xAF38] =	vst.add.f32.msk @!p1 $0xffff, v1  }
0x7d8: {  	v1 =	vld @!p1 [tilespmem:$0xAE08];
	_ =	sdelay $0x4  }
0x7d9: {  	[tilespmem:s2+$0xAF48] =	vst.add.f32.msk @!p1 $0xffff, v1  }
0x7da: {  	v1 =	vld @!p1 [tilespmem:$0xAE18];
	_ =	sdelay $0x4  }
0x7db: {  	[tilespmem:s2+$0xAF58] =	vst.add.f32.msk @!p1 $0xffff, v1  }
0x7dc: {  	v1 =	vld @!p1 [tilespmem:$0xAE28];
	_ =	sdelay $0x4  }
0x7dd: {  	[tilespmem:s2+$0xAF68] =	vst.add.f32.msk @!p1 $0xffff, v1  }
0x7de: {  	v1 =	vld @!p1 [tilespmem:$0xAE38];
	_ =	sdelay $0x4  }
0x7df: {  	[tilespmem:s2+$0xAF78] =	vst.add.f32.msk @!p1 $0xffff, v1  }
0x7e0: {  	s0 =	sshra.s32 s0, $0x2;
	[tilespmem:s4+$0xAE58] =	vst.msk $0x1, v0  }
0x7e1: {  	v0 =	vld [tilespmem:s0+$0xAE78];
	_ =	sdelay $0x1  }
0x7e2: {  	s31 =	smul.u32 $0x440, s4;
	_ =	sdelay $0x1  }
0x7e3: {  	s2 =	sshra.s32 s31, $0x2  }
0x7e4: {  	[tilespmem:s2+$0xAE78] =	vst v0  }
0x7e5: {  	v0 =	vld [tilespmem:s0+$0xAE88];
	_ =	sdelay $0x4  }
0x7e6: {  	[tilespmem:s2+$0xAE88] =	vst v0  }
0x7e7: {  	v0 =	vld [tilespmem:s0+$0xAE98];
	_ =	sdelay $0x4  }
0x7e8: {  	[tilespmem:s2+$0xAE98] =	vst v0  }
0x7e9: {  	v0 =	vld [tilespmem:s0+$0xAEA8];
	_ =	sdelay $0x4  }
0x7ea: {  	[tilespmem:s2+$0xAEA8] =	vst v0  }
0x7eb: {  	v0 =	vld [tilespmem:s0+$0xAEB8];
	_ =	sdelay $0x4  }
0x7ec: {  	[tilespmem:s2+$0xAEB8] =	vst v0  }
0x7ed: {  	v0 =	vld [tilespmem:s0+$0xAEC8];
	_ =	sdelay $0x4  }
0x7ee: {  	[tilespmem:s2+$0xAEC8] =	vst v0  }
0x7ef: {  	v0 =	vld [tilespmem:s0+$0xAED8];
	_ =	sdelay $0x4  }
0x7f0: {  	[tilespmem:s2+$0xAED8] =	vst v0  }
0x7f1: {  	v0 =	vld [tilespmem:s0+$0xAEE8];
	_ =	sdelay $0x4  }
0x7f2: {  	[tilespmem:s2+$0xAEE8] =	vst v0  }
0x7f3: {  	v0 =	vld [tilespmem:s0+$0xAEF8];
	_ =	sdelay $0x4  }
0x7f4: {  	[tilespmem:s2+$0xAEF8] =	vst v0  }
0x7f5: {  	v0 =	vld [tilespmem:s0+$0xAF08];
	_ =	sdelay $0x4  }
0x7f6: {  	[tilespmem:s2+$0xAF08] =	vst v0  }
0x7f7: {  	v0 =	vld [tilespmem:s0+$0xAF18];
	_ =	sdelay $0x4  }
0x7f8: {  	[tilespmem:s2+$0xAF18] =	vst v0  }
0x7f9: {  	v0 =	vld [tilespmem:s0+$0xAF28];
	_ =	sdelay $0x4  }
0x7fa: {  	[tilespmem:s2+$0xAF28] =	vst v0  }
0x7fb: {  	v0 =	vld [tilespmem:s0+$0xAF38];
	_ =	sdelay $0x4  }
0x7fc: {  	[tilespmem:s2+$0xAF38] =	vst v0  }
0x7fd: {  	v0 =	vld [tilespmem:s0+$0xAF48];
	_ =	sdelay $0x4  }
0x7fe: {  	[tilespmem:s2+$0xAF48] =	vst v0  }
0x7ff: {  	v0 =	vld [tilespmem:s0+$0xAF58];
	_ =	sdelay $0x4  }
0x800: {  	[tilespmem:s2+$0xAF58] =	vst v0  }
0x801: {  	v0 =	vld [tilespmem:s0+$0xAF68];
	_ =	sdelay $0x4  }
0x802: {  	[tilespmem:s2+$0xAF68] =	vst v0  }
0x803: {  	v0 =	vld [tilespmem:s0+$0xAF78];
	_ =	sdelay $0x4  }
0x804: {  	s4 =	sadd.s32 $0x1, s4;
	[tilespmem:s2+$0xAF78] =	vst v0  }
.LBB2_43:
0x805: {  	s13 =	sadd.s32 $0x1, s13  }
0x806: {  	p1 =	sne.s32 s13, $0x20  }
.Ltmp25:
0x807: {  	_ = 	snop;
	(pc) =	sbr.rel @!p1 .LBB2_44-.Ltmp25, $1  }
0x808: {  	_ =	sdelay $0x3  }
.LBB2_36:
0x809: {  	v0 =	vld.msk [tilespmem:s13+$0xAE58], $0x1;
	_ =	sdelay $0x4  }
0x80a: {  	(v2sf) =	vpush v0, $0x0;
	_ =	sdelay $0xe  }
0x80b: {  	s0 =	spop (v2sf)  }
0x80c: {  	p1 =	seq.s32 s0, $0xFFFFFFFF  }
.Ltmp26:
0x80d: {  	_ = 	snop;
	(pc) =	sbr.rel @p1 .LBB2_43-.Ltmp26, $1  }
0x80e: {  	_ =	sdelay $0x3  }
0x80f: {  	p1 =	slt.s32 s4, $0x1  }
.Ltmp27:
0x810: {  	_ = 	snop;
	(pc) =	sbr.rel @p1 .LBB2_42-.Ltmp27, $1  }
0x811: {  	_ =	sdelay $0x3  }
0x812: {  	s2 =	simm.s32 $0xAE58;
	p1 =	por $0x0, $0x0  }
0x813: {  	v1 =	vld.msk @!p1 [tilespmem:s2+$0x0], $0x1;
	_ =	sdelay $0x4  }
0x814: {  	(v2sf) =	vpush @!p1 v1, $0x0;
	_ =	sdelay $0xd  }
0x815: {  	p3 =	sne.s32 s4, $0x1  }
.Ltmp28:
0x816: {  	s3 =	spop @!p1 (v2sf);
	(pc) =	sbr.rel @!p3 .LBB2_40-.Ltmp28, $4  }
0x817: {  	p2 =	seq.s32 @!p1 s0, s3  }
0x818: {  	s3 =	simm.s32 $0x0;
	p2 =	por !p2, p1  }
0x819: {  	s6 =	simm.s32 $0xFFFFFFFF;
	s3 =	simm.s32 @p2 $0xFFFFFFFF  }
0x81a: {  	s5 =	simm.s32 $0x1;
	s3 =	smov.u32 @p1 s6  }
.LBB2_39:
0x81b: {  	s6 =	smov.u32 s3;
	p1 =	sne.s32 s3, $0xFFFFFFFF  }
0x81c: {  	s2 =	sadd.s32 $0x1, s2;
	s3 =	smov.u32 s5;
	s5 =	sadd.s32 $0x1, s5  }
0x81d: {  	p2 =	sne.s32 s4, s5;
	v1 =	vld.msk @!p1 [tilespmem:s2+$0x0], $0x1;
	_ =	sdelay $0x4  }
0x81e: {  	(v2sf) =	vpush @!p1 v1, $0x0;
	_ =	sdelay $0xe  }
.Ltmp29:
0x81f: {  	s14 =	spop @!p1 (v2sf);
	(pc) =	sbr.rel @p2 .LBB2_39-.Ltmp29, $4  }
0x820: {  	p3 =	seq.s32 @!p1 s0, s14  }
0x821: {  	p3 =	por !p3, p1  }
0x822: {  	s3 =	simm.s32 @p3 $0xFFFFFFFF  }
0x823: {  	s3 =	smov.u32 @p1 s6  }
.LBB2_40:
0x824: {  	p1 =	seq.s32 s3, $0xFFFFFFFF  }
.Ltmp30:
0x825: {  	_ = 	snop;
	(pc) =	sbr.rel @p1 .LBB2_42-.Ltmp30, $1  }
0x826: {  	_ =	sdelay $0x3  }
0x827: {  	s0 =	smul.u32 $0x440, s13;
	_ =	sdelay $0x1  }
0x828: {  	s0 =	sshra.s32 s0, $0x2  }
0x829: {  	v0 =	vld [tilespmem:s0+$0xAE78];
	_ =	sdelay $0x1  }
0x82a: {  	s2 =	smul.u32 $0x440, s3;
	_ =	sdelay $0x1  }
0x82b: {  	s2 =	sshra.s32 s2, $0x2  }
0x82c: {  	[tilespmem:s2+$0xAE78] =	vst.add.f32.msk $0xffff, v0  }
0x82d: {  	v0 =	vld [tilespmem:s0+$0xAE88];
	_ =	sdelay $0x4  }
0x82e: {  	[tilespmem:s2+$0xAE88] =	vst.add.f32.msk $0xffff, v0  }
0x82f: {  	v0 =	vld [tilespmem:s0+$0xAE98];
	_ =	sdelay $0x4  }
0x830: {  	[tilespmem:s2+$0xAE98] =	vst.add.f32.msk $0xffff, v0  }
0x831: {  	v0 =	vld [tilespmem:s0+$0xAEA8];
	_ =	sdelay $0x4  }
0x832: {  	[tilespmem:s2+$0xAEA8] =	vst.add.f32.msk $0xffff, v0  }
0x833: {  	v0 =	vld [tilespmem:s0+$0xAEB8];
	_ =	sdelay $0x4  }
0x834: {  	[tilespmem:s2+$0xAEB8] =	vst.add.f32.msk $0xffff, v0  }
0x835: {  	v0 =	vld [tilespmem:s0+$0xAEC8];
	_ =	sdelay $0x4  }
0x836: {  	[tilespmem:s2+$0xAEC8] =	vst.add.f32.msk $0xffff, v0  }
0x837: {  	v0 =	vld [tilespmem:s0+$0xAED8];
	_ =	sdelay $0x4  }
0x838: {  	[tilespmem:s2+$0xAED8] =	vst.add.f32.msk $0xffff, v0  }
0x839: {  	v0 =	vld [tilespmem:s0+$0xAEE8];
	_ =	sdelay $0x4  }
0x83a: {  	[tilespmem:s2+$0xAEE8] =	vst.add.f32.msk $0xffff, v0  }
0x83b: {  	v0 =	vld [tilespmem:s0+$0xAEF8];
	_ =	sdelay $0x4  }
0x83c: {  	[tilespmem:s2+$0xAEF8] =	vst.add.f32.msk $0xffff, v0  }
0x83d: {  	v0 =	vld [tilespmem:s0+$0xAF08];
	_ =	sdelay $0x4  }
0x83e: {  	[tilespmem:s2+$0xAF08] =	vst.add.f32.msk $0xffff, v0  }
0x83f: {  	v0 =	vld [tilespmem:s0+$0xAF18];
	_ =	sdelay $0x4  }
0x840: {  	[tilespmem:s2+$0xAF18] =	vst.add.f32.msk $0xffff, v0  }
0x841: {  	v0 =	vld [tilespmem:s0+$0xAF28];
	_ =	sdelay $0x4  }
0x842: {  	[tilespmem:s2+$0xAF28] =	vst.add.f32.msk $0xffff, v0  }
0x843: {  	v0 =	vld [tilespmem:s0+$0xAF38];
	_ =	sdelay $0x4  }
0x844: {  	[tilespmem:s2+$0xAF38] =	vst.add.f32.msk $0xffff, v0  }
0x845: {  	v0 =	vld [tilespmem:s0+$0xAF48];
	_ =	sdelay $0x4  }
0x846: {  	[tilespmem:s2+$0xAF48] =	vst.add.f32.msk $0xffff, v0  }
0x847: {  	v0 =	vld [tilespmem:s0+$0xAF58];
	_ =	sdelay $0x4  }
0x848: {  	[tilespmem:s2+$0xAF58] =	vst.add.f32.msk $0xffff, v0  }
0x849: {  	v0 =	vld [tilespmem:s0+$0xAF68];
	_ =	sdelay $0x4  }
0x84a: {  	[tilespmem:s2+$0xAF68] =	vst.add.f32.msk $0xffff, v0  }
0x84b: {  	v0 =	vld [tilespmem:s0+$0xAF78]  }
.Ltmp31:
0x84c: {  	_ = 	snop;
	(pc) =	sbr.rel .LBB2_43-.Ltmp31, $2  }
0x84d: {  	_ =	sdelay $0x2  }
0x84e: {  	[tilespmem:s2+$0xAF78] =	vst.add.f32.msk $0xffff, v0  }
.LBB2_44:
0x84f: {  	s0 =	simm.s32 $0x6;
	p1 =	seq.s32 s4, $0x0  }
0x850: {  	[sflag:s0] =	ssyncpa.u1 $0x1;
	v0 =	vimm.s32 @p1 $0xFFFFFFFF  }
0x851: {  	s0 =	sadd.s32 $0xFFFFFFFF, s4;
	[tilespmem:$0xD078] =	vst @p1 v0  }
0x852: {  	v0 =	vld.msk @!p1 [tilespmem:s0+$0xAE58], $0x1;
	_ =	sdelay $0x1  }
0x853: {  	v1 =	vld.msk @!p1 [tilespmem:$0xAE58], $0x1;
	_ =	sdelay $0x2  }
0x854: {  	p2 =	seq.s32 @!p1 s0, $0x0;
	v0 =	vbroadcast @!p1 v0, $0x0  }
0x855: {  	vm0 =	vmmov @!p1 $0x1;
	p3 =	por !p2, p1  }
0x856: {  	p2 =	sne.s32 @!p1 s8, s7;
	v1 =	vnsel @!p1 vm0, $0xFFFFFFFF, v1;
	vm0 =	vcmask @!p1 $0x308;
	v0 =	vpsel !p3, $0xFFFFFFFF, v0  }
0x857: {  	p3 =	por !p2, p1;
	v0 =	vsel @!p1 vm0, v1, v0  }
0x858: {  	s2 =	simm.s32 @!p1 $0xAE78;
	s3 =	simm.s32 @!p1 $0x0;
	s5 =	smul.u32 @!p3 $0x440, s0;
	[tilespmem:$0xD078] =	vst @!p1 v0  }
0x859: {  	[spmem:s3] =	stream.linear.scatter @!p1 [tilespmem:s2], [sflag:$0x1], $0x110, $0x38;
	[tilespmem:$0x1C218] =	vst v63  }
0x85a: {  	s2 =	sshra.s32 @!p3 s5, $0x2  }
0x85b: {  	s3 =	simm.s32 @!p3 $0x110;
	s2 =	sadd.s32 @!p3 $0xAE78, s2  }
0x85c: {  	[spmem:s3] =	stream.linear.scatter @!p3 [tilespmem:s2], [sflag:$0x1], $0x110, $0x38;
	[tilespmem:$0x1C218] =	vst v63  }
0x85d: {  	s2 =	simm.s32 @!p3 $0x1  }
0x85e: {  	_ =	swait.ge @!p3 [sflag:s2], $0x220  }
0x85f: {  	p1 =	por p2, p1;
	[sflag:s2] =	ssyncset.done @!p3 $0x0  }
0x860: {  	[sflag:s2] =	ssyncadd.s32 @!p3 $0xFFFFFDE0;
	s2 =	simm.s32 @!p1 $0x1  }
0x861: {  	_ =	swait.ge @!p1 [sflag:s2], $0x110  }
0x862: {  	s29 =	simm.s32 $0xD078;
	[sflag:s2] =	ssyncset.done @!p1 $0x0  }
0x863: {  	s30 =	simm.s32 $0x2200;
	s31 =	simm.s32 $0x1;
	[sflag:s2] =	ssyncadd.s32 @!p1 $0xFFFFFEF0  }
0x864: {  	[spmem:s30] =	stream.linear.scatter [tilespmem:s29], [sflag:$0x1], $0x10, $0x38;
	[tilespmem:$0x1C218] =	vst v63  }
0x865: {  	_ =	swait.ge [sflag:s31], $0x10  }
0x866: {  	[sflag:s31] =	ssyncset.done $0x0  }
0x867: {  	p1 =	seq.s32 s16, $0x0;
	s9 =	rddreg [dreg:$0x2];
	[sflag:s31] =	ssyncadd.s32 $0xFFFFFFF0  }
0x868: {  	s3 =	sshll.u32 @p1 s9, $0xE;
	s8 =	rddreg [dreg:$0x3]  }
0x869: {  	s2 =	sadd.s32 @p1 $0x15C3C, s3;
	s3 =	sshll.u32 @p1 s8, $0x11  }
0x86a: {  	_ =	sfence.stream.spmem;
	s2 =	sor.u32 @p1 s3, s2  }
0x86b: {  	[sflag:s2] =	ssyncadd.remote.s32 @p1 $0x1;
	s2 =	simm.s32 @p1 $0x4  }
0x86c: {  	s5 =	simm.s32 @!p1 $0x3C;
	s3 =	sand.u32 $0xFFFFFFFE, s9;
	_ =	swait.ge @p1 [sflag:s2], $0x46  }
0x86d: {  	s6 =	simm.s32 @!p1 $0x0;
	s3 =	sadd.s32 @!p1 $0x4, s3;
	[sflag:s2] =	ssyncset.done @p1 $0x0  }
0x86e: {  	s7 =	simm.s32 @!p1 $0x220;
	[sflag:s2] =	ssyncadd.s32 @p1 $0xFFFFFFBA;
	s2 =	sshll.u32 @!p1 s3, $0x1A  }
0x86f: {  	s3 =	sshll.u32 @!p1 s3, $0xD;
	s2 =	sor.u32 @!p1 s2, s8;
	_ =	swait.eq @!p1 [sflag:s5], $0x1  }
0x870: {  	s3 =	sor.u32 @!p1 $0x1C04, s3;
	s5 =	simm.s32 @!p1 $0x1C03;
	s2 =	sor.u32 @!p1 $0x80004000, s2  }
0x871: {  	[spmem:s7], [sflag:s3] =	dma.general @!p1 [spmem:s6], [sflag:s5], length:$0x44, [dreg:$0x0], stride_count:$0x0, ici_dest:s2, dma_misc:DstOpCode:WRITE  }
0x872: {  	p2 =	slt.s32 s0, $0x2;
	s6 =	simm.s32 @!p1 $0x440;
	s7 =	simm.s32 @!p1 $0x442  }
0x873: {  	[spmem:s7], [sflag:s3] =	dma.general @!p1 [spmem:s6], [sflag:s5], length:$0x2, [dreg:$0x0], stride_count:$0x0, ici_dest:s2, dma_misc:DstOpCode:WRITE  }
.Ltmp32:
0x874: {  	s2 =	simm.s32 @!p1 $0x3;
	(pc) =	sbr.rel @p2 .LBB2_48-.Ltmp32, $4  }
0x875: {  	s3 =	sshll.u32 @!p1 s9, $0xE;
	_ =	swait.ge @!p1 [sflag:s2], $0x46  }
0x876: {  	s5 =	sshll.u32 @!p1 s8, $0x11;
	s3 =	sadd.s32 @!p1 $0x11C3C, s3;
	[sflag:s2] =	ssyncset.done @!p1 $0x0  }
0x877: {  	[sflag:s2] =	ssyncadd.s32 @!p1 $0xFFFFFFBA;
	s2 =	sor.u32 @!p1 s5, s3  }
0x878: {  	s0 =	simm.s32 $0x0;
	[sflag:s2] =	ssyncadd.remote.s32 @!p1 $0xFFFFFFFF  }
0x879: {  	s0 =	simm.s32 $0xAE59  }
0x87a: {  	v0 =	vld.msk [tilespmem:s0+$0x0], $0x1;
	_ =	sdelay $0x4  }
0x87b: {  	(v2sf) =	vpush v0, $0x0;
	_ =	sdelay $0xe  }
0x87c: {  	s2 =	spop (v2sf)  }
0x87d: {  	s3 =	sadd.s32 $0xFFFFFFFE, s4;
	s0 =	simm.s32 $0xAF88;
	p1 =	sgt.u32 s2, $0x751FF  }
0x87e: {  	s4 =	sand.u32 @!p1 $0x7FFF8, s2;
	s5 =	sadd.s32 @!p1 $0x80, s2;
	s6 =	sadd.s32 @!p1 $0x100, s2  }
0x87f: {  	s7 =	sand.u32 @!p1 $0x7, s2;
	s4 =	sadd.s32 @!p1 s1, s4;
	s2 =	sand.u32 @!p1 $0xFFFF8, s5  }
0x880: {  	[hbm4b:s4+s7] =	stream.linear.scatter @!p1 [tilespmem:s0], [sflag:$0x5], $0x80, $0x38;
	[tilespmem:$0x1C218] =	vst v63  }
0x881: {  	s4 =	simm.s32 @!p1 $0xB008;
	s2 =	sadd.s32 @!p1 s1, s2  }
0x882: {  	[hbm4b:s2+s7] =	stream.linear.scatter @!p1 [tilespmem:s4], [sflag:$0x5], $0x80, $0x38;
	[tilespmem:$0x1C218] =	vst v63  }
0x883: {  	s2 =	sadd.s32 $0xFFFFFFFF, s3  }
0x884: {  	p2 =	sne.s32 s2, $0x0  }
.Ltmp33:
0x885: {  	_ = 	snop;
	(pc) =	sbr.rel @!p2 .LBB2_47-.Ltmp33, $4  }
0x886: {  	s5 =	sand.u32 @!p1 $0xFFFF8, s6  }
0x887: {  	s3 =	simm.s32 @!p1 $0xB088;
	s4 =	sadd.s32 @!p1 s1, s5  }
0x888: {  	[hbm4b:s4+s7] =	stream.linear.scatter @!p1 [tilespmem:s3], [sflag:$0x5], $0x2, $0x38;
	[tilespmem:$0x1C218] =	vst v63  }
0x889: {  	s6 =	simm.s32 $0xAE5A;
	s3 =	simm.s32 $0x0;
	s4 =	simm.s32 $0x0  }
.LBB2_46:
0x88a: {  	s5 =	simm.s32 $0x0  }
0x88b: {  	v0 =	vld.msk [tilespmem:s6+$0x0], $0x1;
	s2 =	sadd.s32 $0xFFFFFFFF, s2;
	s5 =	simm.s32 @!p1 $0x408  }
0x88c: {  	p2 =	sne.s32 s2, $0x0;
	s4 =	sadd.s32 s4, s5;
	_ =	sdelay $0x3  }
0x88d: {  	(v2sf) =	vpush v0, $0x0;
	_ =	sdelay $0xe  }
0x88e: {  	s5 =	spop (v2sf)  }
0x88f: {  	s0 =	sadd.s32 $0x110, s0;
	p1 =	sgt.u32 s5, $0x751FF  }
0x890: {  	s7 =	sand.u32 @!p1 $0x7FFF8, s5;
	s8 =	sadd.s32 @!p1 $0x80, s5;
	s9 =	sadd.s32 @!p1 $0x100, s5  }
0x891: {  	s5 =	sand.u32 @!p1 $0x7, s5;
	s7 =	sadd.s32 @!p1 s1, s7;
	s8 =	sand.u32 @!p1 $0xFFFF8, s8  }
0x892: {  	[hbm4b:s7+s5] =	stream.linear.scatter @!p1 [tilespmem:s0], [sflag:$0x5], $0x80, $0x38;
	[tilespmem:$0x1C218] =	vst v63  }
.Ltmp34:
0x893: {  	_ = 	snop;
	(pc) =	sbr.rel @p2 .LBB2_46-.Ltmp34, $4  }
0x894: {  	s9 =	sand.u32 @!p1 $0xFFFF8, s9;
	s7 =	sadd.s32 @!p1 $0x80, s0;
	s8 =	sadd.s32 @!p1 s1, s8  }
0x895: {  	[hbm4b:s8+s5] =	stream.linear.scatter @!p1 [tilespmem:s7], [sflag:$0x5], $0x80, $0x38;
	[tilespmem:$0x1C218] =	vst v63  }
0x896: {  	s6 =	sadd.s32 $0x1, s6;
	s7 =	sadd.s32 @!p1 $0x100, s0;
	s8 =	sadd.s32 @!p1 s1, s9  }
0x897: {  	[hbm4b:s8+s5] =	stream.linear.scatter @!p1 [tilespmem:s7], [sflag:$0x5], $0x2, $0x38;
	[tilespmem:$0x1C218] =	vst v63  }
.LBB2_47:
0x898: {  	s3 =	simm.s32 @!p1 $0x408  }
0x899: {  	s0 =	sadd.s32 s4, s3  }
0x89a: {  	s0 =	sshrl.u32 s0, $0x2  }
.LBB2_48:
0x89b: {  	s2 =	simm.s32 $0x5  }
0x89c: {  	_ =	swait.ge [sflag:s2], s0  }
0x89d: {  	s31 =	ssub.s32 $0x0, s0;
	[sflag:s2] =	ssyncset.done $0x0  }
0x89e: {  	[sflag:s2] =	ssyncadd.s32 s31  }
0x89f: {  	[sflag:s2] =	ssyncpa.u1 $0x1  }
.LBB2_49:
0x8a0: {  	s0 =	sor.u32 s16, s15  }
0x8a1: {  	p1 =	sne.s32 s0, $0x0  }
.Ltmp35:
0x8a2: {  	_ = 	snop;
	(pc) =	sbr.rel @p1 .LBB2_64-.Ltmp35, $3  }
0x8a3: {  	_ =	sdelay $0x1  }
0x8a4: {  	[bflag:$0x0] =	sbarrier.arrive $0xFFFF  }
0x8a5: {  	_ =	sfence  }
0x8a6: {  	s0 =	simm.s32 $0x7  }
0x8a7: {  	s2 =	simm.s32 $0x2200;
	s3 =	simm.s32 $0xAE58;
	[sflag:s0] =	ssyncpa.u1 $0x0  }
0x8a8: {  	[tilespmem:s3], [sflag:$0x7] =	stream.linear.gather [spmem:s2], $0x20, $0x38;
	[tilespmem:$0x1C218] =	vst v63  }
0x8a9: {  	s30 =	simm.s32 $0xAE78;
	s2 =	simm.s32 $0x0  }
0x8aa: {  	[tilespmem:s30], [sflag:$0x7] =	stream.linear.gather [spmem:s2], $0x2200, $0x38;
	[tilespmem:$0x1C218] =	vst v63  }
.Ltmp36:
0x8ab: {  	_ = 	snop;
	(pc) =	sbr.rel .LBB2_51-.Ltmp36, $4  }
0x8ac: {  	_ =	swait.ge [sflag:s0], $0x2220  }
0x8ad: {  	[sflag:s0] =	ssyncset.done $0x0  }
0x8ae: {  	s31 =	simm.s32 $0x8;
	[sflag:s0] =	ssyncadd.s32 $0xFFFFDDE0  }
0x8af: {  	s3 =	simm.s32 $0x0;
	[sflag:s31] =	ssyncpa.u1 $0x0  }
.LBB2_57:
0x8b0: {  	p1 =	slt.u32 s0, $0x75200  }
0x8b1: {  	s4 =	sand.u32 @p1 $0x7FFF8, s0  }
0x8b2: {  	s5 =	sand.u32 @p1 $0x7, s0;
	s6 =	simm.s32 @p1 $0xAD38;
	s4 =	sadd.s32 @p1 s1, s4  }
0x8b3: {  	[tilespmem:s6], [sflag:$0x8] =	stream.linear.gather @p1 [hbm4b:s4+s5], $0x80, $0x38;
	[tilespmem:$0x1C218] =	vst v63  }
0x8b4: {  	s4 =	sadd.s32 @p1 $0x80, s0  }
0x8b5: {  	s0 =	sadd.s32 @p1 $0x100, s0;
	s4 =	sand.u32 @p1 $0xFFFF8, s4  }
0x8b6: {  	s6 =	simm.s32 @p1 $0xADB8;
	s0 =	sand.u32 @p1 $0xFFFF8, s0;
	s4 =	sadd.s32 @p1 s1, s4  }
0x8b7: {  	[tilespmem:s6], [sflag:$0x8] =	stream.linear.gather @p1 [hbm4b:s4+s5], $0x80, $0x38;
	[tilespmem:$0x1C218] =	vst v63  }
0x8b8: {  	s0 =	sadd.s32 @p1 s1, s0;
	s4 =	simm.s32 @p1 $0xAE38  }
0x8b9: {  	[tilespmem:s4], [sflag:$0x8] =	stream.linear.gather @p1 [hbm4b:s0+s5], $0x2, $0x38;
	[tilespmem:$0x1C218] =	vst v63  }
0x8ba: {  	s0 =	simm.s32 @p1 $0x8  }
0x8bb: {  	_ =	swait.ge @p1 [sflag:s0], $0x102  }
0x8bc: {  	[sflag:s0] =	ssyncset.done @p1 $0x0  }
0x8bd: {  	[sflag:s0] =	ssyncadd.s32 @p1 $0xFFFFFEFE  }
0x8be: {  	v1 =	vld @p1 [tilespmem:$0xAD38];
	_ =	sdelay $0x1  }
0x8bf: {  	s0 =	smul.u32 @p1 $0x440, s3;
	_ =	sdelay $0x1  }
0x8c0: {  	s4 =	sshra.s32 @p1 s0, $0x2  }
0x8c1: {  	[tilespmem:s4+$0xAE78] =	vst.add.f32.msk @p1 $0xffff, v1  }
0x8c2: {  	v1 =	vld @p1 [tilespmem:$0xAD48];
	_ =	sdelay $0x4  }
0x8c3: {  	[tilespmem:s4+$0xAE88] =	vst.add.f32.msk @p1 $0xffff, v1  }
0x8c4: {  	v1 =	vld @p1 [tilespmem:$0xAD58];
	_ =	sdelay $0x4  }
0x8c5: {  	[tilespmem:s4+$0xAE98] =	vst.add.f32.msk @p1 $0xffff, v1  }
0x8c6: {  	v1 =	vld @p1 [tilespmem:$0xAD68];
	_ =	sdelay $0x4  }
0x8c7: {  	[tilespmem:s4+$0xAEA8] =	vst.add.f32.msk @p1 $0xffff, v1  }
0x8c8: {  	v1 =	vld @p1 [tilespmem:$0xAD78];
	_ =	sdelay $0x4  }
0x8c9: {  	[tilespmem:s4+$0xAEB8] =	vst.add.f32.msk @p1 $0xffff, v1  }
0x8ca: {  	v1 =	vld @p1 [tilespmem:$0xAD88];
	_ =	sdelay $0x4  }
0x8cb: {  	[tilespmem:s4+$0xAEC8] =	vst.add.f32.msk @p1 $0xffff, v1  }
0x8cc: {  	v1 =	vld @p1 [tilespmem:$0xAD98];
	_ =	sdelay $0x4  }
0x8cd: {  	[tilespmem:s4+$0xAED8] =	vst.add.f32.msk @p1 $0xffff, v1  }
0x8ce: {  	v1 =	vld @p1 [tilespmem:$0xADA8];
	_ =	sdelay $0x4  }
0x8cf: {  	[tilespmem:s4+$0xAEE8] =	vst.add.f32.msk @p1 $0xffff, v1  }
0x8d0: {  	v1 =	vld @p1 [tilespmem:$0xADB8];
	_ =	sdelay $0x4  }
0x8d1: {  	[tilespmem:s4+$0xAEF8] =	vst.add.f32.msk @p1 $0xffff, v1  }
0x8d2: {  	v1 =	vld @p1 [tilespmem:$0xADC8];
	_ =	sdelay $0x4  }
0x8d3: {  	[tilespmem:s4+$0xAF08] =	vst.add.f32.msk @p1 $0xffff, v1  }
0x8d4: {  	v1 =	vld @p1 [tilespmem:$0xADD8];
	_ =	sdelay $0x4  }
0x8d5: {  	[tilespmem:s4+$0xAF18] =	vst.add.f32.msk @p1 $0xffff, v1  }
0x8d6: {  	v1 =	vld @p1 [tilespmem:$0xADE8];
	_ =	sdelay $0x4  }
0x8d7: {  	[tilespmem:s4+$0xAF28] =	vst.add.f32.msk @p1 $0xffff, v1  }
0x8d8: {  	v1 =	vld @p1 [tilespmem:$0xADF8];
	_ =	sdelay $0x4  }
0x8d9: {  	[tilespmem:s4+$0xAF38] =	vst.add.f32.msk @p1 $0xffff, v1  }
0x8da: {  	v1 =	vld @p1 [tilespmem:$0xAE08];
	_ =	sdelay $0x4  }
0x8db: {  	[tilespmem:s4+$0xAF48] =	vst.add.f32.msk @p1 $0xffff, v1  }
0x8dc: {  	v1 =	vld @p1 [tilespmem:$0xAE18];
	_ =	sdelay $0x4  }
0x8dd: {  	[tilespmem:s4+$0xAF58] =	vst.add.f32.msk @p1 $0xffff, v1  }
0x8de: {  	v1 =	vld @p1 [tilespmem:$0xAE28];
	_ =	sdelay $0x4  }
0x8df: {  	[tilespmem:s4+$0xAF68] =	vst.add.f32.msk @p1 $0xffff, v1  }
0x8e0: {  	v1 =	vld @p1 [tilespmem:$0xAE38];
	_ =	sdelay $0x2  }
0x8e1: {  	s5 =	smul.u32 @!p1 $0x440, s3;
	_ =	sdelay $0x1  }
0x8e2: {  	s5 =	smov.u32 @p1 s0;
	[tilespmem:s4+$0xAF78] =	vst.add.f32.msk @p1 $0xffff, v1  }
0x8e3: {  	s0 =	sshra.s32 s5, $0x2;
	[tilespmem:s2+$0xAE58] =	vst.msk $0x1, v0  }
0x8e4: {  	v0 =	vld [tilespmem:s0+$0xAE78];
	_ =	sdelay $0x1  }
0x8e5: {  	s31 =	smul.u32 $0x440, s2;
	_ =	sdelay $0x1  }
0x8e6: {  	s4 =	sshra.s32 s31, $0x2  }
0x8e7: {  	[tilespmem:s4+$0xAE78] =	vst v0  }
0x8e8: {  	v0 =	vld [tilespmem:s0+$0xAE88];
	_ =	sdelay $0x4  }
0x8e9: {  	[tilespmem:s4+$0xAE88] =	vst v0  }
0x8ea: {  	v0 =	vld [tilespmem:s0+$0xAE98];
	_ =	sdelay $0x4  }
0x8eb: {  	[tilespmem:s4+$0xAE98] =	vst v0  }
0x8ec: {  	v0 =	vld [tilespmem:s0+$0xAEA8];
	_ =	sdelay $0x4  }
0x8ed: {  	[tilespmem:s4+$0xAEA8] =	vst v0  }
0x8ee: {  	v0 =	vld [tilespmem:s0+$0xAEB8];
	_ =	sdelay $0x4  }
0x8ef: {  	[tilespmem:s4+$0xAEB8] =	vst v0  }
0x8f0: {  	v0 =	vld [tilespmem:s0+$0xAEC8];
	_ =	sdelay $0x4  }
0x8f1: {  	[tilespmem:s4+$0xAEC8] =	vst v0  }
0x8f2: {  	v0 =	vld [tilespmem:s0+$0xAED8];
	_ =	sdelay $0x4  }
0x8f3: {  	[tilespmem:s4+$0xAED8] =	vst v0  }
0x8f4: {  	v0 =	vld [tilespmem:s0+$0xAEE8];
	_ =	sdelay $0x4  }
0x8f5: {  	[tilespmem:s4+$0xAEE8] =	vst v0  }
0x8f6: {  	v0 =	vld [tilespmem:s0+$0xAEF8];
	_ =	sdelay $0x4  }
0x8f7: {  	[tilespmem:s4+$0xAEF8] =	vst v0  }
0x8f8: {  	v0 =	vld [tilespmem:s0+$0xAF08];
	_ =	sdelay $0x4  }
0x8f9: {  	[tilespmem:s4+$0xAF08] =	vst v0  }
0x8fa: {  	v0 =	vld [tilespmem:s0+$0xAF18];
	_ =	sdelay $0x4  }
0x8fb: {  	[tilespmem:s4+$0xAF18] =	vst v0  }
0x8fc: {  	v0 =	vld [tilespmem:s0+$0xAF28];
	_ =	sdelay $0x4  }
0x8fd: {  	[tilespmem:s4+$0xAF28] =	vst v0  }
0x8fe: {  	v0 =	vld [tilespmem:s0+$0xAF38];
	_ =	sdelay $0x4  }
0x8ff: {  	[tilespmem:s4+$0xAF38] =	vst v0  }
0x900: {  	v0 =	vld [tilespmem:s0+$0xAF48];
	_ =	sdelay $0x4  }
0x901: {  	[tilespmem:s4+$0xAF48] =	vst v0  }
0x902: {  	v0 =	vld [tilespmem:s0+$0xAF58];
	_ =	sdelay $0x4  }
0x903: {  	[tilespmem:s4+$0xAF58] =	vst v0  }
0x904: {  	v0 =	vld [tilespmem:s0+$0xAF68];
	_ =	sdelay $0x4  }
0x905: {  	[tilespmem:s4+$0xAF68] =	vst v0  }
0x906: {  	v0 =	vld [tilespmem:s0+$0xAF78];
	_ =	sdelay $0x4  }
0x907: {  	s2 =	sadd.s32 $0x1, s2;
	[tilespmem:s4+$0xAF78] =	vst v0  }
.LBB2_58:
0x908: {  	s3 =	sadd.s32 $0x1, s3  }
0x909: {  	p1 =	sne.s32 s3, $0x20  }
.Ltmp37:
0x90a: {  	_ = 	snop;
	(pc) =	sbr.rel @!p1 .LBB2_59-.Ltmp37, $1  }
0x90b: {  	_ =	sdelay $0x3  }
.LBB2_51:
0x90c: {  	v0 =	vld.msk [tilespmem:s3+$0xAE58], $0x1;
	_ =	sdelay $0x4  }
0x90d: {  	(v2sf) =	vpush v0, $0x0;
	_ =	sdelay $0xe  }
0x90e: {  	s0 =	spop (v2sf)  }
0x90f: {  	p1 =	seq.s32 s0, $0xFFFFFFFF  }
.Ltmp38:
0x910: {  	_ = 	snop;
	(pc) =	sbr.rel @p1 .LBB2_58-.Ltmp38, $1  }
0x911: {  	_ =	sdelay $0x3  }
0x912: {  	p1 =	slt.s32 s2, $0x1  }
.Ltmp39:
0x913: {  	_ = 	snop;
	(pc) =	sbr.rel @p1 .LBB2_57-.Ltmp39, $1  }
0x914: {  	_ =	sdelay $0x3  }
0x915: {  	s4 =	simm.s32 $0xAE58;
	p1 =	por $0x0, $0x0  }
0x916: {  	v1 =	vld.msk @!p1 [tilespmem:s4+$0x0], $0x1;
	_ =	sdelay $0x4  }
0x917: {  	(v2sf) =	vpush @!p1 v1, $0x0;
	_ =	sdelay $0xd  }
0x918: {  	p3 =	sne.s32 s2, $0x1  }
.Ltmp40:
0x919: {  	s5 =	spop @!p1 (v2sf);
	(pc) =	sbr.rel @!p3 .LBB2_55-.Ltmp40, $4  }
0x91a: {  	p2 =	seq.s32 @!p1 s0, s5  }
0x91b: {  	s5 =	simm.s32 $0x0;
	p2 =	por !p2, p1  }
0x91c: {  	s7 =	simm.s32 $0xFFFFFFFF;
	s5 =	simm.s32 @p2 $0xFFFFFFFF  }
0x91d: {  	s6 =	simm.s32 $0x1;
	s5 =	smov.u32 @p1 s7  }
.LBB2_54:
0x91e: {  	s7 =	smov.u32 s5;
	p1 =	sne.s32 s5, $0xFFFFFFFF  }
0x91f: {  	s4 =	sadd.s32 $0x1, s4;
	s5 =	smov.u32 s6;
	s6 =	sadd.s32 $0x1, s6  }
0x920: {  	p2 =	sne.s32 s2, s6;
	v1 =	vld.msk @!p1 [tilespmem:s4+$0x0], $0x1;
	_ =	sdelay $0x4  }
0x921: {  	(v2sf) =	vpush @!p1 v1, $0x0;
	_ =	sdelay $0xe  }
.Ltmp41:
0x922: {  	s8 =	spop @!p1 (v2sf);
	(pc) =	sbr.rel @p2 .LBB2_54-.Ltmp41, $4  }
0x923: {  	p3 =	seq.s32 @!p1 s0, s8  }
0x924: {  	p3 =	por !p3, p1  }
0x925: {  	s5 =	simm.s32 @p3 $0xFFFFFFFF  }
0x926: {  	s5 =	smov.u32 @p1 s7  }
.LBB2_55:
0x927: {  	p1 =	seq.s32 s5, $0xFFFFFFFF  }
.Ltmp42:
0x928: {  	_ = 	snop;
	(pc) =	sbr.rel @p1 .LBB2_57-.Ltmp42, $1  }
0x929: {  	_ =	sdelay $0x3  }
0x92a: {  	s0 =	smul.u32 $0x440, s3;
	_ =	sdelay $0x1  }
0x92b: {  	s0 =	sshra.s32 s0, $0x2  }
0x92c: {  	v0 =	vld [tilespmem:s0+$0xAE78];
	_ =	sdelay $0x1  }
0x92d: {  	s4 =	smul.u32 $0x440, s5;
	_ =	sdelay $0x1  }
0x92e: {  	s4 =	sshra.s32 s4, $0x2  }
0x92f: {  	[tilespmem:s4+$0xAE78] =	vst.add.f32.msk $0xffff, v0  }
0x930: {  	v0 =	vld [tilespmem:s0+$0xAE88];
	_ =	sdelay $0x4  }
0x931: {  	[tilespmem:s4+$0xAE88] =	vst.add.f32.msk $0xffff, v0  }
0x932: {  	v0 =	vld [tilespmem:s0+$0xAE98];
	_ =	sdelay $0x4  }
0x933: {  	[tilespmem:s4+$0xAE98] =	vst.add.f32.msk $0xffff, v0  }
0x934: {  	v0 =	vld [tilespmem:s0+$0xAEA8];
	_ =	sdelay $0x4  }
0x935: {  	[tilespmem:s4+$0xAEA8] =	vst.add.f32.msk $0xffff, v0  }
0x936: {  	v0 =	vld [tilespmem:s0+$0xAEB8];
	_ =	sdelay $0x4  }
0x937: {  	[tilespmem:s4+$0xAEB8] =	vst.add.f32.msk $0xffff, v0  }
0x938: {  	v0 =	vld [tilespmem:s0+$0xAEC8];
	_ =	sdelay $0x4  }
0x939: {  	[tilespmem:s4+$0xAEC8] =	vst.add.f32.msk $0xffff, v0  }
0x93a: {  	v0 =	vld [tilespmem:s0+$0xAED8];
	_ =	sdelay $0x4  }
0x93b: {  	[tilespmem:s4+$0xAED8] =	vst.add.f32.msk $0xffff, v0  }
0x93c: {  	v0 =	vld [tilespmem:s0+$0xAEE8];
	_ =	sdelay $0x4  }
0x93d: {  	[tilespmem:s4+$0xAEE8] =	vst.add.f32.msk $0xffff, v0  }
0x93e: {  	v0 =	vld [tilespmem:s0+$0xAEF8];
	_ =	sdelay $0x4  }
0x93f: {  	[tilespmem:s4+$0xAEF8] =	vst.add.f32.msk $0xffff, v0  }
0x940: {  	v0 =	vld [tilespmem:s0+$0xAF08];
	_ =	sdelay $0x4  }
0x941: {  	[tilespmem:s4+$0xAF08] =	vst.add.f32.msk $0xffff, v0  }
0x942: {  	v0 =	vld [tilespmem:s0+$0xAF18];
	_ =	sdelay $0x4  }
0x943: {  	[tilespmem:s4+$0xAF18] =	vst.add.f32.msk $0xffff, v0  }
0x944: {  	v0 =	vld [tilespmem:s0+$0xAF28];
	_ =	sdelay $0x4  }
0x945: {  	[tilespmem:s4+$0xAF28] =	vst.add.f32.msk $0xffff, v0  }
0x946: {  	v0 =	vld [tilespmem:s0+$0xAF38];
	_ =	sdelay $0x4  }
0x947: {  	[tilespmem:s4+$0xAF38] =	vst.add.f32.msk $0xffff, v0  }
0x948: {  	v0 =	vld [tilespmem:s0+$0xAF48];
	_ =	sdelay $0x4  }
0x949: {  	[tilespmem:s4+$0xAF48] =	vst.add.f32.msk $0xffff, v0  }
0x94a: {  	v0 =	vld [tilespmem:s0+$0xAF58];
	_ =	sdelay $0x4  }
0x94b: {  	[tilespmem:s4+$0xAF58] =	vst.add.f32.msk $0xffff, v0  }
0x94c: {  	v0 =	vld [tilespmem:s0+$0xAF68];
	_ =	sdelay $0x4  }
0x94d: {  	[tilespmem:s4+$0xAF68] =	vst.add.f32.msk $0xffff, v0  }
0x94e: {  	v0 =	vld [tilespmem:s0+$0xAF78]  }
.Ltmp43:
0x94f: {  	_ = 	snop;
	(pc) =	sbr.rel .LBB2_58-.Ltmp43, $2  }
0x950: {  	_ =	sdelay $0x2  }
0x951: {  	[tilespmem:s4+$0xAF78] =	vst.add.f32.msk $0xffff, v0  }
.LBB2_59:
0x952: {  	p1 =	slt.s32 s2, $0x1  }
.Ltmp44:
0x953: {  	_ = 	snop;
	(pc) =	sbr.rel @p1 .LBB2_63-.Ltmp44, $3  }
0x954: {  	_ =	sdelay $0x1  }
0x955: {  	s0 =	simm.s32 $0x8  }
0x956: {  	[sflag:s0] =	ssyncpa.u1 $0x1;
	s0 =	simm.s32 $0x0  }
0x957: {  	s3 =	simm.s32 $0xAE58  }
0x958: {  	v0 =	vld.msk [tilespmem:s3+$0x0], $0x1;
	_ =	sdelay $0x4  }
0x959: {  	(v2sf) =	vpush v0, $0x0;
	_ =	sdelay $0xe  }
0x95a: {  	s4 =	spop (v2sf)  }
0x95b: {  	s2 =	sadd.s32 $0xFFFFFFFF, s2;
	p1 =	sgt.u32 s4, $0x751FF  }
0x95c: {  	s3 =	simm.s32 $0xAE78;
	p2 =	sne.s32 s2, $0x0;
	s5 =	sand.u32 @!p1 $0x7FFF8, s4  }
0x95d: {  	s6 =	sadd.s32 @!p1 $0x80, s4;
	s7 =	sadd.s32 @!p1 $0x100, s4;
	s4 =	sand.u32 @!p1 $0x7, s4  }
0x95e: {  	s5 =	sadd.s32 @!p1 s1, s5;
	s6 =	sand.u32 @!p1 $0xFFFF8, s6;
	s7 =	sand.u32 @!p1 $0xFFFF8, s7  }
0x95f: {  	[hbm4b:s5+s4] =	stream.linear.scatter @!p1 [tilespmem:s3], [sflag:$0x7], $0x80, $0x38;
	[tilespmem:$0x1C218] =	vst v63  }
.Ltmp45:
0x960: {  	s5 =	simm.s32 @!p1 $0xAEF8;
	s6 =	sadd.s32 @!p1 s1, s6;
	(pc) =	sbr.rel @!p2 .LBB2_62-.Ltmp45, $4  }
0x961: {  	[hbm4b:s6+s4] =	stream.linear.scatter @!p1 [tilespmem:s5], [sflag:$0x7], $0x80, $0x38;
	[tilespmem:$0x1C218] =	vst v63  }
0x962: {  	s5 =	simm.s32 @!p1 $0xAF78;
	s6 =	sadd.s32 @!p1 s1, s7  }
0x963: {  	[hbm4b:s6+s4] =	stream.linear.scatter @!p1 [tilespmem:s5], [sflag:$0x7], $0x2, $0x38;
	[tilespmem:$0x1C218] =	vst v63  }
0x964: {  	s4 =	simm.s32 $0x0;
	s5 =	simm.s32 $0xAE59  }
.LBB2_61:
0x965: {  	s6 =	simm.s32 $0x0  }
0x966: {  	v0 =	vld.msk [tilespmem:s5+$0x0], $0x1;
	s2 =	sadd.s32 $0xFFFFFFFF, s2;
	s6 =	simm.s32 @!p1 $0x408  }
0x967: {  	p2 =	sne.s32 s2, $0x0;
	s0 =	sadd.s32 s0, s6;
	_ =	sdelay $0x3  }
0x968: {  	(v2sf) =	vpush v0, $0x0;
	_ =	sdelay $0xe  }
0x969: {  	s6 =	spop (v2sf)  }
0x96a: {  	s3 =	sadd.s32 $0x110, s3;
	p1 =	sgt.u32 s6, $0x751FF  }
0x96b: {  	s7 =	sand.u32 @!p1 $0x7FFF8, s6;
	s8 =	sadd.s32 @!p1 $0x80, s6;
	s9 =	sadd.s32 @!p1 $0x100, s6  }
0x96c: {  	s6 =	sand.u32 @!p1 $0x7, s6;
	s7 =	sadd.s32 @!p1 s1, s7;
	s8 =	sand.u32 @!p1 $0xFFFF8, s8  }
0x96d: {  	[hbm4b:s7+s6] =	stream.linear.scatter @!p1 [tilespmem:s3], [sflag:$0x7], $0x80, $0x38;
	[tilespmem:$0x1C218] =	vst v63  }
.Ltmp46:
0x96e: {  	_ = 	snop;
	(pc) =	sbr.rel @p2 .LBB2_61-.Ltmp46, $4  }
0x96f: {  	s9 =	sand.u32 @!p1 $0xFFFF8, s9;
	s7 =	sadd.s32 @!p1 $0x80, s3;
	s8 =	sadd.s32 @!p1 s1, s8  }
0x970: {  	[hbm4b:s8+s6] =	stream.linear.scatter @!p1 [tilespmem:s7], [sflag:$0x7], $0x80, $0x38;
	[tilespmem:$0x1C218] =	vst v63  }
0x971: {  	s5 =	sadd.s32 $0x1, s5;
	s7 =	sadd.s32 @!p1 $0x100, s3;
	s8 =	sadd.s32 @!p1 s1, s9  }
0x972: {  	[hbm4b:s8+s6] =	stream.linear.scatter @!p1 [tilespmem:s7], [sflag:$0x7], $0x2, $0x38;
	[tilespmem:$0x1C218] =	vst v63  }
.LBB2_62:
0x973: {  	s4 =	simm.s32 @!p1 $0x408  }
0x974: {  	s0 =	sadd.s32 s0, s4  }
0x975: {  	s0 =	sshrl.u32 s0, $0x2  }
.LBB2_63:
0x976: {  	s1 =	simm.s32 $0x7  }
0x977: {  	_ =	swait.ge [sflag:s1], s0  }
0x978: {  	s31 =	ssub.s32 $0x0, s0;
	[sflag:s1] =	ssyncset.done $0x0  }
0x979: {  	[sflag:s1] =	ssyncadd.s32 s31  }
0x97a: {  	[sflag:s1] =	ssyncpa.u1 $0x1  }
.LBB2_64:
0x97b: {  	_ =	sfence;
	s0 =	simm.s32 $0x1  }
0x97c: {  	[sflag:s0] =	ssyncpa.u1 $0x1  }
0x97d: {  	_ =	strace $0x9000005C  }
0x97e: {  	[bflag:$0x2] =	sbarrier.arrive $0xFFFF  }
0x97f: {  	s0 =	rddreg [dreg:$0x4]  }
0x980: {  	s0 =	sadd.s32 @!p0 $0x100000, s0  }
0x981: {  	[sflag:s0] =	ssyncadd.tile.s32 @!p0 $0x1;
	_ =	shalt  }
.Lfunc_end2:
_tile_overlayer_lowered:
.L_overlay_start_2:
0x982: {  	(tag) =	ssettag $0x2  }
0x983: {  	s0 =	rddreg [dreg:$0x0];
	s2 =	stileid.u32  }
0x984: {  	s1 =	rddreg [dreg:$0x1];
	p0 =	sne.s32 s2, $0x0  }
0x985: {  	s3 =	rddreg [dreg:$0x2];
	[bflag:$0x3] =	sbarrier.arrive $0xFFFF;
	s2 =	simm.s32 @!p0 $0x1C01  }
0x986: {  	[timem:s3], [sflag:s2] =	dma.local @!p0 [hbm:s0], s1  }
0x987: {  	s0 =	simm.s32 @!p0 $0x1  }
0x988: {  	_ =	swait.ge @!p0 [sflag:s0], s1  }
0x989: {  	s1 =	ssub.s32 @!p0 $0x0, s1;
	[sflag:s0] =	ssyncset.done @!p0 $0x0  }
0x98a: {  	[sflag:s0] =	ssyncadd.s32 @!p0 s1  }
0x98b: {  	[bflag:$0x3] =	sbarrier.arrive $0xFFFF  }
0x98c: {  	_ =	shalt  }

// kernel: scatter_offload_async_start
scs
__scs_entry_jumppad:
0x0: {  	(pc) =	sbr.rel $0x88, $3  }
0x1: {  	(tag) =	ssettag $0x0;
	lr =	simm.s32 $0x1  }
0x2: {  	[smem:$0x3F95] =	sst lr;
	_ =	strace $0xD0000000  }
0x3: {  	_ = 	snop  }
0x4: {  	_ = 	snop  }
0x5: {  	_ = 	snop  }
0x6: {  	_ = 	snop  }
0x7: {  	_ = 	snop  }
__scs_overlays_trampoline_lowered:
0x8: {  	[smem:$0x3FA4] =	sst s0  }
0x9: {  	[smem:$0x3FA5] =	sst s1  }
0xa: {  	[smem:$0x3FA6] =	sst s2  }
0xb: {  	[smem:$0x3FA7] =	sst s3  }
0xc: {  	[smem:$0x3FA8] =	sst s4  }
0xd: {  	[smem:$0x3FA9] =	sst s5  }
0xe: {  	[smem:$0x3FAA] =	sst s6  }
0xf: {  	[smem:$0x3FAB] =	sst s7  }
0x10: {  	[smem:$0x3FAC] =	sst s8  }
0x11: {  	[smem:$0x3FAD] =	sst s9;
	s0 =	simm.s32 @!p0 $0x0  }
0x12: {  	s1 =	sld [smem:$0x3F93];
	s0 =	simm.s32 @p0 $0x1  }
0x13: {  	[smem:$0x3FAE] =	sst s0;
	s0 =	simm.s32 @!p1 $0x0  }
0x14: {  	s2 =	sld [smem:$0x3F92];
	s0 =	simm.s32 @p1 $0x1  }
0x15: {  	[smem:$0x3FAF] =	sst s0;
	s0 =	simm.s32 @!p2 $0x0  }
0x16: {  	s3 =	sld [smem:$0x3FDB];
	s0 =	simm.s32 @p2 $0x1  }
0x17: {  	s4 =	simm.s32 $0x1BF5;
	[smem:$0x3FB1] =	sst s0  }
0x18: {  	s0 =	sld [smem:$0x3F94];
	_ =	swait.ge [sflag:s4], $0x0  }
0x19: {  	s7 =	sld [smem:$0x3F95]  }
0x1a: {  	s8 =	sadd.s32 $0xFFFFE003, lr  }
0x1b: {  	s9 =	sadd.s32 $0xFFFFFEF7, lr;
	s5 =	simm.s32 $0xFFFFFFFF;
	p2 =	slt.u32 s8, $0xFFFFF086  }
0x1c: {  	p1 =	slt.u32 s9, $0xF7A;
	s5 =	simm.s32 @!p2 $0x0  }
0x1d: {  	s5 =	simm.s32 @p1 $0x1;
	p0 =	seq.s32 s7, s2  }
0x1e: {  	s7 =	smul.u32 @!p0 $0xF7A, s2;
	p2 =	seq.s32 @!p0 s5, $0x0  }
0x1f: {  	s9 =	smul.u32 $0xF7A, s1;
	s8 =	simm.s32 @!p0 $0x1BF5;
	p2 =	por !p2, p0  }
0x20: {  	[sflag:s8] =	ssyncset.s32 @!p0 $0xFFFFF086;
	s6 =	sadd.s32 @!p0 s3, s7;
	s7 =	simm.s32 @!p0 $0x108  }
0x21: {  	s3 =	sadd.s32 s3, s9;
	s6 =	sadd.s32 @!p0 $0x88, s6;
	s7 =	simm.s32 @p2 $0x1082  }
0x22: {  	[simem:s7], [sflag:s8] =	dma.local @!p0 [hbm:s6], $0xF7A  }
0x23: {  	s9 =	sor.u32 $0xD0000000, s2;
	s6 =	simm.s32 $0x108;
	_ =	swait.ge @!p0 [sflag:s8], $0x0  }
0x24: {  	s3 =	sadd.s32 $0x88, s3;
	s6 =	simm.s32 @!p1 $0x1082;
	[sflag:s4] =	ssyncset.s32 $0xFFFFF086  }
0x25: {  	[simem:s6], [sflag:s4] =	dma.local [hbm:s3], $0xF7A  }
0x26: {  	[smem:$0x3F95] =	sst s1;
	(tag) =	ssettag s2;
	_ =	strace s9  }
0x27: {  	s1 =	sld [smem:$0x3FA5]  }
0x28: {  	s2 =	sld [smem:$0x3FA6]  }
0x29: {  	s4 =	sld [smem:$0x3FA8]  }
0x2a: {  	p0 =	seq.s32 s5, $0x0;
	s5 =	sld [smem:$0x3FA9]  }
0x2b: {  	s6 =	sld [smem:$0x3FAA]  }
0x2c: {  	s7 =	sld [smem:$0x3FAB]  }
0x2d: {  	s3 =	simm.s32 $0x108;
	s8 =	sld [smem:$0x3FAC]  }
0x2e: {  	s3 =	simm.s32 @!p0 $0x1082;
	s9 =	sld [smem:$0x3FAD]  }
0x2f: {  	lr =	sadd.s32 s0, s3;
	s0 =	sld [smem:$0x3FA4]  }
0x30: {  	s3 =	sld [smem:$0x3FA7]  }
0x31: {  	[smem:$0x3FB0] =	sst s10  }
0x32: {  	s10 =	sld [smem:$0x3FAE];
	_ =	sdelay $0x3  }
0x33: {  	p0 =	seq.s32 s10, $0x1;
	s10 =	sld [smem:$0x3FB0];
	_ =	sdelay $0x3  }
0x34: {  	[smem:$0x3FB0] =	sst s10  }
0x35: {  	s10 =	sld [smem:$0x3FAF];
	_ =	sdelay $0x3  }
0x36: {  	p1 =	seq.s32 s10, $0x1;
	s10 =	sld [smem:$0x3FB0];
	_ =	sdelay $0x3  }
0x37: {  	[smem:$0x3FB0] =	sst s10  }
0x38: {  	s10 =	sld [smem:$0x3FB1]  }
0x39: {  	_ = 	snop;
	(pc) =	sbr.ind lr, $3  }
0x3a: {  	_ = 	snop  }
0x3b: {  	_ = 	snop  }
0x3c: {  	p2 =	seq.s32 s10, $0x1;
	s10 =	sld [smem:$0x3FB0]  }
0x3d: {  	_ =	shalt  }
0x3e: {  	_ =	shalt  }
0x3f: {  	_ =	shalt  }
0x40: {  	_ =	shalt  }
0x41: {  	_ =	shalt  }
0x42: {  	_ =	shalt  }
0x43: {  	_ =	shalt  }
0x44: {  	_ =	shalt  }
0x45: {  	_ =	shalt  }
0x46: {  	_ =	shalt  }
0x47: {  	_ =	shalt  }
0x48: {  	_ =	shalt  }
0x49: {  	_ =	shalt  }
0x4a: {  	_ =	shalt  }
0x4b: {  	_ =	shalt  }
0x4c: {  	_ =	shalt  }
0x4d: {  	_ =	shalt  }
0x4e: {  	_ =	shalt  }
0x4f: {  	_ =	shalt  }
0x50: {  	_ =	shalt  }
0x51: {  	_ =	shalt  }
0x52: {  	_ =	shalt  }
0x53: {  	_ =	shalt  }
0x54: {  	_ =	shalt  }
0x55: {  	_ =	shalt  }
0x56: {  	_ =	shalt  }
0x57: {  	_ =	shalt  }
0x58: {  	_ =	shalt  }
0x59: {  	_ =	shalt  }
0x5a: {  	_ =	shalt  }
0x5b: {  	_ =	shalt  }
0x5c: {  	_ =	shalt  }
0x5d: {  	_ =	shalt  }
0x5e: {  	_ =	shalt  }
0x5f: {  	_ =	shalt  }
0x60: {  	_ =	shalt  }
0x61: {  	_ =	shalt  }
0x62: {  	_ =	shalt  }
0x63: {  	_ =	shalt  }
0x64: {  	_ =	shalt  }
0x65: {  	_ =	shalt  }
0x66: {  	_ =	shalt  }
0x67: {  	_ =	shalt  }
0x68: {  	_ =	shalt  }
0x69: {  	_ =	shalt  }
0x6a: {  	_ =	shalt  }
0x6b: {  	_ =	shalt  }
0x6c: {  	_ =	shalt  }
0x6d: {  	_ =	shalt  }
0x6e: {  	_ =	shalt  }
0x6f: {  	_ =	shalt  }
0x70: {  	_ =	shalt  }
0x71: {  	_ =	shalt  }
0x72: {  	_ =	shalt  }
0x73: {  	_ =	shalt  }
0x74: {  	_ =	shalt  }
0x75: {  	_ =	shalt  }
0x76: {  	_ =	shalt  }
0x77: {  	_ =	shalt  }
0x78: {  	_ =	shalt  }
0x79: {  	_ =	shalt  }
0x7a: {  	_ =	shalt  }
0x7b: {  	_ =	shalt  }
0x7c: {  	_ =	shalt  }
0x7d: {  	_ =	shalt  }
0x7e: {  	_ =	shalt  }
0x7f: {  	_ =	shalt  }
0x80: {  	_ =	shalt  }
0x81: {  	_ =	shalt  }
0x82: {  	_ =	shalt  }
0x83: {  	_ =	shalt  }
0x84: {  	_ =	shalt  }
0x85: {  	_ =	shalt  }
0x86: {  	_ =	shalt  }
0x87: {  	_ =	shalt  }
.Lfunc_end0:
.L_simem_size_0:
called_computation_lowered:
.L_overlay_start_0:
0x88: {  	s2 =	sld [smem:$0x3FD9]  }
0x89: {  	s3 =	sld [smem:$0x3FFE];
	_ =	sdelay $0x1  }
0x8a: {  	s1 =	srdreg.scid  }
0x8b: {  	s0 =	sand.u32 $0x1, s1  }
0x8c: {  	s13 =	sshll.u32 s0, $0xA;
	s2 =	sadd.s32 s3, s2  }
0x8d: {  	s2 =	sadd.s32 s2, s13  }
0x8e: {  	[smem:$0x3FBC] =	sst s2  }
0x8f: {  	_ = 	snop  }
0x90: {  	s2 =	sld [smem:$0x3FD0];
	_ =	sdelay $0x2  }
0x91: {  	s14 =	simm.s32 $0xB;
	s4 =	simm.s32 $0x10  }
0x92: {  	[smem:s4], [sflag:s14] =	dma.local [hbm:s2], $0x1  }
0x93: {  	_ =	swait.eq [sflag:s14], $0x1  }
0x94: {  	[sflag:s14] =	ssyncset.done $0x0  }
0x95: {  	s15 =	sld [smem:$0x10];
	[sflag:s14] =	ssyncadd.s32 $0xFFFFFFFF  }
0x96: {  	s16 =	sld [smem:$0x11];
	(tm) =	ssettm $0x1  }
0x97: {  	s17 =	sld [smem:$0x3FFB];
	_ =	sdelay $0x3  }
0x98: {  	_ =	strace s17  }
0x99: {  	s4 =	sld [smem:$0x3FFC];
	_ =	sdelay $0x3  }
0x9a: {  	_ =	strace s4  }
0x9b: {  	s4 =	sld [smem:$0x3FFD];
	_ =	sdelay $0x3  }
0x9c: {  	_ =	strace s4  }
0x9d: {  	_ =	strace $0x8FFFFFFF  }
0x9e: {  	s18 =	sld [smem:$0x3FDB];
	_ =	sdelay $0x1  }
0x9f: {  	s5 =	simm.s32 $_scs_section_size  }
0xa0: {  	s6 =	simm.s32 $_size__tile_overlayer_lowered;
	s7 =	simm.s32 $_tile_overlayer_lowered  }
0xa1: {  	s21 =	simm.s32 $0x1BFF;
	s20 =	sshll.u32 s7, $0x1;
	s4 =	sadd.s32 s5, s18  }
0xa2: {  	s8 =	simm.s32 $0x0;
	s19 =	sshll.u32 s6, $0x1;
	s6 =	sadd.s32 s20, s4  }
0xa3: {  	[timem:s8], [sflag:s21] =	dma.local [hbm:s6], s19  }
0xa4: {  	_ =	swait.ge [sflag:s21], s19  }
0xa5: {  	s5 =	ssub.s32 $0x0, s19;
	[sflag:s21] =	ssyncset.done $0x0  }
0xa6: {  	[sflag:s21] =	ssyncadd.s32 s5;
	_ =	sdelay $0x1  }
0xa7: {  	s22 =	simm.s32 $0x1B8B  }
0xa8: {  	_ =	swait.ge [sflag:s22], $0x1  }
0xa9: {  	[sflag:s22] =	ssyncset.done $0x0  }
0xaa: {  	s23 =	sld [smem:$0x3FFE];
	[sflag:s22] =	ssyncadd.s32 $0xFFFFFFFF  }
0xab: {  	s25 =	simm.s32 $0x1B8E;
	s24 =	sld [smem:$0x0]  }
0xac: {  	s26 =	simm.s32 $execute0_lowered;
	[smem:$0x3FD2] =	sst s25  }
0xad: {  	s7 =	sshll.u32 s26, $0x1;
	_ =	strace $0x80000055;
	[dreg:$0x1] =	wrdreg $0xFFFFFFFF  }
0xae: {  	s28 =	simm.s32 $_size_execute0_lowered;
	s4 =	sadd.s32 s4, s7;
	[dreg:$0x0] =	wrdreg $0x0  }
0xaf: {  	s7 =	sshll.u32 s28, $0x1;
	[dreg:$0x2] =	wrdreg s4  }
0xb0: {  	[dreg:$0x3] =	wrdreg s7  }
0xb1: {  	[dreg:$0x4] =	wrdreg $0xC0  }
0xb2: {  	_ =	task [dreg:s8], $0x5FFFF  }
0xb3: {  	[dreg:$0x1] =	wrdreg $0xFFFFFFFF  }
0xb4: {  	[dreg:$0x0] =	wrdreg $0x60  }
0xb5: {  	[dreg:$0x2] =	wrdreg s23  }
0xb6: {  	[dreg:$0x3] =	wrdreg s15  }
0xb7: {  	[dreg:$0x4] =	wrdreg s16  }
0xb8: {  	[dreg:$0x5] =	wrdreg s1  }
0xb9: {  	[dreg:$0x6] =	wrdreg s24  }
0xba: {  	[dreg:$0x7] =	wrdreg $0x9  }
0xbb: {  	_ =	task.clear_ibuf [dreg:s8], $0x8FFFF;
	_ =	strace $0x90000055  }
0xbc: {  	s29 =	simm.s32 $0x9;
	_ =	strace $0x80000057  }
0xbd: {  	_ =	swait.ge [sflag:s29], $0x1  }
0xbe: {  	[sflag:s29] =	ssyncadd.s32 $0xFFFFFFFF  }
0xbf: {  	_ =	strace $0x90000057  }
0xc0: {  	_ =	sfence  }
0xc1: {  	s30 =	sld [smem:$0x0];
	_ =	sdelay $0x2  }
0xc2: {  	s31 =	sshll.u32 s1, $0xD;
	s1 =	sshrl.u32 s1, $0x2  }
0xc3: {  	s3 =	sand.u32 $0x4000, s31;
	s1 =	sadd.s32 s1, s30  }
0xc4: {  	s0 =	sor.u32 s3, s0;
	s1 =	sshll.u32 s1, $0x11  }
0xc5: {  	s0 =	sor.u32 s1, s0  }
0xc6: {  	s0 =	sadd.s32 $0x8F2B, s0  }
0xc7: {  	[sflag:s0] =	ssyncadd.remote.s32 $0x1  }
0xc8: {  	_ =	sfence.sel $0xFFFF  }
0xc9: {  	[dreg:$0x0] =	wrdreg $0xFFFFFFFF;
	(pc) =	sbr.abs _section_cstart, $3  }
0xca: {  	[dreg:$0x1] =	wrdreg $0xFFFFFFFF  }
0xcb: {  	_ =	task.clear_ibuf [dreg:s8], $0x2FFFF;
	_ =	strace $0x9FFFFFFF  }
0xcc: {  	(tm) =	ssettm $0x7FFFFFFF  }
0xcd: {  	_ =	shalt  }
tec
execute0_lowered:
.L_overlay_start_1:
0x0: {  	(tag) =	ssettag $0x1  }
0x1: {  	s6 =	rddreg [dreg:$0x0]  }
0x2: {  	s4 =	rddreg [dreg:$0x1]  }
0x3: {  	s5 =	rddreg [dreg:$0x2]  }
0x4: {  	s9 =	rddreg [dreg:$0x3];
	_ =	strace $0x80000056;
	s0 =	simm.s32 $0x1  }
0x5: {  	v0 =	vimm.s32 $0x0;
	[sflag:s0] =	ssyncpa.u1 $0x0  }
0x6: {  	[tilespmem:$0x128] =	vst v0  }
0x7: {  	[tilespmem:$0x138] =	vst v0  }
0x8: {  	[tilespmem:$0x148] =	vst v0  }
0x9: {  	[tilespmem:$0x158] =	vst v0  }
0xa: {  	[tilespmem:$0x168] =	vst v0  }
0xb: {  	[tilespmem:$0x178] =	vst v0  }
0xc: {  	[tilespmem:$0x188] =	vst v0  }
0xd: {  	[tilespmem:$0x198] =	vst v0  }
0xe: {  	[tilespmem:$0x1A8] =	vst v0  }
0xf: {  	[tilespmem:$0x1B8] =	vst v0  }
0x10: {  	[tilespmem:$0x1C8] =	vst v0  }
0x11: {  	[tilespmem:$0x1D8] =	vst v0  }
0x12: {  	[tilespmem:$0x1E8] =	vst v0  }
0x13: {  	[tilespmem:$0x1F8] =	vst v0  }
0x14: {  	[tilespmem:$0x208] =	vst v0  }
0x15: {  	[tilespmem:$0x218] =	vst v0  }
0x16: {  	[tilespmem:$0x228] =	vst v0  }
0x17: {  	[tilespmem:$0x238] =	vst v0  }
0x18: {  	[tilespmem:$0x248] =	vst v0  }
0x19: {  	[tilespmem:$0x258] =	vst v0  }
0x1a: {  	[tilespmem:$0x268] =	vst v0  }
0x1b: {  	[tilespmem:$0x278] =	vst v0  }
0x1c: {  	[tilespmem:$0x288] =	vst v0  }
0x1d: {  	[tilespmem:$0x298] =	vst v0  }
0x1e: {  	[tilespmem:$0x2A8] =	vst v0  }
0x1f: {  	[tilespmem:$0x2B8] =	vst v0  }
0x20: {  	[tilespmem:$0x2C8] =	vst v0  }
0x21: {  	[tilespmem:$0x2D8] =	vst v0  }
0x22: {  	[tilespmem:$0x2E8] =	vst v0  }
0x23: {  	[tilespmem:$0x2F8] =	vst v0  }
0x24: {  	[tilespmem:$0x308] =	vst v0  }
0x25: {  	[tilespmem:$0x318] =	vst v0  }
0x26: {  	[tilespmem:$0x328] =	vst v0  }
0x27: {  	[tilespmem:$0x338] =	vst v0  }
0x28: {  	[tilespmem:$0x348] =	vst v0  }
0x29: {  	[tilespmem:$0x358] =	vst v0  }
0x2a: {  	[tilespmem:$0x368] =	vst v0  }
0x2b: {  	[tilespmem:$0x378] =	vst v0  }
0x2c: {  	[tilespmem:$0x388] =	vst v0  }
0x2d: {  	[tilespmem:$0x398] =	vst v0  }
0x2e: {  	[tilespmem:$0x3A8] =	vst v0  }
0x2f: {  	[tilespmem:$0x3B8] =	vst v0  }
0x30: {  	[tilespmem:$0x3C8] =	vst v0  }
0x31: {  	[tilespmem:$0x3D8] =	vst v0  }
0x32: {  	[tilespmem:$0x3E8] =	vst v0  }
0x33: {  	[tilespmem:$0x3F8] =	vst v0  }
0x34: {  	[tilespmem:$0x408] =	vst v0  }
0x35: {  	[tilespmem:$0x418] =	vst v0  }
0x36: {  	[tilespmem:$0x428] =	vst v0  }
0x37: {  	[tilespmem:$0x438] =	vst v0  }
0x38: {  	[tilespmem:$0x448] =	vst v0  }
0x39: {  	[tilespmem:$0x458] =	vst v0  }
0x3a: {  	[tilespmem:$0x468] =	vst v0  }
0x3b: {  	[tilespmem:$0x478] =	vst v0  }
0x3c: {  	[tilespmem:$0x488] =	vst v0  }
0x3d: {  	[tilespmem:$0x498] =	vst v0  }
0x3e: {  	[tilespmem:$0x4A8] =	vst v0  }
0x3f: {  	[tilespmem:$0x4B8] =	vst v0  }
0x40: {  	[tilespmem:$0x4C8] =	vst v0  }
0x41: {  	[tilespmem:$0x4D8] =	vst v0  }
0x42: {  	[tilespmem:$0x4E8] =	vst v0  }
0x43: {  	[tilespmem:$0x4F8] =	vst v0  }
0x44: {  	[tilespmem:$0x508] =	vst v0  }
0x45: {  	[tilespmem:$0x518] =	vst v0  }
0x46: {  	[tilespmem:$0x528] =	vst v0  }
0x47: {  	[tilespmem:$0x538] =	vst v0  }
0x48: {  	[tilespmem:$0x548] =	vst v0  }
0x49: {  	[tilespmem:$0x558] =	vst v0  }
0x4a: {  	[tilespmem:$0x568] =	vst v0  }
0x4b: {  	[tilespmem:$0x578] =	vst v0  }
0x4c: {  	[tilespmem:$0x588] =	vst v0  }
0x4d: {  	[tilespmem:$0x598] =	vst v0  }
0x4e: {  	[tilespmem:$0x5A8] =	vst v0  }
0x4f: {  	[tilespmem:$0x5B8] =	vst v0  }
0x50: {  	[tilespmem:$0x5C8] =	vst v0  }
0x51: {  	[tilespmem:$0x5D8] =	vst v0  }
0x52: {  	[tilespmem:$0x5E8] =	vst v0  }
0x53: {  	[tilespmem:$0x5F8] =	vst v0  }
0x54: {  	[tilespmem:$0x608] =	vst v0  }
0x55: {  	[tilespmem:$0x618] =	vst v0  }
0x56: {  	[tilespmem:$0x628] =	vst v0  }
0x57: {  	[tilespmem:$0x638] =	vst v0  }
0x58: {  	[tilespmem:$0x648] =	vst v0  }
0x59: {  	[tilespmem:$0x658] =	vst v0  }
0x5a: {  	[tilespmem:$0x668] =	vst v0  }
0x5b: {  	[tilespmem:$0x678] =	vst v0  }
0x5c: {  	[tilespmem:$0x688] =	vst v0  }
0x5d: {  	[tilespmem:$0x698] =	vst v0  }
0x5e: {  	[tilespmem:$0x6A8] =	vst v0  }
0x5f: {  	[tilespmem:$0x6B8] =	vst v0  }
0x60: {  	[tilespmem:$0x6C8] =	vst v0  }
0x61: {  	[tilespmem:$0x6D8] =	vst v0  }
0x62: {  	[tilespmem:$0x6E8] =	vst v0  }
0x63: {  	[tilespmem:$0x6F8] =	vst v0  }
0x64: {  	[tilespmem:$0x708] =	vst v0  }
0x65: {  	[tilespmem:$0x718] =	vst v0  }
0x66: {  	[tilespmem:$0x728] =	vst v0  }
0x67: {  	[tilespmem:$0x738] =	vst v0  }
0x68: {  	[tilespmem:$0x748] =	vst v0  }
0x69: {  	[tilespmem:$0x758] =	vst v0  }
0x6a: {  	[tilespmem:$0x768] =	vst v0  }
0x6b: {  	[tilespmem:$0x778] =	vst v0  }
0x6c: {  	[tilespmem:$0x788] =	vst v0  }
0x6d: {  	[tilespmem:$0x798] =	vst v0  }
0x6e: {  	[tilespmem:$0x7A8] =	vst v0  }
0x6f: {  	[tilespmem:$0x7B8] =	vst v0  }
0x70: {  	[tilespmem:$0x7C8] =	vst v0  }
0x71: {  	[tilespmem:$0x7D8] =	vst v0  }
0x72: {  	[tilespmem:$0x7E8] =	vst v0  }
0x73: {  	[tilespmem:$0x7F8] =	vst v0  }
0x74: {  	[tilespmem:$0x808] =	vst v0  }
0x75: {  	[tilespmem:$0x818] =	vst v0  }
0x76: {  	[tilespmem:$0x828] =	vst v0  }
0x77: {  	[tilespmem:$0x838] =	vst v0  }
0x78: {  	[tilespmem:$0x848] =	vst v0  }
0x79: {  	[tilespmem:$0x858] =	vst v0  }
0x7a: {  	[tilespmem:$0x868] =	vst v0  }
0x7b: {  	[tilespmem:$0x878] =	vst v0  }
0x7c: {  	[tilespmem:$0x888] =	vst v0  }
0x7d: {  	[tilespmem:$0x898] =	vst v0  }
0x7e: {  	[tilespmem:$0x8A8] =	vst v0  }
0x7f: {  	[tilespmem:$0x8B8] =	vst v0  }
0x80: {  	[tilespmem:$0x8C8] =	vst v0  }
0x81: {  	[tilespmem:$0x8D8] =	vst v0  }
0x82: {  	[tilespmem:$0x8E8] =	vst v0  }
0x83: {  	[tilespmem:$0x8F8] =	vst v0  }
0x84: {  	[tilespmem:$0x908] =	vst v0  }
0x85: {  	[tilespmem:$0x918] =	vst v0  }
0x86: {  	[tilespmem:$0x928] =	vst v0  }
0x87: {  	[tilespmem:$0x938] =	vst v0  }
0x88: {  	[tilespmem:$0x948] =	vst v0  }
0x89: {  	[tilespmem:$0x958] =	vst v0  }
0x8a: {  	[tilespmem:$0x968] =	vst v0  }
0x8b: {  	[tilespmem:$0x978] =	vst v0  }
0x8c: {  	[tilespmem:$0x988] =	vst v0  }
0x8d: {  	[tilespmem:$0x998] =	vst v0  }
0x8e: {  	[tilespmem:$0x9A8] =	vst v0  }
0x8f: {  	[tilespmem:$0x9B8] =	vst v0  }
0x90: {  	[tilespmem:$0x9C8] =	vst v0  }
0x91: {  	[tilespmem:$0x9D8] =	vst v0  }
0x92: {  	[tilespmem:$0x9E8] =	vst v0  }
0x93: {  	[tilespmem:$0x9F8] =	vst v0  }
0x94: {  	[tilespmem:$0xA08] =	vst v0  }
0x95: {  	[tilespmem:$0xA18] =	vst v0  }
0x96: {  	[tilespmem:$0xA28] =	vst v0  }
0x97: {  	[tilespmem:$0xA38] =	vst v0  }
0x98: {  	[tilespmem:$0xA48] =	vst v0  }
0x99: {  	[tilespmem:$0xA58] =	vst v0  }
0x9a: {  	[tilespmem:$0xA68] =	vst v0  }
0x9b: {  	[tilespmem:$0xA78] =	vst v0  }
0x9c: {  	[tilespmem:$0xA88] =	vst v0  }
0x9d: {  	[tilespmem:$0xA98] =	vst v0  }
0x9e: {  	[tilespmem:$0xAA8] =	vst v0  }
0x9f: {  	[tilespmem:$0xAB8] =	vst v0  }
0xa0: {  	[tilespmem:$0xAC8] =	vst v0  }
0xa1: {  	[tilespmem:$0xAD8] =	vst v0  }
0xa2: {  	[tilespmem:$0xAE8] =	vst v0  }
0xa3: {  	[tilespmem:$0xAF8] =	vst v0  }
0xa4: {  	[tilespmem:$0xB08] =	vst v0  }
0xa5: {  	[tilespmem:$0xB18] =	vst v0  }
0xa6: {  	[tilespmem:$0xB28] =	vst v0  }
0xa7: {  	[tilespmem:$0xB38] =	vst v0  }
0xa8: {  	[tilespmem:$0xB48] =	vst v0  }
0xa9: {  	[tilespmem:$0xB58] =	vst v0  }
0xaa: {  	[tilespmem:$0xB68] =	vst v0  }
0xab: {  	[tilespmem:$0xB78] =	vst v0  }
0xac: {  	[tilespmem:$0xB88] =	vst v0  }
0xad: {  	[tilespmem:$0xB98] =	vst v0  }
0xae: {  	[tilespmem:$0xBA8] =	vst v0  }
0xaf: {  	[tilespmem:$0xBB8] =	vst v0  }
0xb0: {  	[tilespmem:$0xBC8] =	vst v0  }
0xb1: {  	[tilespmem:$0xBD8] =	vst v0  }
0xb2: {  	[tilespmem:$0xBE8] =	vst v0  }
0xb3: {  	[tilespmem:$0xBF8] =	vst v0  }
0xb4: {  	[tilespmem:$0xC08] =	vst v0  }
0xb5: {  	[tilespmem:$0xC18] =	vst v0  }
0xb6: {  	[tilespmem:$0xC28] =	vst v0  }
0xb7: {  	[tilespmem:$0xC38] =	vst v0  }
0xb8: {  	[tilespmem:$0xC48] =	vst v0  }
0xb9: {  	[tilespmem:$0xC58] =	vst v0  }
0xba: {  	[tilespmem:$0xC68] =	vst v0  }
0xbb: {  	[tilespmem:$0xC78] =	vst v0  }
0xbc: {  	[tilespmem:$0xC88] =	vst v0  }
0xbd: {  	[tilespmem:$0xC98] =	vst v0  }
0xbe: {  	[tilespmem:$0xCA8] =	vst v0  }
0xbf: {  	[tilespmem:$0xCB8] =	vst v0  }
0xc0: {  	[tilespmem:$0xCC8] =	vst v0  }
0xc1: {  	[tilespmem:$0xCD8] =	vst v0  }
0xc2: {  	[tilespmem:$0xCE8] =	vst v0  }
0xc3: {  	[tilespmem:$0xCF8] =	vst v0  }
0xc4: {  	[tilespmem:$0xD08] =	vst v0  }
0xc5: {  	[tilespmem:$0xD18] =	vst v0  }
0xc6: {  	[tilespmem:$0xD28] =	vst v0  }
0xc7: {  	[tilespmem:$0xD38] =	vst v0  }
0xc8: {  	[tilespmem:$0xD48] =	vst v0  }
0xc9: {  	[tilespmem:$0xD58] =	vst v0  }
0xca: {  	[tilespmem:$0xD68] =	vst v0  }
0xcb: {  	[tilespmem:$0xD78] =	vst v0  }
0xcc: {  	[tilespmem:$0xD88] =	vst v0  }
0xcd: {  	[tilespmem:$0xD98] =	vst v0  }
0xce: {  	[tilespmem:$0xDA8] =	vst v0  }
0xcf: {  	[tilespmem:$0xDB8] =	vst v0  }
0xd0: {  	[tilespmem:$0xDC8] =	vst v0  }
0xd1: {  	[tilespmem:$0xDD8] =	vst v0  }
0xd2: {  	[tilespmem:$0xDE8] =	vst v0  }
0xd3: {  	[tilespmem:$0xDF8] =	vst v0  }
0xd4: {  	[tilespmem:$0xE08] =	vst v0  }
0xd5: {  	[tilespmem:$0xE18] =	vst v0  }
0xd6: {  	[tilespmem:$0xE28] =	vst v0  }
0xd7: {  	[tilespmem:$0xE38] =	vst v0  }
0xd8: {  	[tilespmem:$0xE48] =	vst v0  }
0xd9: {  	[tilespmem:$0xE58] =	vst v0  }
0xda: {  	[tilespmem:$0xE68] =	vst v0  }
0xdb: {  	[tilespmem:$0xE78] =	vst v0  }
0xdc: {  	[tilespmem:$0xE88] =	vst v0  }
0xdd: {  	[tilespmem:$0xE98] =	vst v0  }
0xde: {  	[tilespmem:$0xEA8] =	vst v0  }
0xdf: {  	[tilespmem:$0xEB8] =	vst v0  }
0xe0: {  	[tilespmem:$0xEC8] =	vst v0  }
0xe1: {  	[tilespmem:$0xED8] =	vst v0  }
0xe2: {  	[tilespmem:$0xEE8] =	vst v0  }
0xe3: {  	[tilespmem:$0xEF8] =	vst v0  }
0xe4: {  	[tilespmem:$0xF08] =	vst v0  }
0xe5: {  	[tilespmem:$0xF18] =	vst v0  }
0xe6: {  	[tilespmem:$0xF28] =	vst v0  }
0xe7: {  	[tilespmem:$0xF38] =	vst v0  }
0xe8: {  	[tilespmem:$0xF48] =	vst v0  }
0xe9: {  	[tilespmem:$0xF58] =	vst v0  }
0xea: {  	[tilespmem:$0xF68] =	vst v0  }
0xeb: {  	[tilespmem:$0xF78] =	vst v0  }
0xec: {  	[tilespmem:$0xF88] =	vst v0  }
0xed: {  	[tilespmem:$0xF98] =	vst v0  }
0xee: {  	[tilespmem:$0xFA8] =	vst v0  }
0xef: {  	[tilespmem:$0xFB8] =	vst v0  }
0xf0: {  	[tilespmem:$0xFC8] =	vst v0  }
0xf1: {  	[tilespmem:$0xFD8] =	vst v0  }
0xf2: {  	[tilespmem:$0xFE8] =	vst v0  }
0xf3: {  	[tilespmem:$0xFF8] =	vst v0  }
0xf4: {  	[tilespmem:$0x1008] =	vst v0  }
0xf5: {  	[tilespmem:$0x1018] =	vst v0  }
0xf6: {  	[tilespmem:$0x1028] =	vst v0  }
0xf7: {  	[tilespmem:$0x1038] =	vst v0  }
0xf8: {  	[tilespmem:$0x1048] =	vst v0  }
0xf9: {  	[tilespmem:$0x1058] =	vst v0  }
0xfa: {  	[tilespmem:$0x1068] =	vst v0  }
0xfb: {  	[tilespmem:$0x1078] =	vst v0  }
0xfc: {  	[tilespmem:$0x1088] =	vst v0  }
0xfd: {  	[tilespmem:$0x1098] =	vst v0  }
0xfe: {  	[tilespmem:$0x10A8] =	vst v0  }
0xff: {  	[tilespmem:$0x10B8] =	vst v0  }
0x100: {  	[tilespmem:$0x10C8] =	vst v0  }
0x101: {  	[tilespmem:$0x10D8] =	vst v0  }
0x102: {  	[tilespmem:$0x10E8] =	vst v0  }
0x103: {  	[tilespmem:$0x10F8] =	vst v0  }
0x104: {  	[tilespmem:$0x1108] =	vst v0  }
0x105: {  	[tilespmem:$0x1478] =	vst v0  }
0x106: {  	[tilespmem:$0x1118] =	vst v0  }
0x107: {  	[tilespmem:$0x1128] =	vst v0  }
0x108: {  	[tilespmem:$0x1138] =	vst v0  }
0x109: {  	[tilespmem:$0x1148] =	vst v0  }
0x10a: {  	[tilespmem:$0x1158] =	vst v0  }
0x10b: {  	[tilespmem:$0x1168] =	vst v0  }
0x10c: {  	[tilespmem:$0x1178] =	vst v0  }
0x10d: {  	[tilespmem:$0x1188] =	vst v0  }
0x10e: {  	[tilespmem:$0x1198] =	vst v0  }
0x10f: {  	[tilespmem:$0x11A8] =	vst v0  }
0x110: {  	[tilespmem:$0x11B8] =	vst v0  }
0x111: {  	[tilespmem:$0x11C8] =	vst v0  }
0x112: {  	[tilespmem:$0x11D8] =	vst v0  }
0x113: {  	[tilespmem:$0x11E8] =	vst v0  }
0x114: {  	[tilespmem:$0x11F8] =	vst v0  }
0x115: {  	[tilespmem:$0x1208] =	vst v0  }
0x116: {  	[tilespmem:$0x1218] =	vst v0  }
0x117: {  	[tilespmem:$0x1228] =	vst v0  }
0x118: {  	[tilespmem:$0x1238] =	vst v0  }
0x119: {  	[tilespmem:$0x1248] =	vst v0  }
0x11a: {  	[tilespmem:$0x1258] =	vst v0  }
0x11b: {  	[tilespmem:$0x1268] =	vst v0  }
0x11c: {  	[tilespmem:$0x1278] =	vst v0  }
0x11d: {  	[tilespmem:$0x1288] =	vst v0  }
0x11e: {  	[tilespmem:$0x1298] =	vst v0  }
0x11f: {  	[tilespmem:$0x12A8] =	vst v0  }
0x120: {  	[tilespmem:$0x12B8] =	vst v0  }
0x121: {  	[tilespmem:$0x12C8] =	vst v0  }
0x122: {  	[tilespmem:$0x12D8] =	vst v0  }
0x123: {  	[tilespmem:$0x12E8] =	vst v0  }
0x124: {  	[tilespmem:$0x12F8] =	vst v0  }
0x125: {  	[tilespmem:$0x1308] =	vst v0  }
0x126: {  	[tilespmem:$0x1318] =	vst v0  }
0x127: {  	[tilespmem:$0x1328] =	vst v0  }
0x128: {  	[tilespmem:$0x1338] =	vst v0  }
0x129: {  	[tilespmem:$0x1348] =	vst v0  }
0x12a: {  	[tilespmem:$0x1358] =	vst v0  }
0x12b: {  	[tilespmem:$0x1368] =	vst v0  }
0x12c: {  	[tilespmem:$0x1378] =	vst v0  }
0x12d: {  	[tilespmem:$0x1388] =	vst v0  }
0x12e: {  	[tilespmem:$0x1398] =	vst v0  }
0x12f: {  	[tilespmem:$0x13A8] =	vst v0  }
0x130: {  	[tilespmem:$0x13B8] =	vst v0  }
0x131: {  	[tilespmem:$0x13C8] =	vst v0  }
0x132: {  	[tilespmem:$0x13D8] =	vst v0  }
0x133: {  	[tilespmem:$0x13E8] =	vst v0  }
0x134: {  	[tilespmem:$0x13F8] =	vst v0  }
0x135: {  	[tilespmem:$0x1408] =	vst v0  }
0x136: {  	[tilespmem:$0x1418] =	vst v0  }
0x137: {  	[tilespmem:$0x1428] =	vst v0  }
0x138: {  	[tilespmem:$0x1438] =	vst v0  }
0x139: {  	[tilespmem:$0x1448] =	vst v0  }
0x13a: {  	[tilespmem:$0x1458] =	vst v0  }
0x13b: {  	[tilespmem:$0x1468] =	vst v0  }
0x13c: {  	[tilespmem:$0x1488] =	vst v0  }
0x13d: {  	[tilespmem:$0x1498] =	vst v0  }
0x13e: {  	[tilespmem:$0x14A8] =	vst v0  }
0x13f: {  	[tilespmem:$0x14B8] =	vst v0  }
0x140: {  	[tilespmem:$0x14C8] =	vst v0  }
0x141: {  	[tilespmem:$0x14D8] =	vst v0  }
0x142: {  	[tilespmem:$0x14E8] =	vst v0  }
0x143: {  	[tilespmem:$0x14F8] =	vst v0  }
0x144: {  	[tilespmem:$0x1508] =	vst v0  }
0x145: {  	[tilespmem:$0x1518] =	vst v0  }
0x146: {  	[tilespmem:$0x1528] =	vst v0  }
0x147: {  	[tilespmem:$0x1538] =	vst v0  }
0x148: {  	[tilespmem:$0x1548] =	vst v0  }
0x149: {  	[tilespmem:$0x1558] =	vst v0  }
0x14a: {  	[tilespmem:$0x1568] =	vst v0  }
0x14b: {  	[tilespmem:$0x1578] =	vst v0  }
0x14c: {  	[tilespmem:$0x1588] =	vst v0  }
0x14d: {  	[tilespmem:$0x1598] =	vst v0  }
0x14e: {  	[tilespmem:$0x15A8] =	vst v0  }
0x14f: {  	[tilespmem:$0x15B8] =	vst v0  }
0x150: {  	[tilespmem:$0x15C8] =	vst v0  }
0x151: {  	[tilespmem:$0x15D8] =	vst v0  }
0x152: {  	[tilespmem:$0x15E8] =	vst v0  }
0x153: {  	[tilespmem:$0x15F8] =	vst v0  }
0x154: {  	[tilespmem:$0x1608] =	vst v0  }
0x155: {  	[tilespmem:$0x1618] =	vst v0  }
0x156: {  	[tilespmem:$0x1628] =	vst v0  }
0x157: {  	[tilespmem:$0x1638] =	vst v0  }
0x158: {  	[tilespmem:$0x1648] =	vst v0  }
0x159: {  	[tilespmem:$0x1658] =	vst v0  }
0x15a: {  	[tilespmem:$0x1668] =	vst v0  }
0x15b: {  	[tilespmem:$0x1678] =	vst v0  }
0x15c: {  	[tilespmem:$0x1688] =	vst v0  }
0x15d: {  	[tilespmem:$0x1698] =	vst v0  }
0x15e: {  	[tilespmem:$0x16A8] =	vst v0  }
0x15f: {  	[tilespmem:$0x16B8] =	vst v0  }
0x160: {  	[tilespmem:$0x16C8] =	vst v0  }
0x161: {  	[tilespmem:$0x16D8] =	vst v0  }
0x162: {  	[tilespmem:$0x16E8] =	vst v0  }
0x163: {  	[tilespmem:$0x16F8] =	vst v0  }
0x164: {  	[tilespmem:$0x1708] =	vst v0  }
0x165: {  	[tilespmem:$0x1718] =	vst v0  }
0x166: {  	[tilespmem:$0x1728] =	vst v0  }
0x167: {  	[tilespmem:$0x1738] =	vst v0  }
0x168: {  	[tilespmem:$0x1748] =	vst v0  }
0x169: {  	[tilespmem:$0x1758] =	vst v0  }
0x16a: {  	[tilespmem:$0x1768] =	vst v0  }
0x16b: {  	[tilespmem:$0x1778] =	vst v0  }
0x16c: {  	[tilespmem:$0x1788] =	vst v0  }
0x16d: {  	[tilespmem:$0x1798] =	vst v0  }
0x16e: {  	[tilespmem:$0x17A8] =	vst v0  }
0x16f: {  	[tilespmem:$0x17B8] =	vst v0  }
0x170: {  	[tilespmem:$0x17C8] =	vst v0  }
0x171: {  	[tilespmem:$0x17D8] =	vst v0  }
0x172: {  	[tilespmem:$0x17E8] =	vst v0  }
0x173: {  	[tilespmem:$0x17F8] =	vst v0  }
0x174: {  	[tilespmem:$0x1808] =	vst v0  }
0x175: {  	[tilespmem:$0x1818] =	vst v0  }
0x176: {  	[tilespmem:$0x1828] =	vst v0  }
0x177: {  	[tilespmem:$0x1838] =	vst v0  }
0x178: {  	[tilespmem:$0x1848] =	vst v0  }
0x179: {  	[tilespmem:$0x1858] =	vst v0  }
0x17a: {  	[tilespmem:$0x1868] =	vst v0  }
0x17b: {  	[tilespmem:$0x1878] =	vst v0  }
0x17c: {  	[tilespmem:$0x1888] =	vst v0  }
0x17d: {  	[tilespmem:$0x1898] =	vst v0  }
0x17e: {  	[tilespmem:$0x18A8] =	vst v0  }
0x17f: {  	[tilespmem:$0x18B8] =	vst v0  }
0x180: {  	[tilespmem:$0x18C8] =	vst v0  }
0x181: {  	[tilespmem:$0x18D8] =	vst v0  }
0x182: {  	[tilespmem:$0x18E8] =	vst v0  }
0x183: {  	[tilespmem:$0x18F8] =	vst v0  }
0x184: {  	[tilespmem:$0x1908] =	vst v0  }
0x185: {  	[tilespmem:$0x1918] =	vst v0  }
0x186: {  	[tilespmem:$0x1928] =	vst v0  }
0x187: {  	[tilespmem:$0x1938] =	vst v0  }
0x188: {  	[tilespmem:$0x1948] =	vst v0  }
0x189: {  	[tilespmem:$0x1958] =	vst v0  }
0x18a: {  	[tilespmem:$0x1968] =	vst v0  }
0x18b: {  	[tilespmem:$0x1978] =	vst v0  }
0x18c: {  	[tilespmem:$0x1988] =	vst v0  }
0x18d: {  	[tilespmem:$0x1998] =	vst v0  }
0x18e: {  	[tilespmem:$0x19A8] =	vst v0  }
0x18f: {  	[tilespmem:$0x19B8] =	vst v0  }
0x190: {  	[tilespmem:$0x19C8] =	vst v0  }
0x191: {  	[tilespmem:$0x19D8] =	vst v0  }
0x192: {  	[tilespmem:$0x19E8] =	vst v0  }
0x193: {  	[tilespmem:$0x19F8] =	vst v0  }
0x194: {  	[tilespmem:$0x1A08] =	vst v0  }
0x195: {  	[tilespmem:$0x1A18] =	vst v0  }
0x196: {  	[tilespmem:$0x1A28] =	vst v0  }
0x197: {  	[tilespmem:$0x1A38] =	vst v0  }
0x198: {  	[tilespmem:$0x1A48] =	vst v0  }
0x199: {  	[tilespmem:$0x1A58] =	vst v0  }
0x19a: {  	[tilespmem:$0x1A68] =	vst v0  }
0x19b: {  	[tilespmem:$0x1A78] =	vst v0  }
0x19c: {  	[tilespmem:$0x1A88] =	vst v0  }
0x19d: {  	[tilespmem:$0x1A98] =	vst v0  }
0x19e: {  	[tilespmem:$0x1AA8] =	vst v0  }
0x19f: {  	[tilespmem:$0x1AB8] =	vst v0  }
0x1a0: {  	[tilespmem:$0x1AC8] =	vst v0  }
0x1a1: {  	[tilespmem:$0x1AD8] =	vst v0  }
0x1a2: {  	[tilespmem:$0x1AE8] =	vst v0  }
0x1a3: {  	[tilespmem:$0x1AF8] =	vst v0  }
0x1a4: {  	[tilespmem:$0x1B08] =	vst v0  }
0x1a5: {  	[tilespmem:$0x1B18] =	vst v0  }
0x1a6: {  	[tilespmem:$0x1B28] =	vst v0  }
0x1a7: {  	[tilespmem:$0x1B38] =	vst v0  }
0x1a8: {  	[tilespmem:$0x1B48] =	vst v0  }
0x1a9: {  	[tilespmem:$0x1B58] =	vst v0  }
0x1aa: {  	[tilespmem:$0x1B68] =	vst v0  }
0x1ab: {  	[tilespmem:$0x1B78] =	vst v0  }
0x1ac: {  	[tilespmem:$0x1B88] =	vst v0  }
0x1ad: {  	[tilespmem:$0x1B98] =	vst v0  }
0x1ae: {  	[tilespmem:$0x1BA8] =	vst v0  }
0x1af: {  	[tilespmem:$0x1BB8] =	vst v0  }
0x1b0: {  	[tilespmem:$0x1BC8] =	vst v0  }
0x1b1: {  	[tilespmem:$0x1BD8] =	vst v0  }
0x1b2: {  	[tilespmem:$0x1BE8] =	vst v0  }
0x1b3: {  	[tilespmem:$0x1BF8] =	vst v0  }
0x1b4: {  	[tilespmem:$0x1C08] =	vst v0  }
0x1b5: {  	[tilespmem:$0x1C18] =	vst v0  }
0x1b6: {  	[tilespmem:$0x1C28] =	vst v0  }
0x1b7: {  	[tilespmem:$0x1C38] =	vst v0  }
0x1b8: {  	[tilespmem:$0x1C48] =	vst v0  }
0x1b9: {  	[tilespmem:$0x1C58] =	vst v0  }
0x1ba: {  	[tilespmem:$0x1C68] =	vst v0  }
0x1bb: {  	[tilespmem:$0x1C78] =	vst v0  }
0x1bc: {  	[tilespmem:$0x1C88] =	vst v0  }
0x1bd: {  	[tilespmem:$0x1C98] =	vst v0  }
0x1be: {  	[tilespmem:$0x1CA8] =	vst v0  }
0x1bf: {  	[tilespmem:$0x1CB8] =	vst v0  }
0x1c0: {  	[tilespmem:$0x1CC8] =	vst v0  }
0x1c1: {  	[tilespmem:$0x1CD8] =	vst v0  }
0x1c2: {  	[tilespmem:$0x1CE8] =	vst v0  }
0x1c3: {  	[tilespmem:$0x1CF8] =	vst v0  }
0x1c4: {  	[tilespmem:$0x1D08] =	vst v0  }
0x1c5: {  	[tilespmem:$0x1D18] =	vst v0  }
0x1c6: {  	[tilespmem:$0x1D28] =	vst v0  }
0x1c7: {  	[tilespmem:$0x1D38] =	vst v0  }
0x1c8: {  	[tilespmem:$0x1D48] =	vst v0  }
0x1c9: {  	[tilespmem:$0x1D58] =	vst v0  }
0x1ca: {  	[tilespmem:$0x1D68] =	vst v0  }
0x1cb: {  	[tilespmem:$0x1D78] =	vst v0  }
0x1cc: {  	[tilespmem:$0x1D88] =	vst v0  }
0x1cd: {  	[tilespmem:$0x1D98] =	vst v0  }
0x1ce: {  	[tilespmem:$0x1DA8] =	vst v0  }
0x1cf: {  	[tilespmem:$0x1DB8] =	vst v0  }
0x1d0: {  	[tilespmem:$0x1DC8] =	vst v0  }
0x1d1: {  	[tilespmem:$0x1DD8] =	vst v0  }
0x1d2: {  	[tilespmem:$0x1DE8] =	vst v0  }
0x1d3: {  	[tilespmem:$0x1DF8] =	vst v0  }
0x1d4: {  	[tilespmem:$0x1E08] =	vst v0  }
0x1d5: {  	[tilespmem:$0x1E18] =	vst v0  }
0x1d6: {  	[tilespmem:$0x1E28] =	vst v0  }
0x1d7: {  	[tilespmem:$0x1E38] =	vst v0  }
0x1d8: {  	[tilespmem:$0x1E48] =	vst v0  }
0x1d9: {  	[tilespmem:$0x1E58] =	vst v0  }
0x1da: {  	[tilespmem:$0x1E68] =	vst v0  }
0x1db: {  	[tilespmem:$0x1E78] =	vst v0  }
0x1dc: {  	[tilespmem:$0x1E88] =	vst v0  }
0x1dd: {  	[tilespmem:$0x1E98] =	vst v0  }
0x1de: {  	[tilespmem:$0x1EA8] =	vst v0  }
0x1df: {  	[tilespmem:$0x1EB8] =	vst v0  }
0x1e0: {  	[tilespmem:$0x1EC8] =	vst v0  }
0x1e1: {  	[tilespmem:$0x1ED8] =	vst v0  }
0x1e2: {  	[tilespmem:$0x1EE8] =	vst v0  }
0x1e3: {  	[tilespmem:$0x1EF8] =	vst v0  }
0x1e4: {  	[tilespmem:$0x1F08] =	vst v0  }
0x1e5: {  	[tilespmem:$0x1F18] =	vst v0  }
0x1e6: {  	[tilespmem:$0x1F28] =	vst v0  }
0x1e7: {  	[tilespmem:$0x1F38] =	vst v0  }
0x1e8: {  	[tilespmem:$0x1F48] =	vst v0  }
0x1e9: {  	[tilespmem:$0x1F58] =	vst v0  }
0x1ea: {  	[tilespmem:$0x1F68] =	vst v0  }
0x1eb: {  	[tilespmem:$0x1F78] =	vst v0  }
0x1ec: {  	[tilespmem:$0x1F88] =	vst v0  }
0x1ed: {  	[tilespmem:$0x1F98] =	vst v0  }
0x1ee: {  	[tilespmem:$0x1FA8] =	vst v0  }
0x1ef: {  	[tilespmem:$0x1FB8] =	vst v0  }
0x1f0: {  	[tilespmem:$0x1FC8] =	vst v0  }
0x1f1: {  	[tilespmem:$0x1FD8] =	vst v0  }
0x1f2: {  	[tilespmem:$0x1FE8] =	vst v0  }
0x1f3: {  	[tilespmem:$0x1FF8] =	vst v0  }
0x1f4: {  	[tilespmem:$0x2008] =	vst v0  }
0x1f5: {  	[tilespmem:$0x2018] =	vst v0  }
0x1f6: {  	[tilespmem:$0x2028] =	vst v0  }
0x1f7: {  	[tilespmem:$0x2038] =	vst v0  }
0x1f8: {  	[tilespmem:$0x2048] =	vst v0  }
0x1f9: {  	[tilespmem:$0x2058] =	vst v0  }
0x1fa: {  	[tilespmem:$0x2068] =	vst v0  }
0x1fb: {  	[tilespmem:$0x2078] =	vst v0  }
0x1fc: {  	[tilespmem:$0x2088] =	vst v0  }
0x1fd: {  	[tilespmem:$0x2098] =	vst v0  }
0x1fe: {  	[tilespmem:$0x20A8] =	vst v0  }
0x1ff: {  	[tilespmem:$0x20B8] =	vst v0  }
0x200: {  	[tilespmem:$0x20C8] =	vst v0  }
0x201: {  	[tilespmem:$0x20D8] =	vst v0  }
0x202: {  	[tilespmem:$0x20E8] =	vst v0  }
0x203: {  	[tilespmem:$0x20F8] =	vst v0  }
0x204: {  	[tilespmem:$0x2108] =	vst v0  }
0x205: {  	[tilespmem:$0x2118] =	vst v0  }
0x206: {  	[tilespmem:$0x2128] =	vst v0  }
0x207: {  	[tilespmem:$0x2138] =	vst v0  }
0x208: {  	[tilespmem:$0x2148] =	vst v0  }
0x209: {  	[tilespmem:$0x2158] =	vst v0  }
0x20a: {  	[tilespmem:$0x2168] =	vst v0  }
0x20b: {  	[tilespmem:$0x2178] =	vst v0  }
0x20c: {  	[tilespmem:$0x2188] =	vst v0  }
0x20d: {  	[tilespmem:$0x2198] =	vst v0  }
0x20e: {  	[tilespmem:$0x21A8] =	vst v0  }
0x20f: {  	[tilespmem:$0x21B8] =	vst v0  }
0x210: {  	[tilespmem:$0x21C8] =	vst v0  }
0x211: {  	[tilespmem:$0x21D8] =	vst v0  }
0x212: {  	[tilespmem:$0x21E8] =	vst v0  }
0x213: {  	[tilespmem:$0x21F8] =	vst v0  }
0x214: {  	[tilespmem:$0x2208] =	vst v0  }
0x215: {  	[tilespmem:$0x2218] =	vst v0  }
0x216: {  	[tilespmem:$0x2228] =	vst v0  }
0x217: {  	[tilespmem:$0x2238] =	vst v0  }
0x218: {  	[tilespmem:$0x2248] =	vst v0  }
0x219: {  	[tilespmem:$0x2258] =	vst v0  }
0x21a: {  	[tilespmem:$0x2268] =	vst v0  }
0x21b: {  	[tilespmem:$0x2278] =	vst v0  }
0x21c: {  	[tilespmem:$0x2288] =	vst v0  }
0x21d: {  	[tilespmem:$0x2298] =	vst v0  }
0x21e: {  	[tilespmem:$0x22A8] =	vst v0  }
0x21f: {  	[tilespmem:$0x22B8] =	vst v0  }
0x220: {  	[tilespmem:$0x22C8] =	vst v0  }
0x221: {  	[tilespmem:$0x22D8] =	vst v0  }
0x222: {  	[tilespmem:$0x22E8] =	vst v0  }
0x223: {  	[tilespmem:$0x22F8] =	vst v0  }
0x224: {  	[tilespmem:$0x2308] =	vst v0  }
0x225: {  	[tilespmem:$0x2318] =	vst v0  }
0x226: {  	[tilespmem:$0x2328] =	vst v0  }
0x227: {  	[tilespmem:$0x2338] =	vst v0  }
0x228: {  	[tilespmem:$0x2348] =	vst v0  }
0x229: {  	[tilespmem:$0x2358] =	vst v0  }
0x22a: {  	[tilespmem:$0x2368] =	vst v0  }
0x22b: {  	[tilespmem:$0x2378] =	vst v0  }
0x22c: {  	[tilespmem:$0x2388] =	vst v0  }
0x22d: {  	[tilespmem:$0x2398] =	vst v0  }
0x22e: {  	[tilespmem:$0x23A8] =	vst v0  }
0x22f: {  	[tilespmem:$0x23B8] =	vst v0  }
0x230: {  	[tilespmem:$0x23C8] =	vst v0  }
0x231: {  	[tilespmem:$0x23D8] =	vst v0  }
0x232: {  	[tilespmem:$0x23E8] =	vst v0  }
0x233: {  	[tilespmem:$0x23F8] =	vst v0  }
0x234: {  	[tilespmem:$0x2408] =	vst v0  }
0x235: {  	[tilespmem:$0x2418] =	vst v0  }
0x236: {  	[tilespmem:$0x2428] =	vst v0  }
0x237: {  	[tilespmem:$0x2438] =	vst v0  }
0x238: {  	[tilespmem:$0x2448] =	vst v0  }
0x239: {  	[tilespmem:$0x2458] =	vst v0  }
0x23a: {  	[tilespmem:$0x2468] =	vst v0  }
0x23b: {  	[tilespmem:$0x2478] =	vst v0  }
0x23c: {  	[tilespmem:$0x33A8] =	vst v0  }
0x23d: {  	[tilespmem:$0x33B8] =	vst v0  }
0x23e: {  	[tilespmem:$0x2488] =	vst v0  }
0x23f: {  	[tilespmem:$0x2498] =	vst v0  }
0x240: {  	[tilespmem:$0x24A8] =	vst v0  }
0x241: {  	[tilespmem:$0x24B8] =	vst v0  }
0x242: {  	[tilespmem:$0x24C8] =	vst v0  }
0x243: {  	[tilespmem:$0x24D8] =	vst v0  }
0x244: {  	[tilespmem:$0x24E8] =	vst v0  }
0x245: {  	[tilespmem:$0x24F8] =	vst v0  }
0x246: {  	[tilespmem:$0x2508] =	vst v0  }
0x247: {  	[tilespmem:$0x2518] =	vst v0  }
0x248: {  	[tilespmem:$0x2528] =	vst v0  }
0x249: {  	[tilespmem:$0x2538] =	vst v0  }
0x24a: {  	[tilespmem:$0x2548] =	vst v0  }
0x24b: {  	[tilespmem:$0x2558] =	vst v0  }
0x24c: {  	[tilespmem:$0x2568] =	vst v0  }
0x24d: {  	[tilespmem:$0x2578] =	vst v0  }
0x24e: {  	[tilespmem:$0x2588] =	vst v0  }
0x24f: {  	[tilespmem:$0x2598] =	vst v0  }
0x250: {  	[tilespmem:$0x25A8] =	vst v0  }
0x251: {  	[tilespmem:$0x25B8] =	vst v0  }
0x252: {  	[tilespmem:$0x25C8] =	vst v0  }
0x253: {  	[tilespmem:$0x25D8] =	vst v0  }
0x254: {  	[tilespmem:$0x25E8] =	vst v0  }
0x255: {  	[tilespmem:$0x25F8] =	vst v0  }
0x256: {  	[tilespmem:$0x2608] =	vst v0  }
0x257: {  	[tilespmem:$0x2618] =	vst v0  }
0x258: {  	[tilespmem:$0x2628] =	vst v0  }
0x259: {  	[tilespmem:$0x2638] =	vst v0  }
0x25a: {  	[tilespmem:$0x2648] =	vst v0  }
0x25b: {  	[tilespmem:$0x2658] =	vst v0  }
0x25c: {  	[tilespmem:$0x2668] =	vst v0  }
0x25d: {  	[tilespmem:$0x2678] =	vst v0  }
0x25e: {  	[tilespmem:$0x2688] =	vst v0  }
0x25f: {  	[tilespmem:$0x2698] =	vst v0  }
0x260: {  	[tilespmem:$0x26A8] =	vst v0  }
0x261: {  	[tilespmem:$0x26B8] =	vst v0  }
0x262: {  	[tilespmem:$0x26C8] =	vst v0  }
0x263: {  	[tilespmem:$0x26D8] =	vst v0  }
0x264: {  	[tilespmem:$0x26E8] =	vst v0  }
0x265: {  	[tilespmem:$0x26F8] =	vst v0  }
0x266: {  	[tilespmem:$0x2708] =	vst v0  }
0x267: {  	[tilespmem:$0x2718] =	vst v0  }
0x268: {  	[tilespmem:$0x2728] =	vst v0  }
0x269: {  	[tilespmem:$0x2738] =	vst v0  }
0x26a: {  	[tilespmem:$0x2748] =	vst v0  }
0x26b: {  	[tilespmem:$0x2758] =	vst v0  }
0x26c: {  	[tilespmem:$0x2768] =	vst v0  }
0x26d: {  	[tilespmem:$0x2778] =	vst v0  }
0x26e: {  	[tilespmem:$0x2788] =	vst v0  }
0x26f: {  	[tilespmem:$0x2798] =	vst v0  }
0x270: {  	[tilespmem:$0x27A8] =	vst v0  }
0x271: {  	[tilespmem:$0x27B8] =	vst v0  }
0x272: {  	[tilespmem:$0x27C8] =	vst v0  }
0x273: {  	[tilespmem:$0x27D8] =	vst v0  }
0x274: {  	[tilespmem:$0x27E8] =	vst v0  }
0x275: {  	[tilespmem:$0x27F8] =	vst v0  }
0x276: {  	[tilespmem:$0x2808] =	vst v0  }
0x277: {  	[tilespmem:$0x2818] =	vst v0  }
0x278: {  	[tilespmem:$0x2828] =	vst v0  }
0x279: {  	[tilespmem:$0x2838] =	vst v0  }
0x27a: {  	[tilespmem:$0x2848] =	vst v0  }
0x27b: {  	[tilespmem:$0x2858] =	vst v0  }
0x27c: {  	[tilespmem:$0x2868] =	vst v0  }
0x27d: {  	[tilespmem:$0x2878] =	vst v0  }
0x27e: {  	[tilespmem:$0x2888] =	vst v0  }
0x27f: {  	[tilespmem:$0x2898] =	vst v0  }
0x280: {  	[tilespmem:$0x28A8] =	vst v0  }
0x281: {  	[tilespmem:$0x28B8] =	vst v0  }
0x282: {  	[tilespmem:$0x28C8] =	vst v0  }
0x283: {  	[tilespmem:$0x28D8] =	vst v0  }
0x284: {  	[tilespmem:$0x28E8] =	vst v0  }
0x285: {  	[tilespmem:$0x28F8] =	vst v0  }
0x286: {  	[tilespmem:$0x2908] =	vst v0  }
0x287: {  	[tilespmem:$0x2918] =	vst v0  }
0x288: {  	[tilespmem:$0x2928] =	vst v0  }
0x289: {  	[tilespmem:$0x2938] =	vst v0  }
0x28a: {  	[tilespmem:$0x2948] =	vst v0  }
0x28b: {  	[tilespmem:$0x2958] =	vst v0  }
0x28c: {  	[tilespmem:$0x2968] =	vst v0  }
0x28d: {  	[tilespmem:$0x2978] =	vst v0  }
0x28e: {  	[tilespmem:$0x2988] =	vst v0  }
0x28f: {  	[tilespmem:$0x2998] =	vst v0  }
0x290: {  	[tilespmem:$0x29A8] =	vst v0  }
0x291: {  	[tilespmem:$0x29B8] =	vst v0  }
0x292: {  	[tilespmem:$0x29C8] =	vst v0  }
0x293: {  	[tilespmem:$0x29D8] =	vst v0  }
0x294: {  	[tilespmem:$0x29E8] =	vst v0  }
0x295: {  	[tilespmem:$0x29F8] =	vst v0  }
0x296: {  	[tilespmem:$0x2A08] =	vst v0  }
0x297: {  	[tilespmem:$0x2A18] =	vst v0  }
0x298: {  	[tilespmem:$0x2A28] =	vst v0  }
0x299: {  	[tilespmem:$0x2A38] =	vst v0  }
0x29a: {  	[tilespmem:$0x2A48] =	vst v0  }
0x29b: {  	[tilespmem:$0x2A58] =	vst v0  }
0x29c: {  	[tilespmem:$0x2A68] =	vst v0  }
0x29d: {  	[tilespmem:$0x2A78] =	vst v0  }
0x29e: {  	[tilespmem:$0x2A88] =	vst v0  }
0x29f: {  	[tilespmem:$0x2A98] =	vst v0  }
0x2a0: {  	[tilespmem:$0x2AA8] =	vst v0  }
0x2a1: {  	[tilespmem:$0x2AB8] =	vst v0  }
0x2a2: {  	[tilespmem:$0x2AC8] =	vst v0  }
0x2a3: {  	[tilespmem:$0x2AD8] =	vst v0  }
0x2a4: {  	[tilespmem:$0x2AE8] =	vst v0  }
0x2a5: {  	[tilespmem:$0x2AF8] =	vst v0  }
0x2a6: {  	[tilespmem:$0x2B08] =	vst v0  }
0x2a7: {  	[tilespmem:$0x2B18] =	vst v0  }
0x2a8: {  	[tilespmem:$0x2B28] =	vst v0  }
0x2a9: {  	[tilespmem:$0x2B38] =	vst v0  }
0x2aa: {  	[tilespmem:$0x2B48] =	vst v0  }
0x2ab: {  	[tilespmem:$0x2B58] =	vst v0  }
0x2ac: {  	[tilespmem:$0x2B68] =	vst v0  }
0x2ad: {  	[tilespmem:$0x2B78] =	vst v0  }
0x2ae: {  	[tilespmem:$0x2B88] =	vst v0  }
0x2af: {  	[tilespmem:$0x2B98] =	vst v0  }
0x2b0: {  	[tilespmem:$0x2BA8] =	vst v0  }
0x2b1: {  	[tilespmem:$0x2BB8] =	vst v0  }
0x2b2: {  	[tilespmem:$0x2BC8] =	vst v0  }
0x2b3: {  	[tilespmem:$0x2BD8] =	vst v0  }
0x2b4: {  	[tilespmem:$0x2BE8] =	vst v0  }
0x2b5: {  	[tilespmem:$0x2BF8] =	vst v0  }
0x2b6: {  	[tilespmem:$0x2C08] =	vst v0  }
0x2b7: {  	[tilespmem:$0x2C18] =	vst v0  }
0x2b8: {  	[tilespmem:$0x2C28] =	vst v0  }
0x2b9: {  	[tilespmem:$0x2C38] =	vst v0  }
0x2ba: {  	[tilespmem:$0x2C48] =	vst v0  }
0x2bb: {  	[tilespmem:$0x2C58] =	vst v0  }
0x2bc: {  	[tilespmem:$0x2C68] =	vst v0  }
0x2bd: {  	[tilespmem:$0x2C78] =	vst v0  }
0x2be: {  	[tilespmem:$0x2C88] =	vst v0  }
0x2bf: {  	[tilespmem:$0x2C98] =	vst v0  }
0x2c0: {  	[tilespmem:$0x2CA8] =	vst v0  }
0x2c1: {  	[tilespmem:$0x2CB8] =	vst v0  }
0x2c2: {  	[tilespmem:$0x2CC8] =	vst v0  }
0x2c3: {  	[tilespmem:$0x2CD8] =	vst v0  }
0x2c4: {  	[tilespmem:$0x2CE8] =	vst v0  }
0x2c5: {  	[tilespmem:$0x2CF8] =	vst v0  }
0x2c6: {  	[tilespmem:$0x2D08] =	vst v0  }
0x2c7: {  	[tilespmem:$0x2D18] =	vst v0  }
0x2c8: {  	[tilespmem:$0x2D28] =	vst v0  }
0x2c9: {  	[tilespmem:$0x2D38] =	vst v0  }
0x2ca: {  	[tilespmem:$0x2D48] =	vst v0  }
0x2cb: {  	[tilespmem:$0x2D58] =	vst v0  }
0x2cc: {  	[tilespmem:$0x2D68] =	vst v0  }
0x2cd: {  	[tilespmem:$0x2D78] =	vst v0  }
0x2ce: {  	[tilespmem:$0x2D88] =	vst v0  }
0x2cf: {  	[tilespmem:$0x2D98] =	vst v0  }
0x2d0: {  	[tilespmem:$0x2DA8] =	vst v0  }
0x2d1: {  	[tilespmem:$0x2DB8] =	vst v0  }
0x2d2: {  	[tilespmem:$0x2DC8] =	vst v0  }
0x2d3: {  	[tilespmem:$0x2DD8] =	vst v0  }
0x2d4: {  	[tilespmem:$0x2DE8] =	vst v0  }
0x2d5: {  	[tilespmem:$0x2DF8] =	vst v0  }
0x2d6: {  	[tilespmem:$0x2E08] =	vst v0  }
0x2d7: {  	[tilespmem:$0x2E18] =	vst v0  }
0x2d8: {  	[tilespmem:$0x2E28] =	vst v0  }
0x2d9: {  	[tilespmem:$0x2E38] =	vst v0  }
0x2da: {  	[tilespmem:$0x2E48] =	vst v0  }
0x2db: {  	[tilespmem:$0x2E58] =	vst v0  }
0x2dc: {  	[tilespmem:$0x2E68] =	vst v0  }
0x2dd: {  	[tilespmem:$0x2E78] =	vst v0  }
0x2de: {  	[tilespmem:$0x2E88] =	vst v0  }
0x2df: {  	[tilespmem:$0x2E98] =	vst v0  }
0x2e0: {  	[tilespmem:$0x2EA8] =	vst v0  }
0x2e1: {  	[tilespmem:$0x2EB8] =	vst v0  }
0x2e2: {  	[tilespmem:$0x2EC8] =	vst v0  }
0x2e3: {  	[tilespmem:$0x2ED8] =	vst v0  }
0x2e4: {  	[tilespmem:$0x2EE8] =	vst v0  }
0x2e5: {  	[tilespmem:$0x2EF8] =	vst v0  }
0x2e6: {  	[tilespmem:$0x2F08] =	vst v0  }
0x2e7: {  	[tilespmem:$0x2F18] =	vst v0  }
0x2e8: {  	[tilespmem:$0x2F28] =	vst v0  }
0x2e9: {  	[tilespmem:$0x2F38] =	vst v0  }
0x2ea: {  	[tilespmem:$0x2F48] =	vst v0  }
0x2eb: {  	[tilespmem:$0x2F58] =	vst v0  }
0x2ec: {  	[tilespmem:$0x2F68] =	vst v0  }
0x2ed: {  	[tilespmem:$0x2F78] =	vst v0  }
0x2ee: {  	[tilespmem:$0x2F88] =	vst v0  }
0x2ef: {  	[tilespmem:$0x2F98] =	vst v0  }
0x2f0: {  	[tilespmem:$0x2FA8] =	vst v0  }
0x2f1: {  	[tilespmem:$0x2FB8] =	vst v0  }
0x2f2: {  	[tilespmem:$0x2FC8] =	vst v0  }
0x2f3: {  	[tilespmem:$0x2FD8] =	vst v0  }
0x2f4: {  	[tilespmem:$0x2FE8] =	vst v0  }
0x2f5: {  	[tilespmem:$0x2FF8] =	vst v0  }
0x2f6: {  	[tilespmem:$0x3008] =	vst v0  }
0x2f7: {  	[tilespmem:$0x3018] =	vst v0  }
0x2f8: {  	[tilespmem:$0x3028] =	vst v0  }
0x2f9: {  	[tilespmem:$0x3038] =	vst v0  }
0x2fa: {  	[tilespmem:$0x3048] =	vst v0  }
0x2fb: {  	[tilespmem:$0x3058] =	vst v0  }
0x2fc: {  	[tilespmem:$0x3068] =	vst v0  }
0x2fd: {  	[tilespmem:$0x3078] =	vst v0  }
0x2fe: {  	[tilespmem:$0x3088] =	vst v0  }
0x2ff: {  	[tilespmem:$0x3098] =	vst v0  }
0x300: {  	[tilespmem:$0x30A8] =	vst v0  }
0x301: {  	[tilespmem:$0x30B8] =	vst v0  }
0x302: {  	[tilespmem:$0x30C8] =	vst v0  }
0x303: {  	[tilespmem:$0x30D8] =	vst v0  }
0x304: {  	[tilespmem:$0x30E8] =	vst v0  }
0x305: {  	[tilespmem:$0x30F8] =	vst v0  }
0x306: {  	[tilespmem:$0x3108] =	vst v0  }
0x307: {  	[tilespmem:$0x3118] =	vst v0  }
0x308: {  	[tilespmem:$0x3128] =	vst v0  }
0x309: {  	[tilespmem:$0x3138] =	vst v0  }
0x30a: {  	[tilespmem:$0x3148] =	vst v0  }
0x30b: {  	[tilespmem:$0x3158] =	vst v0  }
0x30c: {  	[tilespmem:$0x3168] =	vst v0  }
0x30d: {  	[tilespmem:$0x3178] =	vst v0  }
0x30e: {  	[tilespmem:$0x3188] =	vst v0  }
0x30f: {  	[tilespmem:$0x3198] =	vst v0  }
0x310: {  	[tilespmem:$0x31A8] =	vst v0  }
0x311: {  	[tilespmem:$0x31B8] =	vst v0  }
0x312: {  	[tilespmem:$0x31C8] =	vst v0  }
0x313: {  	[tilespmem:$0x31D8] =	vst v0  }
0x314: {  	[tilespmem:$0x31E8] =	vst v0  }
0x315: {  	[tilespmem:$0x31F8] =	vst v0  }
0x316: {  	[tilespmem:$0x3208] =	vst v0  }
0x317: {  	[tilespmem:$0x3218] =	vst v0  }
0x318: {  	[tilespmem:$0x3228] =	vst v0  }
0x319: {  	[tilespmem:$0x3238] =	vst v0  }
0x31a: {  	[tilespmem:$0x3248] =	vst v0  }
0x31b: {  	[tilespmem:$0x3258] =	vst v0  }
0x31c: {  	[tilespmem:$0x3268] =	vst v0  }
0x31d: {  	[tilespmem:$0x3278] =	vst v0  }
0x31e: {  	[tilespmem:$0x3288] =	vst v0  }
0x31f: {  	[tilespmem:$0x3298] =	vst v0  }
0x320: {  	[tilespmem:$0x32A8] =	vst v0  }
0x321: {  	[tilespmem:$0x32B8] =	vst v0  }
0x322: {  	[tilespmem:$0x32C8] =	vst v0  }
0x323: {  	[tilespmem:$0x32D8] =	vst v0  }
0x324: {  	[tilespmem:$0x32E8] =	vst v0  }
0x325: {  	[tilespmem:$0x32F8] =	vst v0  }
0x326: {  	[tilespmem:$0x3308] =	vst v0  }
0x327: {  	[tilespmem:$0x3318] =	vst v0  }
0x328: {  	[tilespmem:$0x3328] =	vst v0  }
0x329: {  	[tilespmem:$0x3338] =	vst v0  }
0x32a: {  	[tilespmem:$0x3348] =	vst v0  }
0x32b: {  	[tilespmem:$0x3358] =	vst v0  }
0x32c: {  	[tilespmem:$0x3368] =	vst v0  }
0x32d: {  	[tilespmem:$0x3378] =	vst v0  }
0x32e: {  	[tilespmem:$0x3388] =	vst v0  }
0x32f: {  	[tilespmem:$0x3398] =	vst v0  }
0x330: {  	[tilespmem:$0x33C8] =	vst v0  }
0x331: {  	[tilespmem:$0x33D8] =	vst v0  }
0x332: {  	[tilespmem:$0x33E8] =	vst v0  }
0x333: {  	[tilespmem:$0x33F8] =	vst v0  }
0x334: {  	[tilespmem:$0x3408] =	vst v0  }
0x335: {  	[tilespmem:$0x3418] =	vst v0  }
0x336: {  	[tilespmem:$0x3428] =	vst v0  }
0x337: {  	[tilespmem:$0x3438] =	vst v0  }
0x338: {  	[tilespmem:$0x3448] =	vst v0  }
0x339: {  	[tilespmem:$0x3458] =	vst v0  }
0x33a: {  	[tilespmem:$0x3468] =	vst v0  }
0x33b: {  	[tilespmem:$0x3478] =	vst v0  }
0x33c: {  	[tilespmem:$0x3488] =	vst v0  }
0x33d: {  	[tilespmem:$0x3498] =	vst v0  }
0x33e: {  	[tilespmem:$0x34A8] =	vst v0  }
0x33f: {  	[tilespmem:$0x34B8] =	vst v0  }
0x340: {  	[tilespmem:$0x34C8] =	vst v0  }
0x341: {  	[tilespmem:$0x34D8] =	vst v0  }
0x342: {  	[tilespmem:$0x34E8] =	vst v0  }
0x343: {  	[tilespmem:$0x34F8] =	vst v0  }
0x344: {  	[tilespmem:$0x3508] =	vst v0  }
0x345: {  	[tilespmem:$0x3518] =	vst v0  }
0x346: {  	[tilespmem:$0x3528] =	vst v0  }
0x347: {  	[tilespmem:$0x3538] =	vst v0  }
0x348: {  	[tilespmem:$0x3548] =	vst v0  }
0x349: {  	[tilespmem:$0x3558] =	vst v0  }
0x34a: {  	[tilespmem:$0x3568] =	vst v0  }
0x34b: {  	[tilespmem:$0x3578] =	vst v0  }
0x34c: {  	[tilespmem:$0x3588] =	vst v0  }
0x34d: {  	[tilespmem:$0x3598] =	vst v0  }
0x34e: {  	[tilespmem:$0x35A8] =	vst v0  }
0x34f: {  	[tilespmem:$0x35B8] =	vst v0  }
0x350: {  	[tilespmem:$0x35C8] =	vst v0  }
0x351: {  	[tilespmem:$0x35D8] =	vst v0  }
0x352: {  	[tilespmem:$0x35E8] =	vst v0  }
0x353: {  	[tilespmem:$0x35F8] =	vst v0  }
0x354: {  	[tilespmem:$0x3608] =	vst v0  }
0x355: {  	[tilespmem:$0x3618] =	vst v0  }
0x356: {  	[tilespmem:$0x3628] =	vst v0  }
0x357: {  	[tilespmem:$0x3638] =	vst v0  }
0x358: {  	[tilespmem:$0x3648] =	vst v0  }
0x359: {  	[tilespmem:$0x3658] =	vst v0  }
0x35a: {  	[tilespmem:$0x3668] =	vst v0  }
0x35b: {  	[tilespmem:$0x3678] =	vst v0  }
0x35c: {  	[tilespmem:$0x3688] =	vst v0  }
0x35d: {  	[tilespmem:$0x3698] =	vst v0  }
0x35e: {  	[tilespmem:$0x36A8] =	vst v0  }
0x35f: {  	[tilespmem:$0x36B8] =	vst v0  }
0x360: {  	[tilespmem:$0x36C8] =	vst v0  }
0x361: {  	[tilespmem:$0x36D8] =	vst v0  }
0x362: {  	[tilespmem:$0x36E8] =	vst v0  }
0x363: {  	[tilespmem:$0x36F8] =	vst v0  }
0x364: {  	[tilespmem:$0x3708] =	vst v0  }
0x365: {  	[tilespmem:$0x3718] =	vst v0  }
0x366: {  	[tilespmem:$0x3728] =	vst v0  }
0x367: {  	[tilespmem:$0x3738] =	vst v0  }
0x368: {  	[tilespmem:$0x3748] =	vst v0  }
0x369: {  	[tilespmem:$0x3758] =	vst v0  }
0x36a: {  	[tilespmem:$0x3768] =	vst v0  }
0x36b: {  	[tilespmem:$0x3778] =	vst v0  }
0x36c: {  	[tilespmem:$0x3788] =	vst v0  }
0x36d: {  	[tilespmem:$0x3798] =	vst v0  }
0x36e: {  	[tilespmem:$0x37A8] =	vst v0  }
0x36f: {  	[tilespmem:$0x37B8] =	vst v0  }
0x370: {  	[tilespmem:$0x37C8] =	vst v0  }
0x371: {  	[tilespmem:$0x37D8] =	vst v0  }
0x372: {  	[tilespmem:$0x37E8] =	vst v0  }
0x373: {  	[tilespmem:$0x37F8] =	vst v0  }
0x374: {  	[tilespmem:$0x3808] =	vst v0  }
0x375: {  	[tilespmem:$0x3818] =	vst v0  }
0x376: {  	[tilespmem:$0x3828] =	vst v0  }
0x377: {  	[tilespmem:$0x3838] =	vst v0  }
0x378: {  	[tilespmem:$0x3848] =	vst v0  }
0x379: {  	[tilespmem:$0x3858] =	vst v0  }
0x37a: {  	[tilespmem:$0x3868] =	vst v0  }
0x37b: {  	[tilespmem:$0x3878] =	vst v0  }
0x37c: {  	[tilespmem:$0x3888] =	vst v0  }
0x37d: {  	[tilespmem:$0x3898] =	vst v0  }
0x37e: {  	[tilespmem:$0x38A8] =	vst v0  }
0x37f: {  	[tilespmem:$0x38B8] =	vst v0  }
0x380: {  	[tilespmem:$0x38C8] =	vst v0  }
0x381: {  	[tilespmem:$0x38D8] =	vst v0  }
0x382: {  	[tilespmem:$0x38E8] =	vst v0  }
0x383: {  	[tilespmem:$0x38F8] =	vst v0  }
0x384: {  	[tilespmem:$0x3908] =	vst v0  }
0x385: {  	[tilespmem:$0x3918] =	vst v0  }
0x386: {  	[tilespmem:$0x3928] =	vst v0  }
0x387: {  	[tilespmem:$0x3938] =	vst v0  }
0x388: {  	[tilespmem:$0x3948] =	vst v0  }
0x389: {  	[tilespmem:$0x3958] =	vst v0  }
0x38a: {  	[tilespmem:$0x3968] =	vst v0  }
0x38b: {  	[tilespmem:$0x3978] =	vst v0  }
0x38c: {  	[tilespmem:$0x3988] =	vst v0  }
0x38d: {  	[tilespmem:$0x3998] =	vst v0  }
0x38e: {  	[tilespmem:$0x39A8] =	vst v0  }
0x38f: {  	[tilespmem:$0x39B8] =	vst v0  }
0x390: {  	[tilespmem:$0x39C8] =	vst v0  }
0x391: {  	[tilespmem:$0x39D8] =	vst v0  }
0x392: {  	[tilespmem:$0x39E8] =	vst v0  }
0x393: {  	[tilespmem:$0x39F8] =	vst v0  }
0x394: {  	[tilespmem:$0x3A08] =	vst v0  }
0x395: {  	[tilespmem:$0x3A18] =	vst v0  }
0x396: {  	[tilespmem:$0x3A28] =	vst v0  }
0x397: {  	[tilespmem:$0x3A38] =	vst v0  }
0x398: {  	[tilespmem:$0x3A48] =	vst v0  }
0x399: {  	[tilespmem:$0x3A58] =	vst v0  }
0x39a: {  	[tilespmem:$0x3A68] =	vst v0  }
0x39b: {  	[tilespmem:$0x3A78] =	vst v0  }
0x39c: {  	[tilespmem:$0x3A88] =	vst v0  }
0x39d: {  	[tilespmem:$0x3A98] =	vst v0  }
0x39e: {  	[tilespmem:$0x3AA8] =	vst v0  }
0x39f: {  	[tilespmem:$0x3AB8] =	vst v0  }
0x3a0: {  	[tilespmem:$0x3AC8] =	vst v0  }
0x3a1: {  	[tilespmem:$0x3AD8] =	vst v0  }
0x3a2: {  	[tilespmem:$0x3AE8] =	vst v0  }
0x3a3: {  	[tilespmem:$0x3AF8] =	vst v0  }
0x3a4: {  	[tilespmem:$0x3B08] =	vst v0  }
0x3a5: {  	[tilespmem:$0x3B18] =	vst v0  }
0x3a6: {  	[tilespmem:$0x3B28] =	vst v0  }
0x3a7: {  	[tilespmem:$0x3B38] =	vst v0  }
0x3a8: {  	[tilespmem:$0x3B48] =	vst v0  }
0x3a9: {  	[tilespmem:$0x3B58] =	vst v0  }
0x3aa: {  	[tilespmem:$0x3B68] =	vst v0  }
0x3ab: {  	[tilespmem:$0x3B78] =	vst v0  }
0x3ac: {  	[tilespmem:$0x3B88] =	vst v0  }
0x3ad: {  	[tilespmem:$0x3B98] =	vst v0  }
0x3ae: {  	[tilespmem:$0x3BA8] =	vst v0  }
0x3af: {  	[tilespmem:$0x3BB8] =	vst v0  }
0x3b0: {  	[tilespmem:$0x3BC8] =	vst v0  }
0x3b1: {  	[tilespmem:$0x3BD8] =	vst v0  }
0x3b2: {  	[tilespmem:$0x3BE8] =	vst v0  }
0x3b3: {  	[tilespmem:$0x3BF8] =	vst v0  }
0x3b4: {  	[tilespmem:$0x3C08] =	vst v0  }
0x3b5: {  	[tilespmem:$0x3C18] =	vst v0  }
0x3b6: {  	[tilespmem:$0x3C28] =	vst v0  }
0x3b7: {  	[tilespmem:$0x3C38] =	vst v0  }
0x3b8: {  	[tilespmem:$0x3C48] =	vst v0  }
0x3b9: {  	[tilespmem:$0x3C58] =	vst v0  }
0x3ba: {  	[tilespmem:$0x3C68] =	vst v0  }
0x3bb: {  	[tilespmem:$0x3C78] =	vst v0  }
0x3bc: {  	[tilespmem:$0x3C88] =	vst v0  }
0x3bd: {  	[tilespmem:$0x3C98] =	vst v0  }
0x3be: {  	[tilespmem:$0x3CA8] =	vst v0  }
0x3bf: {  	[tilespmem:$0x3CB8] =	vst v0  }
0x3c0: {  	[tilespmem:$0x3CC8] =	vst v0  }
0x3c1: {  	[tilespmem:$0x3CD8] =	vst v0  }
0x3c2: {  	[tilespmem:$0x3CE8] =	vst v0  }
0x3c3: {  	[tilespmem:$0x3CF8] =	vst v0  }
0x3c4: {  	[tilespmem:$0x3D08] =	vst v0  }
0x3c5: {  	[tilespmem:$0x3D18] =	vst v0  }
0x3c6: {  	[tilespmem:$0x3D28] =	vst v0  }
0x3c7: {  	[tilespmem:$0x3D38] =	vst v0  }
0x3c8: {  	[tilespmem:$0x3D48] =	vst v0  }
0x3c9: {  	[tilespmem:$0x3D58] =	vst v0  }
0x3ca: {  	[tilespmem:$0x3D68] =	vst v0  }
0x3cb: {  	[tilespmem:$0x3D78] =	vst v0  }
0x3cc: {  	[tilespmem:$0x3D88] =	vst v0  }
0x3cd: {  	[tilespmem:$0x3D98] =	vst v0  }
0x3ce: {  	[tilespmem:$0x3DA8] =	vst v0  }
0x3cf: {  	[tilespmem:$0x3DB8] =	vst v0  }
0x3d0: {  	[tilespmem:$0x3DC8] =	vst v0  }
0x3d1: {  	[tilespmem:$0x3DD8] =	vst v0  }
0x3d2: {  	[tilespmem:$0x3DE8] =	vst v0  }
0x3d3: {  	[tilespmem:$0x3DF8] =	vst v0  }
0x3d4: {  	[tilespmem:$0x3E08] =	vst v0  }
0x3d5: {  	[tilespmem:$0x3E18] =	vst v0  }
0x3d6: {  	[tilespmem:$0x3E28] =	vst v0  }
0x3d7: {  	[tilespmem:$0x3E38] =	vst v0  }
0x3d8: {  	[tilespmem:$0x3E48] =	vst v0  }
0x3d9: {  	[tilespmem:$0x3E58] =	vst v0  }
0x3da: {  	[tilespmem:$0x3E68] =	vst v0  }
0x3db: {  	[tilespmem:$0x3E78] =	vst v0  }
0x3dc: {  	[tilespmem:$0x3E88] =	vst v0  }
0x3dd: {  	[tilespmem:$0x3E98] =	vst v0  }
0x3de: {  	[tilespmem:$0x3EA8] =	vst v0  }
0x3df: {  	[tilespmem:$0x3EB8] =	vst v0  }
0x3e0: {  	[tilespmem:$0x3EC8] =	vst v0  }
0x3e1: {  	[tilespmem:$0x3ED8] =	vst v0  }
0x3e2: {  	[tilespmem:$0x3EE8] =	vst v0  }
0x3e3: {  	[tilespmem:$0x3EF8] =	vst v0  }
0x3e4: {  	[tilespmem:$0x3F08] =	vst v0  }
0x3e5: {  	[tilespmem:$0x3F18] =	vst v0  }
0x3e6: {  	[tilespmem:$0x3F28] =	vst v0  }
0x3e7: {  	[tilespmem:$0x3F38] =	vst v0  }
0x3e8: {  	[tilespmem:$0x3F48] =	vst v0  }
0x3e9: {  	[tilespmem:$0x3F58] =	vst v0  }
0x3ea: {  	[tilespmem:$0x3F68] =	vst v0  }
0x3eb: {  	[tilespmem:$0x3F78] =	vst v0  }
0x3ec: {  	[tilespmem:$0x3F88] =	vst v0  }
0x3ed: {  	[tilespmem:$0x3F98] =	vst v0  }
0x3ee: {  	[tilespmem:$0x3FA8] =	vst v0  }
0x3ef: {  	[tilespmem:$0x3FB8] =	vst v0  }
0x3f0: {  	[tilespmem:$0x3FC8] =	vst v0  }
0x3f1: {  	[tilespmem:$0x3FD8] =	vst v0  }
0x3f2: {  	[tilespmem:$0x3FE8] =	vst v0  }
0x3f3: {  	[tilespmem:$0x3FF8] =	vst v0  }
0x3f4: {  	[tilespmem:$0x4008] =	vst v0  }
0x3f5: {  	[tilespmem:$0x4018] =	vst v0  }
0x3f6: {  	[tilespmem:$0x4028] =	vst v0  }
0x3f7: {  	[tilespmem:$0x4038] =	vst v0  }
0x3f8: {  	[tilespmem:$0x4048] =	vst v0  }
0x3f9: {  	[tilespmem:$0x4058] =	vst v0  }
0x3fa: {  	[tilespmem:$0x4068] =	vst v0  }
0x3fb: {  	[tilespmem:$0x4078] =	vst v0  }
0x3fc: {  	[tilespmem:$0x4088] =	vst v0  }
0x3fd: {  	[tilespmem:$0x4098] =	vst v0  }
0x3fe: {  	[tilespmem:$0x40A8] =	vst v0  }
0x3ff: {  	[tilespmem:$0x40B8] =	vst v0  }
0x400: {  	[tilespmem:$0x40C8] =	vst v0  }
0x401: {  	[tilespmem:$0x40D8] =	vst v0  }
0x402: {  	[tilespmem:$0x40E8] =	vst v0  }
0x403: {  	[tilespmem:$0x40F8] =	vst v0  }
0x404: {  	[tilespmem:$0x4108] =	vst v0  }
0x405: {  	[tilespmem:$0x4118] =	vst v0  }
0x406: {  	[tilespmem:$0x4128] =	vst v0  }
0x407: {  	[tilespmem:$0x4138] =	vst v0  }
0x408: {  	[tilespmem:$0x4148] =	vst v0  }
0x409: {  	[tilespmem:$0x4158] =	vst v0  }
0x40a: {  	[tilespmem:$0x4168] =	vst v0  }
0x40b: {  	[tilespmem:$0x4178] =	vst v0  }
0x40c: {  	[tilespmem:$0x4188] =	vst v0  }
0x40d: {  	[tilespmem:$0x4198] =	vst v0  }
0x40e: {  	[tilespmem:$0x41A8] =	vst v0  }
0x40f: {  	[tilespmem:$0x41B8] =	vst v0  }
0x410: {  	[tilespmem:$0x41C8] =	vst v0  }
0x411: {  	[tilespmem:$0x41D8] =	vst v0  }
0x412: {  	[tilespmem:$0x41E8] =	vst v0  }
0x413: {  	[tilespmem:$0x41F8] =	vst v0  }
0x414: {  	[tilespmem:$0x4208] =	vst v0  }
0x415: {  	[tilespmem:$0x4218] =	vst v0  }
0x416: {  	[tilespmem:$0x4228] =	vst v0  }
0x417: {  	[tilespmem:$0x4238] =	vst v0  }
0x418: {  	[tilespmem:$0x4248] =	vst v0  }
0x419: {  	[tilespmem:$0x4258] =	vst v0  }
0x41a: {  	[tilespmem:$0x4268] =	vst v0  }
0x41b: {  	[tilespmem:$0x4278] =	vst v0  }
0x41c: {  	[tilespmem:$0x4288] =	vst v0  }
0x41d: {  	[tilespmem:$0x4298] =	vst v0  }
0x41e: {  	[tilespmem:$0x42A8] =	vst v0  }
0x41f: {  	[tilespmem:$0x42B8] =	vst v0  }
0x420: {  	[tilespmem:$0x42C8] =	vst v0  }
0x421: {  	[tilespmem:$0x42D8] =	vst v0  }
0x422: {  	[tilespmem:$0x42E8] =	vst v0  }
0x423: {  	[tilespmem:$0x42F8] =	vst v0  }
0x424: {  	[tilespmem:$0x4308] =	vst v0  }
0x425: {  	[tilespmem:$0x4318] =	vst v0  }
0x426: {  	[tilespmem:$0x4328] =	vst v0  }
0x427: {  	[tilespmem:$0x4338] =	vst v0  }
0x428: {  	[tilespmem:$0x4348] =	vst v0  }
0x429: {  	[tilespmem:$0x4358] =	vst v0  }
0x42a: {  	[tilespmem:$0x4368] =	vst v0  }
0x42b: {  	[tilespmem:$0x4378] =	vst v0  }
0x42c: {  	[tilespmem:$0x4388] =	vst v0  }
0x42d: {  	[tilespmem:$0x4398] =	vst v0  }
0x42e: {  	[tilespmem:$0x43A8] =	vst v0  }
0x42f: {  	[tilespmem:$0x43B8] =	vst v0  }
0x430: {  	[tilespmem:$0x4468] =	vst v0  }
0x431: {  	[tilespmem:$0x52A8] =	vst v0  }
0x432: {  	[tilespmem:$0x5298] =	vst v0  }
0x433: {  	[tilespmem:$0x4408] =	vst v0  }
0x434: {  	[tilespmem:$0x5288] =	vst v0  }
0x435: {  	[tilespmem:$0x5278] =	vst v0  }
0x436: {  	[tilespmem:$0x5268] =	vst v0  }
0x437: {  	[tilespmem:$0x5258] =	vst v0  }
0x438: {  	[tilespmem:$0x5248] =	vst v0  }
0x439: {  	[tilespmem:$0x5238] =	vst v0  }
0x43a: {  	[tilespmem:$0x5228] =	vst v0  }
0x43b: {  	[tilespmem:$0x5218] =	vst v0  }
0x43c: {  	[tilespmem:$0x5208] =	vst v0  }
0x43d: {  	[tilespmem:$0x51F8] =	vst v0  }
0x43e: {  	[tilespmem:$0x51E8] =	vst v0  }
0x43f: {  	[tilespmem:$0x51D8] =	vst v0  }
0x440: {  	[tilespmem:$0x51C8] =	vst v0  }
0x441: {  	[tilespmem:$0x51B8] =	vst v0  }
0x442: {  	[tilespmem:$0x51A8] =	vst v0  }
0x443: {  	[tilespmem:$0x5198] =	vst v0  }
0x444: {  	[tilespmem:$0x5188] =	vst v0  }
0x445: {  	[tilespmem:$0x5178] =	vst v0  }
0x446: {  	[tilespmem:$0x5168] =	vst v0  }
0x447: {  	[tilespmem:$0x5158] =	vst v0  }
0x448: {  	[tilespmem:$0x5148] =	vst v0  }
0x449: {  	[tilespmem:$0x5138] =	vst v0  }
0x44a: {  	[tilespmem:$0x5128] =	vst v0  }
0x44b: {  	[tilespmem:$0x5118] =	vst v0  }
0x44c: {  	[tilespmem:$0x5108] =	vst v0  }
0x44d: {  	[tilespmem:$0x50F8] =	vst v0  }
0x44e: {  	[tilespmem:$0x50E8] =	vst v0  }
0x44f: {  	[tilespmem:$0x50D8] =	vst v0  }
0x450: {  	[tilespmem:$0x50C8] =	vst v0  }
0x451: {  	[tilespmem:$0x50B8] =	vst v0  }
0x452: {  	[tilespmem:$0x50A8] =	vst v0  }
0x453: {  	[tilespmem:$0x5098] =	vst v0  }
0x454: {  	[tilespmem:$0x5088] =	vst v0  }
0x455: {  	[tilespmem:$0x5078] =	vst v0  }
0x456: {  	[tilespmem:$0x5068] =	vst v0  }
0x457: {  	[tilespmem:$0x5058] =	vst v0  }
0x458: {  	[tilespmem:$0x5048] =	vst v0  }
0x459: {  	[tilespmem:$0x5038] =	vst v0  }
0x45a: {  	[tilespmem:$0x5028] =	vst v0  }
0x45b: {  	[tilespmem:$0x5018] =	vst v0  }
0x45c: {  	[tilespmem:$0x5008] =	vst v0  }
0x45d: {  	[tilespmem:$0x4FF8] =	vst v0  }
0x45e: {  	[tilespmem:$0x4FE8] =	vst v0  }
0x45f: {  	[tilespmem:$0x4FD8] =	vst v0  }
0x460: {  	[tilespmem:$0x4FC8] =	vst v0  }
0x461: {  	[tilespmem:$0x4FB8] =	vst v0  }
0x462: {  	[tilespmem:$0x4FA8] =	vst v0  }
0x463: {  	[tilespmem:$0x4F98] =	vst v0  }
0x464: {  	[tilespmem:$0x4F88] =	vst v0  }
0x465: {  	[tilespmem:$0x4F78] =	vst v0  }
0x466: {  	[tilespmem:$0x4F68] =	vst v0  }
0x467: {  	[tilespmem:$0x4F58] =	vst v0  }
0x468: {  	[tilespmem:$0x4F48] =	vst v0  }
0x469: {  	[tilespmem:$0x4F38] =	vst v0  }
0x46a: {  	[tilespmem:$0x4F28] =	vst v0  }
0x46b: {  	[tilespmem:$0x4F18] =	vst v0  }
0x46c: {  	[tilespmem:$0x4F08] =	vst v0  }
0x46d: {  	[tilespmem:$0x4EF8] =	vst v0  }
0x46e: {  	[tilespmem:$0x4EE8] =	vst v0  }
0x46f: {  	[tilespmem:$0x4ED8] =	vst v0  }
0x470: {  	[tilespmem:$0x4EC8] =	vst v0  }
0x471: {  	[tilespmem:$0x4EB8] =	vst v0  }
0x472: {  	[tilespmem:$0x4EA8] =	vst v0  }
0x473: {  	[tilespmem:$0x4E98] =	vst v0  }
0x474: {  	[tilespmem:$0x4E88] =	vst v0  }
0x475: {  	[tilespmem:$0x4E78] =	vst v0  }
0x476: {  	[tilespmem:$0x4E68] =	vst v0  }
0x477: {  	[tilespmem:$0x4E58] =	vst v0  }
0x478: {  	[tilespmem:$0x4E48] =	vst v0  }
0x479: {  	[tilespmem:$0x4E38] =	vst v0  }
0x47a: {  	[tilespmem:$0x4E28] =	vst v0  }
0x47b: {  	[tilespmem:$0x4E18] =	vst v0  }
0x47c: {  	[tilespmem:$0x4E08] =	vst v0  }
0x47d: {  	[tilespmem:$0x4DF8] =	vst v0  }
0x47e: {  	[tilespmem:$0x4DE8] =	vst v0  }
0x47f: {  	[tilespmem:$0x4DD8] =	vst v0  }
0x480: {  	[tilespmem:$0x4DC8] =	vst v0  }
0x481: {  	[tilespmem:$0x4DB8] =	vst v0  }
0x482: {  	[tilespmem:$0x4DA8] =	vst v0  }
0x483: {  	[tilespmem:$0x4D98] =	vst v0  }
0x484: {  	[tilespmem:$0x4D88] =	vst v0  }
0x485: {  	[tilespmem:$0x4D78] =	vst v0  }
0x486: {  	[tilespmem:$0x4D68] =	vst v0  }
0x487: {  	[tilespmem:$0x4D58] =	vst v0  }
0x488: {  	[tilespmem:$0x4D48] =	vst v0  }
0x489: {  	[tilespmem:$0x4D38] =	vst v0  }
0x48a: {  	[tilespmem:$0x4D28] =	vst v0  }
0x48b: {  	[tilespmem:$0x4D18] =	vst v0  }
0x48c: {  	[tilespmem:$0x4D08] =	vst v0  }
0x48d: {  	[tilespmem:$0x4CF8] =	vst v0  }
0x48e: {  	[tilespmem:$0x4CE8] =	vst v0  }
0x48f: {  	[tilespmem:$0x4CD8] =	vst v0  }
0x490: {  	[tilespmem:$0x4CC8] =	vst v0  }
0x491: {  	[tilespmem:$0x4CB8] =	vst v0  }
0x492: {  	[tilespmem:$0x4CA8] =	vst v0  }
0x493: {  	[tilespmem:$0x4C98] =	vst v0  }
0x494: {  	[tilespmem:$0x4C88] =	vst v0  }
0x495: {  	[tilespmem:$0x4C78] =	vst v0  }
0x496: {  	[tilespmem:$0x4C68] =	vst v0  }
0x497: {  	[tilespmem:$0x4C58] =	vst v0  }
0x498: {  	[tilespmem:$0x4C48] =	vst v0  }
0x499: {  	[tilespmem:$0x4C38] =	vst v0  }
0x49a: {  	[tilespmem:$0x4C28] =	vst v0  }
0x49b: {  	[tilespmem:$0x4C18] =	vst v0  }
0x49c: {  	[tilespmem:$0x4C08] =	vst v0  }
0x49d: {  	[tilespmem:$0x4BF8] =	vst v0  }
0x49e: {  	[tilespmem:$0x4BE8] =	vst v0  }
0x49f: {  	[tilespmem:$0x4BD8] =	vst v0  }
0x4a0: {  	[tilespmem:$0x4BC8] =	vst v0  }
0x4a1: {  	[tilespmem:$0x4BB8] =	vst v0  }
0x4a2: {  	[tilespmem:$0x4BA8] =	vst v0  }
0x4a3: {  	[tilespmem:$0x4B98] =	vst v0  }
0x4a4: {  	[tilespmem:$0x4B88] =	vst v0  }
0x4a5: {  	[tilespmem:$0x4B78] =	vst v0  }
0x4a6: {  	[tilespmem:$0x4B68] =	vst v0  }
0x4a7: {  	[tilespmem:$0x4B58] =	vst v0  }
0x4a8: {  	[tilespmem:$0x4B48] =	vst v0  }
0x4a9: {  	[tilespmem:$0x4B38] =	vst v0  }
0x4aa: {  	[tilespmem:$0x4B28] =	vst v0  }
0x4ab: {  	[tilespmem:$0x4B18] =	vst v0  }
0x4ac: {  	[tilespmem:$0x4B08] =	vst v0  }
0x4ad: {  	[tilespmem:$0x4AF8] =	vst v0  }
0x4ae: {  	[tilespmem:$0x4AE8] =	vst v0  }
0x4af: {  	[tilespmem:$0x4AD8] =	vst v0  }
0x4b0: {  	[tilespmem:$0x4AC8] =	vst v0  }
0x4b1: {  	[tilespmem:$0x4AB8] =	vst v0  }
0x4b2: {  	[tilespmem:$0x4AA8] =	vst v0  }
0x4b3: {  	[tilespmem:$0x4A98] =	vst v0  }
0x4b4: {  	[tilespmem:$0x4A88] =	vst v0  }
0x4b5: {  	[tilespmem:$0x4A78] =	vst v0  }
0x4b6: {  	[tilespmem:$0x4A68] =	vst v0  }
0x4b7: {  	[tilespmem:$0x4A58] =	vst v0  }
0x4b8: {  	[tilespmem:$0x4A48] =	vst v0  }
0x4b9: {  	[tilespmem:$0x4A38] =	vst v0  }
0x4ba: {  	[tilespmem:$0x4A28] =	vst v0  }
0x4bb: {  	[tilespmem:$0x4A18] =	vst v0  }
0x4bc: {  	[tilespmem:$0x4A08] =	vst v0  }
0x4bd: {  	[tilespmem:$0x49F8] =	vst v0  }
0x4be: {  	[tilespmem:$0x49E8] =	vst v0  }
0x4bf: {  	[tilespmem:$0x49D8] =	vst v0  }
0x4c0: {  	[tilespmem:$0x49C8] =	vst v0  }
0x4c1: {  	[tilespmem:$0x49B8] =	vst v0  }
0x4c2: {  	[tilespmem:$0x49A8] =	vst v0  }
0x4c3: {  	[tilespmem:$0x4998] =	vst v0  }
0x4c4: {  	[tilespmem:$0x4988] =	vst v0  }
0x4c5: {  	[tilespmem:$0x4978] =	vst v0  }
0x4c6: {  	[tilespmem:$0x4968] =	vst v0  }
0x4c7: {  	[tilespmem:$0x4958] =	vst v0  }
0x4c8: {  	[tilespmem:$0x4948] =	vst v0  }
0x4c9: {  	[tilespmem:$0x4938] =	vst v0  }
0x4ca: {  	[tilespmem:$0x4928] =	vst v0  }
0x4cb: {  	[tilespmem:$0x4918] =	vst v0  }
0x4cc: {  	[tilespmem:$0x4908] =	vst v0  }
0x4cd: {  	[tilespmem:$0x48F8] =	vst v0  }
0x4ce: {  	[tilespmem:$0x48E8] =	vst v0  }
0x4cf: {  	[tilespmem:$0x48D8] =	vst v0  }
0x4d0: {  	[tilespmem:$0x48C8] =	vst v0  }
0x4d1: {  	[tilespmem:$0x48B8] =	vst v0  }
0x4d2: {  	[tilespmem:$0x48A8] =	vst v0  }
0x4d3: {  	[tilespmem:$0x4898] =	vst v0  }
0x4d4: {  	[tilespmem:$0x4888] =	vst v0  }
0x4d5: {  	[tilespmem:$0x4878] =	vst v0  }
0x4d6: {  	[tilespmem:$0x4868] =	vst v0  }
0x4d7: {  	[tilespmem:$0x4858] =	vst v0  }
0x4d8: {  	[tilespmem:$0x4848] =	vst v0  }
0x4d9: {  	[tilespmem:$0x4838] =	vst v0  }
0x4da: {  	[tilespmem:$0x4828] =	vst v0  }
0x4db: {  	[tilespmem:$0x4818] =	vst v0  }
0x4dc: {  	[tilespmem:$0x4808] =	vst v0  }
0x4dd: {  	[tilespmem:$0x47F8] =	vst v0  }
0x4de: {  	[tilespmem:$0x47E8] =	vst v0  }
0x4df: {  	[tilespmem:$0x47D8] =	vst v0  }
0x4e0: {  	[tilespmem:$0x47C8] =	vst v0  }
0x4e1: {  	[tilespmem:$0x47B8] =	vst v0  }
0x4e2: {  	[tilespmem:$0x47A8] =	vst v0  }
0x4e3: {  	[tilespmem:$0x4798] =	vst v0  }
0x4e4: {  	[tilespmem:$0x4788] =	vst v0  }
0x4e5: {  	[tilespmem:$0x4778] =	vst v0  }
0x4e6: {  	[tilespmem:$0x4768] =	vst v0  }
0x4e7: {  	[tilespmem:$0x4758] =	vst v0  }
0x4e8: {  	[tilespmem:$0x4748] =	vst v0  }
0x4e9: {  	[tilespmem:$0x4738] =	vst v0  }
0x4ea: {  	[tilespmem:$0x4728] =	vst v0  }
0x4eb: {  	[tilespmem:$0x4718] =	vst v0  }
0x4ec: {  	[tilespmem:$0x4708] =	vst v0  }
0x4ed: {  	[tilespmem:$0x46F8] =	vst v0  }
0x4ee: {  	[tilespmem:$0x46E8] =	vst v0  }
0x4ef: {  	[tilespmem:$0x46D8] =	vst v0  }
0x4f0: {  	[tilespmem:$0x46C8] =	vst v0  }
0x4f1: {  	[tilespmem:$0x46B8] =	vst v0  }
0x4f2: {  	[tilespmem:$0x46A8] =	vst v0  }
0x4f3: {  	[tilespmem:$0x4698] =	vst v0  }
0x4f4: {  	[tilespmem:$0x4688] =	vst v0  }
0x4f5: {  	[tilespmem:$0x4678] =	vst v0  }
0x4f6: {  	[tilespmem:$0x4668] =	vst v0  }
0x4f7: {  	[tilespmem:$0x4658] =	vst v0  }
0x4f8: {  	[tilespmem:$0x4648] =	vst v0  }
0x4f9: {  	[tilespmem:$0x4638] =	vst v0  }
0x4fa: {  	[tilespmem:$0x4628] =	vst v0  }
0x4fb: {  	[tilespmem:$0x4618] =	vst v0  }
0x4fc: {  	[tilespmem:$0x4608] =	vst v0  }
0x4fd: {  	[tilespmem:$0x45F8] =	vst v0  }
0x4fe: {  	[tilespmem:$0x45E8] =	vst v0  }
0x4ff: {  	[tilespmem:$0x45D8] =	vst v0  }
0x500: {  	[tilespmem:$0x45C8] =	vst v0  }
0x501: {  	[tilespmem:$0x45B8] =	vst v0  }
0x502: {  	[tilespmem:$0x45A8] =	vst v0  }
0x503: {  	[tilespmem:$0x4598] =	vst v0  }
0x504: {  	[tilespmem:$0x4588] =	vst v0  }
0x505: {  	[tilespmem:$0x4578] =	vst v0  }
0x506: {  	[tilespmem:$0x4568] =	vst v0  }
0x507: {  	[tilespmem:$0x4558] =	vst v0  }
0x508: {  	[tilespmem:$0x4548] =	vst v0  }
0x509: {  	[tilespmem:$0x4538] =	vst v0  }
0x50a: {  	[tilespmem:$0x4528] =	vst v0  }
0x50b: {  	[tilespmem:$0x4518] =	vst v0  }
0x50c: {  	[tilespmem:$0x4508] =	vst v0  }
0x50d: {  	[tilespmem:$0x44F8] =	vst v0  }
0x50e: {  	[tilespmem:$0x44E8] =	vst v0  }
0x50f: {  	[tilespmem:$0x44D8] =	vst v0  }
0x510: {  	s12 =	stileid.u32;
	[tilespmem:$0x44C8] =	vst v0  }
0x511: {  	s24 =	smul.u32 $0x45, s12;
	[tilespmem:$0x44B8] =	vst v0  }
0x512: {  	s1 =	smin.u32 s12, $0x8;
	[tilespmem:$0x44A8] =	vst v0  }
0x513: {  	[tilespmem:$0x4498] =	vst v0;
	s0 =	sadd.s32 s1, s24  }
0x514: {  	p0 =	slt.u32 s12, $0x8;
	[tilespmem:$0x4488] =	vst v0;
	s1 =	simm.s32 $0x2760;
	s10 =	smul.u32 $0x90, s0  }
0x515: {  	s1 =	simm.s32 @!p0 $0x26D0;
	[tilespmem:$0x4478] =	vst v0  }
0x516: {  	[tilespmem:$0x4448] =	vst v0;
	s0 =	sadd.s32 s1, s10  }
0x517: {  	s2 =	simm.s32 $0x2;
	s26 =	simm.s32 $0x9;
	[tilespmem:$0x4458] =	vst v0;
	s11 =	smin.u32 s0, $0x27100  }
0x518: {  	s28 =	simm.s32 $0xA;
	s30 =	simm.s32 $0xB;
	[tilespmem:$0x4438] =	vst v0;
	s0 =	ssub.s32 s11, s10  }
0x519: {  	p1 =	por $0x0, $0x0;
	s18 =	simm.s32 $0x80;
	[tilespmem:$0x43D8] =	vst v0;
	p0 =	sgt.s32 s0, $0x0  }
0x51a: {  	s19 =	simm.s32 $0x400;
	s20 =	simm.s32 $0xC;
	[tilespmem:$0x4428] =	vst v0;
	s0 =	simm.s32 @!p0 $0x0  }
0x51b: {  	s21 =	simm.s32 $0x0;
	s23 =	simm.s32 $0x0;
	s25 =	smulhi.u32 $0x38E38E39, s0;
	[tilespmem:$0x4418] =	vst v0  }
0x51c: {  	s7 =	sadd.s32 $0x271000, s6;
	s9 =	sand.u32 $0x1, s9;
	s31 =	smul.u32 $0x480, s12;
	[tilespmem:$0x43F8] =	vst v0  }
0x51d: {  	s6 =	sadd.s32 $0x1148600, s6;
	s29 =	smul.u32 $0x4E20, s9;
	s1 =	sshrl.u32 s25, $0x5;
	[tilespmem:$0x43E8] =	vst v0  }
0x51e: {  	[tilespmem:$0x43C8] =	vst v0;
	[sflag:s2] =	ssyncpa.u1 $0x0;
	v0 =	vimm.s32 $0xFFFFFFFF;
	[dreg:$0x6] =	wrdreg s9;
	s8 =	smul.u32 $0x90, s1  }
.Ltmp0:
0x51f: {  	[tilespmem:$0xA448] =	vst v0;
	[sflag:s26] =	ssyncpa.u1 $0x0;
	s16 =	sshrl.u32 s31, $0x2;
	(pc) =	sbr.rel .LBB2_1-.Ltmp0, $4  }
0x520: {  	s24 =	simm.s32 $0x0;
	p0 =	sne.s32 s0, s8;
	s0 =	simm.s32 $0x1  }
0x521: {  	[sflag:s28] =	ssyncpa.u1 $0x0;
	s14 =	sadd.s32 s29, s5;
	s0 =	simm.s32 @!p0 $0x0  }
0x522: {  	s4 =	sadd.s32 s29, s4;
	[sflag:s30] =	ssyncpa.u1 $0x0;
	s15 =	sadd.s32 s0, s1  }
0x523: {  	v0 =	vlaneseq.u32;
	s22 =	smov.u32 s10;
	p0 =	por $0x1, $0x1;
	s17 =	sadd.s32 $0x1, s15  }
.LBB2_22:
0x524: {  	s1 =	sshrl.u32 s1, $0x2  }
.LBB2_24:
0x525: {  	_ =	swait.ge [sflag:s20], s1  }
0x526: {  	s31 =	ssub.s32 $0x0, s1;
	v1 =	vmov s26;
	vm0 =	veq.s32 v0, $0x0;
	[sflag:s20] =	ssyncset.done $0x0  }
0x527: {  	vm15 =	veq.s32 v0, $0x2;
	v1 =	vsel vm0, s0, v1;
	[sflag:s20] =	ssyncadd.s32 s31  }
0x528: {  	v1 =	vsel vm15, s24, v1;
	[sflag:s20] =	ssyncpa.u1 $0x1  }
0x529: {  	[tilespmem:$0xA448] =	vst v1  }
.LBB2_25:
0x52a: {  	s0 =	sadd.s32 $0x90, s22  }
0x52b: {  	s1 =	smov.u32 s10;
	p2 =	slt.s32 s0, s11  }
0x52c: {  	s1 =	smov.u32 @p2 s0;
	p2 =	sne.s32 s23, s17  }
.Ltmp1:
0x52d: {  	_ = 	snop;
	(pc) =	sbr.rel @!p2 .LBB2_26-.Ltmp1, $4  }
0x52e: {  	_ = 	snop  }
0x52f: {  	s24 =	smov.u32 s21  }
0x530: {  	s31 =	sadd.s32 $0x1, s23;
	s21 =	smov.u32 s22;
	p0 =	por !p0, !p0  }
0x531: {  	p1 =	por !p1, !p1;
	s23 =	smov.u32 s31;
	s22 =	smov.u32 s1  }
.LBB2_1:
0x532: {  	p2 =	sge.u32 s23, s15  }
0x533: {  	s0 =	smulhi.u32 @!p2 $0xAAAAAAAB, s23  }
0x534: {  	s1 =	smov.u32 s22;
	p3 =	sgt.s32 @!p2 s22, $0x27070  }
0x535: {  	s2 =	sshra.s32 @!p2 s22, $0x1F;
	p3 =	por !p3, p2;
	s0 =	sshrl.u32 @!p2 s0, $0x1  }
0x536: {  	s2 =	sand.u32 @!p2 s2, s22;
	s1 =	simm.s32 @p3 $0x27070;
	s0 =	smul.u32 @!p2 $0x3, s0  }
0x537: {  	s1 =	ssub.s32 @!p2 s1, s2  }
0x538: {  	s1 =	sadd.s32 @!p2 $0xFFFD8F90, s1;
	s0 =	ssub.s32 @!p2 s23, s0  }
0x539: {  	s2 =	sshll.u32 @!p2 s1, $0x2;
	p3 =	sgt.s32 @!p2 s1, $0x8F;
	s0 =	smul.u32 @!p2 $0x240, s0  }
0x53a: {  	s8 =	sand.u32 @!p2 $0x7, s22;
	s1 =	ssub.s32 @!p2 $0x240, s2;
	p3 =	por !p3, p2  }
0x53b: {  	s2 =	sshrl.u32 @!p2 s22, $0x3;
	s1 =	sshrl.u32 @!p2 s1, $0x2;
	s0 =	sshrl.u32 @!p2 s0, $0x2  }
0x53c: {  	s2 =	sadd.s32 @!p2 s2, s14;
	s1 =	simm.s32 @!p3 $0x0;
	s0 =	sadd.s32 @!p2 $0xB688, s0  }
0x53d: {  	[tilespmem:s0], [sflag:$0xA] =	stream.linear.gather @!p2 [hbm4b:s2+s8], s1, $0x38;
	[tilespmem:$0x1D958] =	vst v63  }
0x53e: {  	s1 =	sadd.s32 $0xFFFFFFFF, s23  }
0x53f: {  	p2 =	sge.u32 s1, s15  }
0x540: {  	p3 =	sgt.s32 @!p2 s21, $0x27070  }
0x541: {  	s0 =	smov.u32 s21;
	s2 =	sshra.s32 @!p2 s21, $0x1F;
	p3 =	por !p3, p2  }
0x542: {  	s2 =	sand.u32 @!p2 s2, s21;
	s0 =	simm.s32 @p3 $0x27070  }
0x543: {  	s0 =	ssub.s32 @!p2 s0, s2  }
0x544: {  	s0 =	sadd.s32 @!p2 $0xFFFD8F90, s0  }
0x545: {  	s2 =	sshll.u32 @!p2 s0, $0x2  }
0x546: {  	p3 =	sgt.s32 @!p2 s0, $0x8F;
	s0 =	ssub.s32 @!p2 $0x240, s2  }
0x547: {  	p3 =	por !p3, p2;
	s0 =	sshrl.u32 @!p2 s0, $0x2  }
0x548: {  	s8 =	simm.s32 @!p2 $0xA;
	s2 =	sand.u32 @!p2 $0x1, s1;
	s0 =	simm.s32 @!p3 $0x0  }
0x549: {  	s2 =	smul.u32 @!p2 $0x240, s2;
	_ =	swait.ge @!p2 [sflag:s8], s0  }
0x54a: {  	s9 =	ssub.s32 @!p2 $0x0, s0;
	[sflag:s8] =	ssyncset.done @!p2 $0x0  }
0x54b: {  	s2 =	sshrl.u32 @!p2 s2, $0x2;
	[sflag:s8] =	ssyncadd.s32 @!p2 s9;
	s8 =	sshrl.u32 @!p2 s21, $0x3  }
0x54c: {  	s2 =	sadd.s32 @!p2 $0xB838, s2;
	s9 =	sand.u32 @!p2 $0x7, s21;
	s8 =	sadd.s32 @!p2 s8, s4  }
0x54d: {  	[tilespmem:s2], [sflag:$0xB] =	stream.linear.gather @!p2 [hbm4b:s8+s9], s0, $0x38;
	[tilespmem:$0x1D958] =	vst v63  }
0x54e: {  	s0 =	ssub.s32 @!p2 $0x27100, s21  }
0x54f: {  	p3 =	slt.s32 @!p2 s0, $0x1  }
0x550: {  	p3 =	por p2, p3  }
.Ltmp2:
0x551: {  	_ = 	snop;
	(pc) =	sbr.rel @p3 .LBB2_7-.Ltmp2, $1  }
0x552: {  	_ =	sdelay $0x3  }
0x553: {  	s2 =	smulhi.u32 $0xAAAAAAAB, s1;
	_ =	sdelay $0x1  }
0x554: {  	s2 =	sshrl.u32 s2, $0x1  }
0x555: {  	s2 =	smul.u32 $0x3, s2;
	_ =	sdelay $0x1  }
0x556: {  	s29 =	ssub.s32 s1, s2  }
0x557: {  	s8 =	simm.s32 $0x1;
	s1 =	smul.u32 $0x240, s29  }
.Ltmp3:
0x558: {  	s8 =	simm.s32 @!p0 $0x0;
	(pc) =	sbr.rel .LBB2_4-.Ltmp3, $4  }
0x559: {  	s30 =	smul.u32 $0x24000, s8  }
0x55a: {  	p3 =	slt.s32 @!p2 s0, $0x90;
	s1 =	sshrl.u32 s1, $0x2  }
0x55b: {  	p2 =	por !p3, p2;
	s2 =	sshrl.u32 s30, $0x2;
	s31 =	sadd.s32 $0xB688, s1  }
0x55c: {  	s0 =	simm.s32 @p2 $0x90;
	s1 =	sadd.s32 $0xB958, s2;
	s2 =	simm.s32 $0x0;
	v1 =	vmov s31  }
.LBB2_3:
0x55d: {  	p2 =	sge.s32 s2, s0  }
.Ltmp4:
0x55e: {  	_ = 	snop;
	(pc) =	sbr.rel @p2 .LBB2_7-.Ltmp4, $2  }
0x55f: {  	_ =	sdelay $0x2  }
0x560: {  	s1 =	sadd.s32 $0x1000, s1  }
.LBB2_4:
0x561: {  	p2 =	sle.s32 s0, s2  }
.Ltmp5:
0x562: {  	_ = 	snop;
	(pc) =	sbr.rel @p2 .LBB2_3-.Ltmp5, $2  }
0x563: {  	_ =	sdelay $0x2  }
0x564: {  	s9 =	smov.u32 s2;
	s2 =	sadd.s32 $0x10, s2  }
0x565: {  	s8 =	ssub.s32 s0, s9  }
0x566: {  	p2 =	slt.s32 s8, $0x10  }
0x567: {  	s8 =	simm.s32 @!p2 $0x10  }
0x568: {  	v2 =	vmov s8  }
0x569: {  	vm0 =	vgt.s32 v2, v0;
	_ =	sdelay $0x5  }
0x56a: {  	v2 =	vld.idx.msk [tilespmem:v1+s9+$0x0 ss:$0x1], vm0;
	_ =	sdelay $0x2  }
0x56b: {  	p2 =	slt.s32 s2, s0;
	s8 =	smov.u32 s0  }
0x56c: {  	s12 =	smov.u32 s1;
	s25 =	simm.s32 $0x0;
	s8 =	smov.u32 @p2 s2  }
.LBB2_6:
0x56d: {  	(v2sf) =	vpush v2, s25;
	_ =	sdelay $0xe  }
0x56e: {  	s25 =	sadd.s32 $0x1, s25;
	s13 =	spop (v2sf)  }
0x56f: {  	s31 =	sadd.s32 s25, s9;
	s26 =	sshll.u32 s13, $0x8;
	s13 =	sshll.u32 s13, $0x7  }
0x570: {  	p2 =	slt.s32 s31, s8;
	s26 =	sand.u32 $0xFFFFF800, s26;
	s13 =	sand.u32 $0x380, s13  }
.Ltmp6:
0x571: {  	s13 =	sor.u32 s13, s26;
	(pc) =	sbr.rel @p2 .LBB2_6-.Ltmp6, $4  }
0x572: {  	s13 =	sshrl.u32 s13, $0x3  }
0x573: {  	s13 =	sadd.s32 s6, s13  }
0x574: {  	[tilespmem:s12], [sflag:$0x9] =	stream.strided.gather [hbm4b:s13+s18], $0x100, s19, s18, $0x38;
	[tilespmem:$0x1D958] =	vst v63  }
0x575: {  	s12 =	sadd.s32 $0x100, s12  }
.Ltmp7:
0x576: {  	_ = 	snop;
	(pc) =	sbr.rel .LBB2_3-.Ltmp7, $1  }
0x577: {  	_ =	sdelay $0x3  }
.LBB2_7:
0x578: {  	p2 =	slt.u32 s23, $0x2  }
.Ltmp8:
0x579: {  	_ = 	snop;
	(pc) =	sbr.rel @p2 .LBB2_25-.Ltmp8, $1  }
0x57a: {  	_ =	sdelay $0x3  }
0x57b: {  	p2 =	sgt.s32 s24, $0x27070  }
0x57c: {  	s0 =	smov.u32 s24;
	s1 =	sshra.s32 s24, $0x1F;
	s2 =	ssub.s32 $0x27100, s24  }
0x57d: {  	s0 =	simm.s32 @!p2 $0x27070;
	s1 =	sand.u32 s1, s24;
	p2 =	slt.s32 s2, $0x90  }
0x57e: {  	s0 =	ssub.s32 s0, s1;
	s2 =	simm.s32 @!p2 $0x90  }
0x57f: {  	s0 =	sadd.s32 $0xFFFD8F90, s0;
	s13 =	sshll.u32 s2, $0x8  }
0x580: {  	s29 =	simm.s32 $0x9;
	s25 =	sshll.u32 s0, $0x2;
	s1 =	sand.u32 $0x3FFFFF00, s13  }
0x581: {  	p2 =	sgt.s32 s0, $0x8F;
	s26 =	ssub.s32 $0x240, s25;
	_ =	swait.ge [sflag:s29], s1  }
0x582: {  	s1 =	ssub.s32 $0x0, s1;
	[sflag:s29] =	ssyncset.done $0x0;
	s0 =	sshrl.u32 s26, $0x2  }
0x583: {  	s30 =	simm.s32 $0xB;
	[sflag:s29] =	ssyncadd.s32 s1;
	s0 =	simm.s32 @p2 $0x0  }
0x584: {  	_ =	swait.ge [sflag:s30], s0  }
0x585: {  	s0 =	ssub.s32 $0x0, s0;
	[sflag:s30] =	ssyncset.done $0x0  }
0x586: {  	[sflag:s30] =	ssyncadd.s32 s0  }
0x587: {  	v1 =	vld [tilespmem:$0xA448];
	_ =	sdelay $0x4  }
0x588: {  	(v2sf) =	vpush v1, $0x0  }
0x589: {  	(v2sf) =	vpush v1, $0x1  }
0x58a: {  	(v2sf) =	vpush v1, $0x2;
	_ =	sdelay $0x3  }
0x58b: {  	s0 =	sadd.s32 $0x90, s24  }
0x58c: {  	s8 =	ssub.s32 $0x4E200, s24;
	p2 =	slt.s32 s11, s0  }
0x58d: {  	s0 =	smov.u32 @p2 s11;
	p2 =	sgt.s32 s8, $0x0  }
0x58e: {  	s0 =	ssub.s32 s0, s24;
	s8 =	simm.s32 @!p2 $0x0  }
0x58f: {  	p2 =	slt.s32 s8, s0  }
0x590: {  	s0 =	smov.u32 @p2 s8  }
0x591: {  	s1 =	simm.s32 $0x1;
	p2 =	slt.s32 s0, $0x1  }
.Ltmp9:
0x592: {  	s1 =	simm.s32 @!p1 $0x0;
	(pc) =	sbr.rel @p2 .LBB2_12-.Ltmp9, $4  }
0x593: {  	s9 =	smul.u32 $0x240, s1  }
0x594: {  	s2 =	spop (v2sf)  }
0x595: {  	s31 =	sshrl.u32 s9, $0x2;
	s28 =	spop (v2sf)  }
0x596: {  	s25 =	sadd.s32 $0xB838, s31;
	s24 =	spop (v2sf)  }
0x597: {  	s8 =	smin.u32 s0, $0x10  }
0x598: {  	v1 =	vmov s8  }
0x599: {  	vm1 =	vgt.u32 v1, v0  }
0x59a: {  	p3 =	sgt.s32 s0, $0x10  }
.Ltmp10:
0x59b: {  	_ = 	snop;
	(pc) =	sbr.rel @!p3 .LBB2_11-.Ltmp10, $2  }
0x59c: {  	_ =	sdelay $0x2  }
0x59d: {  	s26 =	simm.s32 $0x10;
	s29 =	sadd.s32 $0xFFFFFFF0, s0;
	s9 =	smov.u32 s25;
	vm0 =	vmmov vm1;
	v1 =	vld.msk [tilespmem:s25+$0x0 ss:$0x1], vm1  }
.LBB2_10:
0x59e: {  	s8 =	smin.u32 s29, $0x10;
	s26 =	sadd.s32 $0x10, s26  }
0x59f: {  	v2 =	vmov s8;
	p3 =	slt.s32 s26, s0  }
0x5a0: {  	vm1 =	vgt.u32 v2, v0;
	_ =	sdelay $0x1  }
0x5a1: {  	v2 =	vshll.u32 v1, $0x5;
	v1 =	vshll.u32 v1, $0x4  }
.Ltmp11:
0x5a2: {  	v2 =	vand.u32 $0xFFFFFF00, v2;
	v1 =	vand.u32 $0x70, v1;
	(pc) =	sbr.rel @p3 .LBB2_10-.Ltmp11, $4  }
0x5a3: {  	v1 =	vor.u32 v1, v2  }
0x5a4: {  	[tilespmem:s9+$0x0] =	vst.msk vm0, v1;
	s9 =	sadd.s32 $0x10, s9;
	vm0 =	vmmov vm1  }
0x5a5: {  	v1 =	vld.msk [tilespmem:s9+$0x0 ss:$0x1], vm1  }
0x5a6: {  	s29 =	sadd.s32 $0xFFFFFFF0, s29  }
.LBB2_11:
0x5a7: {  	_ =	sdelay $0x3  }
0x5a8: {  	v2 =	vshll.u32 v1, $0x5;
	v1 =	vshll.u32 v1, $0x4  }
0x5a9: {  	v2 =	vand.u32 $0xFFFFFF00, v2;
	v1 =	vand.u32 $0x70, v1  }
0x5aa: {  	v1 =	vor.u32 v1, v2  }
0x5ab: {  	[tilespmem:s9+$0x0] =	vst.msk vm0, v1  }
.LBB2_12:
0x5ac: {  	s8 =	sand.u32 $0x1, s23  }
0x5ad: {  	s8 =	smul.u32 $0x90, s8  }
0x5ae: {  	p3 =	sne.s32 s28, $0xFFFFFFFF  }
0x5af: {  	v1 =	vld.msk @!p3 [tilespmem:s8+$0xB838], $0x1;
	_ =	sdelay $0x4  }
0x5b0: {  	(v2sf) =	vpush @!p3 v1, $0x0;
	_ =	sdelay $0xc  }
.Ltmp12:
0x5b1: {  	_ = 	snop;
	(pc) =	sbr.rel @p2 .LBB2_23-.Ltmp12, $4  }
0x5b2: {  	_ = 	snop  }
0x5b3: {  	s31 =	spop @!p3 (v2sf)  }
0x5b4: {  	s24 =	simm.s32 @!p3 $0x0;
	s26 =	smov.u32 s31  }
0x5b5: {  	[sflag:s20] =	ssyncpa.u1 $0x0;
	s31 =	smov.u32 @p3 s2;
	s26 =	smov.u32 @p3 s28  }
0x5b6: {  	v1 =	vld.msk [tilespmem:s25+$0x0], $0x1;
	_ =	sdelay $0x4  }
0x5b7: {  	(v2sf) =	vpush v1, $0x0;
	_ =	sdelay $0xd  }
0x5b8: {  	s3 =	smov.u32 s17;
	s17 =	smov.u32 s4  }
0x5b9: {  	s4 =	smov.u32 s14;
	s1 =	smul.u32 $0x24000, s1;
	s2 =	spop (v2sf)  }
0x5ba: {  	s28 =	simm.s32 $0x0;
	s9 =	smov.u32 s31;
	p2 =	seq.s32 s31, s2  }
0x5bb: {  	s30 =	ssub.s32 $0x0, s0;
	p3 =	sgt.s32 @!p2 s31, $0x0;
	s8 =	smul.u32 @!p2 $0x240, s28  }
0x5bc: {  	s0 =	sadd.s32 $0x1, s30;
	s1 =	sshrl.u32 s1, $0x2;
	p3 =	por !p3, p2  }
0x5bd: {  	s29 =	sadd.s32 $0xB998, s1;
	s9 =	simm.s32 @p3 $0x0;
	s1 =	sshra.s32 @!p2 s8, $0x2  }
0x5be: {  	p3 =	seq.s32 s0, $0x0;
	s8 =	smin.u32 @!p2 s9, $0x4E1F7F;
	s9 =	simm.s32 @!p2 $0x1  }
.Ltmp13:
0x5bf: {  	s12 =	sadd.s32 @!p2 $0x52B8, s1;
	s13 =	sand.u32 @!p2 $0x7FFFF8, s8;
	(pc) =	sbr.rel @p3 .LBB2_15-.Ltmp13, $4  }
0x5c0: {  	s14 =	sadd.s32 @!p2 $0x80, s8;
	s8 =	sand.u32 @!p2 $0x7, s8;
	s13 =	sadd.s32 @!p2 s7, s13  }
0x5c1: {  	[tilespmem:s12], [sflag:$0x2] =	stream.linear.gather @!p2 [hbm4b:s13+s8], $0x80, $0x38;
	[tilespmem:$0x1D958] =	vst v63  }
0x5c2: {  	s9 =	smov.u32 @p2 s28;
	s13 =	sand.u32 @!p2 $0xFFFFF8, s14  }
0x5c3: {  	s12 =	sadd.s32 @!p2 $0x5338, s1;
	s1 =	sadd.s32 $0x1, s25;
	s13 =	sadd.s32 @!p2 s7, s13  }
.LBB2_14:
0x5c4: {  	s14 =	smov.u32 s9  }
0x5c5: {  	[tilespmem:s12], [sflag:$0x2] =	stream.linear.gather @!p2 [hbm4b:s13+s8], $0x2, $0x38;
	[tilespmem:$0x1D958] =	vst v63  }
0x5c6: {  	s0 =	sadd.s32 $0x1, s0;
	s8 =	smov.u32 s2;
	v1 =	vld.msk [tilespmem:s1+$0x0], $0x1  }
0x5c7: {  	p3 =	seq.s32 s0, $0x0;
	_ =	sdelay $0x3  }
0x5c8: {  	(v2sf) =	vpush v1, $0x0;
	_ =	sdelay $0xe  }
0x5c9: {  	s2 =	spop (v2sf)  }
0x5ca: {  	p2 =	seq.s32 s8, s2  }
0x5cb: {  	p4 =	sgt.s32 @!p2 s8, $0x0;
	s12 =	smul.u32 @!p2 $0x240, s9;
	s9 =	sadd.s32 @!p2 $0x1, s9  }
0x5cc: {  	p4 =	por !p4, p2;
	s9 =	smov.u32 @p2 s14  }
0x5cd: {  	s8 =	simm.s32 @p4 $0x0;
	s12 =	sshra.s32 @!p2 s12, $0x2  }
.Ltmp14:
0x5ce: {  	s8 =	smin.u32 @!p2 s8, $0x4E1F7F;
	s13 =	sadd.s32 @!p2 $0x52B8, s12;
	(pc) =	sbr.rel @!p3 .LBB2_14-.Ltmp14, $4  }
0x5cf: {  	s12 =	sadd.s32 @!p2 $0x5338, s12;
	s14 =	sand.u32 @!p2 $0x7FFFF8, s8;
	s5 =	sadd.s32 @!p2 $0x80, s8  }
0x5d0: {  	s8 =	sand.u32 @!p2 $0x7, s8;
	s14 =	sadd.s32 @!p2 s7, s14;
	s5 =	sand.u32 @!p2 $0xFFFFF8, s5  }
0x5d1: {  	[tilespmem:s13], [sflag:$0x2] =	stream.linear.gather @!p2 [hbm4b:s14+s8], $0x80, $0x38;
	[tilespmem:$0x1D958] =	vst v63  }
0x5d2: {  	s1 =	sadd.s32 $0x1, s1;
	s13 =	sadd.s32 @!p2 s7, s5  }
.LBB2_15:
0x5d3: {  	s0 =	smul.u32 $0x208, s9  }
0x5d4: {  	[tilespmem:s12], [sflag:$0x2] =	stream.linear.gather @!p2 [hbm4b:s13+s8], $0x2, $0x38;
	[tilespmem:$0x1D958] =	vst v63  }
.Ltmp15:
0x5d5: {  	_ = 	snop;
	(pc) =	sbr.rel .LBB2_16-.Ltmp15, $4  }
0x5d6: {  	s1 =	simm.s32 $0x2;
	s0 =	sshrl.u32 s0, $0x2  }
0x5d7: {  	s14 =	smov.u32 s4;
	s4 =	smov.u32 s17;
	_ =	swait.ge [sflag:s1], s0  }
0x5d8: {  	s17 =	smov.u32 s3;
	s0 =	ssub.s32 $0x0, s0;
	[sflag:s1] =	ssyncset.done $0x0  }
0x5d9: {  	s3 =	simm.s32 $0x1;
	[sflag:s1] =	ssyncadd.s32 s0;
	s1 =	simm.s32 $0x0  }
.LBB2_17:
0x5da: {  	v1 =	vld [tilespmem:s29+$0xFFFFFFC0];
	_ =	sdelay $0x4  }
0x5db: {  	[tilespmem:s2+$0x128] =	vst.add.f32.msk $0xffff, v1  }
0x5dc: {  	v1 =	vld [tilespmem:s29+$0xFFFFFFD0];
	_ =	sdelay $0x4  }
0x5dd: {  	[tilespmem:s2+$0x138] =	vst.add.f32.msk $0xffff, v1  }
0x5de: {  	v1 =	vld [tilespmem:s29+$0xFFFFFFE0];
	_ =	sdelay $0x4  }
0x5df: {  	[tilespmem:s2+$0x148] =	vst.add.f32.msk $0xffff, v1  }
0x5e0: {  	v1 =	vld [tilespmem:s29+$0xFFFFFFF0];
	_ =	sdelay $0x4  }
0x5e1: {  	[tilespmem:s2+$0x158] =	vst.add.f32.msk $0xffff, v1  }
0x5e2: {  	v1 =	vld [tilespmem:s29+$0x0];
	_ =	sdelay $0x4  }
0x5e3: {  	[tilespmem:s2+$0x168] =	vst.add.f32.msk $0xffff, v1  }
0x5e4: {  	v1 =	vld [tilespmem:s29+$0x10];
	_ =	sdelay $0x4  }
0x5e5: {  	[tilespmem:s2+$0x178] =	vst.add.f32.msk $0xffff, v1  }
0x5e6: {  	v1 =	vld [tilespmem:s29+$0x20];
	_ =	sdelay $0x4  }
0x5e7: {  	[tilespmem:s2+$0x188] =	vst.add.f32.msk $0xffff, v1  }
0x5e8: {  	v1 =	vld [tilespmem:s29+$0x30];
	_ =	sdelay $0x4  }
0x5e9: {  	[tilespmem:s2+$0x198] =	vst.add.f32.msk $0xffff, v1  }
0x5ea: {  	v1 =	vld.msk [tilespmem:s29+$0x40], $0x3;
	_ =	sdelay $0x4  }
0x5eb: {  	[tilespmem:s2+$0x1A8] =	vst.add.f32.msk $0x3, v1  }
.LBB2_21:
0x5ec: {  	s30 =	sadd.s32 $0x1, s30  }
0x5ed: {  	p2 =	seq.s32 s30, $0x0  }
.Ltmp16:
0x5ee: {  	_ = 	snop;
	(pc) =	sbr.rel @p2 .LBB2_22-.Ltmp16, $2  }
0x5ef: {  	_ =	sdelay $0x2  }
0x5f0: {  	s25 =	sadd.s32 $0x1, s25;
	s29 =	sadd.s32 $0x100, s29;
	s31 =	smov.u32 s0  }
.LBB2_16:
0x5f1: {  	v1 =	vld.msk [tilespmem:s25+$0x0], $0x1;
	_ =	sdelay $0x4  }
0x5f2: {  	(v2sf) =	vpush v1, $0x0;
	_ =	sdelay $0xe  }
0x5f3: {  	s0 =	spop (v2sf)  }
0x5f4: {  	p2 =	sne.s32 s31, s0  }
.Ltmp17:
0x5f5: {  	_ = 	snop;
	(pc) =	sbr.rel @!p2 .LBB2_17-.Ltmp17, $3  }
0x5f6: {  	_ = 	snop  }
0x5f7: {  	s2 =	smul.u32 $0x240, s24;
	_ =	sdelay $0x1  }
0x5f8: {  	s2 =	sshra.s32 s2, $0x2  }
0x5f9: {  	p2 =	seq.s32 s31, s26  }
.Ltmp18:
0x5fa: {  	_ = 	snop;
	(pc) =	sbr.rel @!p2 .LBB2_19-.Ltmp18, $1  }
0x5fb: {  	_ =	sdelay $0x3  }
.Ltmp19:
0x5fc: {  	s2 =	sadd.s32 $0x128, s2;
	(pc) =	sbr.rel .LBB2_20-.Ltmp19, $4  }
0x5fd: {  	[spmem:s16] =	stream.linear.scatter [tilespmem:s2], [sflag:$0x1], $0x82, $0x38;
	[tilespmem:$0x1D958] =	vst v63  }
0x5fe: {  	_ =	swait.ge [sflag:s3], $0x82  }
0x5ff: {  	[sflag:s3] =	ssyncset.done $0x0  }
0x600: {  	[sflag:s3] =	ssyncadd.s32 $0xFFFFFF7E  }
.LBB2_19:
0x601: {  	s5 =	smul.u32 $0x240, s28;
	_ =	sdelay $0x1  }
0x602: {  	s5 =	sshra.s32 s5, $0x2  }
0x603: {  	v1 =	vld [tilespmem:s5+$0x52B8];
	_ =	sdelay $0x4  }
0x604: {  	[tilespmem:s2+$0x128] =	vst.add.f32.msk $0xffff, v1  }
0x605: {  	v1 =	vld [tilespmem:s5+$0x52C8];
	_ =	sdelay $0x4  }
0x606: {  	[tilespmem:s2+$0x138] =	vst.add.f32.msk $0xffff, v1  }
0x607: {  	v1 =	vld [tilespmem:s5+$0x52D8];
	_ =	sdelay $0x4  }
0x608: {  	[tilespmem:s2+$0x148] =	vst.add.f32.msk $0xffff, v1  }
0x609: {  	v1 =	vld [tilespmem:s5+$0x52E8];
	_ =	sdelay $0x4  }
0x60a: {  	[tilespmem:s2+$0x158] =	vst.add.f32.msk $0xffff, v1  }
0x60b: {  	v1 =	vld [tilespmem:s5+$0x52F8];
	_ =	sdelay $0x4  }
0x60c: {  	[tilespmem:s2+$0x168] =	vst.add.f32.msk $0xffff, v1  }
0x60d: {  	v1 =	vld [tilespmem:s5+$0x5308];
	_ =	sdelay $0x4  }
0x60e: {  	[tilespmem:s2+$0x178] =	vst.add.f32.msk $0xffff, v1  }
0x60f: {  	v1 =	vld [tilespmem:s5+$0x5318];
	_ =	sdelay $0x4  }
0x610: {  	[tilespmem:s2+$0x188] =	vst.add.f32.msk $0xffff, v1  }
0x611: {  	v1 =	vld [tilespmem:s5+$0x5328];
	_ =	sdelay $0x4  }
0x612: {  	[tilespmem:s2+$0x198] =	vst.add.f32.msk $0xffff, v1  }
0x613: {  	v1 =	vld.msk [tilespmem:s5+$0x5338], $0x3;
	_ =	sdelay $0x2  }
0x614: {  	p2 =	sgt.u32 s31, $0x4E1F7F  }
0x615: {  	s5 =	sand.u32 @!p2 $0x7FFFF8, s31  }
0x616: {  	s8 =	sadd.s32 $0x128, s2;
	s9 =	sand.u32 @!p2 $0x7, s31;
	s5 =	sadd.s32 @!p2 s7, s5;
	[tilespmem:s2+$0x1A8] =	vst.add.f32.msk $0x3, v1  }
0x617: {  	[hbm4b:s5+s9] =	stream.linear.scatter @!p2 [tilespmem:s8], [sflag:$0xC], $0x80, $0x38;
	[tilespmem:$0x1D958] =	vst v63  }
0x618: {  	s5 =	sadd.s32 @!p2 $0x80, s31  }
0x619: {  	s5 =	sand.u32 @!p2 $0xFFFFF8, s5  }
0x61a: {  	s2 =	sadd.s32 $0x1A8, s2;
	s5 =	sadd.s32 @!p2 s7, s5  }
0x61b: {  	[hbm4b:s5+s9] =	stream.linear.scatter @!p2 [tilespmem:s2], [sflag:$0xC], $0x2, $0x38;
	[tilespmem:$0x1D958] =	vst v63  }
0x61c: {  	s2 =	simm.s32 $0x0  }
0x61d: {  	s2 =	simm.s32 @!p2 $0x208  }
0x61e: {  	s1 =	sadd.s32 s2, s1  }
.LBB2_20:
0x61f: {  	s2 =	sadd.s32 $0x1, s24  }
0x620: {  	s5 =	smulhi.u32 $0x38E38E39, s2;
	_ =	sdelay $0x1  }
0x621: {  	s5 =	sshrl.u32 s5, $0x5  }
0x622: {  	s5 =	smul.u32 $0x90, s5  }
0x623: {  	v1 =	vld [tilespmem:s29+$0xFFFFFFC0]  }
0x624: {  	s24 =	ssub.s32 s2, s5  }
0x625: {  	s2 =	smul.u32 $0x240, s24;
	_ =	sdelay $0x1  }
0x626: {  	s2 =	sshrl.u32 s2, $0x2  }
0x627: {  	[tilespmem:s2+$0x128] =	vst v1  }
0x628: {  	v1 =	vld [tilespmem:s29+$0xFFFFFFD0];
	_ =	sdelay $0x4  }
0x629: {  	[tilespmem:s2+$0x138] =	vst v1  }
0x62a: {  	v1 =	vld [tilespmem:s29+$0xFFFFFFE0];
	_ =	sdelay $0x4  }
0x62b: {  	[tilespmem:s2+$0x148] =	vst v1  }
0x62c: {  	v1 =	vld [tilespmem:s29+$0xFFFFFFF0];
	_ =	sdelay $0x4  }
0x62d: {  	[tilespmem:s2+$0x158] =	vst v1  }
0x62e: {  	v1 =	vld [tilespmem:s29+$0x0];
	_ =	sdelay $0x4  }
0x62f: {  	[tilespmem:s2+$0x168] =	vst v1  }
0x630: {  	v1 =	vld [tilespmem:s29+$0x10];
	_ =	sdelay $0x4  }
0x631: {  	[tilespmem:s2+$0x178] =	vst v1  }
0x632: {  	v1 =	vld [tilespmem:s29+$0x20];
	_ =	sdelay $0x4  }
0x633: {  	[tilespmem:s2+$0x188] =	vst v1  }
0x634: {  	v1 =	vld [tilespmem:s29+$0x30];
	_ =	sdelay $0x4  }
0x635: {  	[tilespmem:s2+$0x198] =	vst v1  }
0x636: {  	v1 =	vld.msk [tilespmem:s29+$0x40], $0x3  }
.Ltmp20:
0x637: {  	_ = 	snop;
	(pc) =	sbr.rel .LBB2_21-.Ltmp20, $2  }
0x638: {  	_ =	sdelay $0x2  }
0x639: {  	s28 =	sadd.s32 $0x1, s28;
	[tilespmem:s2+$0x1A8] =	vst.msk $0x3, v1  }
.LBB2_23:
.Ltmp21:
0x63a: {  	(pc) =	sbr.rel .LBB2_24-.Ltmp21, $4  }
0x63b: {  	_ = 	snop  }
0x63c: {  	s0 =	simm.s32 $0x2  }
0x63d: {  	_ =	swait.ge [sflag:s0], $0x0  }
0x63e: {  	s1 =	simm.s32 $0x0;
	[sflag:s0] =	ssyncset.done $0x0;
	s0 =	smov.u32 s31  }
.LBB2_26:
0x63f: {  	_ =	sfence.sel $0x180000  }
0x640: {  	s0 =	simm.s32 $0x9;
	[bflag:$0x0] =	sbarrier.arrive $0xFFFF  }
0x641: {  	s24 =	simm.s32 $0xA;
	[sflag:s0] =	ssyncpa.u1 $0x1  }
0x642: {  	s25 =	simm.s32 $0xB;
	[sflag:s24] =	ssyncpa.u1 $0x1  }
0x643: {  	s26 =	simm.s32 $0x2;
	[sflag:s25] =	ssyncpa.u1 $0x1  }
0x644: {  	[sflag:s26] =	ssyncpa.u1 $0x1  }
0x645: {  	v0 =	vld [tilespmem:$0xA448];
	_ =	sdelay $0x4  }
0x646: {  	(v2sf) =	vpush v0, $0x0  }
0x647: {  	(v2sf) =	vpush v0, $0x1  }
0x648: {  	(v2sf) =	vpush v0, $0x2;
	_ =	sdelay $0xc  }
0x649: {  	s0 =	spop (v2sf)  }
0x64a: {  	s1 =	spop (v2sf)  }
0x64b: {  	s2 =	smov.u32 s0;
	p0 =	sne.s32 s0, s1;
	s3 =	spop (v2sf)  }
0x64c: {  	s2 =	simm.s32 @!p0 $0xFFFFFFFF;
	p0 =	seq.s32 s3, $0xFFFFFFFF  }
0x64d: {  	v2 =	vimm.s32 $0x1;
	v3 =	vlaneseq.u32;
	v1 =	vmov s2;
	p1 =	sne.s32 @!p0 s0, s1  }
0x64e: {  	s14 =	stileid.u32;
	v0 =	vperm.xlane v0, v2;
	s0 =	simm.s32 @!p0 $0x1;
	v1 =	vperm.xlane v1, v3;
	p1 =	por !p1, p0  }
0x64f: {  	vm0 =	vcmask $0x3F04;
	s2 =	sshll.u32 s14, $0x1;
	s1 =	smul.u32 @!p0 $0x240, s3;
	s0 =	simm.s32 @p1 $0x0  }
0x650: {  	s5 =	simm.s32 $0xA448;
	v0 =	vsel vm0, v1, v0;
	s0 =	sor.u32 @!p0 s0, s2  }
0x651: {  	s4 =	sor.u32 $0x1200, s2;
	s1 =	sshra.s32 @!p0 s1, $0x2;
	[tilespmem:$0xA448] =	vst v0;
	s0 =	smul.u32 @!p0 $0x240, s0  }
0x652: {  	[spmem:s4] =	stream.linear.scatter [tilespmem:s5], [sflag:$0x1], $0x2, $0x38;
	[tilespmem:$0x1D958] =	vst v63  }
0x653: {  	s1 =	sadd.s32 @!p0 $0x128, s1;
	s0 =	sshrl.u32 @!p0 s0, $0x2  }
0x654: {  	[spmem:s0] =	stream.linear.scatter @!p0 [tilespmem:s1], [sflag:$0x1], $0x90, $0x38;
	[tilespmem:$0x1D958] =	vst v63  }
0x655: {  	s0 =	simm.s32 @!p0 $0x92  }
0x656: {  	s28 =	simm.s32 $0x1;
	s0 =	simm.s32 @p0 $0x2  }
0x657: {  	_ =	swait.ge [sflag:s28], s0  }
0x658: {  	s0 =	ssub.s32 $0x0, s0;
	[sflag:s28] =	ssyncset.done $0x0  }
0x659: {  	p0 =	sne.s32 s14, $0x0;
	[sflag:s28] =	ssyncadd.s32 s0  }
.Ltmp22:
0x65a: {  	_ =	sfence.stream.spmem;
	(pc) =	sbr.rel @p0 .LBB2_43-.Ltmp22, $4  }
0x65b: {  	s29 =	simm.s32 $0x3;
	[bflag:$0x0] =	sbarrier.arrive $0xFFFF  }
0x65c: {  	s30 =	simm.s32 $0x4;
	[sflag:s29] =	ssyncpa.u1 $0x1  }
0x65d: {  	s31 =	simm.s32 $0x3C;
	[sflag:s30] =	ssyncpa.u1 $0x1  }
0x65e: {  	s15 =	rddreg [dreg:$0x6];
	[sflag:s31] =	ssyncpa.u1 $0x1  }
0x65f: {  	_ =	sfence.stream.spmem;
	s0 =	simm.s32 $0x5  }
0x660: {  	s1 =	simm.s32 $0x1200;
	s2 =	simm.s32 $0xA458;
	[sflag:s0] =	ssyncpa.u1 $0x0  }
0x661: {  	[tilespmem:s2], [sflag:$0x5] =	stream.linear.gather [spmem:s1], $0x20, $0x38;
	[tilespmem:$0x1D958] =	vst v63  }
0x662: {  	s26 =	simm.s32 $0x0;
	s28 =	simm.s32 $0xA478  }
0x663: {  	[tilespmem:s28], [sflag:$0x5] =	stream.linear.gather [spmem:s26], $0x1200, $0x38;
	[tilespmem:$0x1D958] =	vst v63  }
0x664: {  	_ =	swait.ge [sflag:s0], $0x1220  }
0x665: {  	[sflag:s0] =	ssyncset.done $0x0  }
0x666: {  	s29 =	simm.s32 $0x0;
	[sflag:s0] =	ssyncadd.s32 $0xFFFFEDE0  }
0x667: {  	v0 =	vld.msk [tilespmem:s29+$0xA458], $0x1;
	_ =	sdelay $0x1  }
0x668: {  	s30 =	simm.s32 $0x1  }
0x669: {  	v1 =	vld.msk [tilespmem:s30+$0xA458], $0x1;
	_ =	sdelay $0x1  }
0x66a: {  	(v2sf) =	vpush v0, $0x0;
	_ =	sdelay $0x2  }
0x66b: {  	(v2sf) =	vpush v1, $0x0;
	_ =	sdelay $0x2  }
0x66c: {  	s31 =	simm.s32 $0x2  }
0x66d: {  	v0 =	vld.msk [tilespmem:s31+$0xA458], $0x1;
	_ =	sdelay $0x2  }
0x66e: {  	s1 =	simm.s32 $0xFFFFFFFF;
	s2 =	simm.s32 $0xFFFFFFFF;
	s0 =	simm.s32 $0xC  }
.LBB2_28:
0x66f: {  	s3 =	smov.u32 s2;
	s4 =	smov.u32 s1  }
0x670: {  	s1 =	sshra.s32 s0, $0x2;
	p1 =	sne.s32 s0, $0x7C;
	s0 =	sadd.s32 $0x4, s0;
	(v2sf) =	vpush v0, $0x0  }
0x671: {  	v0 =	vld.msk [tilespmem:s1+$0xA458], $0x1  }
.Ltmp23:
0x672: {  	(pc) =	sbr.rel @p1 .LBB2_28-.Ltmp23, $4  }
0x673: {  	s2 =	spop (v2sf)  }
0x674: {  	p2 =	sne.s32 s4, $0xFFFFFFFF;
	s1 =	smov.u32 s2  }
0x675: {  	p3 =	seq.s32 s2, $0xFFFFFFFF;
	s1 =	smov.u32 @p2 s4  }
0x676: {  	s2 =	smov.u32 @p3 s3;
	s1 =	smov.u32 @p3 s4  }
0x677: {  	(v2sf) =	vpush v0, $0x0;
	_ =	sdelay $0x8  }
0x678: {  	s0 =	spop (v2sf)  }
0x679: {  	p1 =	sne.s32 s1, $0xFFFFFFFF;
	s6 =	simm.s32 $0x6;
	s3 =	smov.u32 s0  }
0x67a: {  	s10 =	simm.s32 $0xA3B8;
	p2 =	seq.s32 s0, $0xFFFFFFFF;
	s3 =	smov.u32 @p1 s1  }
0x67b: {  	s11 =	simm.s32 $0xA438;
	s3 =	smov.u32 @p2 s1;
	s1 =	spop (v2sf)  }
0x67c: {  	s0 =	smov.u32 @p2 s2;
	p1 =	sne.s32 s3, $0xFFFFFFFF;
	s8 =	smov.u32 s1  }
.Ltmp24:
0x67d: {  	p2 =	seq.s32 s1, $0xFFFFFFFF;
	s8 =	smov.u32 @p1 s3;
	(pc) =	sbr.rel .LBB2_30-.Ltmp24, $4  }
0x67e: {  	s12 =	simm.s32 $0x0;
	s8 =	smov.u32 @p2 s3;
	s4 =	spop (v2sf)  }
0x67f: {  	[sflag:s6] =	ssyncpa.u1 $0x0;
	p1 =	sne.s32 s8, $0xFFFFFFFF;
	s5 =	smov.u32 s4  }
0x680: {  	s1 =	smov.u32 @p2 s0;
	p2 =	seq.s32 s4, $0xFFFFFFFF;
	s5 =	smov.u32 @p1 s8  }
0x681: {  	s3 =	simm.s32 $0x0;
	s4 =	smov.u32 @p2 s1;
	s5 =	smov.u32 @p2 s8  }
.LBB2_36:
0x682: {  	p1 =	sgt.u32 s0, $0x4E1F7F  }
0x683: {  	p2 =	seq.s32 @!p1 s0, s5  }
0x684: {  	p1 =	por p1, p2  }
0x685: {  	p2 =	sne.s32 @!p1 s0, s4  }
0x686: {  	p1 =	por p1, !p2  }
0x687: {  	s0 =	smul.u32 @p1 $0x240, s12;
	_ =	sdelay $0x1  }
0x688: {  	s1 =	sand.u32 @!p1 $0x7FFFF8, s0;
	s2 =	sand.u32 @!p1 $0x7, s0;
	s0 =	sadd.s32 @!p1 $0x80, s0  }
0x689: {  	s1 =	sadd.s32 @!p1 s7, s1;
	s0 =	sand.u32 @!p1 $0xFFFFF8, s0  }
0x68a: {  	[tilespmem:s10], [sflag:$0x6] =	stream.linear.gather @!p1 [hbm4b:s1+s2], $0x80, $0x38;
	[tilespmem:$0x1D958] =	vst v63  }
0x68b: {  	s0 =	sadd.s32 @!p1 s7, s0  }
0x68c: {  	[tilespmem:s11], [sflag:$0x6] =	stream.linear.gather @!p1 [hbm4b:s0+s2], $0x2, $0x38;
	[tilespmem:$0x1D958] =	vst v63  }
0x68d: {  	_ =	swait.ge @!p1 [sflag:s6], $0x82  }
0x68e: {  	[sflag:s6] =	ssyncset.done @!p1 $0x0  }
0x68f: {  	[sflag:s6] =	ssyncadd.s32 @!p1 $0xFFFFFF7E  }
0x690: {  	v1 =	vld @!p1 [tilespmem:$0xA3B8];
	_ =	sdelay $0x1  }
0x691: {  	s0 =	smul.u32 @!p1 $0x240, s12;
	_ =	sdelay $0x1  }
0x692: {  	s1 =	sshra.s32 @!p1 s0, $0x2  }
0x693: {  	[tilespmem:s1+$0xA478] =	vst.add.f32.msk @!p1 $0xffff, v1  }
0x694: {  	v1 =	vld @!p1 [tilespmem:$0xA3C8];
	_ =	sdelay $0x4  }
0x695: {  	[tilespmem:s1+$0xA488] =	vst.add.f32.msk @!p1 $0xffff, v1  }
0x696: {  	v1 =	vld @!p1 [tilespmem:$0xA3D8];
	_ =	sdelay $0x4  }
0x697: {  	[tilespmem:s1+$0xA498] =	vst.add.f32.msk @!p1 $0xffff, v1  }
0x698: {  	v1 =	vld @!p1 [tilespmem:$0xA3E8];
	_ =	sdelay $0x4  }
0x699: {  	[tilespmem:s1+$0xA4A8] =	vst.add.f32.msk @!p1 $0xffff, v1  }
0x69a: {  	v1 =	vld @!p1 [tilespmem:$0xA3F8];
	_ =	sdelay $0x4  }
0x69b: {  	[tilespmem:s1+$0xA4B8] =	vst.add.f32.msk @!p1 $0xffff, v1  }
0x69c: {  	v1 =	vld @!p1 [tilespmem:$0xA408];
	_ =	sdelay $0x4  }
0x69d: {  	[tilespmem:s1+$0xA4C8] =	vst.add.f32.msk @!p1 $0xffff, v1  }
0x69e: {  	v1 =	vld @!p1 [tilespmem:$0xA418];
	_ =	sdelay $0x4  }
0x69f: {  	[tilespmem:s1+$0xA4D8] =	vst.add.f32.msk @!p1 $0xffff, v1  }
0x6a0: {  	v1 =	vld @!p1 [tilespmem:$0xA428];
	_ =	sdelay $0x4  }
0x6a1: {  	[tilespmem:s1+$0xA4E8] =	vst.add.f32.msk @!p1 $0xffff, v1  }
0x6a2: {  	v1 =	vld @!p1 [tilespmem:$0xA438];
	_ =	sdelay $0x4  }
0x6a3: {  	[tilespmem:s1+$0xA4F8] =	vst.add.f32.msk @!p1 $0xffff, v1  }
0x6a4: {  	s0 =	sshra.s32 s0, $0x2;
	[tilespmem:s3+$0xA458] =	vst.msk $0x1, v0  }
0x6a5: {  	v0 =	vld [tilespmem:s0+$0xA478];
	_ =	sdelay $0x1  }
0x6a6: {  	s31 =	smul.u32 $0x240, s3;
	_ =	sdelay $0x1  }
0x6a7: {  	s1 =	sshra.s32 s31, $0x2  }
0x6a8: {  	[tilespmem:s1+$0xA478] =	vst v0  }
0x6a9: {  	v0 =	vld [tilespmem:s0+$0xA488];
	_ =	sdelay $0x4  }
0x6aa: {  	[tilespmem:s1+$0xA488] =	vst v0  }
0x6ab: {  	v0 =	vld [tilespmem:s0+$0xA498];
	_ =	sdelay $0x4  }
0x6ac: {  	[tilespmem:s1+$0xA498] =	vst v0  }
0x6ad: {  	v0 =	vld [tilespmem:s0+$0xA4A8];
	_ =	sdelay $0x4  }
0x6ae: {  	[tilespmem:s1+$0xA4A8] =	vst v0  }
0x6af: {  	v0 =	vld [tilespmem:s0+$0xA4B8];
	_ =	sdelay $0x4  }
0x6b0: {  	[tilespmem:s1+$0xA4B8] =	vst v0  }
0x6b1: {  	v0 =	vld [tilespmem:s0+$0xA4C8];
	_ =	sdelay $0x4  }
0x6b2: {  	[tilespmem:s1+$0xA4C8] =	vst v0  }
0x6b3: {  	v0 =	vld [tilespmem:s0+$0xA4D8];
	_ =	sdelay $0x4  }
0x6b4: {  	[tilespmem:s1+$0xA4D8] =	vst v0  }
0x6b5: {  	v0 =	vld [tilespmem:s0+$0xA4E8];
	_ =	sdelay $0x4  }
0x6b6: {  	[tilespmem:s1+$0xA4E8] =	vst v0  }
0x6b7: {  	v0 =	vld [tilespmem:s0+$0xA4F8];
	_ =	sdelay $0x4  }
0x6b8: {  	s3 =	sadd.s32 $0x1, s3;
	[tilespmem:s1+$0xA4F8] =	vst v0  }
.LBB2_37:
0x6b9: {  	s12 =	sadd.s32 $0x1, s12  }
0x6ba: {  	p1 =	sne.s32 s12, $0x20  }
.Ltmp25:
0x6bb: {  	_ = 	snop;
	(pc) =	sbr.rel @!p1 .LBB2_38-.Ltmp25, $1  }
0x6bc: {  	_ =	sdelay $0x3  }
.LBB2_30:
0x6bd: {  	v0 =	vld.msk [tilespmem:s12+$0xA458], $0x1;
	_ =	sdelay $0x4  }
0x6be: {  	(v2sf) =	vpush v0, $0x0;
	_ =	sdelay $0xe  }
0x6bf: {  	s0 =	spop (v2sf)  }
0x6c0: {  	p1 =	seq.s32 s0, $0xFFFFFFFF  }
.Ltmp26:
0x6c1: {  	_ = 	snop;
	(pc) =	sbr.rel @p1 .LBB2_37-.Ltmp26, $1  }
0x6c2: {  	_ =	sdelay $0x3  }
0x6c3: {  	p1 =	slt.s32 s3, $0x1  }
.Ltmp27:
0x6c4: {  	_ = 	snop;
	(pc) =	sbr.rel @p1 .LBB2_36-.Ltmp27, $1  }
0x6c5: {  	_ =	sdelay $0x3  }
0x6c6: {  	s1 =	simm.s32 $0xA458;
	p1 =	por $0x0, $0x0  }
0x6c7: {  	v1 =	vld.msk @!p1 [tilespmem:s1+$0x0], $0x1;
	_ =	sdelay $0x4  }
0x6c8: {  	(v2sf) =	vpush @!p1 v1, $0x0;
	_ =	sdelay $0xd  }
0x6c9: {  	p3 =	sne.s32 s3, $0x1  }
.Ltmp28:
0x6ca: {  	s2 =	spop @!p1 (v2sf);
	(pc) =	sbr.rel @!p3 .LBB2_34-.Ltmp28, $4  }
0x6cb: {  	p2 =	seq.s32 @!p1 s0, s2  }
0x6cc: {  	s2 =	simm.s32 $0x0;
	p2 =	por !p2, p1  }
0x6cd: {  	s8 =	simm.s32 $0xFFFFFFFF;
	s2 =	simm.s32 @p2 $0xFFFFFFFF  }
0x6ce: {  	s13 =	simm.s32 $0x1;
	s2 =	smov.u32 @p1 s8  }
.LBB2_33:
0x6cf: {  	s8 =	smov.u32 s2;
	p1 =	sne.s32 s2, $0xFFFFFFFF  }
0x6d0: {  	s1 =	sadd.s32 $0x1, s1;
	s2 =	smov.u32 s13;
	s13 =	sadd.s32 $0x1, s13  }
0x6d1: {  	p2 =	sne.s32 s3, s13;
	v1 =	vld.msk @!p1 [tilespmem:s1+$0x0], $0x1;
	_ =	sdelay $0x4  }
0x6d2: {  	(v2sf) =	vpush @!p1 v1, $0x0;
	_ =	sdelay $0xe  }
.Ltmp29:
0x6d3: {  	s9 =	spop @!p1 (v2sf);
	(pc) =	sbr.rel @p2 .LBB2_33-.Ltmp29, $4  }
0x6d4: {  	p3 =	seq.s32 @!p1 s0, s9  }
0x6d5: {  	p3 =	por !p3, p1  }
0x6d6: {  	s2 =	simm.s32 @p3 $0xFFFFFFFF  }
0x6d7: {  	s2 =	smov.u32 @p1 s8  }
.LBB2_34:
0x6d8: {  	p1 =	seq.s32 s2, $0xFFFFFFFF  }
.Ltmp30:
0x6d9: {  	_ = 	snop;
	(pc) =	sbr.rel @p1 .LBB2_36-.Ltmp30, $1  }
0x6da: {  	_ =	sdelay $0x3  }
0x6db: {  	s0 =	smul.u32 $0x240, s12;
	_ =	sdelay $0x1  }
0x6dc: {  	s0 =	sshra.s32 s0, $0x2  }
0x6dd: {  	v0 =	vld [tilespmem:s0+$0xA478];
	_ =	sdelay $0x1  }
0x6de: {  	s1 =	smul.u32 $0x240, s2;
	_ =	sdelay $0x1  }
0x6df: {  	s1 =	sshra.s32 s1, $0x2  }
0x6e0: {  	[tilespmem:s1+$0xA478] =	vst.add.f32.msk $0xffff, v0  }
0x6e1: {  	v0 =	vld [tilespmem:s0+$0xA488];
	_ =	sdelay $0x4  }
0x6e2: {  	[tilespmem:s1+$0xA488] =	vst.add.f32.msk $0xffff, v0  }
0x6e3: {  	v0 =	vld [tilespmem:s0+$0xA498];
	_ =	sdelay $0x4  }
0x6e4: {  	[tilespmem:s1+$0xA498] =	vst.add.f32.msk $0xffff, v0  }
0x6e5: {  	v0 =	vld [tilespmem:s0+$0xA4A8];
	_ =	sdelay $0x4  }
0x6e6: {  	[tilespmem:s1+$0xA4A8] =	vst.add.f32.msk $0xffff, v0  }
0x6e7: {  	v0 =	vld [tilespmem:s0+$0xA4B8];
	_ =	sdelay $0x4  }
0x6e8: {  	[tilespmem:s1+$0xA4B8] =	vst.add.f32.msk $0xffff, v0  }
0x6e9: {  	v0 =	vld [tilespmem:s0+$0xA4C8];
	_ =	sdelay $0x4  }
0x6ea: {  	[tilespmem:s1+$0xA4C8] =	vst.add.f32.msk $0xffff, v0  }
0x6eb: {  	v0 =	vld [tilespmem:s0+$0xA4D8];
	_ =	sdelay $0x4  }
0x6ec: {  	[tilespmem:s1+$0xA4D8] =	vst.add.f32.msk $0xffff, v0  }
0x6ed: {  	v0 =	vld [tilespmem:s0+$0xA4E8];
	_ =	sdelay $0x4  }
0x6ee: {  	[tilespmem:s1+$0xA4E8] =	vst.add.f32.msk $0xffff, v0  }
0x6ef: {  	v0 =	vld [tilespmem:s0+$0xA4F8]  }
.Ltmp31:
0x6f0: {  	_ = 	snop;
	(pc) =	sbr.rel .LBB2_37-.Ltmp31, $2  }
0x6f1: {  	_ =	sdelay $0x2  }
0x6f2: {  	[tilespmem:s1+$0xA4F8] =	vst.add.f32.msk $0xffff, v0  }
.LBB2_38:
0x6f3: {  	s0 =	simm.s32 $0x6;
	p1 =	seq.s32 s3, $0x0  }
0x6f4: {  	[sflag:s0] =	ssyncpa.u1 $0x1;
	v0 =	vimm.s32 @p1 $0xFFFFFFFF  }
0x6f5: {  	s0 =	sadd.s32 $0xFFFFFFFF, s3;
	[tilespmem:$0xB678] =	vst @p1 v0  }
0x6f6: {  	v0 =	vld.msk @!p1 [tilespmem:s0+$0xA458], $0x1;
	_ =	sdelay $0x1  }
0x6f7: {  	v1 =	vld.msk @!p1 [tilespmem:$0xA458], $0x1;
	_ =	sdelay $0x2  }
0x6f8: {  	p2 =	seq.s32 @!p1 s0, $0x0;
	v0 =	vbroadcast @!p1 v0, $0x0  }
0x6f9: {  	vm0 =	vmmov @!p1 $0x1;
	p3 =	por !p2, p1  }
0x6fa: {  	p2 =	sne.s32 @!p1 s5, s4;
	v1 =	vnsel @!p1 vm0, $0xFFFFFFFF, v1;
	vm0 =	vcmask @!p1 $0x308;
	v0 =	vpsel !p3, $0xFFFFFFFF, v0  }
0x6fb: {  	p3 =	por !p2, p1;
	v0 =	vsel @!p1 vm0, v1, v0  }
0x6fc: {  	s1 =	simm.s32 @!p1 $0xA478;
	s2 =	simm.s32 @!p1 $0x0;
	s4 =	smul.u32 @!p3 $0x240, s0;
	[tilespmem:$0xB678] =	vst @!p1 v0  }
0x6fd: {  	[spmem:s2] =	stream.linear.scatter @!p1 [tilespmem:s1], [sflag:$0x1], $0x90, $0x38;
	[tilespmem:$0x1D958] =	vst v63  }
0x6fe: {  	s1 =	sshra.s32 @!p3 s4, $0x2  }
0x6ff: {  	s2 =	simm.s32 @!p3 $0x90;
	s1 =	sadd.s32 @!p3 $0xA478, s1  }
0x700: {  	[spmem:s2] =	stream.linear.scatter @!p3 [tilespmem:s1], [sflag:$0x1], $0x90, $0x38;
	[tilespmem:$0x1D958] =	vst v63  }
0x701: {  	s1 =	simm.s32 @!p3 $0x1  }
0x702: {  	_ =	swait.ge @!p3 [sflag:s1], $0x120  }
0x703: {  	p1 =	por p2, p1;
	[sflag:s1] =	ssyncset.done @!p3 $0x0  }
0x704: {  	[sflag:s1] =	ssyncadd.s32 @!p3 $0xFFFFFEE0;
	s1 =	simm.s32 @!p1 $0x1  }
0x705: {  	_ =	swait.ge @!p1 [sflag:s1], $0x90  }
0x706: {  	s29 =	simm.s32 $0xB678;
	[sflag:s1] =	ssyncset.done @!p1 $0x0  }
0x707: {  	s30 =	simm.s32 $0x1200;
	s31 =	simm.s32 $0x1;
	[sflag:s1] =	ssyncadd.s32 @!p1 $0xFFFFFF70  }
0x708: {  	[spmem:s30] =	stream.linear.scatter [tilespmem:s29], [sflag:$0x1], $0x10, $0x38;
	[tilespmem:$0x1D958] =	vst v63  }
0x709: {  	_ =	swait.ge [sflag:s31], $0x10  }
0x70a: {  	[sflag:s31] =	ssyncset.done $0x0  }
0x70b: {  	p1 =	seq.s32 s15, $0x0;
	s9 =	rddreg [dreg:$0x3];
	[sflag:s31] =	ssyncadd.s32 $0xFFFFFFF0  }
0x70c: {  	s2 =	sshll.u32 @p1 s9, $0xE;
	s8 =	rddreg [dreg:$0x4]  }
0x70d: {  	s1 =	sadd.s32 @p1 $0x15C3C, s2;
	s2 =	sshll.u32 @p1 s8, $0x11  }
0x70e: {  	_ =	sfence.stream.spmem;
	s1 =	sor.u32 @p1 s2, s1  }
0x70f: {  	[sflag:s1] =	ssyncadd.remote.s32 @p1 $0x1;
	s1 =	simm.s32 @p1 $0x4  }
0x710: {  	s4 =	simm.s32 @!p1 $0x3C;
	s2 =	sand.u32 $0xFFFFFFFE, s9;
	_ =	swait.ge @p1 [sflag:s1], $0x26  }
0x711: {  	s5 =	simm.s32 @!p1 $0x0;
	s2 =	sadd.s32 @!p1 $0x4, s2;
	[sflag:s1] =	ssyncset.done @p1 $0x0  }
0x712: {  	s6 =	simm.s32 @!p1 $0x120;
	[sflag:s1] =	ssyncadd.s32 @p1 $0xFFFFFFDA;
	s1 =	sshll.u32 @!p1 s2, $0x1A  }
0x713: {  	s2 =	sshll.u32 @!p1 s2, $0xD;
	s1 =	sor.u32 @!p1 s1, s8;
	_ =	swait.eq @!p1 [sflag:s4], $0x1  }
0x714: {  	s2 =	sor.u32 @!p1 $0x1C04, s2;
	s4 =	simm.s32 @!p1 $0x1C03;
	s1 =	sor.u32 @!p1 $0x80004000, s1  }
0x715: {  	[spmem:s6], [sflag:s2] =	dma.general @!p1 [spmem:s5], [sflag:s4], length:$0x24, [dreg:$0x0], stride_count:$0x0, ici_dest:s1, dma_misc:DstOpCode:WRITE  }
0x716: {  	p2 =	slt.s32 s0, $0x2;
	s5 =	simm.s32 @!p1 $0x240;
	s6 =	simm.s32 @!p1 $0x242  }
0x717: {  	[spmem:s6], [sflag:s2] =	dma.general @!p1 [spmem:s5], [sflag:s4], length:$0x2, [dreg:$0x0], stride_count:$0x0, ici_dest:s1, dma_misc:DstOpCode:WRITE  }
.Ltmp32:
0x718: {  	s1 =	simm.s32 @!p1 $0x3;
	(pc) =	sbr.rel @p2 .LBB2_42-.Ltmp32, $4  }
0x719: {  	s2 =	sshll.u32 @!p1 s9, $0xE;
	_ =	swait.ge @!p1 [sflag:s1], $0x26  }
0x71a: {  	s4 =	sshll.u32 @!p1 s8, $0x11;
	s2 =	sadd.s32 @!p1 $0x11C3C, s2;
	[sflag:s1] =	ssyncset.done @!p1 $0x0  }
0x71b: {  	[sflag:s1] =	ssyncadd.s32 @!p1 $0xFFFFFFDA;
	s1 =	sor.u32 @!p1 s4, s2  }
0x71c: {  	s0 =	simm.s32 $0x0;
	[sflag:s1] =	ssyncadd.remote.s32 @!p1 $0xFFFFFFFF  }
0x71d: {  	s0 =	simm.s32 $0xA459  }
0x71e: {  	v0 =	vld.msk [tilespmem:s0+$0x0], $0x1;
	_ =	sdelay $0x4  }
0x71f: {  	(v2sf) =	vpush v0, $0x0;
	_ =	sdelay $0xd  }
0x720: {  	s31 =	sadd.s32 $0xFFFFFFFE, s3  }
0x721: {  	s3 =	simm.s32 $0x0;
	s0 =	sadd.s32 $0xFFFFFFFF, s31;
	s2 =	spop (v2sf)  }
0x722: {  	s5 =	simm.s32 $0xA508;
	p1 =	sne.s32 s0, $0x0;
	p2 =	sgt.u32 s2, $0x4E1F7F  }
.Ltmp33:
0x723: {  	s1 =	simm.s32 $0xA598;
	s4 =	sand.u32 @!p2 $0x7FFFF8, s2;
	(pc) =	sbr.rel @!p1 .LBB2_41-.Ltmp33, $4  }
0x724: {  	s6 =	sadd.s32 @!p2 $0x80, s2;
	s3 =	simm.s32 @!p2 $0x208;
	s8 =	sadd.s32 @!p2 s7, s4  }
0x725: {  	s4 =	sand.u32 @!p2 $0x7, s2;
	s2 =	simm.s32 $0xA45A;
	s6 =	sand.u32 @!p2 $0xFFFFF8, s6  }
0x726: {  	[hbm4b:s8+s4] =	stream.linear.scatter @!p2 [tilespmem:s5], [sflag:$0x5], $0x80, $0x38;
	[tilespmem:$0x1D958] =	vst v63  }
0x727: {  	s3 =	sadd.s32 $0x0, s3;
	s5 =	simm.s32 @!p2 $0xA588;
	s6 =	sadd.s32 @!p2 s7, s6  }
.LBB2_40:
0x728: {  	[hbm4b:s6+s4] =	stream.linear.scatter @!p2 [tilespmem:s5], [sflag:$0x5], $0x2, $0x38;
	[tilespmem:$0x1D958] =	vst v63  }
0x729: {  	s0 =	sadd.s32 $0xFFFFFFFF, s0;
	s5 =	smov.u32 s1;
	v0 =	vld.msk [tilespmem:s2+$0x0], $0x1  }
0x72a: {  	p1 =	sne.s32 s0, $0x0;
	_ =	sdelay $0x3  }
0x72b: {  	(v2sf) =	vpush v0, $0x0;
	_ =	sdelay $0xe  }
0x72c: {  	s1 =	sadd.s32 $0x90, s1;
	s8 =	simm.s32 $0x0;
	s4 =	spop (v2sf)  }
.Ltmp34:
0x72d: {  	s2 =	sadd.s32 $0x1, s2;
	p2 =	sgt.u32 s4, $0x4E1F7F;
	(pc) =	sbr.rel @p1 .LBB2_40-.Ltmp34, $4  }
0x72e: {  	s8 =	simm.s32 @!p2 $0x208;
	s6 =	sand.u32 @!p2 $0x7FFFF8, s4;
	s9 =	sadd.s32 @!p2 $0x80, s4  }
0x72f: {  	s4 =	sand.u32 @!p2 $0x7, s4;
	s6 =	sadd.s32 @!p2 s7, s6;
	s9 =	sand.u32 @!p2 $0xFFFFF8, s9  }
0x730: {  	[hbm4b:s6+s4] =	stream.linear.scatter @!p2 [tilespmem:s5], [sflag:$0x5], $0x80, $0x38;
	[tilespmem:$0x1D958] =	vst v63  }
0x731: {  	s3 =	sadd.s32 s3, s8;
	s5 =	sadd.s32 @!p2 $0x80, s5;
	s6 =	sadd.s32 @!p2 s7, s9  }
.LBB2_41:
0x732: {  	[hbm4b:s6+s4] =	stream.linear.scatter @!p2 [tilespmem:s5], [sflag:$0x5], $0x2, $0x38;
	[tilespmem:$0x1D958] =	vst v63  }
0x733: {  	s0 =	sshrl.u32 s3, $0x2  }
.LBB2_42:
0x734: {  	s1 =	simm.s32 $0x5  }
0x735: {  	_ =	swait.ge [sflag:s1], s0  }
0x736: {  	s31 =	ssub.s32 $0x0, s0;
	[sflag:s1] =	ssyncset.done $0x0  }
0x737: {  	[sflag:s1] =	ssyncadd.s32 s31  }
0x738: {  	[sflag:s1] =	ssyncpa.u1 $0x1  }
.LBB2_43:
0x739: {  	s0 =	sor.u32 s15, s14  }
0x73a: {  	p1 =	sne.s32 s0, $0x0  }
.Ltmp35:
0x73b: {  	_ = 	snop;
	(pc) =	sbr.rel @p1 .LBB2_58-.Ltmp35, $3  }
0x73c: {  	_ =	sdelay $0x1  }
0x73d: {  	[bflag:$0x0] =	sbarrier.arrive $0xFFFF  }
0x73e: {  	_ =	sfence  }
0x73f: {  	s0 =	simm.s32 $0x7  }
0x740: {  	s1 =	simm.s32 $0x1200;
	s2 =	simm.s32 $0xA458;
	[sflag:s0] =	ssyncpa.u1 $0x0  }
0x741: {  	[tilespmem:s2], [sflag:$0x7] =	stream.linear.gather [spmem:s1], $0x20, $0x38;
	[tilespmem:$0x1D958] =	vst v63  }
0x742: {  	s30 =	simm.s32 $0xA478;
	s1 =	simm.s32 $0x0  }
0x743: {  	[tilespmem:s30], [sflag:$0x7] =	stream.linear.gather [spmem:s1], $0x1200, $0x38;
	[tilespmem:$0x1D958] =	vst v63  }
.Ltmp36:
0x744: {  	_ = 	snop;
	(pc) =	sbr.rel .LBB2_45-.Ltmp36, $4  }
0x745: {  	_ =	swait.ge [sflag:s0], $0x1220  }
0x746: {  	[sflag:s0] =	ssyncset.done $0x0  }
0x747: {  	s31 =	simm.s32 $0x8;
	[sflag:s0] =	ssyncadd.s32 $0xFFFFEDE0  }
0x748: {  	s2 =	simm.s32 $0x0;
	[sflag:s31] =	ssyncpa.u1 $0x0  }
.LBB2_51:
0x749: {  	p1 =	slt.u32 s0, $0x4E1F80  }
0x74a: {  	s3 =	sand.u32 @p1 $0x7FFFF8, s0;
	s4 =	sand.u32 @p1 $0x7, s0;
	s0 =	sadd.s32 @p1 $0x80, s0  }
0x74b: {  	s5 =	simm.s32 @p1 $0xA3B8;
	s3 =	sadd.s32 @p1 s7, s3;
	s0 =	sand.u32 @p1 $0xFFFFF8, s0  }
0x74c: {  	[tilespmem:s5], [sflag:$0x8] =	stream.linear.gather @p1 [hbm4b:s3+s4], $0x80, $0x38;
	[tilespmem:$0x1D958] =	vst v63  }
0x74d: {  	s0 =	sadd.s32 @p1 s7, s0;
	s3 =	simm.s32 @p1 $0xA438  }
0x74e: {  	[tilespmem:s3], [sflag:$0x8] =	stream.linear.gather @p1 [hbm4b:s0+s4], $0x2, $0x38;
	[tilespmem:$0x1D958] =	vst v63  }
0x74f: {  	s0 =	simm.s32 @p1 $0x8  }
0x750: {  	_ =	swait.ge @p1 [sflag:s0], $0x82  }
0x751: {  	[sflag:s0] =	ssyncset.done @p1 $0x0  }
0x752: {  	[sflag:s0] =	ssyncadd.s32 @p1 $0xFFFFFF7E  }
0x753: {  	v1 =	vld @p1 [tilespmem:$0xA3B8];
	_ =	sdelay $0x1  }
0x754: {  	s0 =	smul.u32 @p1 $0x240, s2;
	_ =	sdelay $0x1  }
0x755: {  	s3 =	sshra.s32 @p1 s0, $0x2  }
0x756: {  	[tilespmem:s3+$0xA478] =	vst.add.f32.msk @p1 $0xffff, v1  }
0x757: {  	v1 =	vld @p1 [tilespmem:$0xA3C8];
	_ =	sdelay $0x4  }
0x758: {  	[tilespmem:s3+$0xA488] =	vst.add.f32.msk @p1 $0xffff, v1  }
0x759: {  	v1 =	vld @p1 [tilespmem:$0xA3D8];
	_ =	sdelay $0x4  }
0x75a: {  	[tilespmem:s3+$0xA498] =	vst.add.f32.msk @p1 $0xffff, v1  }
0x75b: {  	v1 =	vld @p1 [tilespmem:$0xA3E8];
	_ =	sdelay $0x4  }
0x75c: {  	[tilespmem:s3+$0xA4A8] =	vst.add.f32.msk @p1 $0xffff, v1  }
0x75d: {  	v1 =	vld @p1 [tilespmem:$0xA3F8];
	_ =	sdelay $0x4  }
0x75e: {  	[tilespmem:s3+$0xA4B8] =	vst.add.f32.msk @p1 $0xffff, v1  }
0x75f: {  	v1 =	vld @p1 [tilespmem:$0xA408];
	_ =	sdelay $0x4  }
0x760: {  	[tilespmem:s3+$0xA4C8] =	vst.add.f32.msk @p1 $0xffff, v1  }
0x761: {  	v1 =	vld @p1 [tilespmem:$0xA418];
	_ =	sdelay $0x4  }
0x762: {  	[tilespmem:s3+$0xA4D8] =	vst.add.f32.msk @p1 $0xffff, v1  }
0x763: {  	v1 =	vld @p1 [tilespmem:$0xA428];
	_ =	sdelay $0x4  }
0x764: {  	[tilespmem:s3+$0xA4E8] =	vst.add.f32.msk @p1 $0xffff, v1  }
0x765: {  	v1 =	vld @p1 [tilespmem:$0xA438];
	_ =	sdelay $0x2  }
0x766: {  	s4 =	smul.u32 @!p1 $0x240, s2;
	_ =	sdelay $0x1  }
0x767: {  	s4 =	smov.u32 @p1 s0;
	[tilespmem:s3+$0xA4F8] =	vst.add.f32.msk @p1 $0xffff, v1  }
0x768: {  	s0 =	sshra.s32 s4, $0x2;
	[tilespmem:s1+$0xA458] =	vst.msk $0x1, v0  }
0x769: {  	v0 =	vld [tilespmem:s0+$0xA478];
	_ =	sdelay $0x1  }
0x76a: {  	s31 =	smul.u32 $0x240, s1;
	_ =	sdelay $0x1  }
0x76b: {  	s3 =	sshra.s32 s31, $0x2  }
0x76c: {  	[tilespmem:s3+$0xA478] =	vst v0  }
0x76d: {  	v0 =	vld [tilespmem:s0+$0xA488];
	_ =	sdelay $0x4  }
0x76e: {  	[tilespmem:s3+$0xA488] =	vst v0  }
0x76f: {  	v0 =	vld [tilespmem:s0+$0xA498];
	_ =	sdelay $0x4  }
0x770: {  	[tilespmem:s3+$0xA498] =	vst v0  }
0x771: {  	v0 =	vld [tilespmem:s0+$0xA4A8];
	_ =	sdelay $0x4  }
0x772: {  	[tilespmem:s3+$0xA4A8] =	vst v0  }
0x773: {  	v0 =	vld [tilespmem:s0+$0xA4B8];
	_ =	sdelay $0x4  }
0x774: {  	[tilespmem:s3+$0xA4B8] =	vst v0  }
0x775: {  	v0 =	vld [tilespmem:s0+$0xA4C8];
	_ =	sdelay $0x4  }
0x776: {  	[tilespmem:s3+$0xA4C8] =	vst v0  }
0x777: {  	v0 =	vld [tilespmem:s0+$0xA4D8];
	_ =	sdelay $0x4  }
0x778: {  	[tilespmem:s3+$0xA4D8] =	vst v0  }
0x779: {  	v0 =	vld [tilespmem:s0+$0xA4E8];
	_ =	sdelay $0x4  }
0x77a: {  	[tilespmem:s3+$0xA4E8] =	vst v0  }
0x77b: {  	v0 =	vld [tilespmem:s0+$0xA4F8];
	_ =	sdelay $0x4  }
0x77c: {  	s1 =	sadd.s32 $0x1, s1;
	[tilespmem:s3+$0xA4F8] =	vst v0  }
.LBB2_52:
0x77d: {  	s2 =	sadd.s32 $0x1, s2  }
0x77e: {  	p1 =	sne.s32 s2, $0x20  }
.Ltmp37:
0x77f: {  	_ = 	snop;
	(pc) =	sbr.rel @!p1 .LBB2_53-.Ltmp37, $1  }
0x780: {  	_ =	sdelay $0x3  }
.LBB2_45:
0x781: {  	v0 =	vld.msk [tilespmem:s2+$0xA458], $0x1;
	_ =	sdelay $0x4  }
0x782: {  	(v2sf) =	vpush v0, $0x0;
	_ =	sdelay $0xe  }
0x783: {  	s0 =	spop (v2sf)  }
0x784: {  	p1 =	seq.s32 s0, $0xFFFFFFFF  }
.Ltmp38:
0x785: {  	_ = 	snop;
	(pc) =	sbr.rel @p1 .LBB2_52-.Ltmp38, $1  }
0x786: {  	_ =	sdelay $0x3  }
0x787: {  	p1 =	slt.s32 s1, $0x1  }
.Ltmp39:
0x788: {  	_ = 	snop;
	(pc) =	sbr.rel @p1 .LBB2_51-.Ltmp39, $1  }
0x789: {  	_ =	sdelay $0x3  }
0x78a: {  	s3 =	simm.s32 $0xA458;
	p1 =	por $0x0, $0x0  }
0x78b: {  	v1 =	vld.msk @!p1 [tilespmem:s3+$0x0], $0x1;
	_ =	sdelay $0x4  }
0x78c: {  	(v2sf) =	vpush @!p1 v1, $0x0;
	_ =	sdelay $0xd  }
0x78d: {  	p3 =	sne.s32 s1, $0x1  }
.Ltmp40:
0x78e: {  	s4 =	spop @!p1 (v2sf);
	(pc) =	sbr.rel @!p3 .LBB2_49-.Ltmp40, $4  }
0x78f: {  	p2 =	seq.s32 @!p1 s0, s4  }
0x790: {  	s4 =	simm.s32 $0x0;
	p2 =	por !p2, p1  }
0x791: {  	s6 =	simm.s32 $0xFFFFFFFF;
	s4 =	simm.s32 @p2 $0xFFFFFFFF  }
0x792: {  	s5 =	simm.s32 $0x1;
	s4 =	smov.u32 @p1 s6  }
.LBB2_48:
0x793: {  	s6 =	smov.u32 s4;
	p1 =	sne.s32 s4, $0xFFFFFFFF  }
0x794: {  	s3 =	sadd.s32 $0x1, s3;
	s4 =	smov.u32 s5;
	s5 =	sadd.s32 $0x1, s5  }
0x795: {  	p2 =	sne.s32 s1, s5;
	v1 =	vld.msk @!p1 [tilespmem:s3+$0x0], $0x1;
	_ =	sdelay $0x4  }
0x796: {  	(v2sf) =	vpush @!p1 v1, $0x0;
	_ =	sdelay $0xe  }
.Ltmp41:
0x797: {  	s8 =	spop @!p1 (v2sf);
	(pc) =	sbr.rel @p2 .LBB2_48-.Ltmp41, $4  }
0x798: {  	p3 =	seq.s32 @!p1 s0, s8  }
0x799: {  	p3 =	por !p3, p1  }
0x79a: {  	s4 =	simm.s32 @p3 $0xFFFFFFFF  }
0x79b: {  	s4 =	smov.u32 @p1 s6  }
.LBB2_49:
0x79c: {  	p1 =	seq.s32 s4, $0xFFFFFFFF  }
.Ltmp42:
0x79d: {  	_ = 	snop;
	(pc) =	sbr.rel @p1 .LBB2_51-.Ltmp42, $1  }
0x79e: {  	_ =	sdelay $0x3  }
0x79f: {  	s0 =	smul.u32 $0x240, s2;
	_ =	sdelay $0x1  }
0x7a0: {  	s0 =	sshra.s32 s0, $0x2  }
0x7a1: {  	v0 =	vld [tilespmem:s0+$0xA478];
	_ =	sdelay $0x1  }
0x7a2: {  	s3 =	smul.u32 $0x240, s4;
	_ =	sdelay $0x1  }
0x7a3: {  	s3 =	sshra.s32 s3, $0x2  }
0x7a4: {  	[tilespmem:s3+$0xA478] =	vst.add.f32.msk $0xffff, v0  }
0x7a5: {  	v0 =	vld [tilespmem:s0+$0xA488];
	_ =	sdelay $0x4  }
0x7a6: {  	[tilespmem:s3+$0xA488] =	vst.add.f32.msk $0xffff, v0  }
0x7a7: {  	v0 =	vld [tilespmem:s0+$0xA498];
	_ =	sdelay $0x4  }
0x7a8: {  	[tilespmem:s3+$0xA498] =	vst.add.f32.msk $0xffff, v0  }
0x7a9: {  	v0 =	vld [tilespmem:s0+$0xA4A8];
	_ =	sdelay $0x4  }
0x7aa: {  	[tilespmem:s3+$0xA4A8] =	vst.add.f32.msk $0xffff, v0  }
0x7ab: {  	v0 =	vld [tilespmem:s0+$0xA4B8];
	_ =	sdelay $0x4  }
0x7ac: {  	[tilespmem:s3+$0xA4B8] =	vst.add.f32.msk $0xffff, v0  }
0x7ad: {  	v0 =	vld [tilespmem:s0+$0xA4C8];
	_ =	sdelay $0x4  }
0x7ae: {  	[tilespmem:s3+$0xA4C8] =	vst.add.f32.msk $0xffff, v0  }
0x7af: {  	v0 =	vld [tilespmem:s0+$0xA4D8];
	_ =	sdelay $0x4  }
0x7b0: {  	[tilespmem:s3+$0xA4D8] =	vst.add.f32.msk $0xffff, v0  }
0x7b1: {  	v0 =	vld [tilespmem:s0+$0xA4E8];
	_ =	sdelay $0x4  }
0x7b2: {  	[tilespmem:s3+$0xA4E8] =	vst.add.f32.msk $0xffff, v0  }
0x7b3: {  	v0 =	vld [tilespmem:s0+$0xA4F8]  }
.Ltmp43:
0x7b4: {  	_ = 	snop;
	(pc) =	sbr.rel .LBB2_52-.Ltmp43, $2  }
0x7b5: {  	_ =	sdelay $0x2  }
0x7b6: {  	[tilespmem:s3+$0xA4F8] =	vst.add.f32.msk $0xffff, v0  }
.LBB2_53:
0x7b7: {  	p1 =	slt.s32 s1, $0x1  }
.Ltmp44:
0x7b8: {  	_ = 	snop;
	(pc) =	sbr.rel @p1 .LBB2_57-.Ltmp44, $3  }
0x7b9: {  	_ =	sdelay $0x1  }
0x7ba: {  	s0 =	simm.s32 $0x8  }
0x7bb: {  	s3 =	simm.s32 $0x0;
	[sflag:s0] =	ssyncpa.u1 $0x1  }
0x7bc: {  	s0 =	simm.s32 $0xA458  }
0x7bd: {  	v0 =	vld.msk [tilespmem:s0+$0x0], $0x1;
	_ =	sdelay $0x4  }
0x7be: {  	(v2sf) =	vpush v0, $0x0;
	_ =	sdelay $0xe  }
0x7bf: {  	s0 =	sadd.s32 $0xFFFFFFFF, s1;
	s2 =	spop (v2sf)  }
0x7c0: {  	s5 =	simm.s32 $0xA478;
	p1 =	sne.s32 s0, $0x0;
	p2 =	sgt.u32 s2, $0x4E1F7F  }
.Ltmp45:
0x7c1: {  	s1 =	simm.s32 $0xA508;
	s4 =	sand.u32 @!p2 $0x7FFFF8, s2;
	(pc) =	sbr.rel @!p1 .LBB2_56-.Ltmp45, $4  }
0x7c2: {  	s6 =	sadd.s32 @!p2 $0x80, s2;
	s3 =	simm.s32 @!p2 $0x208;
	s8 =	sadd.s32 @!p2 s7, s4  }
0x7c3: {  	s4 =	sand.u32 @!p2 $0x7, s2;
	s2 =	simm.s32 $0xA459;
	s6 =	sand.u32 @!p2 $0xFFFFF8, s6  }
0x7c4: {  	[hbm4b:s8+s4] =	stream.linear.scatter @!p2 [tilespmem:s5], [sflag:$0x7], $0x80, $0x38;
	[tilespmem:$0x1D958] =	vst v63  }
0x7c5: {  	s3 =	sadd.s32 $0x0, s3;
	s5 =	simm.s32 @!p2 $0xA4F8;
	s6 =	sadd.s32 @!p2 s7, s6  }
.LBB2_55:
0x7c6: {  	[hbm4b:s6+s4] =	stream.linear.scatter @!p2 [tilespmem:s5], [sflag:$0x7], $0x2, $0x38;
	[tilespmem:$0x1D958] =	vst v63  }
0x7c7: {  	s0 =	sadd.s32 $0xFFFFFFFF, s0;
	s5 =	smov.u32 s1;
	v0 =	vld.msk [tilespmem:s2+$0x0], $0x1  }
0x7c8: {  	p1 =	sne.s32 s0, $0x0;
	_ =	sdelay $0x3  }
0x7c9: {  	(v2sf) =	vpush v0, $0x0;
	_ =	sdelay $0xe  }
0x7ca: {  	s1 =	sadd.s32 $0x90, s1;
	s8 =	simm.s32 $0x0;
	s4 =	spop (v2sf)  }
.Ltmp46:
0x7cb: {  	s2 =	sadd.s32 $0x1, s2;
	p2 =	sgt.u32 s4, $0x4E1F7F;
	(pc) =	sbr.rel @p1 .LBB2_55-.Ltmp46, $4  }
0x7cc: {  	s8 =	simm.s32 @!p2 $0x208;
	s6 =	sand.u32 @!p2 $0x7FFFF8, s4;
	s9 =	sadd.s32 @!p2 $0x80, s4  }
0x7cd: {  	s4 =	sand.u32 @!p2 $0x7, s4;
	s6 =	sadd.s32 @!p2 s7, s6;
	s9 =	sand.u32 @!p2 $0xFFFFF8, s9  }
0x7ce: {  	[hbm4b:s6+s4] =	stream.linear.scatter @!p2 [tilespmem:s5], [sflag:$0x7], $0x80, $0x38;
	[tilespmem:$0x1D958] =	vst v63  }
0x7cf: {  	s3 =	sadd.s32 s3, s8;
	s5 =	sadd.s32 @!p2 $0x80, s5;
	s6 =	sadd.s32 @!p2 s7, s9  }
.LBB2_56:
0x7d0: {  	[hbm4b:s6+s4] =	stream.linear.scatter @!p2 [tilespmem:s5], [sflag:$0x7], $0x2, $0x38;
	[tilespmem:$0x1D958] =	vst v63  }
0x7d1: {  	s3 =	sshrl.u32 s3, $0x2  }
.LBB2_57:
0x7d2: {  	s0 =	simm.s32 $0x7  }
0x7d3: {  	_ =	swait.ge [sflag:s0], s3  }
0x7d4: {  	s1 =	ssub.s32 $0x0, s3;
	[sflag:s0] =	ssyncset.done $0x0  }
0x7d5: {  	[sflag:s0] =	ssyncadd.s32 s1  }
0x7d6: {  	[sflag:s0] =	ssyncpa.u1 $0x1  }
.LBB2_58:
0x7d7: {  	_ =	sfence;
	s0 =	simm.s32 $0x1  }
0x7d8: {  	[sflag:s0] =	ssyncpa.u1 $0x1  }
0x7d9: {  	_ =	strace $0x90000056  }
0x7da: {  	[bflag:$0x2] =	sbarrier.arrive $0xFFFF  }
0x7db: {  	s0 =	rddreg [dreg:$0x5]  }
0x7dc: {  	s0 =	sadd.s32 @!p0 $0x100000, s0  }
0x7dd: {  	[sflag:s0] =	ssyncadd.tile.s32 @!p0 $0x1;
	_ =	shalt  }
.Lfunc_end2:
_tile_overlayer_lowered:
.L_overlay_start_2:
0x7de: {  	(tag) =	ssettag $0x2  }
0x7df: {  	s0 =	rddreg [dreg:$0x0];
	s2 =	stileid.u32  }
0x7e0: {  	s1 =	rddreg [dreg:$0x1];
	p0 =	sne.s32 s2, $0x0  }
0x7e1: {  	s3 =	rddreg [dreg:$0x2];
	[bflag:$0x3] =	sbarrier.arrive $0xFFFF;
	s2 =	simm.s32 @!p0 $0x1C01  }
0x7e2: {  	[timem:s3], [sflag:s2] =	dma.local @!p0 [hbm:s0], s1  }
0x7e3: {  	s0 =	simm.s32 @!p0 $0x1  }
0x7e4: {  	_ =	swait.ge @!p0 [sflag:s0], s1  }
0x7e5: {  	s1 =	ssub.s32 @!p0 $0x0, s1;
	[sflag:s0] =	ssyncset.done @!p0 $0x0  }
0x7e6: {  	[sflag:s0] =	ssyncadd.s32 @!p0 s1  }
0x7e7: {  	[bflag:$0x3] =	sbarrier.arrive $0xFFFF  }
0x7e8: {  	_ =	shalt  }

</sc_bundles>
